<compile_context>
chip_gen: v7x
topology: tpu7x:2x2x1
jax: 0.10.2.dev20260603
libtpu: 0.0.44.dev20260713+nightly
codegen_flags: <defaults>
</compile_context>

<pallas_src>
import jax
import jax.numpy as jnp
from jax import lax
from jax.experimental import pallas as pl
from jax.experimental.pallas import tpu as pltpu
from jax.experimental.pallas import tpu_sc as plsc

B = 1024
NN = 128
NE = 256
D = 64
HD = 64
WD = 64
L = 2
NR = 4
NU = 100000
NUP = 100096
G = 8
NPROG = B // G
NWID = 2 * B * NN


def _sc_gather_all(word2, wid2, user2, uid2, item2, iid2, bu2, uhi, bi2, ihi):
    mesh = plsc.VectorSubcoreMesh(core_axis_name="c", subcore_axis_name="s")
    out_type = [
        jax.ShapeDtypeStruct((NWID, 128), jnp.float32),
        jax.ShapeDtypeStruct((B, 128), jnp.float32),
        jax.ShapeDtypeStruct((B, 128), jnp.float32),
        jax.ShapeDtypeStruct((B, 128), jnp.float32),
        jax.ShapeDtypeStruct((B, 128), jnp.float32),
    ]

    @pl.kernel(out_type=out_type, mesh=mesh)
    def k(word_hbm, wid_hbm, user_hbm, uid_hbm, item_hbm, iid_hbm,
          bu_hbm, uhi_hbm, bi_hbm, ihi_hbm,
          gw_hbm, gu_hbm, gi_hbm, gbu_hbm, gbi_hbm):
        def gat(table_hbm, idx_hbm, o_hbm, n, win):
            def body(i_vmem, o_vmem):
                pltpu.sync_copy(table_hbm.at[i_vmem.at[0]], o_vmem)

            pltpu.emit_pipeline(
                body,
                grid=(n // win,),
                in_specs=[pl.BlockSpec((1, win), index_map=lambda i: (0, i))],
                out_specs=[pl.BlockSpec((win, 128), index_map=lambda i: (i, 0))],
                core_axis_name=("c", "s"),
                dimension_semantics=(pltpu.PARALLEL,),
            )(idx_hbm, o_hbm)

        gat(word_hbm, wid_hbm, gw_hbm, NWID, 128)
        gat(user_hbm, uid_hbm, gu_hbm, B, 128)
        gat(item_hbm, iid_hbm, gi_hbm, B, 128)
        gat(bu_hbm, uhi_hbm, gbu_hbm, B, 128)
        gat(bi_hbm, ihi_hbm, gbi_hbm, B, 128)

    return k(word2, wid2, user2, uid2, item2, iid2, bu2, uhi, bi2, ihi)


def _half(wide, par):
    return jnp.where(par == 1, wide[:, 64:128], wide[:, 0:64])


def _tc_body(xu, xup, xi, xip, ue, uep, ie, iep, gbu, gbi, ulo, ilo,
             uadj, uadjT, utp, iadj, iadjT, itp,
             W_tu, b_tu, W_ti, b_ti, W_tw, b_tw,
             Wg_u, av_u, rel_u,
             Wg_i, av_i, rel_i,
             Wp, W_iu, b_iu, W_ii, b_ii, W_fm, V, bias,
             out_ref, pool_scr):
    f32 = jnp.float32
    bf16 = jnp.bfloat16
    iota_n3 = lax.broadcasted_iota(jnp.int32, (G, NN, NE), 1)
    iota_e3 = lax.broadcasted_iota(jnp.int32, (G, NE, NN), 2)

    def one_side(x_all, x_par, adj, adjT, tp, e_emb, e_par, Wt, bt, Wg, av,
                 rel, side):
        xcur = _half(x_all[...], x_par[...])
        e_s = _half(e_emb[...], e_par[...])
        src3 = adj[:, 0:1, :]
        dst3 = adj[:, 1:2, :]
        srcT3 = adjT[:, :, 0:1]
        et3 = jnp.reshape(tp[...], (G, 1, NE))
        Sm3_b = (src3 == iota_n3)
        Dm3_b = (dst3 == iota_n3)
        Dm3_b16 = (dst3 == iota_n3).astype(bf16)
        Sm3_b16 = Sm3_b.astype(bf16)
        ones3 = jnp.ones((G, NN, 1), bf16)
        for l in range(L):
            Wgav = jnp.dot(Wg[l].astype(bf16), av[l].astype(bf16),
                           preferred_element_type=f32)
            Wg_ext = jnp.concatenate([Wg[l], Wgav], axis=1)
            H = jnp.dot(xcur.astype(bf16), Wg_ext.astype(bf16),
                        preferred_element_type=f32)
            uem = jnp.maximum(
                jnp.dot(e_s, Wt[l], preferred_element_type=f32)
                + bt[l:l + 1, :], 0.0)
            wu = lax.dot_general(uem, Wp[...], (((1,), (1,)), ((), ())),
                                 preferred_element_type=f32)
            h3 = jnp.reshape(H[:, 0:HD], (G, NN, HD))
            hs3 = jnp.reshape(H[:, HD:HD + 1], (G, NN, 1))
            hd3 = jnp.reshape(H[:, HD + 1:HD + 2], (G, NN, 1))
            z3 = jnp.sum(jnp.where(Sm3_b, hs3, 0.0)
                         + jnp.where(Dm3_b, hd3, 0.0), axis=1, keepdims=True)
            rel_e3 = jnp.zeros((G, 1, NE), f32)
            for r in range(NR):
                rel_e3 = rel_e3 + jnp.where(et3 == r, rel[l, r], 0.0)
            z3 = z3 + rel_e3
            logit3 = jnp.where(z3 >= 0, z3, 0.2 * z3)
            m3 = jnp.max(jnp.where(Dm3_b, logit3, -jnp.inf), axis=2,
                         keepdims=True)
            m3 = jnp.where(m3 > -1e37, m3, 0.0)
            m_e3 = jnp.sum(jnp.where(Dm3_b, m3, 0.0), axis=1, keepdims=True)
            ee3_b16 = jnp.exp(logit3 - m_e3).astype(bf16)
            P3_b16 = Dm3_b16 * ee3_b16
            he3 = jnp.concatenate([h3.astype(bf16), ones3], axis=2)
            outs = []
            for g in range(G):
                A = lax.dot_general(P3_b16[g], Sm3_b16[g],
                                    (((1,), (1,)), ((), ())),
                                    preferred_element_type=f32)
                outs.append(jnp.dot(A.astype(bf16), he3[g],
                                    preferred_element_type=f32))
            oe3 = jnp.stack(outs, axis=0)
            den3 = oe3[:, :, HD:HD + 1] + 1e-16
            out3 = jnp.maximum(oe3[:, :, 0:HD], 0.0) / den3
            sc3 = jax.nn.sigmoid(
                jnp.sum(out3 * jnp.reshape(wu, (G, 1, HD)), axis=2,
                        keepdims=True))
            xn3 = out3 * sc3
            xcur = jnp.reshape(xn3, (G * NN, HD))
            pool_scr[(side * L + l) * G:(side * L + l + 1) * G, :] = jnp.max(
                xn3, axis=1)

    one_side(xu, xup, uadj, uadjT, utp, ue, uep, W_tu, b_tu, Wg_u, av_u,
             rel_u, 0)
    one_side(xi, xip, iadj, iadjT, itp, ie, iep, W_ti, b_ti, Wg_i, av_i,
             rel_i, 1)

    ue_s = _half(ue[...], uep[...])
    ie_s = _half(ie[...], iep[...])
    f32 = jnp.float32
    uvc1 = jnp.maximum(jnp.dot(ue_s, W_iu[...], preferred_element_type=f32)
                       + b_iu[...], 0.0)
    ivc1 = jnp.maximum(jnp.dot(ie_s, W_ii[...], preferred_element_type=f32)
                       + b_ii[...], 0.0)
    pools = []
    for side in range(2):
        for l in range(L):
            P = pool_scr[(side * L + l) * G:(side * L + l + 1) * G, :]
            pools.append(jnp.maximum(
                jnp.dot(P, W_tw[l], preferred_element_type=f32)
                + b_tw[l:l + 1, :], 0.0))
    parts = [uvc1, pools[0], pools[1], ivc1, pools[2], pools[3]]

    lin = jnp.zeros((G, 1), f32)
    xv = jnp.zeros((G, 384), f32)
    p2 = jnp.zeros((G, 384), f32)
    for k_i, part in enumerate(parts):
        Vs = V[64 * k_i:64 * (k_i + 1), :]
        lin = lin + jnp.dot(part, W_fm[64 * k_i:64 * (k_i + 1), :],
                            preferred_element_type=f32)
        xv = xv + jnp.dot(part, Vs, preferred_element_type=f32)
        p2 = p2 + jnp.dot(part * part, Vs * Vs, preferred_element_type=f32)
    mlp = 0.5 * jnp.sum(xv * xv - p2, axis=1, keepdims=True)

    iota128 = lax.broadcasted_iota(jnp.int32, (G, 128), 1)
    bu_v = jnp.sum(jnp.where(iota128 == ulo[...], gbu[...], 0.0),
                   axis=1, keepdims=True)
    bi_v = jnp.sum(jnp.where(iota128 == ilo[...], gbi[...], 0.0),
                   axis=1, keepdims=True)
    out_ref[...] = lin + mlp + bu_v + bi_v + bias[0:1, 0:1]


def _full(shape):
    nd = len(shape)
    return pl.BlockSpec(shape, lambda p, _n=nd: (0,) * _n)


_TC_IN_SPECS = [
    pl.BlockSpec((G * NN, 128), lambda p: (p, 0)),
    pl.BlockSpec((G * NN, 1), lambda p: (p, 0)),
    pl.BlockSpec((G * NN, 128), lambda p: (p, 0)),
    pl.BlockSpec((G * NN, 1), lambda p: (p, 0)),
    pl.BlockSpec((G, 128), lambda p: (p, 0)),
    pl.BlockSpec((G, 1), lambda p: (p, 0)),
    pl.BlockSpec((G, 128), lambda p: (p, 0)),
    pl.BlockSpec((G, 1), lambda p: (p, 0)),
    pl.BlockSpec((G, 128), lambda p: (p, 0)),
    pl.BlockSpec((G, 128), lambda p: (p, 0)),
    pl.BlockSpec((G, 1), lambda p: (p, 0)),
    pl.BlockSpec((G, 1), lambda p: (p, 0)),
    pl.BlockSpec((G, 2, NE), lambda p: (p, 0, 0)),
    pl.BlockSpec((G, NE, 2), lambda p: (p, 0, 0)),
    pl.BlockSpec((G, NE), lambda p: (p, 0)),
    pl.BlockSpec((G, 2, NE), lambda p: (p, 0, 0)),
    pl.BlockSpec((G, NE, 2), lambda p: (p, 0, 0)),
    pl.BlockSpec((G, NE), lambda p: (p, 0)),
    _full((L, D, HD)),
    _full((L, HD)),
    _full((L, D, HD)),
    _full((L, HD)),
    _full((L, HD, D)),
    _full((L, D)),
    _full((L, WD, HD)),
    _full((L, HD, 2)),
    _full((L, NR)),
    _full((L, WD, HD)),
    _full((L, HD, 2)),
    _full((L, NR)),
    _full((HD, HD)),
    _full((D, D)),
    _full((1, D)),
    _full((D, D)),
    _full((1, D)),
    _full((384, 1)),
    _full((384, 384)),
    _full((1, 1)),
]
_TC_OUT_SPEC = pl.BlockSpec((G, 1), lambda p: (p, 0))
_TC_OUT_SHAPE = jax.ShapeDtypeStruct((B, 1), jnp.float32)
_TC_SCRATCH = [
    pltpu.VMEM((2 * L * G, D), jnp.float32),
]


def _tc_call(*args):
    return pl.pallas_call(
        _tc_body,
        grid=(NPROG,),
        in_specs=_TC_IN_SPECS,
        out_specs=_TC_OUT_SPEC,
        out_shape=_TC_OUT_SHAPE,
        scratch_shapes=_TC_SCRATCH,
        compiler_params=pltpu.CompilerParams(
            dimension_semantics=("parallel",)),
    )(*args)


def kernel(uid_batch, iid_batch, u_nodes, u_adj_ind, u_adj_tp, i_nodes,
           i_adj_ind, i_adj_tp, user_emb, item_emb, word_emb, W_tu, b_tu,
           W_ti, b_ti, W_tw, b_tw, Wg_u, asrc_u, adst_u, rel_u, Wg_i,
           asrc_i, adst_i, rel_i, Wp, W_iu, b_iu, W_ii, b_ii, W_fm, V,
           bias_u, bias_i, bias):
    i32 = jnp.int32
    uid = uid_batch.astype(i32)
    iid = iid_batch.astype(i32)
    wid = jnp.concatenate([u_nodes.reshape(-1), i_nodes.reshape(-1)]).astype(i32)

    word2 = word_emb.reshape(NU // 2, 128)
    user2 = user_emb.reshape(NU // 2, 128)
    item2 = item_emb.reshape(NU // 2, 128)
    bu2 = jnp.pad(bias_u, (0, NUP - NU)).reshape(NUP // 128, 128)
    bi2 = jnp.pad(bias_i, (0, NUP - NU)).reshape(NUP // 128, 128)

    gw, gu, gi, gbu, gbi = _sc_gather_all(
        word2, (wid // 2).reshape(1, -1), user2, (uid // 2).reshape(1, -1),
        item2, (iid // 2).reshape(1, -1), bu2, (uid // 128).reshape(1, -1),
        bi2, (iid // 128).reshape(1, -1))

    xup = (wid[:B * NN] % 2).reshape(B * NN, 1)
    xip = (wid[B * NN:] % 2).reshape(B * NN, 1)

    res = _tc_call(
        gw[:B * NN], xup, gw[B * NN:], xip,
        gu, (uid % 2).reshape(B, 1), gi, (iid % 2).reshape(B, 1),
        gbu, gbi, (uid % 128).reshape(B, 1), (iid % 128).reshape(B, 1),
        u_adj_ind.astype(i32), jnp.transpose(u_adj_ind, (0, 2, 1)).astype(i32),
        u_adj_tp.astype(i32),
        i_adj_ind.astype(i32), jnp.transpose(i_adj_ind, (0, 2, 1)).astype(i32),
        i_adj_tp.astype(i32),
        W_tu, b_tu, W_ti, b_ti, W_tw, b_tw,
        Wg_u, jnp.stack([asrc_u, adst_u], axis=2), rel_u,
        Wg_i, jnp.stack([asrc_i, adst_i], axis=2), rel_i,
        Wp, W_iu, b_iu.reshape(1, D), W_ii, b_ii.reshape(1, D),
        W_fm, V, bias.reshape(1, 1))
    return res.reshape(-1)

# --- scband reference (transcript-rebuilt; emitter-appended) ---
"""Pipeline reference for scband-rgnn-15470472200582 (READ-ONLY COPY).

The authoritative reference and input builder live on the scoring server;
editing this copy changes nothing except your own understanding.
"""

import jax, jax.numpy as jnp
import numpy as np

B = 1024
NU = 100000
NI = 100000
NW = 100000
D = 64
HD = 64
WD = 64
L = 2
NN = 128
NE = 256
NR = 4
IN_DIM = (L + 1) * D * 2


def _glorot(key, shape):
    fan_in, fan_out = shape[-2], shape[-1]
    s = float(np.sqrt(6.0 / (fan_in + fan_out)))
    return jax.random.uniform(key, shape, minval=-s, maxval=s, dtype=jnp.float32)


def setup_inputs(seed: int = 0):
    key = jax.random.key(seed)
    ks = jax.random.split(key, 32)
    inp = {}
    inp["uid_batch"] = jax.random.randint(ks[0], (B,), 0, NU)
    inp["iid_batch"] = jax.random.randint(ks[1], (B,), 0, NI)
    inp["u_nodes"] = jax.random.randint(ks[2], (B, NN), 0, NW)
    inp["u_adj_ind"] = jax.random.randint(ks[3], (B, 2, NE), 0, NN)
    inp["u_adj_tp"] = jax.random.randint(ks[4], (B, NE), 0, NR)
    inp["i_nodes"] = jax.random.randint(ks[5], (B, NN), 0, NW)
    inp["i_adj_ind"] = jax.random.randint(ks[6], (B, 2, NE), 0, NN)
    inp["i_adj_tp"] = jax.random.randint(ks[7], (B, NE), 0, NR)
    inp["user_emb"] = _glorot(ks[8], (NU, D))
    inp["item_emb"] = _glorot(ks[9], (NI, D))
    inp["word_emb"] = _glorot(ks[10], (NW, WD))
    inp["W_tu"] = _glorot(ks[11], (L, D, HD))
    inp["b_tu"] = jnp.zeros((L, HD), jnp.float32)
    inp["W_ti"] = _glorot(ks[12], (L, D, HD))
    inp["b_ti"] = jnp.zeros((L, HD), jnp.float32)
    inp["W_tw"] = _glorot(ks[13], (L, HD, D))
    inp["b_tw"] = jnp.zeros((L, D), jnp.float32)
    inp["Wg_u"] = _glorot(ks[14], (L, WD, HD))
    inp["asrc_u"] = 0.1 * jax.random.normal(ks[15], (L, HD), jnp.float32)
    inp["adst_u"] = 0.1 * jax.random.normal(ks[16], (L, HD), jnp.float32)
    inp["rel_u"] = 0.1 * jax.random.normal(ks[17], (L, NR), jnp.float32)
    inp["Wg_i"] = _glorot(ks[18], (L, WD, HD))
    inp["asrc_i"] = 0.1 * jax.random.normal(ks[19], (L, HD), jnp.float32)
    inp["adst_i"] = 0.1 * jax.random.normal(ks[20], (L, HD), jnp.float32)
    inp["rel_i"] = 0.1 * jax.random.normal(ks[21], (L, NR), jnp.float32)
    inp["Wp"] = _glorot(ks[22], (HD, HD))
    inp["W_iu"] = _glorot(ks[23], (D, D))
    inp["b_iu"] = jnp.zeros((D,), jnp.float32)
    inp["W_ii"] = _glorot(ks[24], (D, D))
    inp["b_ii"] = jnp.zeros((D,), jnp.float32)
    inp["W_fm"] = _glorot(ks[25], (IN_DIM, 1))
    inp["V"] = _glorot(ks[26], (IN_DIM, IN_DIM))
    inp["bias_u"] = jnp.zeros((NU,), jnp.float32)
    inp["bias_i"] = jnp.zeros((NI,), jnp.float32)
    inp["bias"] = jnp.zeros((1,), jnp.float32)
    return inp


def _flatten(nodes, adj, tp):
    off = (jnp.arange(B) * NN)[:, None, None]
    ei = jnp.transpose(adj + off, (1, 0, 2)).reshape(2, B * NE)
    batch = jnp.repeat(jnp.arange(B), NN)
    return nodes.reshape(-1), ei, tp.reshape(-1), batch


def _gat(x, ei, et, W, a_s, a_d, rel):
    N = x.shape[0]
    h = x @ W
    src, dst = ei[0], ei[1]
    logit = jax.nn.leaky_relu(h[src] @ a_s + h[dst] @ a_d + rel[et], 0.2)
    m = jax.ops.segment_max(logit, dst, num_segments=N)
    m = jnp.where(jnp.isfinite(m), m, 0.0)
    e = jnp.exp(logit - m[dst])
    den = jax.ops.segment_sum(e, dst, num_segments=N) + 1e-16
    out = jax.ops.segment_sum((e / den[dst])[:, None] * h[src], dst, num_segments=N)
    return jax.nn.relu(out)


def _conv_pool(ui_em, x, ei, et, batch, Wg, a_s, a_d, rel, Wp, W_tw, b_tw):
    outs = []
    for i in range(L):
        x = _gat(x, ei, et, Wg[i], a_s[i], a_d[i], rel[i])
        score = jax.nn.sigmoid(jnp.sum((x @ Wp) * ui_em[i][batch], axis=-1))
        x = x * score[:, None]
        g = jax.ops.segment_max(x, batch, num_segments=B)
        outs.append(jax.nn.relu(g @ W_tw[i] + b_tw[i]))
    return jnp.concatenate(outs, -1)


def reference(uid_batch, iid_batch, u_nodes, u_adj_ind, u_adj_tp, i_nodes, i_adj_ind, i_adj_tp, user_emb, item_emb, word_emb, W_tu, b_tu, W_ti, b_ti, W_tw, b_tw, Wg_u, asrc_u, adst_u, rel_u, Wg_i, asrc_i, adst_i, rel_i, Wp, W_iu, b_iu, W_ii, b_ii, W_fm, V, bias_u, bias_i, bias):
    u_e = user_emb[uid_batch]
    i_e = item_emb[iid_batch]
    u_em = [jax.nn.relu(u_e @ W_tu[i] + b_tu[i]) for i in range(L)]
    i_em = [jax.nn.relu(i_e @ W_ti[i] + b_ti[i]) for i in range(L)]
    ux, uei, uet, ub = _flatten(u_nodes, u_adj_ind, u_adj_tp)
    ix, iei, iet, ib = _flatten(i_nodes, i_adj_ind, i_adj_tp)
    u_pool = _conv_pool(u_em, word_emb[ux], uei, uet, ub, Wg_u, asrc_u, adst_u, rel_u, Wp, W_tw, b_tw)
    i_pool = _conv_pool(i_em, word_emb[ix], iei, iet, ib, Wg_i, asrc_i, adst_i, rel_i, Wp, W_tw, b_tw)
    user_vc = jnp.concatenate([jax.nn.relu(u_e @ W_iu + b_iu), u_pool], -1)
    item_vc = jnp.concatenate([jax.nn.relu(i_e @ W_ii + b_ii), i_pool], -1)
    xx = jnp.concatenate([user_vc, item_vc], -1)
    linear = (xx @ W_fm)[:, 0]
    p1 = (xx @ V) ** 2
    p2 = (xx ** 2) @ (V ** 2)
    mlp = 0.5 * jnp.sum(p1 - p2, -1)
    return (linear + mlp + bias_u[uid_batch] + bias_i[iid_batch] + bias[0]).reshape(-1)

if __name__ == "__main__":
    import jax
    _d = setup_inputs()
    print(jax.jit(kernel)(*tuple(_d.values())))

</pallas_src>

<mosaic_0001>
#map = affine_map<(d0, d1) -> (0, 0)>
module attributes {stable_mosaic.version = 14 : i64} {
  func.func @k(%arg0: i32, %arg1: i32, %arg2: memref<50000x128xf32, #tpu.memory_space<hbm>>, %arg3: memref<1x262144xi32, #tpu.memory_space<hbm>>, %arg4: memref<50000x128xf32, #tpu.memory_space<hbm>>, %arg5: memref<1x1024xi32, #tpu.memory_space<hbm>>, %arg6: memref<50000x128xf32, #tpu.memory_space<hbm>>, %arg7: memref<1x1024xi32, #tpu.memory_space<hbm>>, %arg8: memref<782x128xf32, #tpu.memory_space<hbm>>, %arg9: memref<1x1024xi32, #tpu.memory_space<hbm>>, %arg10: memref<782x128xf32, #tpu.memory_space<hbm>>, %arg11: memref<1x1024xi32, #tpu.memory_space<hbm>>, %arg12: memref<262144x128xf32, #tpu.memory_space<hbm>>, %arg13: memref<1024x128xf32, #tpu.memory_space<hbm>>, %arg14: memref<1024x128xf32, #tpu.memory_space<hbm>>, %arg15: memref<1024x128xf32, #tpu.memory_space<hbm>>, %arg16: memref<1024x128xf32, #tpu.memory_space<hbm>>) attributes {dimension_semantics = [#tpu.dimension_semantics<core_parallel>, #tpu.dimension_semantics<subcore_parallel>], iteration_bounds = array<i64: 2, 16>, scalar_prefetch = 0 : i64, scratch_operands = 0 : i64, tpu.core_type = #tpu.core_type<sc_vector_subcore>, window_params = [{transform_indices = #map}, {transform_indices = #map}, {transform_indices = #map}, {transform_indices = #map}, {transform_indices = #map}, {transform_indices = #map}, {transform_indices = #map}, {transform_indices = #map}, {transform_indices = #map}, {transform_indices = #map}, {transform_indices = #map}, {transform_indices = #map}, {transform_indices = #map}, {transform_indices = #map}, {transform_indices = #map}]} {
    %mul3A = arith.constant 1 : i32
    %mul3A_0 = arith.muli %arg1, %mul3A : i32
    %add3A = arith.constant 0 : i32
    %add3A_1 = arith.addi %add3A, %mul3A_0 : i32
    %mul3A_2 = arith.constant 16 : i32
    %mul3A_3 = arith.muli %arg0, %mul3A_2 : i32
    %add3A_4 = arith.addi %add3A_1, %mul3A_3 : i32
    %mul3A_5 = arith.constant 64 : i32
    %mul3A_6 = arith.muli %add3A_4, %mul3A_5 : i32
    "tpu.region"() ({
      %run_scoped3A = memref.alloca() : memref<2x1x128xi32, #tpu.memory_space<vmem>>
      %run_scoped3A_92 = tpu.sem_alloc : memref<2x!tpu.dma_semaphore, #tpu.memory_space<semaphore_mem>>
      %run_scoped3A_93 = memref.alloca() : memref<2x128x128xf32, #tpu.memory_space<vmem>>
      %run_scoped3A_94 = tpu.sem_alloc : memref<2x!tpu.dma_semaphore, #tpu.memory_space<semaphore_mem>>
      %add3A_95 = arith.constant 0 : i32
      %add3A_96 = arith.addi %add3A_95, %mul3A_6 : i32
      %select_n3A_97 = arith.constant true
      %select_n3A_98 = arith.constant 0 : i32
      %select_n3A_99 = arith.constant -1 : i32
      %select_n3A_100 = arith.select %select_n3A_97, %select_n3A_99, %select_n3A_98 : i32
      %eq3A = arith.constant -1 : i32
      %eq3A_101 = arith.cmpi eq, %select_n3A_100, %eq3A : i32
      %select_n3A_102 = arith.constant 63 : i32
      %select_n3A_103 = arith.select %eq3A_101, %select_n3A_102, %select_n3A_100 : i32
      %add3A_104 = arith.addi %select_n3A_103, %mul3A_6 : i32
      %select_n3A_105 = arith.constant true
      %select_n3A_106 = arith.constant 0 : i32
      %select_n3A_107 = arith.constant 1 : i32
      %select_n3A_108 = arith.select %select_n3A_105, %select_n3A_107, %select_n3A_106 : i32
      %eq3A_109 = arith.constant 64 : i32
      %eq3A_110 = arith.cmpi eq, %select_n3A_108, %eq3A_109 : i32
      %select_n3A_111 = arith.constant 0 : i32
      %select_n3A_112 = arith.select %eq3A_110, %select_n3A_111, %select_n3A_108 : i32
      %add3A_113 = arith.addi %select_n3A_112, %mul3A_6 : i32
      %add3A_114 = arith.constant 1 : i32
      %add3A_115 = arith.addi %select_n3A_112, %add3A_114 : i32
      %select_n3A_116 = arith.constant true
      %select_n3A_117 = arith.select %select_n3A_116, %add3A_115, %select_n3A_112 : i32
      %eq3A_118 = arith.constant 64 : i32
      %eq3A_119 = arith.cmpi eq, %select_n3A_117, %eq3A_118 : i32
      %select_n3A_120 = arith.constant 0 : i32
      %select_n3A_121 = arith.select %eq3A_119, %select_n3A_120, %select_n3A_117 : i32
      %add3A_122 = arith.addi %select_n3A_121, %mul3A_6 : i32
      "tpu.trace_start"() <{level = 10 : i32, message = "ep_initialize_0"}> : () -> ()
      %rem3A = arith.constant 0 : i32
      %rem3A_123 = arith.constant 2 : i32
      %rem3A_124 = arith.remui %rem3A, %rem3A_123 : i32
      %mul3A_125 = arith.constant 128 : i32
      %mul3A_126 = arith.muli %mul3A_125, %add3A_96 : i32
      %dma_start3A = arith.constant 0 : i32
      %dma_start3A_127 = arith.constant 0 : i32
      %dma_start3A_128 = tpu.memref_slice %run_scoped3A[%rem3A_124, %dma_start3A, %dma_start3A_127] : memref<2x1x128xi32, #tpu.memory_space<vmem>> -> memref<1x1x128xi32, #tpu.memory_space<vmem>>
      %dma_start3A_129 = tpu.memref_squeeze %dma_start3A_128 : memref<1x1x128xi32, #tpu.memory_space<vmem>> -> memref<1x128xi32, #tpu.memory_space<vmem>>
      %dma_start3A_130 = arith.constant 0 : i32
      %dma_start3A_131 = tpu.memref_slice %arg3[%dma_start3A_130, %mul3A_126] : memref<1x262144xi32, #tpu.memory_space<hbm>> -> memref<1x128xi32, #tpu.memory_space<hbm>>
      %dma_start3A_132 = tpu.memref_slice %run_scoped3A_92[%rem3A_124] : memref<2x!tpu.dma_semaphore, #tpu.memory_space<semaphore_mem>> -> memref<1x!tpu.dma_semaphore, #tpu.memory_space<semaphore_mem>>
      %dma_start3A_133 = tpu.memref_squeeze %dma_start3A_132 : memref<1x!tpu.dma_semaphore, #tpu.memory_space<semaphore_mem>> -> memref<!tpu.dma_semaphore, #tpu.memory_space<semaphore_mem>>
      %dma_start3A_134 = arith.constant 0 : i32
      %dma_start3A_135 = arith.constant 0 : i32
      %dma_start3A_136 = tpu.memref_slice %run_scoped3A[%rem3A_124, %dma_start3A_134, %dma_start3A_135] : memref<2x1x128xi32, #tpu.memory_space<vmem>> -> memref<1x1x128xi32, #tpu.memory_space<vmem>>
      %dma_start3A_137 = tpu.memref_squeeze %dma_start3A_136 : memref<1x1x128xi32, #tpu.memory_space<vmem>> -> memref<1x128xi32, #tpu.memory_space<vmem>>
      %dma_start3A_138 = arith.constant 0 : i32
      %dma_start3A_139 = tpu.memref_slice %arg3[%dma_start3A_138, %mul3A_126] : memref<1x262144xi32, #tpu.memory_space<hbm>> -> memref<1x128xi32, #tpu.memory_space<hbm>>
      tpu.enqueue_dma source(%dma_start3A_139 : memref<1x128xi32, #tpu.memory_space<hbm>>) target(%dma_start3A_137 : memref<1x128xi32, #tpu.memory_space<vmem>>) target_semaphore(%dma_start3A_133 : memref<!tpu.dma_semaphore, #tpu.memory_space<semaphore_mem>>)
      %add3A_140 = arith.constant 0 : i32
      %add3A_141 = arith.constant 1 : i32
      %add3A_142 = arith.addi %add3A_140, %add3A_141 : i32
      %select_n3A_143 = arith.constant true
      %select_n3A_144 = arith.constant 0 : i32
      %select_n3A_145 = arith.select %select_n3A_143, %add3A_142, %select_n3A_144 : i32
      "tpu.trace_stop"() : () -> ()
      %scan3A = arith.constant 0 : i32
      %scan3A_146 = arith.constant 0 : i32
      %scan3A_147 = arith.constant 0 : i32
      %scan3A_148 = arith.constant 0 : i32
      %scan3A_149 = arith.constant 0 : i32
      %scan3A_150 = arith.constant 64 : i32
      %scan3A_151 = arith.addi %scan3A_149, %scan3A_150 : i32
      %scan3A_152 = arith.constant 1 : i32
      %scan3A_153:5 = scf.for %scan3A_207 = %scan3A_149 to %scan3A_151 step %scan3A_152 iter_args(%scan3A_208 = %select_n3A_145, %scan3A_209 = %scan3A, %scan3A_210 = %scan3A_146, %scan3A_211 = %scan3A_147, %scan3A_212 = %scan3A_148) -> (i32, i32, i32, i32, i32)  : i32 {
        %eq3A_213 = arith.constant 0 : i32
        %eq3A_214 = arith.cmpi eq, %scan3A_207, %eq3A_213 : i32
        %eq3A_215 = arith.constant 63 : i32
        %eq3A_216 = arith.cmpi eq, %scan3A_207, %eq3A_215 : i32
        %add3A_217 = arith.addi %scan3A_212, %mul3A_6 : i32
        %sub3A_218 = arith.constant 1 : i32
        %sub3A_219 = arith.subi %scan3A_212, %sub3A_218 : i32
        %select_n3A_220 = arith.constant true
        %select_n3A_221 = arith.select %select_n3A_220, %sub3A_219, %scan3A_212 : i32
        %eq3A_222 = arith.constant -1 : i32
        %eq3A_223 = arith.cmpi eq, %select_n3A_221, %eq3A_222 : i32
        %select_n3A_224 = arith.constant 63 : i32
        %select_n3A_225 = arith.select %eq3A_223, %select_n3A_224, %select_n3A_221 : i32
        %add3A_226 = arith.addi %select_n3A_225, %mul3A_6 : i32
        %add3A_227 = arith.constant 1 : i32
        %add3A_228 = arith.addi %scan3A_212, %add3A_227 : i32
        %select_n3A_229 = arith.constant true
        %select_n3A_230 = arith.select %select_n3A_229, %add3A_228, %scan3A_212 : i32
        %eq3A_231 = arith.constant 64 : i32
        %eq3A_232 = arith.cmpi eq, %select_n3A_230, %eq3A_231 : i32
        %select_n3A_233 = arith.constant 0 : i32
        %select_n3A_234 = arith.select %eq3A_232, %select_n3A_233, %select_n3A_230 : i32
        %add3A_235 = arith.addi %select_n3A_234, %mul3A_6 : i32
        %add3A_236 = arith.constant 1 : i32
        %add3A_237 = arith.addi %select_n3A_234, %add3A_236 : i32
        %select_n3A_238 = arith.constant true
        %select_n3A_239 = arith.select %select_n3A_238, %add3A_237, %select_n3A_234 : i32
        %eq3A_240 = arith.constant 64 : i32
        %eq3A_241 = arith.cmpi eq, %select_n3A_239, %eq3A_240 : i32
        %select_n3A_242 = arith.constant 0 : i32
        %select_n3A_243 = arith.select %eq3A_241, %select_n3A_242, %select_n3A_239 : i32
        %add3A_244 = arith.addi %select_n3A_243, %mul3A_6 : i32
        %ne3A = arith.cmpi ne, %add3A_217, %add3A_235 : i32
        %or3A = arith.constant false
        %or3A_245 = arith.ori %or3A, %ne3A : i1
        %ge3A = arith.constant 63 : i32
        %ge3A_246 = arith.cmpi sge, %scan3A_207, %ge3A : i32
        %not3A = arith.constant true
        %not3A_247 = arith.xori %ge3A_246, %not3A : i1
        %and3A = arith.andi %or3A_245, %not3A_247 : i1
        %convert_element_type3A = arith.extui %and3A : i1 to i32
        %cond3A = arith.constant 0 : i32
        %cond3A_248 = arith.cmpi ne, %convert_element_type3A, %cond3A : i32
        scf.if %cond3A_248 {
          "tpu.trace_start"() <{level = 10 : i32, message = "ep_copy_in"}> : () -> ()
          %rem3A_350 = arith.constant 2 : i32
          %rem3A_351 = arith.remui %scan3A_208, %rem3A_350 : i32
          %mul3A_352 = arith.constant 128 : i32
          %mul3A_353 = arith.muli %mul3A_352, %add3A_235 : i32
          %dma_start3A_354 = arith.constant 0 : i32
          %dma_start3A_355 = arith.constant 0 : i32
          %dma_start3A_356 = tpu.memref_slice %run_scoped3A[%rem3A_351, %dma_start3A_354, %dma_start3A_355] : memref<2x1x128xi32, #tpu.memory_space<vmem>> -> memref<1x1x128xi32, #tpu.memory_space<vmem>>
          %dma_start3A_357 = tpu.memref_squeeze %dma_start3A_356 : memref<1x1x128xi32, #tpu.memory_space<vmem>> -> memref<1x128xi32, #tpu.memory_space<vmem>>
          %dma_start3A_358 = arith.constant 0 : i32
          %dma_start3A_359 = tpu.memref_slice %arg3[%dma_start3A_358, %mul3A_353] : memref<1x262144xi32, #tpu.memory_space<hbm>> -> memref<1x128xi32, #tpu.memory_space<hbm>>
          %dma_start3A_360 = tpu.memref_slice %run_scoped3A_92[%rem3A_351] : memref<2x!tpu.dma_semaphore, #tpu.memory_space<semaphore_mem>> -> memref<1x!tpu.dma_semaphore, #tpu.memory_space<semaphore_mem>>
          %dma_start3A_361 = tpu.memref_squeeze %dma_start3A_360 : memref<1x!tpu.dma_semaphore, #tpu.memory_space<semaphore_mem>> -> memref<!tpu.dma_semaphore, #tpu.memory_space<semaphore_mem>>
          %dma_start3A_362 = arith.constant 0 : i32
          %dma_start3A_363 = arith.constant 0 : i32
          %dma_start3A_364 = tpu.memref_slice %run_scoped3A[%rem3A_351, %dma_start3A_362, %dma_start3A_363] : memref<2x1x128xi32, #tpu.memory_space<vmem>> -> memref<1x1x128xi32, #tpu.memory_space<vmem>>
          %dma_start3A_365 = tpu.memref_squeeze %dma_start3A_364 : memref<1x1x128xi32, #tpu.memory_space<vmem>> -> memref<1x128xi32, #tpu.memory_space<vmem>>
          %dma_start3A_366 = arith.constant 0 : i32
          %dma_start3A_367 = tpu.memref_slice %arg3[%dma_start3A_366, %mul3A_353] : memref<1x262144xi32, #tpu.memory_space<hbm>> -> memref<1x128xi32, #tpu.memory_space<hbm>>
          tpu.enqueue_dma source(%dma_start3A_367 : memref<1x128xi32, #tpu.memory_space<hbm>>) target(%dma_start3A_365 : memref<1x128xi32, #tpu.memory_space<vmem>>) target_semaphore(%dma_start3A_361 : memref<!tpu.dma_semaphore, #tpu.memory_space<semaphore_mem>>)
          "tpu.trace_stop"() : () -> ()
        } else {
        }
        %and3A_249 = arith.constant true
        %and3A_250 = arith.andi %and3A, %and3A_249 : i1
        %add3A_251 = arith.constant 1 : i32
        %add3A_252 = arith.addi %scan3A_208, %add3A_251 : i32
        %select_n3A_253 = arith.select %and3A_250, %add3A_252, %scan3A_208 : i32
        %ne3A_254 = arith.cmpi ne, %add3A_217, %add3A_235 : i32
        %or3A_255 = arith.constant false
        %or3A_256 = arith.ori %or3A_255, %ne3A_254 : i1
        %or3A_257 = arith.constant false
        %or3A_258 = arith.ori %or3A_256, %or3A_257 : i1
        %ge3A_259 = arith.constant 63 : i32
        %ge3A_260 = arith.cmpi sge, %scan3A_207, %ge3A_259 : i32
        %not3A_261 = arith.constant true
        %not3A_262 = arith.xori %ge3A_260, %not3A_261 : i1
        %and3A_263 = arith.andi %or3A_258, %not3A_262 : i1
        %ne3A_264 = arith.cmpi ne, %add3A_217, %add3A_226 : i32
        %or3A_265 = arith.constant false
        %or3A_266 = arith.ori %or3A_265, %ne3A_264 : i1
        %or3A_267 = arith.ori %or3A_266, %eq3A_214 : i1
        %convert_element_type3A_268 = arith.extui %or3A_267 : i1 to i32
        %cond3A_269 = arith.constant 0 : i32
        %cond3A_270 = arith.cmpi ne, %convert_element_type3A_268, %cond3A_269 : i32
        scf.if %cond3A_270 {
          "tpu.trace_start"() <{level = 10 : i32, message = "ep_wait_in"}> : () -> ()
          %mul3A_350 = arith.constant 128 : i32
          %mul3A_351 = arith.muli %mul3A_350, %add3A_217 : i32
          %rem3A_352 = arith.constant 2 : i32
          %rem3A_353 = arith.remui %scan3A_209, %rem3A_352 : i32
          %dma_wait3A_354 = arith.constant 0 : i32
          %dma_wait3A_355 = arith.constant 0 : i32
          %dma_wait3A_356 = tpu.memref_slice %run_scoped3A[%rem3A_353, %dma_wait3A_354, %dma_wait3A_355] : memref<2x1x128xi32, #tpu.memory_space<vmem>> -> memref<1x1x128xi32, #tpu.memory_space<vmem>>
          %dma_wait3A_357 = tpu.memref_squeeze %dma_wait3A_356 : memref<1x1x128xi32, #tpu.memory_space<vmem>> -> memref<1x128xi32, #tpu.memory_space<vmem>>
          %dma_wait3A_358 = arith.constant 0 : i32
          %dma_wait3A_359 = tpu.memref_slice %arg3[%dma_wait3A_358, %mul3A_351] : memref<1x262144xi32, #tpu.memory_space<hbm>> -> memref<1x128xi32, #tpu.memory_space<hbm>>
          %dma_wait3A_360 = tpu.memref_slice %run_scoped3A_92[%rem3A_353] : memref<2x!tpu.dma_semaphore, #tpu.memory_space<semaphore_mem>> -> memref<1x!tpu.dma_semaphore, #tpu.memory_space<semaphore_mem>>
          %dma_wait3A_361 = tpu.memref_squeeze %dma_wait3A_360 : memref<1x!tpu.dma_semaphore, #tpu.memory_space<semaphore_mem>> -> memref<!tpu.dma_semaphore, #tpu.memory_space<semaphore_mem>>
          %dma_wait3A_362 = arith.constant 0 : i32
          %dma_wait3A_363 = arith.constant 0 : i32
          %dma_wait3A_364 = tpu.memref_slice %run_scoped3A[%rem3A_353, %dma_wait3A_362, %dma_wait3A_363] : memref<2x1x128xi32, #tpu.memory_space<vmem>> -> memref<1x1x128xi32, #tpu.memory_space<vmem>>
          %dma_wait3A_365 = tpu.memref_squeeze %dma_wait3A_364 : memref<1x1x128xi32, #tpu.memory_space<vmem>> -> memref<1x128xi32, #tpu.memory_space<vmem>>
          %dma_wait3A_366 = arith.constant 0 : i32
          %dma_wait3A_367 = tpu.memref_slice %arg3[%dma_wait3A_366, %mul3A_351] : memref<1x262144xi32, #tpu.memory_space<hbm>> -> memref<1x128xi32, #tpu.memory_space<hbm>>
          tpu.wait_dma2 semaphore(%dma_wait3A_361 : memref<!tpu.dma_semaphore, #tpu.memory_space<semaphore_mem>>) src(%dma_wait3A_367 : memref<1x128xi32, #tpu.memory_space<hbm>>) dst(%dma_wait3A_365 : memref<1x128xi32, #tpu.memory_space<vmem>>)
          "tpu.trace_stop"() : () -> ()
        } else {
        }
        %ne3A_271 = arith.cmpi ne, %add3A_217, %add3A_226 : i32
        %or3A_272 = arith.constant false
        %or3A_273 = arith.ori %or3A_272, %ne3A_271 : i1
        %or3A_274 = arith.constant false
        %or3A_275 = arith.ori %or3A_273, %or3A_274 : i1
        %or3A_276 = arith.ori %or3A_275, %eq3A_214 : i1
        %convert_element_type3A_277 = arith.extui %or3A_276 : i1 to i32
        %cond3A_278 = arith.constant 0 : i32
        %cond3A_279 = arith.cmpi ne, %convert_element_type3A_277, %cond3A_278 : i32
        scf.if %cond3A_279 {
        } else {
        }
        %rem3A_280 = arith.constant 2 : i32
        %rem3A_281 = arith.remui %scan3A_209, %rem3A_280 : i32
        %rem3A_282 = arith.constant 2 : i32
        %rem3A_283 = arith.remui %scan3A_210, %rem3A_282 : i32
        %run_scoped3A_284 = arith.constant 0 : i32
        "tpu.trace_start"() <{level = 10 : i32, message = "ep_run_kernel"}> : () -> ()
        "tpu.region"() ({
          %run_scoped3A_350 = tpu.sem_alloc : memref<!tpu.dma_semaphore, #tpu.memory_space<semaphore_mem>>
          %dma_start3A_351 = arith.constant 0 : i32
          %dma_start3A_352 = arith.constant 0 : i32
          %dma_start3A_353 = tpu.memref_slice %run_scoped3A_93[%rem3A_283, %dma_start3A_351, %dma_start3A_352] : memref<2x128x128xf32, #tpu.memory_space<vmem>> -> memref<1x128x128xf32, #tpu.memory_space<vmem>>
          %dma_start3A_354 = tpu.memref_squeeze %dma_start3A_353 : memref<1x128x128xf32, #tpu.memory_space<vmem>> -> memref<128x128xf32, #tpu.memory_space<vmem>>
          %dma_start3A_355 = arith.constant 0 : i32
          %dma_start3A_356 = arith.constant 0 : i32
          %dma_start3A_357 = tpu.memref_slice %run_scoped3A[%rem3A_281, %dma_start3A_355, %dma_start3A_356] : memref<2x1x128xi32, #tpu.memory_space<vmem>> -> memref<1x1x128xi32, #tpu.memory_space<vmem>>
          %dma_start3A_358 = tpu.memref_squeeze %dma_start3A_357 : memref<1x1x128xi32, #tpu.memory_space<vmem>> -> memref<1x128xi32, #tpu.memory_space<vmem>>
          %dma_start3A_359 = arith.constant 0 : i32
          %dma_start3A_360 = tpu.memref_slice %dma_start3A_358[%run_scoped3A_284, %dma_start3A_359] : memref<1x128xi32, #tpu.memory_space<vmem>> -> memref<1x128xi32, #tpu.memory_space<vmem>>
          %dma_start3A_361 = tpu.memref_squeeze %dma_start3A_360 : memref<1x128xi32, #tpu.memory_space<vmem>> -> memref<128xi32, #tpu.memory_space<vmem>>
          %dma_start3A_362 = arith.constant 0 : i32
          %dma_start3A_363 = arith.constant 0 : i32
          %dma_start3A_364 = tpu.memref_slice %arg2[%dma_start3A_362, %dma_start3A_363] : memref<50000x128xf32, #tpu.memory_space<hbm>> -> memref<50000x128xf32, #tpu.memory_space<hbm>>
          tpu.enqueue_indirect_dma source(%dma_start3A_364 : memref<50000x128xf32, #tpu.memory_space<hbm>>) target(%dma_start3A_354 : memref<128x128xf32, #tpu.memory_space<vmem>>) offsets(%dma_start3A_361 : memref<128xi32, #tpu.memory_space<vmem>>) semaphore(%run_scoped3A_350 : memref<!tpu.dma_semaphore, #tpu.memory_space<semaphore_mem>>)
          %dma_wait3A_365 = arith.constant 0 : i32
          %dma_wait3A_366 = arith.constant 0 : i32
          %dma_wait3A_367 = tpu.memref_slice %run_scoped3A_93[%rem3A_283, %dma_wait3A_365, %dma_wait3A_366] : memref<2x128x128xf32, #tpu.memory_space<vmem>> -> memref<1x128x128xf32, #tpu.memory_space<vmem>>
          %dma_wait3A_368 = tpu.memref_squeeze %dma_wait3A_367 : memref<1x128x128xf32, #tpu.memory_space<vmem>> -> memref<128x128xf32, #tpu.memory_space<vmem>>
          %dma_wait3A_369 = arith.constant 0 : i32
          %dma_wait3A_370 = arith.constant 0 : i32
          %dma_wait3A_371 = tpu.memref_slice %run_scoped3A[%rem3A_281, %dma_wait3A_369, %dma_wait3A_370] : memref<2x1x128xi32, #tpu.memory_space<vmem>> -> memref<1x1x128xi32, #tpu.memory_space<vmem>>
          %dma_wait3A_372 = tpu.memref_squeeze %dma_wait3A_371 : memref<1x1x128xi32, #tpu.memory_space<vmem>> -> memref<1x128xi32, #tpu.memory_space<vmem>>
          %dma_wait3A_373 = arith.constant 0 : i32
          %dma_wait3A_374 = tpu.memref_slice %dma_wait3A_372[%run_scoped3A_284, %dma_wait3A_373] : memref<1x128xi32, #tpu.memory_space<vmem>> -> memref<1x128xi32, #tpu.memory_space<vmem>>
          %dma_wait3A_375 = tpu.memref_squeeze %dma_wait3A_374 : memref<1x128xi32, #tpu.memory_space<vmem>> -> memref<128xi32, #tpu.memory_space<vmem>>
          %dma_wait3A_376 = arith.constant 0 : i32
          %dma_wait3A_377 = arith.constant 0 : i32
          %dma_wait3A_378 = tpu.memref_slice %arg2[%dma_wait3A_376, %dma_wait3A_377] : memref<50000x128xf32, #tpu.memory_space<hbm>> -> memref<50000x128xf32, #tpu.memory_space<hbm>>
          tpu.wait_indirect_dma semaphore(%run_scoped3A_350 : memref<!tpu.dma_semaphore, #tpu.memory_space<semaphore_mem>>) src(%dma_wait3A_378 : memref<50000x128xf32, #tpu.memory_space<hbm>>) dst(%dma_wait3A_368 : memref<128x128xf32, #tpu.memory_space<vmem>>)
          tpu.yield
        }) : () -> ()
        "tpu.trace_stop"() : () -> ()
        %ne3A_285 = arith.cmpi ne, %add3A_217, %add3A_235 : i32
        %or3A_286 = arith.constant false
        %or3A_287 = arith.ori %or3A_286, %ne3A_285 : i1
        %or3A_288 = arith.ori %or3A_287, %eq3A_216 : i1
        %convert_element_type3A_289 = arith.extui %or3A_288 : i1 to i32
        %cond3A_290 = arith.constant 0 : i32
        %cond3A_291 = arith.cmpi ne, %convert_element_type3A_289, %cond3A_290 : i32
        scf.if %cond3A_291 {
        } else {
        }
        %and3A_292 = arith.constant false
        %and3A_293 = arith.andi %or3A_288, %and3A_292 : i1
        %ne3A_294 = arith.cmpi ne, %add3A_217, %add3A_235 : i32
        %or3A_295 = arith.constant false
        %or3A_296 = arith.ori %or3A_295, %ne3A_294 : i1
        %or3A_297 = arith.constant false
        %or3A_298 = arith.ori %or3A_296, %or3A_297 : i1
        %or3A_299 = arith.ori %or3A_298, %eq3A_216 : i1
        %convert_element_type3A_300 = arith.extui %or3A_299 : i1 to i32
        %cond3A_301 = arith.constant 0 : i32
        %cond3A_302 = arith.cmpi ne, %convert_element_type3A_300, %cond3A_301 : i32
        scf.if %cond3A_302 {
          "tpu.trace_start"() <{level = 10 : i32, message = "ep_copy_out"}> : () -> ()
          %rem3A_350 = arith.constant 2 : i32
          %rem3A_351 = arith.remui %scan3A_210, %rem3A_350 : i32
          %mul3A_352 = arith.constant 128 : i32
          %mul3A_353 = arith.muli %mul3A_352, %add3A_217 : i32
          %dma_start3A_354 = arith.constant 0 : i32
          %dma_start3A_355 = arith.constant 0 : i32
          %dma_start3A_356 = tpu.memref_slice %run_scoped3A_93[%rem3A_351, %dma_start3A_354, %dma_start3A_355] : memref<2x128x128xf32, #tpu.memory_space<vmem>> -> memref<1x128x128xf32, #tpu.memory_space<vmem>>
          %dma_start3A_357 = tpu.memref_squeeze %dma_start3A_356 : memref<1x128x128xf32, #tpu.memory_space<vmem>> -> memref<128x128xf32, #tpu.memory_space<vmem>>
          %dma_start3A_358 = arith.constant 0 : i32
          %dma_start3A_359 = tpu.memref_slice %arg12[%mul3A_353, %dma_start3A_358] : memref<262144x128xf32, #tpu.memory_space<hbm>> -> memref<128x128xf32, #tpu.memory_space<hbm>>
          %dma_start3A_360 = tpu.memref_slice %run_scoped3A_94[%rem3A_351] : memref<2x!tpu.dma_semaphore, #tpu.memory_space<semaphore_mem>> -> memref<1x!tpu.dma_semaphore, #tpu.memory_space<semaphore_mem>>
          %dma_start3A_361 = tpu.memref_squeeze %dma_start3A_360 : memref<1x!tpu.dma_semaphore, #tpu.memory_space<semaphore_mem>> -> memref<!tpu.dma_semaphore, #tpu.memory_space<semaphore_mem>>
          %dma_start3A_362 = arith.constant 0 : i32
          %dma_start3A_363 = tpu.memref_slice %arg12[%mul3A_353, %dma_start3A_362] : memref<262144x128xf32, #tpu.memory_space<hbm>> -> memref<128x128xf32, #tpu.memory_space<hbm>>
          %dma_start3A_364 = arith.constant 0 : i32
          %dma_start3A_365 = arith.constant 0 : i32
          %dma_start3A_366 = tpu.memref_slice %run_scoped3A_93[%rem3A_351, %dma_start3A_364, %dma_start3A_365] : memref<2x128x128xf32, #tpu.memory_space<vmem>> -> memref<1x128x128xf32, #tpu.memory_space<vmem>>
          %dma_start3A_367 = tpu.memref_squeeze %dma_start3A_366 : memref<1x128x128xf32, #tpu.memory_space<vmem>> -> memref<128x128xf32, #tpu.memory_space<vmem>>
          tpu.enqueue_dma source(%dma_start3A_367 : memref<128x128xf32, #tpu.memory_space<vmem>>) target(%dma_start3A_363 : memref<128x128xf32, #tpu.memory_space<hbm>>) target_semaphore(%dma_start3A_361 : memref<!tpu.dma_semaphore, #tpu.memory_space<semaphore_mem>>)
          "tpu.trace_stop"() : () -> ()
        } else {
        }
        %and3A_303 = arith.constant true
        %and3A_304 = arith.andi %or3A_299, %and3A_303 : i1
        %add3A_305 = arith.constant 1 : i32
        %add3A_306 = arith.addi %scan3A_210, %add3A_305 : i32
        %select_n3A_307 = arith.select %and3A_304, %add3A_306, %scan3A_210 : i32
        %ne3A_308 = arith.cmpi ne, %add3A_217, %add3A_226 : i32
        %or3A_309 = arith.constant false
        %or3A_310 = arith.ori %or3A_309, %ne3A_308 : i1
        %not3A_311 = arith.constant true
        %not3A_312 = arith.xori %eq3A_214, %not3A_311 : i1
        %and3A_313 = arith.andi %or3A_310, %not3A_312 : i1
        %convert_element_type3A_314 = arith.extui %and3A_313 : i1 to i32
        %cond3A_315 = arith.constant 0 : i32
        %cond3A_316 = arith.cmpi ne, %convert_element_type3A_314, %cond3A_315 : i32
        scf.if %cond3A_316 {
        } else {
        }
        %and3A_317 = arith.constant false
        %and3A_318 = arith.andi %and3A_313, %and3A_317 : i1
        %ne3A_319 = arith.cmpi ne, %add3A_217, %add3A_226 : i32
        %or3A_320 = arith.constant false
        %or3A_321 = arith.ori %or3A_320, %ne3A_319 : i1
        %or3A_322 = arith.constant false
        %or3A_323 = arith.ori %or3A_321, %or3A_322 : i1
        %not3A_324 = arith.constant true
        %not3A_325 = arith.xori %eq3A_214, %not3A_324 : i1
        %and3A_326 = arith.andi %or3A_323, %not3A_325 : i1
        %convert_element_type3A_327 = arith.extui %and3A_326 : i1 to i32
        %cond3A_328 = arith.constant 0 : i32
        %cond3A_329 = arith.cmpi ne, %convert_element_type3A_327, %cond3A_328 : i32
        scf.if %cond3A_329 {
          "tpu.trace_start"() <{level = 10 : i32, message = "ep_wait_out"}> : () -> ()
          %rem3A_350 = arith.constant 2 : i32
          %rem3A_351 = arith.remui %scan3A_211, %rem3A_350 : i32
          %mul3A_352 = arith.constant 128 : i32
          %mul3A_353 = arith.muli %mul3A_352, %add3A_226 : i32
          %dma_wait3A_354 = arith.constant 0 : i32
          %dma_wait3A_355 = arith.constant 0 : i32
          %dma_wait3A_356 = tpu.memref_slice %run_scoped3A_93[%rem3A_351, %dma_wait3A_354, %dma_wait3A_355] : memref<2x128x128xf32, #tpu.memory_space<vmem>> -> memref<1x128x128xf32, #tpu.memory_space<vmem>>
          %dma_wait3A_357 = tpu.memref_squeeze %dma_wait3A_356 : memref<1x128x128xf32, #tpu.memory_space<vmem>> -> memref<128x128xf32, #tpu.memory_space<vmem>>
          %dma_wait3A_358 = arith.constant 0 : i32
          %dma_wait3A_359 = tpu.memref_slice %arg12[%mul3A_353, %dma_wait3A_358] : memref<262144x128xf32, #tpu.memory_space<hbm>> -> memref<128x128xf32, #tpu.memory_space<hbm>>
          %dma_wait3A_360 = tpu.memref_slice %run_scoped3A_94[%rem3A_351] : memref<2x!tpu.dma_semaphore, #tpu.memory_space<semaphore_mem>> -> memref<1x!tpu.dma_semaphore, #tpu.memory_space<semaphore_mem>>
          %dma_wait3A_361 = tpu.memref_squeeze %dma_wait3A_360 : memref<1x!tpu.dma_semaphore, #tpu.memory_space<semaphore_mem>> -> memref<!tpu.dma_semaphore, #tpu.memory_space<semaphore_mem>>
          %dma_wait3A_362 = arith.constant 0 : i32
          %dma_wait3A_363 = tpu.memref_slice %arg12[%mul3A_353, %dma_wait3A_362] : memref<262144x128xf32, #tpu.memory_space<hbm>> -> memref<128x128xf32, #tpu.memory_space<hbm>>
          %dma_wait3A_364 = arith.constant 0 : i32
          %dma_wait3A_365 = arith.constant 0 : i32
          %dma_wait3A_366 = tpu.memref_slice %run_scoped3A_93[%rem3A_351, %dma_wait3A_364, %dma_wait3A_365] : memref<2x128x128xf32, #tpu.memory_space<vmem>> -> memref<1x128x128xf32, #tpu.memory_space<vmem>>
          %dma_wait3A_367 = tpu.memref_squeeze %dma_wait3A_366 : memref<1x128x128xf32, #tpu.memory_space<vmem>> -> memref<128x128xf32, #tpu.memory_space<vmem>>
          tpu.wait_dma2 semaphore(%dma_wait3A_361 : memref<!tpu.dma_semaphore, #tpu.memory_space<semaphore_mem>>) src(%dma_wait3A_367 : memref<128x128xf32, #tpu.memory_space<vmem>>) dst(%dma_wait3A_363 : memref<128x128xf32, #tpu.memory_space<hbm>>)
          "tpu.trace_stop"() : () -> ()
        } else {
        }
        %and3A_330 = arith.constant true
        %and3A_331 = arith.andi %and3A_326, %and3A_330 : i1
        %add3A_332 = arith.constant 1 : i32
        %add3A_333 = arith.addi %scan3A_211, %add3A_332 : i32
        %select_n3A_334 = arith.select %and3A_331, %add3A_333, %scan3A_211 : i32
        %ne3A_335 = arith.cmpi ne, %add3A_217, %add3A_235 : i32
        %or3A_336 = arith.constant false
        %or3A_337 = arith.ori %or3A_336, %ne3A_335 : i1
        %or3A_338 = arith.ori %or3A_337, %eq3A_216 : i1
        %add3A_339 = arith.constant 1 : i32
        %add3A_340 = arith.addi %scan3A_209, %add3A_339 : i32
        %select_n3A_341 = arith.select %or3A_338, %add3A_340, %scan3A_209 : i32
        %add3A_342 = arith.constant 1 : i32
        %add3A_343 = arith.addi %scan3A_212, %add3A_342 : i32
        %select_n3A_344 = arith.constant true
        %select_n3A_345 = arith.select %select_n3A_344, %add3A_343, %scan3A_212 : i32
        %eq3A_346 = arith.constant 64 : i32
        %eq3A_347 = arith.cmpi eq, %select_n3A_345, %eq3A_346 : i32
        %select_n3A_348 = arith.constant 0 : i32
        %select_n3A_349 = arith.select %eq3A_347, %select_n3A_348, %select_n3A_345 : i32
        scf.yield %select_n3A_253, %select_n3A_341, %select_n3A_307, %select_n3A_334, %select_n3A_349 : i32, i32, i32, i32, i32
      }
      %scan3A_154 = arith.constant 64 : i32
      %sub3A = arith.constant 1 : i32
      %sub3A_155 = arith.subi %scan3A_153#4, %sub3A : i32
      %select_n3A_156 = arith.constant true
      %select_n3A_157 = arith.select %select_n3A_156, %sub3A_155, %scan3A_153#4 : i32
      %eq3A_158 = arith.constant -1 : i32
      %eq3A_159 = arith.cmpi eq, %select_n3A_157, %eq3A_158 : i32
      %select_n3A_160 = arith.constant 63 : i32
      %select_n3A_161 = arith.select %eq3A_159, %select_n3A_160, %select_n3A_157 : i32
      %add3A_162 = arith.addi %select_n3A_161, %mul3A_6 : i32
      %sub3A_163 = arith.constant 1 : i32
      %sub3A_164 = arith.subi %select_n3A_161, %sub3A_163 : i32
      %select_n3A_165 = arith.constant true
      %select_n3A_166 = arith.select %select_n3A_165, %sub3A_164, %select_n3A_161 : i32
      %eq3A_167 = arith.constant -1 : i32
      %eq3A_168 = arith.cmpi eq, %select_n3A_166, %eq3A_167 : i32
      %select_n3A_169 = arith.constant 63 : i32
      %select_n3A_170 = arith.select %eq3A_168, %select_n3A_169, %select_n3A_166 : i32
      %add3A_171 = arith.addi %select_n3A_170, %mul3A_6 : i32
      %add3A_172 = arith.constant 1 : i32
      %add3A_173 = arith.addi %select_n3A_161, %add3A_172 : i32
      %select_n3A_174 = arith.constant true
      %select_n3A_175 = arith.select %select_n3A_174, %add3A_173, %select_n3A_161 : i32
      %eq3A_176 = arith.constant 64 : i32
      %eq3A_177 = arith.cmpi eq, %select_n3A_175, %eq3A_176 : i32
      %select_n3A_178 = arith.constant 0 : i32
      %select_n3A_179 = arith.select %eq3A_177, %select_n3A_178, %select_n3A_175 : i32
      %add3A_180 = arith.addi %select_n3A_179, %mul3A_6 : i32
      %add3A_181 = arith.constant 1 : i32
      %add3A_182 = arith.addi %select_n3A_179, %add3A_181 : i32
      %select_n3A_183 = arith.constant true
      %select_n3A_184 = arith.select %select_n3A_183, %add3A_182, %select_n3A_179 : i32
      %eq3A_185 = arith.constant 64 : i32
      %eq3A_186 = arith.cmpi eq, %select_n3A_184, %eq3A_185 : i32
      %select_n3A_187 = arith.constant 0 : i32
      %select_n3A_188 = arith.select %eq3A_186, %select_n3A_187, %select_n3A_184 : i32
      %add3A_189 = arith.addi %select_n3A_188, %mul3A_6 : i32
      "tpu.trace_start"() <{level = 10 : i32, message = "ep_finalize"}> : () -> ()
      %rem3A_190 = arith.constant 2 : i32
      %rem3A_191 = arith.remui %scan3A_153#3, %rem3A_190 : i32
      %mul3A_192 = arith.constant 128 : i32
      %mul3A_193 = arith.muli %mul3A_192, %add3A_162 : i32
      %dma_wait3A = arith.constant 0 : i32
      %dma_wait3A_194 = arith.constant 0 : i32
      %dma_wait3A_195 = tpu.memref_slice %run_scoped3A_93[%rem3A_191, %dma_wait3A, %dma_wait3A_194] : memref<2x128x128xf32, #tpu.memory_space<vmem>> -> memref<1x128x128xf32, #tpu.memory_space<vmem>>
      %dma_wait3A_196 = tpu.memref_squeeze %dma_wait3A_195 : memref<1x128x128xf32, #tpu.memory_space<vmem>> -> memref<128x128xf32, #tpu.memory_space<vmem>>
      %dma_wait3A_197 = arith.constant 0 : i32
      %dma_wait3A_198 = tpu.memref_slice %arg12[%mul3A_193, %dma_wait3A_197] : memref<262144x128xf32, #tpu.memory_space<hbm>> -> memref<128x128xf32, #tpu.memory_space<hbm>>
      %dma_wait3A_199 = tpu.memref_slice %run_scoped3A_94[%rem3A_191] : memref<2x!tpu.dma_semaphore, #tpu.memory_space<semaphore_mem>> -> memref<1x!tpu.dma_semaphore, #tpu.memory_space<semaphore_mem>>
      %dma_wait3A_200 = tpu.memref_squeeze %dma_wait3A_199 : memref<1x!tpu.dma_semaphore, #tpu.memory_space<semaphore_mem>> -> memref<!tpu.dma_semaphore, #tpu.memory_space<semaphore_mem>>
      %dma_wait3A_201 = arith.constant 0 : i32
      %dma_wait3A_202 = tpu.memref_slice %arg12[%mul3A_193, %dma_wait3A_201] : memref<262144x128xf32, #tpu.memory_space<hbm>> -> memref<128x128xf32, #tpu.memory_space<hbm>>
      %dma_wait3A_203 = arith.constant 0 : i32
      %dma_wait3A_204 = arith.constant 0 : i32
      %dma_wait3A_205 = tpu.memref_slice %run_scoped3A_93[%rem3A_191, %dma_wait3A_203, %dma_wait3A_204] : memref<2x128x128xf32, #tpu.memory_space<vmem>> -> memref<1x128x128xf32, #tpu.memory_space<vmem>>
      %dma_wait3A_206 = tpu.memref_squeeze %dma_wait3A_205 : memref<1x128x128xf32, #tpu.memory_space<vmem>> -> memref<128x128xf32, #tpu.memory_space<vmem>>
      tpu.wait_dma2 semaphore(%dma_wait3A_200 : memref<!tpu.dma_semaphore, #tpu.memory_space<semaphore_mem>>) src(%dma_wait3A_206 : memref<128x128xf32, #tpu.memory_space<vmem>>) dst(%dma_wait3A_202 : memref<128x128xf32, #tpu.memory_space<hbm>>)
      "tpu.trace_stop"() : () -> ()
      tpu.yield
    }) : () -> ()
    %mul3A_7 = arith.constant 1 : i32
    %mul3A_8 = arith.muli %arg1, %mul3A_7 : i32
    %add3A_9 = arith.constant 0 : i32
    %add3A_10 = arith.addi %add3A_9, %mul3A_8 : i32
    %mul3A_11 = arith.constant 16 : i32
    %mul3A_12 = arith.muli %arg0, %mul3A_11 : i32
    %add3A_13 = arith.addi %add3A_10, %mul3A_12 : i32
    %lt3A = arith.constant 8 : i32
    %lt3A_14 = arith.cmpi slt, %add3A_13, %lt3A : i32
    %jit3A = arith.constant 1 : i32
    %jit3A_15 = arith.constant 0 : i32
    %select_n3A = arith.select %lt3A_14, %jit3A, %jit3A_15 : i32
    %lt3A_16 = arith.constant 8 : i32
    %lt3A_17 = arith.cmpi slt, %add3A_13, %lt3A_16 : i32
    %mul3A_18 = arith.muli %add3A_13, %select_n3A : i32
    %mul3A_19 = arith.constant 0 : i32
    %mul3A_20 = arith.muli %add3A_13, %mul3A_19 : i32
    %add3A_21 = arith.constant 8 : i32
    %add3A_22 = arith.addi %mul3A_20, %add3A_21 : i32
    %select_n3A_23 = arith.select %lt3A_17, %mul3A_18, %add3A_22 : i32
    %mul3A_24 = arith.constant 1 : i32
    %mul3A_25 = arith.muli %mul3A_24, %select_n3A : i32
    "tpu.region"() ({
      %run_scoped3A = memref.alloca() : memref<2x1x128xi32, #tpu.memory_space<vmem>>
      %run_scoped3A_92 = tpu.sem_alloc : memref<2x!tpu.dma_semaphore, #tpu.memory_space<semaphore_mem>>
      %run_scoped3A_93 = memref.alloca() : memref<2x128x128xf32, #tpu.memory_space<vmem>>
      %run_scoped3A_94 = tpu.sem_alloc : memref<2x!tpu.dma_semaphore, #tpu.memory_space<semaphore_mem>>
      %gt3A = arith.constant 0 : i32
      %gt3A_95 = arith.cmpi sgt, %mul3A_25, %gt3A : i32
      %convert_element_type3A = arith.extui %gt3A_95 : i1 to i32
      %cond3A = arith.constant 0 : i32
      %cond3A_96 = arith.cmpi ne, %convert_element_type3A, %cond3A : i32
      scf.if %cond3A_96 {
        %mul3A_97 = arith.constant 1 : i32
        %mul3A_98 = arith.muli %mul3A_97, %select_n3A : i32
        %sub3A = arith.constant 1 : i32
        %sub3A_99 = arith.subi %mul3A_98, %sub3A : i32
        %eq3A = arith.constant 0 : i32
        %eq3A_100 = arith.cmpi eq, %sub3A_99, %eq3A : i32
        %add3A_101 = arith.constant 0 : i32
        %add3A_102 = arith.addi %add3A_101, %select_n3A_23 : i32
        %select_n3A_103 = arith.constant true
        %select_n3A_104 = arith.constant 0 : i32
        %select_n3A_105 = arith.constant -1 : i32
        %select_n3A_106 = arith.select %select_n3A_103, %select_n3A_105, %select_n3A_104 : i32
        %eq3A_107 = arith.constant -1 : i32
        %eq3A_108 = arith.cmpi eq, %select_n3A_106, %eq3A_107 : i32
        %sub3A_109 = arith.constant 1 : i32
        %sub3A_110 = arith.subi %select_n3A, %sub3A_109 : i32
        %select_n3A_111 = arith.select %eq3A_108, %sub3A_110, %select_n3A_106 : i32
        %add3A_112 = arith.addi %select_n3A_111, %select_n3A_23 : i32
        %select_n3A_113 = arith.constant true
        %select_n3A_114 = arith.constant 0 : i32
        %select_n3A_115 = arith.constant 1 : i32
        %select_n3A_116 = arith.select %select_n3A_113, %select_n3A_115, %select_n3A_114 : i32
        %eq3A_117 = arith.cmpi eq, %select_n3A_116, %select_n3A : i32
        %select_n3A_118 = arith.constant 0 : i32
        %select_n3A_119 = arith.select %eq3A_117, %select_n3A_118, %select_n3A_116 : i32
        %add3A_120 = arith.addi %select_n3A_119, %select_n3A_23 : i32
        %add3A_121 = arith.constant 1 : i32
        %add3A_122 = arith.addi %select_n3A_119, %add3A_121 : i32
        %select_n3A_123 = arith.constant true
        %select_n3A_124 = arith.select %select_n3A_123, %add3A_122, %select_n3A_119 : i32
        %eq3A_125 = arith.cmpi eq, %select_n3A_124, %select_n3A : i32
        %select_n3A_126 = arith.constant 0 : i32
        %select_n3A_127 = arith.select %eq3A_125, %select_n3A_126, %select_n3A_124 : i32
        %add3A_128 = arith.addi %select_n3A_127, %select_n3A_23 : i32
        "tpu.trace_start"() <{level = 10 : i32, message = "ep_initialize_0"}> : () -> ()
        %rem3A = arith.constant 0 : i32
        %rem3A_129 = arith.constant 2 : i32
        %rem3A_130 = arith.remui %rem3A, %rem3A_129 : i32
        %mul3A_131 = arith.constant 128 : i32
        %mul3A_132 = arith.muli %mul3A_131, %add3A_102 : i32
        %dma_start3A = arith.constant 0 : i32
        %dma_start3A_133 = arith.constant 0 : i32
        %dma_start3A_134 = tpu.memref_slice %run_scoped3A[%rem3A_130, %dma_start3A, %dma_start3A_133] : memref<2x1x128xi32, #tpu.memory_space<vmem>> -> memref<1x1x128xi32, #tpu.memory_space<vmem>>
        %dma_start3A_135 = tpu.memref_squeeze %dma_start3A_134 : memref<1x1x128xi32, #tpu.memory_space<vmem>> -> memref<1x128xi32, #tpu.memory_space<vmem>>
        %dma_start3A_136 = arith.constant 0 : i32
        %dma_start3A_137 = tpu.memref_slice %arg5[%dma_start3A_136, %mul3A_132] : memref<1x1024xi32, #tpu.memory_space<hbm>> -> memref<1x128xi32, #tpu.memory_space<hbm>>
        %dma_start3A_138 = tpu.memref_slice %run_scoped3A_92[%rem3A_130] : memref<2x!tpu.dma_semaphore, #tpu.memory_space<semaphore_mem>> -> memref<1x!tpu.dma_semaphore, #tpu.memory_space<semaphore_mem>>
        %dma_start3A_139 = tpu.memref_squeeze %dma_start3A_138 : memref<1x!tpu.dma_semaphore, #tpu.memory_space<semaphore_mem>> -> memref<!tpu.dma_semaphore, #tpu.memory_space<semaphore_mem>>
        %dma_start3A_140 = arith.constant 0 : i32
        %dma_start3A_141 = arith.constant 0 : i32
        %dma_start3A_142 = tpu.memref_slice %run_scoped3A[%rem3A_130, %dma_start3A_140, %dma_start3A_141] : memref<2x1x128xi32, #tpu.memory_space<vmem>> -> memref<1x1x128xi32, #tpu.memory_space<vmem>>
        %dma_start3A_143 = tpu.memref_squeeze %dma_start3A_142 : memref<1x1x128xi32, #tpu.memory_space<vmem>> -> memref<1x128xi32, #tpu.memory_space<vmem>>
        %dma_start3A_144 = arith.constant 0 : i32
        %dma_start3A_145 = tpu.memref_slice %arg5[%dma_start3A_144, %mul3A_132] : memref<1x1024xi32, #tpu.memory_space<hbm>> -> memref<1x128xi32, #tpu.memory_space<hbm>>
        tpu.enqueue_dma source(%dma_start3A_145 : memref<1x128xi32, #tpu.memory_space<hbm>>) target(%dma_start3A_143 : memref<1x128xi32, #tpu.memory_space<vmem>>) target_semaphore(%dma_start3A_139 : memref<!tpu.dma_semaphore, #tpu.memory_space<semaphore_mem>>)
        %add3A_146 = arith.constant 0 : i32
        %add3A_147 = arith.constant 1 : i32
        %add3A_148 = arith.addi %add3A_146, %add3A_147 : i32
        %select_n3A_149 = arith.constant true
        %select_n3A_150 = arith.constant 0 : i32
        %select_n3A_151 = arith.select %select_n3A_149, %add3A_148, %select_n3A_150 : i32
        %while3A = arith.constant 0 : i32
        %while3A_152 = arith.constant 0 : i32
        %while3A_153 = arith.constant 0 : i32
        %while3A_154 = arith.constant 0 : i32
        %while3A_155 = arith.constant 0 : i32
        "tpu.trace_stop"() : () -> ()
        %while3A_156 = arith.subi %mul3A_25, %while3A : i32
        %while3A_157 = arith.addi %while3A, %while3A_156 : i32
        %while3A_158 = arith.constant 1 : i32
        %while3A_159 = arith.divsi %while3A_156, %while3A_158 : i32
        %while3A_160 = arith.muli %while3A_159, %while3A_158 : i32
        %while3A_161 = arith.addi %while3A, %while3A_160 : i32
        %while3A_162 = arith.constant 1 : i32
        %while3A_163:5 = scf.for %while3A_217 = %while3A to %while3A_161 step %while3A_162 iter_args(%while3A_218 = %select_n3A_151, %while3A_219 = %while3A_152, %while3A_220 = %while3A_153, %while3A_221 = %while3A_154, %while3A_222 = %while3A_155) -> (i32, i32, i32, i32, i32)  : i32 {
          %mul3A_223 = arith.constant 1 : i32
          %mul3A_224 = arith.muli %mul3A_223, %select_n3A : i32
          %eq3A_225 = arith.constant 0 : i32
          %eq3A_226 = arith.cmpi eq, %while3A_217, %eq3A_225 : i32
          %sub3A_227 = arith.constant 1 : i32
          %sub3A_228 = arith.subi %mul3A_224, %sub3A_227 : i32
          %eq3A_229 = arith.cmpi eq, %while3A_217, %sub3A_228 : i32
          %add3A_230 = arith.addi %while3A_222, %select_n3A_23 : i32
          %sub3A_231 = arith.constant 1 : i32
          %sub3A_232 = arith.subi %while3A_222, %sub3A_231 : i32
          %select_n3A_233 = arith.constant true
          %select_n3A_234 = arith.select %select_n3A_233, %sub3A_232, %while3A_222 : i32
          %eq3A_235 = arith.constant -1 : i32
          %eq3A_236 = arith.cmpi eq, %select_n3A_234, %eq3A_235 : i32
          %sub3A_237 = arith.constant 1 : i32
          %sub3A_238 = arith.subi %select_n3A, %sub3A_237 : i32
          %select_n3A_239 = arith.select %eq3A_236, %sub3A_238, %select_n3A_234 : i32
          %add3A_240 = arith.addi %select_n3A_239, %select_n3A_23 : i32
          %add3A_241 = arith.constant 1 : i32
          %add3A_242 = arith.addi %while3A_222, %add3A_241 : i32
          %select_n3A_243 = arith.constant true
          %select_n3A_244 = arith.select %select_n3A_243, %add3A_242, %while3A_222 : i32
          %eq3A_245 = arith.cmpi eq, %select_n3A_244, %select_n3A : i32
          %select_n3A_246 = arith.constant 0 : i32
          %select_n3A_247 = arith.select %eq3A_245, %select_n3A_246, %select_n3A_244 : i32
          %add3A_248 = arith.addi %select_n3A_247, %select_n3A_23 : i32
          %add3A_249 = arith.constant 1 : i32
          %add3A_250 = arith.addi %select_n3A_247, %add3A_249 : i32
          %select_n3A_251 = arith.constant true
          %select_n3A_252 = arith.select %select_n3A_251, %add3A_250, %select_n3A_247 : i32
          %eq3A_253 = arith.cmpi eq, %select_n3A_252, %select_n3A : i32
          %select_n3A_254 = arith.constant 0 : i32
          %select_n3A_255 = arith.select %eq3A_253, %select_n3A_254, %select_n3A_252 : i32
          %add3A_256 = arith.addi %select_n3A_255, %select_n3A_23 : i32
          %ne3A = arith.cmpi ne, %add3A_230, %add3A_248 : i32
          %or3A = arith.constant false
          %or3A_257 = arith.ori %or3A, %ne3A : i1
          %sub3A_258 = arith.constant 2 : i32
          %sub3A_259 = arith.subi %mul3A_224, %sub3A_258 : i32
          %add3A_260 = arith.constant 1 : i32
          %add3A_261 = arith.addi %sub3A_259, %add3A_260 : i32
          %ge3A = arith.cmpi sge, %while3A_217, %add3A_261 : i32
          %not3A = arith.constant true
          %not3A_262 = arith.xori %ge3A, %not3A : i1
          %and3A = arith.andi %or3A_257, %not3A_262 : i1
          %convert_element_type3A_263 = arith.extui %and3A : i1 to i32
          %cond3A_264 = arith.constant 0 : i32
          %cond3A_265 = arith.cmpi ne, %convert_element_type3A_263, %cond3A_264 : i32
          scf.if %cond3A_265 {
            "tpu.trace_start"() <{level = 10 : i32, message = "ep_copy_in"}> : () -> ()
            %rem3A_369 = arith.constant 2 : i32
            %rem3A_370 = arith.remui %while3A_218, %rem3A_369 : i32
            %mul3A_371 = arith.constant 128 : i32
            %mul3A_372 = arith.muli %mul3A_371, %add3A_248 : i32
            %dma_start3A_373 = arith.constant 0 : i32
            %dma_start3A_374 = arith.constant 0 : i32
            %dma_start3A_375 = tpu.memref_slice %run_scoped3A[%rem3A_370, %dma_start3A_373, %dma_start3A_374] : memref<2x1x128xi32, #tpu.memory_space<vmem>> -> memref<1x1x128xi32, #tpu.memory_space<vmem>>
            %dma_start3A_376 = tpu.memref_squeeze %dma_start3A_375 : memref<1x1x128xi32, #tpu.memory_space<vmem>> -> memref<1x128xi32, #tpu.memory_space<vmem>>
            %dma_start3A_377 = arith.constant 0 : i32
            %dma_start3A_378 = tpu.memref_slice %arg5[%dma_start3A_377, %mul3A_372] : memref<1x1024xi32, #tpu.memory_space<hbm>> -> memref<1x128xi32, #tpu.memory_space<hbm>>
            %dma_start3A_379 = tpu.memref_slice %run_scoped3A_92[%rem3A_370] : memref<2x!tpu.dma_semaphore, #tpu.memory_space<semaphore_mem>> -> memref<1x!tpu.dma_semaphore, #tpu.memory_space<semaphore_mem>>
            %dma_start3A_380 = tpu.memref_squeeze %dma_start3A_379 : memref<1x!tpu.dma_semaphore, #tpu.memory_space<semaphore_mem>> -> memref<!tpu.dma_semaphore, #tpu.memory_space<semaphore_mem>>
            %dma_start3A_381 = arith.constant 0 : i32
            %dma_start3A_382 = arith.constant 0 : i32
            %dma_start3A_383 = tpu.memref_slice %run_scoped3A[%rem3A_370, %dma_start3A_381, %dma_start3A_382] : memref<2x1x128xi32, #tpu.memory_space<vmem>> -> memref<1x1x128xi32, #tpu.memory_space<vmem>>
            %dma_start3A_384 = tpu.memref_squeeze %dma_start3A_383 : memref<1x1x128xi32, #tpu.memory_space<vmem>> -> memref<1x128xi32, #tpu.memory_space<vmem>>
            %dma_start3A_385 = arith.constant 0 : i32
            %dma_start3A_386 = tpu.memref_slice %arg5[%dma_start3A_385, %mul3A_372] : memref<1x1024xi32, #tpu.memory_space<hbm>> -> memref<1x128xi32, #tpu.memory_space<hbm>>
            tpu.enqueue_dma source(%dma_start3A_386 : memref<1x128xi32, #tpu.memory_space<hbm>>) target(%dma_start3A_384 : memref<1x128xi32, #tpu.memory_space<vmem>>) target_semaphore(%dma_start3A_380 : memref<!tpu.dma_semaphore, #tpu.memory_space<semaphore_mem>>)
            "tpu.trace_stop"() : () -> ()
          } else {
          }
          %and3A_266 = arith.constant true
          %and3A_267 = arith.andi %and3A, %and3A_266 : i1
          %add3A_268 = arith.constant 1 : i32
          %add3A_269 = arith.addi %while3A_218, %add3A_268 : i32
          %select_n3A_270 = arith.select %and3A_267, %add3A_269, %while3A_218 : i32
          %ne3A_271 = arith.cmpi ne, %add3A_230, %add3A_248 : i32
          %or3A_272 = arith.constant false
          %or3A_273 = arith.ori %or3A_272, %ne3A_271 : i1
          %or3A_274 = arith.constant false
          %or3A_275 = arith.ori %or3A_273, %or3A_274 : i1
          %sub3A_276 = arith.constant 2 : i32
          %sub3A_277 = arith.subi %mul3A_224, %sub3A_276 : i32
          %add3A_278 = arith.constant 1 : i32
          %add3A_279 = arith.addi %sub3A_277, %add3A_278 : i32
          %ge3A_280 = arith.cmpi sge, %while3A_217, %add3A_279 : i32
          %not3A_281 = arith.constant true
          %not3A_282 = arith.xori %ge3A_280, %not3A_281 : i1
          %and3A_283 = arith.andi %or3A_275, %not3A_282 : i1
          %ne3A_284 = arith.cmpi ne, %add3A_230, %add3A_240 : i32
          %or3A_285 = arith.constant false
          %or3A_286 = arith.ori %or3A_285, %ne3A_284 : i1
          %or3A_287 = arith.ori %or3A_286, %eq3A_226 : i1
          %convert_element_type3A_288 = arith.extui %or3A_287 : i1 to i32
          %cond3A_289 = arith.constant 0 : i32
          %cond3A_290 = arith.cmpi ne, %convert_element_type3A_288, %cond3A_289 : i32
          scf.if %cond3A_290 {
            "tpu.trace_start"() <{level = 10 : i32, message = "ep_wait_in"}> : () -> ()
            %mul3A_369 = arith.constant 128 : i32
            %mul3A_370 = arith.muli %mul3A_369, %add3A_230 : i32
            %rem3A_371 = arith.constant 2 : i32
            %rem3A_372 = arith.remui %while3A_219, %rem3A_371 : i32
            %dma_wait3A = arith.constant 0 : i32
            %dma_wait3A_373 = arith.constant 0 : i32
            %dma_wait3A_374 = tpu.memref_slice %run_scoped3A[%rem3A_372, %dma_wait3A, %dma_wait3A_373] : memref<2x1x128xi32, #tpu.memory_space<vmem>> -> memref<1x1x128xi32, #tpu.memory_space<vmem>>
            %dma_wait3A_375 = tpu.memref_squeeze %dma_wait3A_374 : memref<1x1x128xi32, #tpu.memory_space<vmem>> -> memref<1x128xi32, #tpu.memory_space<vmem>>
            %dma_wait3A_376 = arith.constant 0 : i32
            %dma_wait3A_377 = tpu.memref_slice %arg5[%dma_wait3A_376, %mul3A_370] : memref<1x1024xi32, #tpu.memory_space<hbm>> -> memref<1x128xi32, #tpu.memory_space<hbm>>
            %dma_wait3A_378 = tpu.memref_slice %run_scoped3A_92[%rem3A_372] : memref<2x!tpu.dma_semaphore, #tpu.memory_space<semaphore_mem>> -> memref<1x!tpu.dma_semaphore, #tpu.memory_space<semaphore_mem>>
            %dma_wait3A_379 = tpu.memref_squeeze %dma_wait3A_378 : memref<1x!tpu.dma_semaphore, #tpu.memory_space<semaphore_mem>> -> memref<!tpu.dma_semaphore, #tpu.memory_space<semaphore_mem>>
            %dma_wait3A_380 = arith.constant 0 : i32
            %dma_wait3A_381 = arith.constant 0 : i32
            %dma_wait3A_382 = tpu.memref_slice %run_scoped3A[%rem3A_372, %dma_wait3A_380, %dma_wait3A_381] : memref<2x1x128xi32, #tpu.memory_space<vmem>> -> memref<1x1x128xi32, #tpu.memory_space<vmem>>
            %dma_wait3A_383 = tpu.memref_squeeze %dma_wait3A_382 : memref<1x1x128xi32, #tpu.memory_space<vmem>> -> memref<1x128xi32, #tpu.memory_space<vmem>>
            %dma_wait3A_384 = arith.constant 0 : i32
            %dma_wait3A_385 = tpu.memref_slice %arg5[%dma_wait3A_384, %mul3A_370] : memref<1x1024xi32, #tpu.memory_space<hbm>> -> memref<1x128xi32, #tpu.memory_space<hbm>>
            tpu.wait_dma2 semaphore(%dma_wait3A_379 : memref<!tpu.dma_semaphore, #tpu.memory_space<semaphore_mem>>) src(%dma_wait3A_385 : memref<1x128xi32, #tpu.memory_space<hbm>>) dst(%dma_wait3A_383 : memref<1x128xi32, #tpu.memory_space<vmem>>)
            "tpu.trace_stop"() : () -> ()
          } else {
          }
          %ne3A_291 = arith.cmpi ne, %add3A_230, %add3A_240 : i32
          %or3A_292 = arith.constant false
          %or3A_293 = arith.ori %or3A_292, %ne3A_291 : i1
          %or3A_294 = arith.constant false
          %or3A_295 = arith.ori %or3A_293, %or3A_294 : i1
          %or3A_296 = arith.ori %or3A_295, %eq3A_226 : i1
          %convert_element_type3A_297 = arith.extui %or3A_296 : i1 to i32
          %cond3A_298 = arith.constant 0 : i32
          %cond3A_299 = arith.cmpi ne, %convert_element_type3A_297, %cond3A_298 : i32
          scf.if %cond3A_299 {
          } else {
          }
          %rem3A_300 = arith.constant 2 : i32
          %rem3A_301 = arith.remui %while3A_219, %rem3A_300 : i32
          %rem3A_302 = arith.constant 2 : i32
          %rem3A_303 = arith.remui %while3A_220, %rem3A_302 : i32
          %run_scoped3A_304 = arith.constant 0 : i32
          "tpu.trace_start"() <{level = 10 : i32, message = "ep_run_kernel"}> : () -> ()
          "tpu.region"() ({
            %run_scoped3A_369 = tpu.sem_alloc : memref<!tpu.dma_semaphore, #tpu.memory_space<semaphore_mem>>
            %dma_start3A_370 = arith.constant 0 : i32
            %dma_start3A_371 = arith.constant 0 : i32
            %dma_start3A_372 = tpu.memref_slice %run_scoped3A_93[%rem3A_303, %dma_start3A_370, %dma_start3A_371] : memref<2x128x128xf32, #tpu.memory_space<vmem>> -> memref<1x128x128xf32, #tpu.memory_space<vmem>>
            %dma_start3A_373 = tpu.memref_squeeze %dma_start3A_372 : memref<1x128x128xf32, #tpu.memory_space<vmem>> -> memref<128x128xf32, #tpu.memory_space<vmem>>
            %dma_start3A_374 = arith.constant 0 : i32
            %dma_start3A_375 = arith.constant 0 : i32
            %dma_start3A_376 = tpu.memref_slice %run_scoped3A[%rem3A_301, %dma_start3A_374, %dma_start3A_375] : memref<2x1x128xi32, #tpu.memory_space<vmem>> -> memref<1x1x128xi32, #tpu.memory_space<vmem>>
            %dma_start3A_377 = tpu.memref_squeeze %dma_start3A_376 : memref<1x1x128xi32, #tpu.memory_space<vmem>> -> memref<1x128xi32, #tpu.memory_space<vmem>>
            %dma_start3A_378 = arith.constant 0 : i32
            %dma_start3A_379 = tpu.memref_slice %dma_start3A_377[%run_scoped3A_304, %dma_start3A_378] : memref<1x128xi32, #tpu.memory_space<vmem>> -> memref<1x128xi32, #tpu.memory_space<vmem>>
            %dma_start3A_380 = tpu.memref_squeeze %dma_start3A_379 : memref<1x128xi32, #tpu.memory_space<vmem>> -> memref<128xi32, #tpu.memory_space<vmem>>
            %dma_start3A_381 = arith.constant 0 : i32
            %dma_start3A_382 = arith.constant 0 : i32
            %dma_start3A_383 = tpu.memref_slice %arg4[%dma_start3A_381, %dma_start3A_382] : memref<50000x128xf32, #tpu.memory_space<hbm>> -> memref<50000x128xf32, #tpu.memory_space<hbm>>
            tpu.enqueue_indirect_dma source(%dma_start3A_383 : memref<50000x128xf32, #tpu.memory_space<hbm>>) target(%dma_start3A_373 : memref<128x128xf32, #tpu.memory_space<vmem>>) offsets(%dma_start3A_380 : memref<128xi32, #tpu.memory_space<vmem>>) semaphore(%run_scoped3A_369 : memref<!tpu.dma_semaphore, #tpu.memory_space<semaphore_mem>>)
            %dma_wait3A = arith.constant 0 : i32
            %dma_wait3A_384 = arith.constant 0 : i32
            %dma_wait3A_385 = tpu.memref_slice %run_scoped3A_93[%rem3A_303, %dma_wait3A, %dma_wait3A_384] : memref<2x128x128xf32, #tpu.memory_space<vmem>> -> memref<1x128x128xf32, #tpu.memory_space<vmem>>
            %dma_wait3A_386 = tpu.memref_squeeze %dma_wait3A_385 : memref<1x128x128xf32, #tpu.memory_space<vmem>> -> memref<128x128xf32, #tpu.memory_space<vmem>>
            %dma_wait3A_387 = arith.constant 0 : i32
            %dma_wait3A_388 = arith.constant 0 : i32
            %dma_wait3A_389 = tpu.memref_slice %run_scoped3A[%rem3A_301, %dma_wait3A_387, %dma_wait3A_388] : memref<2x1x128xi32, #tpu.memory_space<vmem>> -> memref<1x1x128xi32, #tpu.memory_space<vmem>>
            %dma_wait3A_390 = tpu.memref_squeeze %dma_wait3A_389 : memref<1x1x128xi32, #tpu.memory_space<vmem>> -> memref<1x128xi32, #tpu.memory_space<vmem>>
            %dma_wait3A_391 = arith.constant 0 : i32
            %dma_wait3A_392 = tpu.memref_slice %dma_wait3A_390[%run_scoped3A_304, %dma_wait3A_391] : memref<1x128xi32, #tpu.memory_space<vmem>> -> memref<1x128xi32, #tpu.memory_space<vmem>>
            %dma_wait3A_393 = tpu.memref_squeeze %dma_wait3A_392 : memref<1x128xi32, #tpu.memory_space<vmem>> -> memref<128xi32, #tpu.memory_space<vmem>>
            %dma_wait3A_394 = arith.constant 0 : i32
            %dma_wait3A_395 = arith.constant 0 : i32
            %dma_wait3A_396 = tpu.memref_slice %arg4[%dma_wait3A_394, %dma_wait3A_395] : memref<50000x128xf32, #tpu.memory_space<hbm>> -> memref<50000x128xf32, #tpu.memory_space<hbm>>
            tpu.wait_indirect_dma semaphore(%run_scoped3A_369 : memref<!tpu.dma_semaphore, #tpu.memory_space<semaphore_mem>>) src(%dma_wait3A_396 : memref<50000x128xf32, #tpu.memory_space<hbm>>) dst(%dma_wait3A_386 : memref<128x128xf32, #tpu.memory_space<vmem>>)
            tpu.yield
          }) : () -> ()
          "tpu.trace_stop"() : () -> ()
          %ne3A_305 = arith.cmpi ne, %add3A_230, %add3A_248 : i32
          %or3A_306 = arith.constant false
          %or3A_307 = arith.ori %or3A_306, %ne3A_305 : i1
          %or3A_308 = arith.ori %or3A_307, %eq3A_229 : i1
          %convert_element_type3A_309 = arith.extui %or3A_308 : i1 to i32
          %cond3A_310 = arith.constant 0 : i32
          %cond3A_311 = arith.cmpi ne, %convert_element_type3A_309, %cond3A_310 : i32
          scf.if %cond3A_311 {
          } else {
          }
          %and3A_312 = arith.constant false
          %and3A_313 = arith.andi %or3A_308, %and3A_312 : i1
          %ne3A_314 = arith.cmpi ne, %add3A_230, %add3A_248 : i32
          %or3A_315 = arith.constant false
          %or3A_316 = arith.ori %or3A_315, %ne3A_314 : i1
          %or3A_317 = arith.constant false
          %or3A_318 = arith.ori %or3A_316, %or3A_317 : i1
          %or3A_319 = arith.ori %or3A_318, %eq3A_229 : i1
          %convert_element_type3A_320 = arith.extui %or3A_319 : i1 to i32
          %cond3A_321 = arith.constant 0 : i32
          %cond3A_322 = arith.cmpi ne, %convert_element_type3A_320, %cond3A_321 : i32
          scf.if %cond3A_322 {
            "tpu.trace_start"() <{level = 10 : i32, message = "ep_copy_out"}> : () -> ()
            %rem3A_369 = arith.constant 2 : i32
            %rem3A_370 = arith.remui %while3A_220, %rem3A_369 : i32
            %mul3A_371 = arith.constant 128 : i32
            %mul3A_372 = arith.muli %mul3A_371, %add3A_230 : i32
            %dma_start3A_373 = arith.constant 0 : i32
            %dma_start3A_374 = arith.constant 0 : i32
            %dma_start3A_375 = tpu.memref_slice %run_scoped3A_93[%rem3A_370, %dma_start3A_373, %dma_start3A_374] : memref<2x128x128xf32, #tpu.memory_space<vmem>> -> memref<1x128x128xf32, #tpu.memory_space<vmem>>
            %dma_start3A_376 = tpu.memref_squeeze %dma_start3A_375 : memref<1x128x128xf32, #tpu.memory_space<vmem>> -> memref<128x128xf32, #tpu.memory_space<vmem>>
            %dma_start3A_377 = arith.constant 0 : i32
            %dma_start3A_378 = tpu.memref_slice %arg13[%mul3A_372, %dma_start3A_377] : memref<1024x128xf32, #tpu.memory_space<hbm>> -> memref<128x128xf32, #tpu.memory_space<hbm>>
            %dma_start3A_379 = tpu.memref_slice %run_scoped3A_94[%rem3A_370] : memref<2x!tpu.dma_semaphore, #tpu.memory_space<semaphore_mem>> -> memref<1x!tpu.dma_semaphore, #tpu.memory_space<semaphore_mem>>
            %dma_start3A_380 = tpu.memref_squeeze %dma_start3A_379 : memref<1x!tpu.dma_semaphore, #tpu.memory_space<semaphore_mem>> -> memref<!tpu.dma_semaphore, #tpu.memory_space<semaphore_mem>>
            %dma_start3A_381 = arith.constant 0 : i32
            %dma_start3A_382 = tpu.memref_slice %arg13[%mul3A_372, %dma_start3A_381] : memref<1024x128xf32, #tpu.memory_space<hbm>> -> memref<128x128xf32, #tpu.memory_space<hbm>>
            %dma_start3A_383 = arith.constant 0 : i32
            %dma_start3A_384 = arith.constant 0 : i32
            %dma_start3A_385 = tpu.memref_slice %run_scoped3A_93[%rem3A_370, %dma_start3A_383, %dma_start3A_384] : memref<2x128x128xf32, #tpu.memory_space<vmem>> -> memref<1x128x128xf32, #tpu.memory_space<vmem>>
            %dma_start3A_386 = tpu.memref_squeeze %dma_start3A_385 : memref<1x128x128xf32, #tpu.memory_space<vmem>> -> memref<128x128xf32, #tpu.memory_space<vmem>>
            tpu.enqueue_dma source(%dma_start3A_386 : memref<128x128xf32, #tpu.memory_space<vmem>>) target(%dma_start3A_382 : memref<128x128xf32, #tpu.memory_space<hbm>>) target_semaphore(%dma_start3A_380 : memref<!tpu.dma_semaphore, #tpu.memory_space<semaphore_mem>>)
            "tpu.trace_stop"() : () -> ()
          } else {
          }
          %and3A_323 = arith.constant true
          %and3A_324 = arith.andi %or3A_319, %and3A_323 : i1
          %add3A_325 = arith.constant 1 : i32
          %add3A_326 = arith.addi %while3A_220, %add3A_325 : i32
          %select_n3A_327 = arith.select %and3A_324, %add3A_326, %while3A_220 : i32
          %ne3A_328 = arith.cmpi ne, %add3A_230, %add3A_240 : i32
          %or3A_329 = arith.constant false
          %or3A_330 = arith.ori %or3A_329, %ne3A_328 : i1
          %not3A_331 = arith.constant true
          %not3A_332 = arith.xori %eq3A_226, %not3A_331 : i1
          %and3A_333 = arith.andi %or3A_330, %not3A_332 : i1
          %convert_element_type3A_334 = arith.extui %and3A_333 : i1 to i32
          %cond3A_335 = arith.constant 0 : i32
          %cond3A_336 = arith.cmpi ne, %convert_element_type3A_334, %cond3A_335 : i32
          scf.if %cond3A_336 {
          } else {
          }
          %and3A_337 = arith.constant false
          %and3A_338 = arith.andi %and3A_333, %and3A_337 : i1
          %ne3A_339 = arith.cmpi ne, %add3A_230, %add3A_240 : i32
          %or3A_340 = arith.constant false
          %or3A_341 = arith.ori %or3A_340, %ne3A_339 : i1
          %or3A_342 = arith.constant false
          %or3A_343 = arith.ori %or3A_341, %or3A_342 : i1
          %not3A_344 = arith.constant true
          %not3A_345 = arith.xori %eq3A_226, %not3A_344 : i1
          %and3A_346 = arith.andi %or3A_343, %not3A_345 : i1
          %convert_element_type3A_347 = arith.extui %and3A_346 : i1 to i32
          %cond3A_348 = arith.constant 0 : i32
          %cond3A_349 = arith.cmpi ne, %convert_element_type3A_347, %cond3A_348 : i32
          scf.if %cond3A_349 {
            "tpu.trace_start"() <{level = 10 : i32, message = "ep_wait_out"}> : () -> ()
            %rem3A_369 = arith.constant 2 : i32
            %rem3A_370 = arith.remui %while3A_221, %rem3A_369 : i32
            %mul3A_371 = arith.constant 128 : i32
            %mul3A_372 = arith.muli %mul3A_371, %add3A_240 : i32
            %dma_wait3A = arith.constant 0 : i32
            %dma_wait3A_373 = arith.constant 0 : i32
            %dma_wait3A_374 = tpu.memref_slice %run_scoped3A_93[%rem3A_370, %dma_wait3A, %dma_wait3A_373] : memref<2x128x128xf32, #tpu.memory_space<vmem>> -> memref<1x128x128xf32, #tpu.memory_space<vmem>>
            %dma_wait3A_375 = tpu.memref_squeeze %dma_wait3A_374 : memref<1x128x128xf32, #tpu.memory_space<vmem>> -> memref<128x128xf32, #tpu.memory_space<vmem>>
            %dma_wait3A_376 = arith.constant 0 : i32
            %dma_wait3A_377 = tpu.memref_slice %arg13[%mul3A_372, %dma_wait3A_376] : memref<1024x128xf32, #tpu.memory_space<hbm>> -> memref<128x128xf32, #tpu.memory_space<hbm>>
            %dma_wait3A_378 = tpu.memref_slice %run_scoped3A_94[%rem3A_370] : memref<2x!tpu.dma_semaphore, #tpu.memory_space<semaphore_mem>> -> memref<1x!tpu.dma_semaphore, #tpu.memory_space<semaphore_mem>>
            %dma_wait3A_379 = tpu.memref_squeeze %dma_wait3A_378 : memref<1x!tpu.dma_semaphore, #tpu.memory_space<semaphore_mem>> -> memref<!tpu.dma_semaphore, #tpu.memory_space<semaphore_mem>>
            %dma_wait3A_380 = arith.constant 0 : i32
            %dma_wait3A_381 = tpu.memref_slice %arg13[%mul3A_372, %dma_wait3A_380] : memref<1024x128xf32, #tpu.memory_space<hbm>> -> memref<128x128xf32, #tpu.memory_space<hbm>>
            %dma_wait3A_382 = arith.constant 0 : i32
            %dma_wait3A_383 = arith.constant 0 : i32
            %dma_wait3A_384 = tpu.memref_slice %run_scoped3A_93[%rem3A_370, %dma_wait3A_382, %dma_wait3A_383] : memref<2x128x128xf32, #tpu.memory_space<vmem>> -> memref<1x128x128xf32, #tpu.memory_space<vmem>>
            %dma_wait3A_385 = tpu.memref_squeeze %dma_wait3A_384 : memref<1x128x128xf32, #tpu.memory_space<vmem>> -> memref<128x128xf32, #tpu.memory_space<vmem>>
            tpu.wait_dma2 semaphore(%dma_wait3A_379 : memref<!tpu.dma_semaphore, #tpu.memory_space<semaphore_mem>>) src(%dma_wait3A_385 : memref<128x128xf32, #tpu.memory_space<vmem>>) dst(%dma_wait3A_381 : memref<128x128xf32, #tpu.memory_space<hbm>>)
            "tpu.trace_stop"() : () -> ()
          } else {
          }
          %and3A_350 = arith.constant true
          %and3A_351 = arith.andi %and3A_346, %and3A_350 : i1
          %add3A_352 = arith.constant 1 : i32
          %add3A_353 = arith.addi %while3A_221, %add3A_352 : i32
          %select_n3A_354 = arith.select %and3A_351, %add3A_353, %while3A_221 : i32
          %ne3A_355 = arith.cmpi ne, %add3A_230, %add3A_248 : i32
          %or3A_356 = arith.constant false
          %or3A_357 = arith.ori %or3A_356, %ne3A_355 : i1
          %or3A_358 = arith.ori %or3A_357, %eq3A_229 : i1
          %add3A_359 = arith.constant 1 : i32
          %add3A_360 = arith.addi %while3A_219, %add3A_359 : i32
          %select_n3A_361 = arith.select %or3A_358, %add3A_360, %while3A_219 : i32
          %add3A_362 = arith.constant 1 : i32
          %add3A_363 = arith.addi %while3A_222, %add3A_362 : i32
          %select_n3A_364 = arith.constant true
          %select_n3A_365 = arith.select %select_n3A_364, %add3A_363, %while3A_222 : i32
          %eq3A_366 = arith.cmpi eq, %select_n3A_365, %select_n3A : i32
          %select_n3A_367 = arith.constant 0 : i32
          %select_n3A_368 = arith.select %eq3A_366, %select_n3A_367, %select_n3A_365 : i32
          scf.yield %select_n3A_270, %select_n3A_361, %select_n3A_327, %select_n3A_354, %select_n3A_368 : i32, i32, i32, i32, i32
        }
        %while3A_164 = arith.constant 1 : i32
        %while3A_165:5 = scf.for %while3A_217 = %while3A_161 to %while3A_157 step %while3A_164 iter_args(%while3A_218 = %while3A_163#0, %while3A_219 = %while3A_163#1, %while3A_220 = %while3A_163#2, %while3A_221 = %while3A_163#3, %while3A_222 = %while3A_163#4) -> (i32, i32, i32, i32, i32)  : i32 {
          %mul3A_223 = arith.constant 1 : i32
          %mul3A_224 = arith.muli %mul3A_223, %select_n3A : i32
          %eq3A_225 = arith.constant 0 : i32
          %eq3A_226 = arith.cmpi eq, %while3A_217, %eq3A_225 : i32
          %sub3A_227 = arith.constant 1 : i32
          %sub3A_228 = arith.subi %mul3A_224, %sub3A_227 : i32
          %eq3A_229 = arith.cmpi eq, %while3A_217, %sub3A_228 : i32
          %add3A_230 = arith.addi %while3A_222, %select_n3A_23 : i32
          %sub3A_231 = arith.constant 1 : i32
          %sub3A_232 = arith.subi %while3A_222, %sub3A_231 : i32
          %select_n3A_233 = arith.constant true
          %select_n3A_234 = arith.select %select_n3A_233, %sub3A_232, %while3A_222 : i32
          %eq3A_235 = arith.constant -1 : i32
          %eq3A_236 = arith.cmpi eq, %select_n3A_234, %eq3A_235 : i32
          %sub3A_237 = arith.constant 1 : i32
          %sub3A_238 = arith.subi %select_n3A, %sub3A_237 : i32
          %select_n3A_239 = arith.select %eq3A_236, %sub3A_238, %select_n3A_234 : i32
          %add3A_240 = arith.addi %select_n3A_239, %select_n3A_23 : i32
          %add3A_241 = arith.constant 1 : i32
          %add3A_242 = arith.addi %while3A_222, %add3A_241 : i32
          %select_n3A_243 = arith.constant true
          %select_n3A_244 = arith.select %select_n3A_243, %add3A_242, %while3A_222 : i32
          %eq3A_245 = arith.cmpi eq, %select_n3A_244, %select_n3A : i32
          %select_n3A_246 = arith.constant 0 : i32
          %select_n3A_247 = arith.select %eq3A_245, %select_n3A_246, %select_n3A_244 : i32
          %add3A_248 = arith.addi %select_n3A_247, %select_n3A_23 : i32
          %add3A_249 = arith.constant 1 : i32
          %add3A_250 = arith.addi %select_n3A_247, %add3A_249 : i32
          %select_n3A_251 = arith.constant true
          %select_n3A_252 = arith.select %select_n3A_251, %add3A_250, %select_n3A_247 : i32
          %eq3A_253 = arith.cmpi eq, %select_n3A_252, %select_n3A : i32
          %select_n3A_254 = arith.constant 0 : i32
          %select_n3A_255 = arith.select %eq3A_253, %select_n3A_254, %select_n3A_252 : i32
          %add3A_256 = arith.addi %select_n3A_255, %select_n3A_23 : i32
          %ne3A = arith.cmpi ne, %add3A_230, %add3A_248 : i32
          %or3A = arith.constant false
          %or3A_257 = arith.ori %or3A, %ne3A : i1
          %sub3A_258 = arith.constant 2 : i32
          %sub3A_259 = arith.subi %mul3A_224, %sub3A_258 : i32
          %add3A_260 = arith.constant 1 : i32
          %add3A_261 = arith.addi %sub3A_259, %add3A_260 : i32
          %ge3A = arith.cmpi sge, %while3A_217, %add3A_261 : i32
          %not3A = arith.constant true
          %not3A_262 = arith.xori %ge3A, %not3A : i1
          %and3A = arith.andi %or3A_257, %not3A_262 : i1
          %convert_element_type3A_263 = arith.extui %and3A : i1 to i32
          %cond3A_264 = arith.constant 0 : i32
          %cond3A_265 = arith.cmpi ne, %convert_element_type3A_263, %cond3A_264 : i32
          scf.if %cond3A_265 {
            "tpu.trace_start"() <{level = 10 : i32, message = "ep_copy_in"}> : () -> ()
            %rem3A_369 = arith.constant 2 : i32
            %rem3A_370 = arith.remui %while3A_218, %rem3A_369 : i32
            %mul3A_371 = arith.constant 128 : i32
            %mul3A_372 = arith.muli %mul3A_371, %add3A_248 : i32
            %dma_start3A_373 = arith.constant 0 : i32
            %dma_start3A_374 = arith.constant 0 : i32
            %dma_start3A_375 = tpu.memref_slice %run_scoped3A[%rem3A_370, %dma_start3A_373, %dma_start3A_374] : memref<2x1x128xi32, #tpu.memory_space<vmem>> -> memref<1x1x128xi32, #tpu.memory_space<vmem>>
            %dma_start3A_376 = tpu.memref_squeeze %dma_start3A_375 : memref<1x1x128xi32, #tpu.memory_space<vmem>> -> memref<1x128xi32, #tpu.memory_space<vmem>>
            %dma_start3A_377 = arith.constant 0 : i32
            %dma_start3A_378 = tpu.memref_slice %arg5[%dma_start3A_377, %mul3A_372] : memref<1x1024xi32, #tpu.memory_space<hbm>> -> memref<1x128xi32, #tpu.memory_space<hbm>>
            %dma_start3A_379 = tpu.memref_slice %run_scoped3A_92[%rem3A_370] : memref<2x!tpu.dma_semaphore, #tpu.memory_space<semaphore_mem>> -> memref<1x!tpu.dma_semaphore, #tpu.memory_space<semaphore_mem>>
            %dma_start3A_380 = tpu.memref_squeeze %dma_start3A_379 : memref<1x!tpu.dma_semaphore, #tpu.memory_space<semaphore_mem>> -> memref<!tpu.dma_semaphore, #tpu.memory_space<semaphore_mem>>
            %dma_start3A_381 = arith.constant 0 : i32
            %dma_start3A_382 = arith.constant 0 : i32
            %dma_start3A_383 = tpu.memref_slice %run_scoped3A[%rem3A_370, %dma_start3A_381, %dma_start3A_382] : memref<2x1x128xi32, #tpu.memory_space<vmem>> -> memref<1x1x128xi32, #tpu.memory_space<vmem>>
            %dma_start3A_384 = tpu.memref_squeeze %dma_start3A_383 : memref<1x1x128xi32, #tpu.memory_space<vmem>> -> memref<1x128xi32, #tpu.memory_space<vmem>>
            %dma_start3A_385 = arith.constant 0 : i32
            %dma_start3A_386 = tpu.memref_slice %arg5[%dma_start3A_385, %mul3A_372] : memref<1x1024xi32, #tpu.memory_space<hbm>> -> memref<1x128xi32, #tpu.memory_space<hbm>>
            tpu.enqueue_dma source(%dma_start3A_386 : memref<1x128xi32, #tpu.memory_space<hbm>>) target(%dma_start3A_384 : memref<1x128xi32, #tpu.memory_space<vmem>>) target_semaphore(%dma_start3A_380 : memref<!tpu.dma_semaphore, #tpu.memory_space<semaphore_mem>>)
            "tpu.trace_stop"() : () -> ()
          } else {
          }
          %and3A_266 = arith.constant true
          %and3A_267 = arith.andi %and3A, %and3A_266 : i1
          %add3A_268 = arith.constant 1 : i32
          %add3A_269 = arith.addi %while3A_218, %add3A_268 : i32
          %select_n3A_270 = arith.select %and3A_267, %add3A_269, %while3A_218 : i32
          %ne3A_271 = arith.cmpi ne, %add3A_230, %add3A_248 : i32
          %or3A_272 = arith.constant false
          %or3A_273 = arith.ori %or3A_272, %ne3A_271 : i1
          %or3A_274 = arith.constant false
          %or3A_275 = arith.ori %or3A_273, %or3A_274 : i1
          %sub3A_276 = arith.constant 2 : i32
          %sub3A_277 = arith.subi %mul3A_224, %sub3A_276 : i32
          %add3A_278 = arith.constant 1 : i32
          %add3A_279 = arith.addi %sub3A_277, %add3A_278 : i32
          %ge3A_280 = arith.cmpi sge, %while3A_217, %add3A_279 : i32
          %not3A_281 = arith.constant true
          %not3A_282 = arith.xori %ge3A_280, %not3A_281 : i1
          %and3A_283 = arith.andi %or3A_275, %not3A_282 : i1
          %ne3A_284 = arith.cmpi ne, %add3A_230, %add3A_240 : i32
          %or3A_285 = arith.constant false
          %or3A_286 = arith.ori %or3A_285, %ne3A_284 : i1
          %or3A_287 = arith.ori %or3A_286, %eq3A_226 : i1
          %convert_element_type3A_288 = arith.extui %or3A_287 : i1 to i32
          %cond3A_289 = arith.constant 0 : i32
          %cond3A_290 = arith.cmpi ne, %convert_element_type3A_288, %cond3A_289 : i32
          scf.if %cond3A_290 {
            "tpu.trace_start"() <{level = 10 : i32, message = "ep_wait_in"}> : () -> ()
            %mul3A_369 = arith.constant 128 : i32
            %mul3A_370 = arith.muli %mul3A_369, %add3A_230 : i32
            %rem3A_371 = arith.constant 2 : i32
            %rem3A_372 = arith.remui %while3A_219, %rem3A_371 : i32
            %dma_wait3A = arith.constant 0 : i32
            %dma_wait3A_373 = arith.constant 0 : i32
            %dma_wait3A_374 = tpu.memref_slice %run_scoped3A[%rem3A_372, %dma_wait3A, %dma_wait3A_373] : memref<2x1x128xi32, #tpu.memory_space<vmem>> -> memref<1x1x128xi32, #tpu.memory_space<vmem>>
            %dma_wait3A_375 = tpu.memref_squeeze %dma_wait3A_374 : memref<1x1x128xi32, #tpu.memory_space<vmem>> -> memref<1x128xi32, #tpu.memory_space<vmem>>
            %dma_wait3A_376 = arith.constant 0 : i32
            %dma_wait3A_377 = tpu.memref_slice %arg5[%dma_wait3A_376, %mul3A_370] : memref<1x1024xi32, #tpu.memory_space<hbm>> -> memref<1x128xi32, #tpu.memory_space<hbm>>
            %dma_wait3A_378 = tpu.memref_slice %run_scoped3A_92[%rem3A_372] : memref<2x!tpu.dma_semaphore, #tpu.memory_space<semaphore_mem>> -> memref<1x!tpu.dma_semaphore, #tpu.memory_space<semaphore_mem>>
            %dma_wait3A_379 = tpu.memref_squeeze %dma_wait3A_378 : memref<1x!tpu.dma_semaphore, #tpu.memory_space<semaphore_mem>> -> memref<!tpu.dma_semaphore, #tpu.memory_space<semaphore_mem>>
            %dma_wait3A_380 = arith.constant 0 : i32
            %dma_wait3A_381 = arith.constant 0 : i32
            %dma_wait3A_382 = tpu.memref_slice %run_scoped3A[%rem3A_372, %dma_wait3A_380, %dma_wait3A_381] : memref<2x1x128xi32, #tpu.memory_space<vmem>> -> memref<1x1x128xi32, #tpu.memory_space<vmem>>
            %dma_wait3A_383 = tpu.memref_squeeze %dma_wait3A_382 : memref<1x1x128xi32, #tpu.memory_space<vmem>> -> memref<1x128xi32, #tpu.memory_space<vmem>>
            %dma_wait3A_384 = arith.constant 0 : i32
            %dma_wait3A_385 = tpu.memref_slice %arg5[%dma_wait3A_384, %mul3A_370] : memref<1x1024xi32, #tpu.memory_space<hbm>> -> memref<1x128xi32, #tpu.memory_space<hbm>>
            tpu.wait_dma2 semaphore(%dma_wait3A_379 : memref<!tpu.dma_semaphore, #tpu.memory_space<semaphore_mem>>) src(%dma_wait3A_385 : memref<1x128xi32, #tpu.memory_space<hbm>>) dst(%dma_wait3A_383 : memref<1x128xi32, #tpu.memory_space<vmem>>)
            "tpu.trace_stop"() : () -> ()
          } else {
          }
          %ne3A_291 = arith.cmpi ne, %add3A_230, %add3A_240 : i32
          %or3A_292 = arith.constant false
          %or3A_293 = arith.ori %or3A_292, %ne3A_291 : i1
          %or3A_294 = arith.constant false
          %or3A_295 = arith.ori %or3A_293, %or3A_294 : i1
          %or3A_296 = arith.ori %or3A_295, %eq3A_226 : i1
          %convert_element_type3A_297 = arith.extui %or3A_296 : i1 to i32
          %cond3A_298 = arith.constant 0 : i32
          %cond3A_299 = arith.cmpi ne, %convert_element_type3A_297, %cond3A_298 : i32
          scf.if %cond3A_299 {
          } else {
          }
          %rem3A_300 = arith.constant 2 : i32
          %rem3A_301 = arith.remui %while3A_219, %rem3A_300 : i32
          %rem3A_302 = arith.constant 2 : i32
          %rem3A_303 = arith.remui %while3A_220, %rem3A_302 : i32
          %run_scoped3A_304 = arith.constant 0 : i32
          "tpu.trace_start"() <{level = 10 : i32, message = "ep_run_kernel"}> : () -> ()
          "tpu.region"() ({
            %run_scoped3A_369 = tpu.sem_alloc : memref<!tpu.dma_semaphore, #tpu.memory_space<semaphore_mem>>
            %dma_start3A_370 = arith.constant 0 : i32
            %dma_start3A_371 = arith.constant 0 : i32
            %dma_start3A_372 = tpu.memref_slice %run_scoped3A_93[%rem3A_303, %dma_start3A_370, %dma_start3A_371] : memref<2x128x128xf32, #tpu.memory_space<vmem>> -> memref<1x128x128xf32, #tpu.memory_space<vmem>>
            %dma_start3A_373 = tpu.memref_squeeze %dma_start3A_372 : memref<1x128x128xf32, #tpu.memory_space<vmem>> -> memref<128x128xf32, #tpu.memory_space<vmem>>
            %dma_start3A_374 = arith.constant 0 : i32
            %dma_start3A_375 = arith.constant 0 : i32
            %dma_start3A_376 = tpu.memref_slice %run_scoped3A[%rem3A_301, %dma_start3A_374, %dma_start3A_375] : memref<2x1x128xi32, #tpu.memory_space<vmem>> -> memref<1x1x128xi32, #tpu.memory_space<vmem>>
            %dma_start3A_377 = tpu.memref_squeeze %dma_start3A_376 : memref<1x1x128xi32, #tpu.memory_space<vmem>> -> memref<1x128xi32, #tpu.memory_space<vmem>>
            %dma_start3A_378 = arith.constant 0 : i32
            %dma_start3A_379 = tpu.memref_slice %dma_start3A_377[%run_scoped3A_304, %dma_start3A_378] : memref<1x128xi32, #tpu.memory_space<vmem>> -> memref<1x128xi32, #tpu.memory_space<vmem>>
            %dma_start3A_380 = tpu.memref_squeeze %dma_start3A_379 : memref<1x128xi32, #tpu.memory_space<vmem>> -> memref<128xi32, #tpu.memory_space<vmem>>
            %dma_start3A_381 = arith.constant 0 : i32
            %dma_start3A_382 = arith.constant 0 : i32
            %dma_start3A_383 = tpu.memref_slice %arg4[%dma_start3A_381, %dma_start3A_382] : memref<50000x128xf32, #tpu.memory_space<hbm>> -> memref<50000x128xf32, #tpu.memory_space<hbm>>
            tpu.enqueue_indirect_dma source(%dma_start3A_383 : memref<50000x128xf32, #tpu.memory_space<hbm>>) target(%dma_start3A_373 : memref<128x128xf32, #tpu.memory_space<vmem>>) offsets(%dma_start3A_380 : memref<128xi32, #tpu.memory_space<vmem>>) semaphore(%run_scoped3A_369 : memref<!tpu.dma_semaphore, #tpu.memory_space<semaphore_mem>>)
            %dma_wait3A = arith.constant 0 : i32
            %dma_wait3A_384 = arith.constant 0 : i32
            %dma_wait3A_385 = tpu.memref_slice %run_scoped3A_93[%rem3A_303, %dma_wait3A, %dma_wait3A_384] : memref<2x128x128xf32, #tpu.memory_space<vmem>> -> memref<1x128x128xf32, #tpu.memory_space<vmem>>
            %dma_wait3A_386 = tpu.memref_squeeze %dma_wait3A_385 : memref<1x128x128xf32, #tpu.memory_space<vmem>> -> memref<128x128xf32, #tpu.memory_space<vmem>>
            %dma_wait3A_387 = arith.constant 0 : i32
            %dma_wait3A_388 = arith.constant 0 : i32
            %dma_wait3A_389 = tpu.memref_slice %run_scoped3A[%rem3A_301, %dma_wait3A_387, %dma_wait3A_388] : memref<2x1x128xi32, #tpu.memory_space<vmem>> -> memref<1x1x128xi32, #tpu.memory_space<vmem>>
            %dma_wait3A_390 = tpu.memref_squeeze %dma_wait3A_389 : memref<1x1x128xi32, #tpu.memory_space<vmem>> -> memref<1x128xi32, #tpu.memory_space<vmem>>
            %dma_wait3A_391 = arith.constant 0 : i32
            %dma_wait3A_392 = tpu.memref_slice %dma_wait3A_390[%run_scoped3A_304, %dma_wait3A_391] : memref<1x128xi32, #tpu.memory_space<vmem>> -> memref<1x128xi32, #tpu.memory_space<vmem>>
            %dma_wait3A_393 = tpu.memref_squeeze %dma_wait3A_392 : memref<1x128xi32, #tpu.memory_space<vmem>> -> memref<128xi32, #tpu.memory_space<vmem>>
            %dma_wait3A_394 = arith.constant 0 : i32
            %dma_wait3A_395 = arith.constant 0 : i32
            %dma_wait3A_396 = tpu.memref_slice %arg4[%dma_wait3A_394, %dma_wait3A_395] : memref<50000x128xf32, #tpu.memory_space<hbm>> -> memref<50000x128xf32, #tpu.memory_space<hbm>>
            tpu.wait_indirect_dma semaphore(%run_scoped3A_369 : memref<!tpu.dma_semaphore, #tpu.memory_space<semaphore_mem>>) src(%dma_wait3A_396 : memref<50000x128xf32, #tpu.memory_space<hbm>>) dst(%dma_wait3A_386 : memref<128x128xf32, #tpu.memory_space<vmem>>)
            tpu.yield
          }) : () -> ()
          "tpu.trace_stop"() : () -> ()
          %ne3A_305 = arith.cmpi ne, %add3A_230, %add3A_248 : i32
          %or3A_306 = arith.constant false
          %or3A_307 = arith.ori %or3A_306, %ne3A_305 : i1
          %or3A_308 = arith.ori %or3A_307, %eq3A_229 : i1
          %convert_element_type3A_309 = arith.extui %or3A_308 : i1 to i32
          %cond3A_310 = arith.constant 0 : i32
          %cond3A_311 = arith.cmpi ne, %convert_element_type3A_309, %cond3A_310 : i32
          scf.if %cond3A_311 {
          } else {
          }
          %and3A_312 = arith.constant false
          %and3A_313 = arith.andi %or3A_308, %and3A_312 : i1
          %ne3A_314 = arith.cmpi ne, %add3A_230, %add3A_248 : i32
          %or3A_315 = arith.constant false
          %or3A_316 = arith.ori %or3A_315, %ne3A_314 : i1
          %or3A_317 = arith.constant false
          %or3A_318 = arith.ori %or3A_316, %or3A_317 : i1
          %or3A_319 = arith.ori %or3A_318, %eq3A_229 : i1
          %convert_element_type3A_320 = arith.extui %or3A_319 : i1 to i32
          %cond3A_321 = arith.constant 0 : i32
          %cond3A_322 = arith.cmpi ne, %convert_element_type3A_320, %cond3A_321 : i32
          scf.if %cond3A_322 {
            "tpu.trace_start"() <{level = 10 : i32, message = "ep_copy_out"}> : () -> ()
            %rem3A_369 = arith.constant 2 : i32
            %rem3A_370 = arith.remui %while3A_220, %rem3A_369 : i32
            %mul3A_371 = arith.constant 128 : i32
            %mul3A_372 = arith.muli %mul3A_371, %add3A_230 : i32
            %dma_start3A_373 = arith.constant 0 : i32
            %dma_start3A_374 = arith.constant 0 : i32
            %dma_start3A_375 = tpu.memref_slice %run_scoped3A_93[%rem3A_370, %dma_start3A_373, %dma_start3A_374] : memref<2x128x128xf32, #tpu.memory_space<vmem>> -> memref<1x128x128xf32, #tpu.memory_space<vmem>>
            %dma_start3A_376 = tpu.memref_squeeze %dma_start3A_375 : memref<1x128x128xf32, #tpu.memory_space<vmem>> -> memref<128x128xf32, #tpu.memory_space<vmem>>
            %dma_start3A_377 = arith.constant 0 : i32
            %dma_start3A_378 = tpu.memref_slice %arg13[%mul3A_372, %dma_start3A_377] : memref<1024x128xf32, #tpu.memory_space<hbm>> -> memref<128x128xf32, #tpu.memory_space<hbm>>
            %dma_start3A_379 = tpu.memref_slice %run_scoped3A_94[%rem3A_370] : memref<2x!tpu.dma_semaphore, #tpu.memory_space<semaphore_mem>> -> memref<1x!tpu.dma_semaphore, #tpu.memory_space<semaphore_mem>>
            %dma_start3A_380 = tpu.memref_squeeze %dma_start3A_379 : memref<1x!tpu.dma_semaphore, #tpu.memory_space<semaphore_mem>> -> memref<!tpu.dma_semaphore, #tpu.memory_space<semaphore_mem>>
            %dma_start3A_381 = arith.constant 0 : i32
            %dma_start3A_382 = tpu.memref_slice %arg13[%mul3A_372, %dma_start3A_381] : memref<1024x128xf32, #tpu.memory_space<hbm>> -> memref<128x128xf32, #tpu.memory_space<hbm>>
            %dma_start3A_383 = arith.constant 0 : i32
            %dma_start3A_384 = arith.constant 0 : i32
            %dma_start3A_385 = tpu.memref_slice %run_scoped3A_93[%rem3A_370, %dma_start3A_383, %dma_start3A_384] : memref<2x128x128xf32, #tpu.memory_space<vmem>> -> memref<1x128x128xf32, #tpu.memory_space<vmem>>
            %dma_start3A_386 = tpu.memref_squeeze %dma_start3A_385 : memref<1x128x128xf32, #tpu.memory_space<vmem>> -> memref<128x128xf32, #tpu.memory_space<vmem>>
            tpu.enqueue_dma source(%dma_start3A_386 : memref<128x128xf32, #tpu.memory_space<vmem>>) target(%dma_start3A_382 : memref<128x128xf32, #tpu.memory_space<hbm>>) target_semaphore(%dma_start3A_380 : memref<!tpu.dma_semaphore, #tpu.memory_space<semaphore_mem>>)
            "tpu.trace_stop"() : () -> ()
          } else {
          }
          %and3A_323 = arith.constant true
          %and3A_324 = arith.andi %or3A_319, %and3A_323 : i1
          %add3A_325 = arith.constant 1 : i32
          %add3A_326 = arith.addi %while3A_220, %add3A_325 : i32
          %select_n3A_327 = arith.select %and3A_324, %add3A_326, %while3A_220 : i32
          %ne3A_328 = arith.cmpi ne, %add3A_230, %add3A_240 : i32
          %or3A_329 = arith.constant false
          %or3A_330 = arith.ori %or3A_329, %ne3A_328 : i1
          %not3A_331 = arith.constant true
          %not3A_332 = arith.xori %eq3A_226, %not3A_331 : i1
          %and3A_333 = arith.andi %or3A_330, %not3A_332 : i1
          %convert_element_type3A_334 = arith.extui %and3A_333 : i1 to i32
          %cond3A_335 = arith.constant 0 : i32
          %cond3A_336 = arith.cmpi ne, %convert_element_type3A_334, %cond3A_335 : i32
          scf.if %cond3A_336 {
          } else {
          }
          %and3A_337 = arith.constant false
          %and3A_338 = arith.andi %and3A_333, %and3A_337 : i1
          %ne3A_339 = arith.cmpi ne, %add3A_230, %add3A_240 : i32
          %or3A_340 = arith.constant false
          %or3A_341 = arith.ori %or3A_340, %ne3A_339 : i1
          %or3A_342 = arith.constant false
          %or3A_343 = arith.ori %or3A_341, %or3A_342 : i1
          %not3A_344 = arith.constant true
          %not3A_345 = arith.xori %eq3A_226, %not3A_344 : i1
          %and3A_346 = arith.andi %or3A_343, %not3A_345 : i1
          %convert_element_type3A_347 = arith.extui %and3A_346 : i1 to i32
          %cond3A_348 = arith.constant 0 : i32
          %cond3A_349 = arith.cmpi ne, %convert_element_type3A_347, %cond3A_348 : i32
          scf.if %cond3A_349 {
            "tpu.trace_start"() <{level = 10 : i32, message = "ep_wait_out"}> : () -> ()
            %rem3A_369 = arith.constant 2 : i32
            %rem3A_370 = arith.remui %while3A_221, %rem3A_369 : i32
            %mul3A_371 = arith.constant 128 : i32
            %mul3A_372 = arith.muli %mul3A_371, %add3A_240 : i32
            %dma_wait3A = arith.constant 0 : i32
            %dma_wait3A_373 = arith.constant 0 : i32
            %dma_wait3A_374 = tpu.memref_slice %run_scoped3A_93[%rem3A_370, %dma_wait3A, %dma_wait3A_373] : memref<2x128x128xf32, #tpu.memory_space<vmem>> -> memref<1x128x128xf32, #tpu.memory_space<vmem>>
            %dma_wait3A_375 = tpu.memref_squeeze %dma_wait3A_374 : memref<1x128x128xf32, #tpu.memory_space<vmem>> -> memref<128x128xf32, #tpu.memory_space<vmem>>
            %dma_wait3A_376 = arith.constant 0 : i32
            %dma_wait3A_377 = tpu.memref_slice %arg13[%mul3A_372, %dma_wait3A_376] : memref<1024x128xf32, #tpu.memory_space<hbm>> -> memref<128x128xf32, #tpu.memory_space<hbm>>
            %dma_wait3A_378 = tpu.memref_slice %run_scoped3A_94[%rem3A_370] : memref<2x!tpu.dma_semaphore, #tpu.memory_space<semaphore_mem>> -> memref<1x!tpu.dma_semaphore, #tpu.memory_space<semaphore_mem>>
            %dma_wait3A_379 = tpu.memref_squeeze %dma_wait3A_378 : memref<1x!tpu.dma_semaphore, #tpu.memory_space<semaphore_mem>> -> memref<!tpu.dma_semaphore, #tpu.memory_space<semaphore_mem>>
            %dma_wait3A_380 = arith.constant 0 : i32
            %dma_wait3A_381 = tpu.memref_slice %arg13[%mul3A_372, %dma_wait3A_380] : memref<1024x128xf32, #tpu.memory_space<hbm>> -> memref<128x128xf32, #tpu.memory_space<hbm>>
            %dma_wait3A_382 = arith.constant 0 : i32
            %dma_wait3A_383 = arith.constant 0 : i32
            %dma_wait3A_384 = tpu.memref_slice %run_scoped3A_93[%rem3A_370, %dma_wait3A_382, %dma_wait3A_383] : memref<2x128x128xf32, #tpu.memory_space<vmem>> -> memref<1x128x128xf32, #tpu.memory_space<vmem>>
            %dma_wait3A_385 = tpu.memref_squeeze %dma_wait3A_384 : memref<1x128x128xf32, #tpu.memory_space<vmem>> -> memref<128x128xf32, #tpu.memory_space<vmem>>
            tpu.wait_dma2 semaphore(%dma_wait3A_379 : memref<!tpu.dma_semaphore, #tpu.memory_space<semaphore_mem>>) src(%dma_wait3A_385 : memref<128x128xf32, #tpu.memory_space<vmem>>) dst(%dma_wait3A_381 : memref<128x128xf32, #tpu.memory_space<hbm>>)
            "tpu.trace_stop"() : () -> ()
          } else {
          }
          %and3A_350 = arith.constant true
          %and3A_351 = arith.andi %and3A_346, %and3A_350 : i1
          %add3A_352 = arith.constant 1 : i32
          %add3A_353 = arith.addi %while3A_221, %add3A_352 : i32
          %select_n3A_354 = arith.select %and3A_351, %add3A_353, %while3A_221 : i32
          %ne3A_355 = arith.cmpi ne, %add3A_230, %add3A_248 : i32
          %or3A_356 = arith.constant false
          %or3A_357 = arith.ori %or3A_356, %ne3A_355 : i1
          %or3A_358 = arith.ori %or3A_357, %eq3A_229 : i1
          %add3A_359 = arith.constant 1 : i32
          %add3A_360 = arith.addi %while3A_219, %add3A_359 : i32
          %select_n3A_361 = arith.select %or3A_358, %add3A_360, %while3A_219 : i32
          %add3A_362 = arith.constant 1 : i32
          %add3A_363 = arith.addi %while3A_222, %add3A_362 : i32
          %select_n3A_364 = arith.constant true
          %select_n3A_365 = arith.select %select_n3A_364, %add3A_363, %while3A_222 : i32
          %eq3A_366 = arith.cmpi eq, %select_n3A_365, %select_n3A : i32
          %select_n3A_367 = arith.constant 0 : i32
          %select_n3A_368 = arith.select %eq3A_366, %select_n3A_367, %select_n3A_365 : i32
          scf.yield %select_n3A_270, %select_n3A_361, %select_n3A_327, %select_n3A_354, %select_n3A_368 : i32, i32, i32, i32, i32
        }
        %sub3A_166 = arith.constant 1 : i32
        %sub3A_167 = arith.subi %while3A_165#4, %sub3A_166 : i32
        %select_n3A_168 = arith.constant true
        %select_n3A_169 = arith.select %select_n3A_168, %sub3A_167, %while3A_165#4 : i32
        %eq3A_170 = arith.constant -1 : i32
        %eq3A_171 = arith.cmpi eq, %select_n3A_169, %eq3A_170 : i32
        %sub3A_172 = arith.constant 1 : i32
        %sub3A_173 = arith.subi %select_n3A, %sub3A_172 : i32
        %select_n3A_174 = arith.select %eq3A_171, %sub3A_173, %select_n3A_169 : i32
        %sub3A_175 = arith.constant 1 : i32
        %sub3A_176 = arith.subi %mul3A_25, %sub3A_175 : i32
        %mul3A_177 = arith.constant 1 : i32
        %mul3A_178 = arith.muli %mul3A_177, %select_n3A : i32
        %eq3A_179 = arith.constant 0 : i32
        %eq3A_180 = arith.cmpi eq, %sub3A_176, %eq3A_179 : i32
        %sub3A_181 = arith.constant 1 : i32
        %sub3A_182 = arith.subi %mul3A_178, %sub3A_181 : i32
        %eq3A_183 = arith.cmpi eq, %sub3A_176, %sub3A_182 : i32
        %add3A_184 = arith.addi %select_n3A_174, %select_n3A_23 : i32
        %sub3A_185 = arith.constant 1 : i32
        %sub3A_186 = arith.subi %select_n3A_174, %sub3A_185 : i32
        %select_n3A_187 = arith.constant true
        %select_n3A_188 = arith.select %select_n3A_187, %sub3A_186, %select_n3A_174 : i32
        %eq3A_189 = arith.constant -1 : i32
        %eq3A_190 = arith.cmpi eq, %select_n3A_188, %eq3A_189 : i32
        %sub3A_191 = arith.constant 1 : i32
        %sub3A_192 = arith.subi %select_n3A, %sub3A_191 : i32
        %select_n3A_193 = arith.select %eq3A_190, %sub3A_192, %select_n3A_188 : i32
        %add3A_194 = arith.addi %select_n3A_193, %select_n3A_23 : i32
        %add3A_195 = arith.constant 1 : i32
        %add3A_196 = arith.addi %select_n3A_174, %add3A_195 : i32
        %select_n3A_197 = arith.constant true
        %select_n3A_198 = arith.select %select_n3A_197, %add3A_196, %select_n3A_174 : i32
        %eq3A_199 = arith.cmpi eq, %select_n3A_198, %select_n3A : i32
        %select_n3A_200 = arith.constant 0 : i32
        %select_n3A_201 = arith.select %eq3A_199, %select_n3A_200, %select_n3A_198 : i32
        %add3A_202 = arith.addi %select_n3A_201, %select_n3A_23 : i32
        %add3A_203 = arith.constant 1 : i32
        %add3A_204 = arith.addi %select_n3A_201, %add3A_203 : i32
        %select_n3A_205 = arith.constant true
        %select_n3A_206 = arith.select %select_n3A_205, %add3A_204, %select_n3A_201 : i32
        %eq3A_207 = arith.cmpi eq, %select_n3A_206, %select_n3A : i32
        %select_n3A_208 = arith.constant 0 : i32
        %select_n3A_209 = arith.select %eq3A_207, %select_n3A_208, %select_n3A_206 : i32
        %add3A_210 = arith.addi %select_n3A_209, %select_n3A_23 : i32
        %convert_element_type3A_211 = arith.extui %eq3A_183 : i1 to i32
        %cond3A_212 = arith.constant 0 : i32
        %cond3A_213 = arith.cmpi ne, %convert_element_type3A_211, %cond3A_212 : i32
        scf.if %cond3A_213 {
        } else {
        }
        %convert_element_type3A_214 = arith.extui %eq3A_183 : i1 to i32
        %cond3A_215 = arith.constant 0 : i32
        %cond3A_216 = arith.cmpi ne, %convert_element_type3A_214, %cond3A_215 : i32
        scf.if %cond3A_216 {
          "tpu.trace_start"() <{level = 10 : i32, message = "ep_finalize"}> : () -> ()
          %rem3A_217 = arith.constant 2 : i32
          %rem3A_218 = arith.remui %while3A_165#3, %rem3A_217 : i32
          %mul3A_219 = arith.constant 128 : i32
          %mul3A_220 = arith.muli %mul3A_219, %add3A_184 : i32
          %dma_wait3A = arith.constant 0 : i32
          %dma_wait3A_221 = arith.constant 0 : i32
          %dma_wait3A_222 = tpu.memref_slice %run_scoped3A_93[%rem3A_218, %dma_wait3A, %dma_wait3A_221] : memref<2x128x128xf32, #tpu.memory_space<vmem>> -> memref<1x128x128xf32, #tpu.memory_space<vmem>>
          %dma_wait3A_223 = tpu.memref_squeeze %dma_wait3A_222 : memref<1x128x128xf32, #tpu.memory_space<vmem>> -> memref<128x128xf32, #tpu.memory_space<vmem>>
          %dma_wait3A_224 = arith.constant 0 : i32
          %dma_wait3A_225 = tpu.memref_slice %arg13[%mul3A_220, %dma_wait3A_224] : memref<1024x128xf32, #tpu.memory_space<hbm>> -> memref<128x128xf32, #tpu.memory_space<hbm>>
          %dma_wait3A_226 = tpu.memref_slice %run_scoped3A_94[%rem3A_218] : memref<2x!tpu.dma_semaphore, #tpu.memory_space<semaphore_mem>> -> memref<1x!tpu.dma_semaphore, #tpu.memory_space<semaphore_mem>>
          %dma_wait3A_227 = tpu.memref_squeeze %dma_wait3A_226 : memref<1x!tpu.dma_semaphore, #tpu.memory_space<semaphore_mem>> -> memref<!tpu.dma_semaphore, #tpu.memory_space<semaphore_mem>>
          %dma_wait3A_228 = arith.constant 0 : i32
          %dma_wait3A_229 = tpu.memref_slice %arg13[%mul3A_220, %dma_wait3A_228] : memref<1024x128xf32, #tpu.memory_space<hbm>> -> memref<128x128xf32, #tpu.memory_space<hbm>>
          %dma_wait3A_230 = arith.constant 0 : i32
          %dma_wait3A_231 = arith.constant 0 : i32
          %dma_wait3A_232 = tpu.memref_slice %run_scoped3A_93[%rem3A_218, %dma_wait3A_230, %dma_wait3A_231] : memref<2x128x128xf32, #tpu.memory_space<vmem>> -> memref<1x128x128xf32, #tpu.memory_space<vmem>>
          %dma_wait3A_233 = tpu.memref_squeeze %dma_wait3A_232 : memref<1x128x128xf32, #tpu.memory_space<vmem>> -> memref<128x128xf32, #tpu.memory_space<vmem>>
          tpu.wait_dma2 semaphore(%dma_wait3A_227 : memref<!tpu.dma_semaphore, #tpu.memory_space<semaphore_mem>>) src(%dma_wait3A_233 : memref<128x128xf32, #tpu.memory_space<vmem>>) dst(%dma_wait3A_229 : memref<128x128xf32, #tpu.memory_space<hbm>>)
          "tpu.trace_stop"() : () -> ()
        } else {
        }
      } else {
      }
      tpu.yield
    }) : () -> ()
    %mul3A_26 = arith.constant 1 : i32
    %mul3A_27 = arith.muli %arg1, %mul3A_26 : i32
    %add3A_28 = arith.constant 0 : i32
    %add3A_29 = arith.addi %add3A_28, %mul3A_27 : i32
    %mul3A_30 = arith.constant 16 : i32
    %mul3A_31 = arith.muli %arg0, %mul3A_30 : i32
    %add3A_32 = arith.addi %add3A_29, %mul3A_31 : i32
    %lt3A_33 = arith.constant 8 : i32
    %lt3A_34 = arith.cmpi slt, %add3A_32, %lt3A_33 : i32
    %jit3A_35 = arith.constant 1 : i32
    %jit3A_36 = arith.constant 0 : i32
    %select_n3A_37 = arith.select %lt3A_34, %jit3A_35, %jit3A_36 : i32
    %lt3A_38 = arith.constant 8 : i32
    %lt3A_39 = arith.cmpi slt, %add3A_32, %lt3A_38 : i32
    %mul3A_40 = arith.muli %add3A_32, %select_n3A_37 : i32
    %mul3A_41 = arith.constant 0 : i32
    %mul3A_42 = arith.muli %add3A_32, %mul3A_41 : i32
    %add3A_43 = arith.constant 8 : i32
    %add3A_44 = arith.addi %mul3A_42, %add3A_43 : i32
    %select_n3A_45 = arith.select %lt3A_39, %mul3A_40, %add3A_44 : i32
    %mul3A_46 = arith.constant 1 : i32
    %mul3A_47 = arith.muli %mul3A_46, %select_n3A_37 : i32
    "tpu.region"() ({
      %run_scoped3A = memref.alloca() : memref<2x1x128xi32, #tpu.memory_space<vmem>>
      %run_scoped3A_92 = tpu.sem_alloc : memref<2x!tpu.dma_semaphore, #tpu.memory_space<semaphore_mem>>
      %run_scoped3A_93 = memref.alloca() : memref<2x128x128xf32, #tpu.memory_space<vmem>>
      %run_scoped3A_94 = tpu.sem_alloc : memref<2x!tpu.dma_semaphore, #tpu.memory_space<semaphore_mem>>
      %gt3A = arith.constant 0 : i32
      %gt3A_95 = arith.cmpi sgt, %mul3A_47, %gt3A : i32
      %convert_element_type3A = arith.extui %gt3A_95 : i1 to i32
      %cond3A = arith.constant 0 : i32
      %cond3A_96 = arith.cmpi ne, %convert_element_type3A, %cond3A : i32
      scf.if %cond3A_96 {
        %mul3A_97 = arith.constant 1 : i32
        %mul3A_98 = arith.muli %mul3A_97, %select_n3A_37 : i32
        %sub3A = arith.constant 1 : i32
        %sub3A_99 = arith.subi %mul3A_98, %sub3A : i32
        %eq3A = arith.constant 0 : i32
        %eq3A_100 = arith.cmpi eq, %sub3A_99, %eq3A : i32
        %add3A_101 = arith.constant 0 : i32
        %add3A_102 = arith.addi %add3A_101, %select_n3A_45 : i32
        %select_n3A_103 = arith.constant true
        %select_n3A_104 = arith.constant 0 : i32
        %select_n3A_105 = arith.constant -1 : i32
        %select_n3A_106 = arith.select %select_n3A_103, %select_n3A_105, %select_n3A_104 : i32
        %eq3A_107 = arith.constant -1 : i32
        %eq3A_108 = arith.cmpi eq, %select_n3A_106, %eq3A_107 : i32
        %sub3A_109 = arith.constant 1 : i32
        %sub3A_110 = arith.subi %select_n3A_37, %sub3A_109 : i32
        %select_n3A_111 = arith.select %eq3A_108, %sub3A_110, %select_n3A_106 : i32
        %add3A_112 = arith.addi %select_n3A_111, %select_n3A_45 : i32
        %select_n3A_113 = arith.constant true
        %select_n3A_114 = arith.constant 0 : i32
        %select_n3A_115 = arith.constant 1 : i32
        %select_n3A_116 = arith.select %select_n3A_113, %select_n3A_115, %select_n3A_114 : i32
        %eq3A_117 = arith.cmpi eq, %select_n3A_116, %select_n3A_37 : i32
        %select_n3A_118 = arith.constant 0 : i32
        %select_n3A_119 = arith.select %eq3A_117, %select_n3A_118, %select_n3A_116 : i32
        %add3A_120 = arith.addi %select_n3A_119, %select_n3A_45 : i32
        %add3A_121 = arith.constant 1 : i32
        %add3A_122 = arith.addi %select_n3A_119, %add3A_121 : i32
        %select_n3A_123 = arith.constant true
        %select_n3A_124 = arith.select %select_n3A_123, %add3A_122, %select_n3A_119 : i32
        %eq3A_125 = arith.cmpi eq, %select_n3A_124, %select_n3A_37 : i32
        %select_n3A_126 = arith.constant 0 : i32
        %select_n3A_127 = arith.select %eq3A_125, %select_n3A_126, %select_n3A_124 : i32
        %add3A_128 = arith.addi %select_n3A_127, %select_n3A_45 : i32
        "tpu.trace_start"() <{level = 10 : i32, message = "ep_initialize_0"}> : () -> ()
        %rem3A = arith.constant 0 : i32
        %rem3A_129 = arith.constant 2 : i32
        %rem3A_130 = arith.remui %rem3A, %rem3A_129 : i32
        %mul3A_131 = arith.constant 128 : i32
        %mul3A_132 = arith.muli %mul3A_131, %add3A_102 : i32
        %dma_start3A = arith.constant 0 : i32
        %dma_start3A_133 = arith.constant 0 : i32
        %dma_start3A_134 = tpu.memref_slice %run_scoped3A[%rem3A_130, %dma_start3A, %dma_start3A_133] : memref<2x1x128xi32, #tpu.memory_space<vmem>> -> memref<1x1x128xi32, #tpu.memory_space<vmem>>
        %dma_start3A_135 = tpu.memref_squeeze %dma_start3A_134 : memref<1x1x128xi32, #tpu.memory_space<vmem>> -> memref<1x128xi32, #tpu.memory_space<vmem>>
        %dma_start3A_136 = arith.constant 0 : i32
        %dma_start3A_137 = tpu.memref_slice %arg7[%dma_start3A_136, %mul3A_132] : memref<1x1024xi32, #tpu.memory_space<hbm>> -> memref<1x128xi32, #tpu.memory_space<hbm>>
        %dma_start3A_138 = tpu.memref_slice %run_scoped3A_92[%rem3A_130] : memref<2x!tpu.dma_semaphore, #tpu.memory_space<semaphore_mem>> -> memref<1x!tpu.dma_semaphore, #tpu.memory_space<semaphore_mem>>
        %dma_start3A_139 = tpu.memref_squeeze %dma_start3A_138 : memref<1x!tpu.dma_semaphore, #tpu.memory_space<semaphore_mem>> -> memref<!tpu.dma_semaphore, #tpu.memory_space<semaphore_mem>>
        %dma_start3A_140 = arith.constant 0 : i32
        %dma_start3A_141 = arith.constant 0 : i32
        %dma_start3A_142 = tpu.memref_slice %run_scoped3A[%rem3A_130, %dma_start3A_140, %dma_start3A_141] : memref<2x1x128xi32, #tpu.memory_space<vmem>> -> memref<1x1x128xi32, #tpu.memory_space<vmem>>
        %dma_start3A_143 = tpu.memref_squeeze %dma_start3A_142 : memref<1x1x128xi32, #tpu.memory_space<vmem>> -> memref<1x128xi32, #tpu.memory_space<vmem>>
        %dma_start3A_144 = arith.constant 0 : i32
        %dma_start3A_145 = tpu.memref_slice %arg7[%dma_start3A_144, %mul3A_132] : memref<1x1024xi32, #tpu.memory_space<hbm>> -> memref<1x128xi32, #tpu.memory_space<hbm>>
        tpu.enqueue_dma source(%dma_start3A_145 : memref<1x128xi32, #tpu.memory_space<hbm>>) target(%dma_start3A_143 : memref<1x128xi32, #tpu.memory_space<vmem>>) target_semaphore(%dma_start3A_139 : memref<!tpu.dma_semaphore, #tpu.memory_space<semaphore_mem>>)
        %add3A_146 = arith.constant 0 : i32
        %add3A_147 = arith.constant 1 : i32
        %add3A_148 = arith.addi %add3A_146, %add3A_147 : i32
        %select_n3A_149 = arith.constant true
        %select_n3A_150 = arith.constant 0 : i32
        %select_n3A_151 = arith.select %select_n3A_149, %add3A_148, %select_n3A_150 : i32
        %while3A = arith.constant 0 : i32
        %while3A_152 = arith.constant 0 : i32
        %while3A_153 = arith.constant 0 : i32
        %while3A_154 = arith.constant 0 : i32
        %while3A_155 = arith.constant 0 : i32
        "tpu.trace_stop"() : () -> ()
        %while3A_156 = arith.subi %mul3A_47, %while3A : i32
        %while3A_157 = arith.addi %while3A, %while3A_156 : i32
        %while3A_158 = arith.constant 1 : i32
        %while3A_159 = arith.divsi %while3A_156, %while3A_158 : i32
        %while3A_160 = arith.muli %while3A_159, %while3A_158 : i32
        %while3A_161 = arith.addi %while3A, %while3A_160 : i32
        %while3A_162 = arith.constant 1 : i32
        %while3A_163:5 = scf.for %while3A_217 = %while3A to %while3A_161 step %while3A_162 iter_args(%while3A_218 = %select_n3A_151, %while3A_219 = %while3A_152, %while3A_220 = %while3A_153, %while3A_221 = %while3A_154, %while3A_222 = %while3A_155) -> (i32, i32, i32, i32, i32)  : i32 {
          %mul3A_223 = arith.constant 1 : i32
          %mul3A_224 = arith.muli %mul3A_223, %select_n3A_37 : i32
          %eq3A_225 = arith.constant 0 : i32
          %eq3A_226 = arith.cmpi eq, %while3A_217, %eq3A_225 : i32
          %sub3A_227 = arith.constant 1 : i32
          %sub3A_228 = arith.subi %mul3A_224, %sub3A_227 : i32
          %eq3A_229 = arith.cmpi eq, %while3A_217, %sub3A_228 : i32
          %add3A_230 = arith.addi %while3A_222, %select_n3A_45 : i32
          %sub3A_231 = arith.constant 1 : i32
          %sub3A_232 = arith.subi %while3A_222, %sub3A_231 : i32
          %select_n3A_233 = arith.constant true
          %select_n3A_234 = arith.select %select_n3A_233, %sub3A_232, %while3A_222 : i32
          %eq3A_235 = arith.constant -1 : i32
          %eq3A_236 = arith.cmpi eq, %select_n3A_234, %eq3A_235 : i32
          %sub3A_237 = arith.constant 1 : i32
          %sub3A_238 = arith.subi %select_n3A_37, %sub3A_237 : i32
          %select_n3A_239 = arith.select %eq3A_236, %sub3A_238, %select_n3A_234 : i32
          %add3A_240 = arith.addi %select_n3A_239, %select_n3A_45 : i32
          %add3A_241 = arith.constant 1 : i32
          %add3A_242 = arith.addi %while3A_222, %add3A_241 : i32
          %select_n3A_243 = arith.constant true
          %select_n3A_244 = arith.select %select_n3A_243, %add3A_242, %while3A_222 : i32
          %eq3A_245 = arith.cmpi eq, %select_n3A_244, %select_n3A_37 : i32
          %select_n3A_246 = arith.constant 0 : i32
          %select_n3A_247 = arith.select %eq3A_245, %select_n3A_246, %select_n3A_244 : i32
          %add3A_248 = arith.addi %select_n3A_247, %select_n3A_45 : i32
          %add3A_249 = arith.constant 1 : i32
          %add3A_250 = arith.addi %select_n3A_247, %add3A_249 : i32
          %select_n3A_251 = arith.constant true
          %select_n3A_252 = arith.select %select_n3A_251, %add3A_250, %select_n3A_247 : i32
          %eq3A_253 = arith.cmpi eq, %select_n3A_252, %select_n3A_37 : i32
          %select_n3A_254 = arith.constant 0 : i32
          %select_n3A_255 = arith.select %eq3A_253, %select_n3A_254, %select_n3A_252 : i32
          %add3A_256 = arith.addi %select_n3A_255, %select_n3A_45 : i32
          %ne3A = arith.cmpi ne, %add3A_230, %add3A_248 : i32
          %or3A = arith.constant false
          %or3A_257 = arith.ori %or3A, %ne3A : i1
          %sub3A_258 = arith.constant 2 : i32
          %sub3A_259 = arith.subi %mul3A_224, %sub3A_258 : i32
          %add3A_260 = arith.constant 1 : i32
          %add3A_261 = arith.addi %sub3A_259, %add3A_260 : i32
          %ge3A = arith.cmpi sge, %while3A_217, %add3A_261 : i32
          %not3A = arith.constant true
          %not3A_262 = arith.xori %ge3A, %not3A : i1
          %and3A = arith.andi %or3A_257, %not3A_262 : i1
          %convert_element_type3A_263 = arith.extui %and3A : i1 to i32
          %cond3A_264 = arith.constant 0 : i32
          %cond3A_265 = arith.cmpi ne, %convert_element_type3A_263, %cond3A_264 : i32
          scf.if %cond3A_265 {
            "tpu.trace_start"() <{level = 10 : i32, message = "ep_copy_in"}> : () -> ()
            %rem3A_369 = arith.constant 2 : i32
            %rem3A_370 = arith.remui %while3A_218, %rem3A_369 : i32
            %mul3A_371 = arith.constant 128 : i32
            %mul3A_372 = arith.muli %mul3A_371, %add3A_248 : i32
            %dma_start3A_373 = arith.constant 0 : i32
            %dma_start3A_374 = arith.constant 0 : i32
            %dma_start3A_375 = tpu.memref_slice %run_scoped3A[%rem3A_370, %dma_start3A_373, %dma_start3A_374] : memref<2x1x128xi32, #tpu.memory_space<vmem>> -> memref<1x1x128xi32, #tpu.memory_space<vmem>>
            %dma_start3A_376 = tpu.memref_squeeze %dma_start3A_375 : memref<1x1x128xi32, #tpu.memory_space<vmem>> -> memref<1x128xi32, #tpu.memory_space<vmem>>
            %dma_start3A_377 = arith.constant 0 : i32
            %dma_start3A_378 = tpu.memref_slice %arg7[%dma_start3A_377, %mul3A_372] : memref<1x1024xi32, #tpu.memory_space<hbm>> -> memref<1x128xi32, #tpu.memory_space<hbm>>
            %dma_start3A_379 = tpu.memref_slice %run_scoped3A_92[%rem3A_370] : memref<2x!tpu.dma_semaphore, #tpu.memory_space<semaphore_mem>> -> memref<1x!tpu.dma_semaphore, #tpu.memory_space<semaphore_mem>>
            %dma_start3A_380 = tpu.memref_squeeze %dma_start3A_379 : memref<1x!tpu.dma_semaphore, #tpu.memory_space<semaphore_mem>> -> memref<!tpu.dma_semaphore, #tpu.memory_space<semaphore_mem>>
            %dma_start3A_381 = arith.constant 0 : i32
            %dma_start3A_382 = arith.constant 0 : i32
            %dma_start3A_383 = tpu.memref_slice %run_scoped3A[%rem3A_370, %dma_start3A_381, %dma_start3A_382] : memref<2x1x128xi32, #tpu.memory_space<vmem>> -> memref<1x1x128xi32, #tpu.memory_space<vmem>>
            %dma_start3A_384 = tpu.memref_squeeze %dma_start3A_383 : memref<1x1x128xi32, #tpu.memory_space<vmem>> -> memref<1x128xi32, #tpu.memory_space<vmem>>
            %dma_start3A_385 = arith.constant 0 : i32
            %dma_start3A_386 = tpu.memref_slice %arg7[%dma_start3A_385, %mul3A_372] : memref<1x1024xi32, #tpu.memory_space<hbm>> -> memref<1x128xi32, #tpu.memory_space<hbm>>
            tpu.enqueue_dma source(%dma_start3A_386 : memref<1x128xi32, #tpu.memory_space<hbm>>) target(%dma_start3A_384 : memref<1x128xi32, #tpu.memory_space<vmem>>) target_semaphore(%dma_start3A_380 : memref<!tpu.dma_semaphore, #tpu.memory_space<semaphore_mem>>)
            "tpu.trace_stop"() : () -> ()
          } else {
          }
          %and3A_266 = arith.constant true
          %and3A_267 = arith.andi %and3A, %and3A_266 : i1
          %add3A_268 = arith.constant 1 : i32
          %add3A_269 = arith.addi %while3A_218, %add3A_268 : i32
          %select_n3A_270 = arith.select %and3A_267, %add3A_269, %while3A_218 : i32
          %ne3A_271 = arith.cmpi ne, %add3A_230, %add3A_248 : i32
          %or3A_272 = arith.constant false
          %or3A_273 = arith.ori %or3A_272, %ne3A_271 : i1
          %or3A_274 = arith.constant false
          %or3A_275 = arith.ori %or3A_273, %or3A_274 : i1
          %sub3A_276 = arith.constant 2 : i32
          %sub3A_277 = arith.subi %mul3A_224, %sub3A_276 : i32
          %add3A_278 = arith.constant 1 : i32
          %add3A_279 = arith.addi %sub3A_277, %add3A_278 : i32
          %ge3A_280 = arith.cmpi sge, %while3A_217, %add3A_279 : i32
          %not3A_281 = arith.constant true
          %not3A_282 = arith.xori %ge3A_280, %not3A_281 : i1
          %and3A_283 = arith.andi %or3A_275, %not3A_282 : i1
          %ne3A_284 = arith.cmpi ne, %add3A_230, %add3A_240 : i32
          %or3A_285 = arith.constant false
          %or3A_286 = arith.ori %or3A_285, %ne3A_284 : i1
          %or3A_287 = arith.ori %or3A_286, %eq3A_226 : i1
          %convert_element_type3A_288 = arith.extui %or3A_287 : i1 to i32
          %cond3A_289 = arith.constant 0 : i32
          %cond3A_290 = arith.cmpi ne, %convert_element_type3A_288, %cond3A_289 : i32
          scf.if %cond3A_290 {
            "tpu.trace_start"() <{level = 10 : i32, message = "ep_wait_in"}> : () -> ()
            %mul3A_369 = arith.constant 128 : i32
            %mul3A_370 = arith.muli %mul3A_369, %add3A_230 : i32
            %rem3A_371 = arith.constant 2 : i32
            %rem3A_372 = arith.remui %while3A_219, %rem3A_371 : i32
            %dma_wait3A = arith.constant 0 : i32
            %dma_wait3A_373 = arith.constant 0 : i32
            %dma_wait3A_374 = tpu.memref_slice %run_scoped3A[%rem3A_372, %dma_wait3A, %dma_wait3A_373] : memref<2x1x128xi32, #tpu.memory_space<vmem>> -> memref<1x1x128xi32, #tpu.memory_space<vmem>>
            %dma_wait3A_375 = tpu.memref_squeeze %dma_wait3A_374 : memref<1x1x128xi32, #tpu.memory_space<vmem>> -> memref<1x128xi32, #tpu.memory_space<vmem>>
            %dma_wait3A_376 = arith.constant 0 : i32
            %dma_wait3A_377 = tpu.memref_slice %arg7[%dma_wait3A_376, %mul3A_370] : memref<1x1024xi32, #tpu.memory_space<hbm>> -> memref<1x128xi32, #tpu.memory_space<hbm>>
            %dma_wait3A_378 = tpu.memref_slice %run_scoped3A_92[%rem3A_372] : memref<2x!tpu.dma_semaphore, #tpu.memory_space<semaphore_mem>> -> memref<1x!tpu.dma_semaphore, #tpu.memory_space<semaphore_mem>>
            %dma_wait3A_379 = tpu.memref_squeeze %dma_wait3A_378 : memref<1x!tpu.dma_semaphore, #tpu.memory_space<semaphore_mem>> -> memref<!tpu.dma_semaphore, #tpu.memory_space<semaphore_mem>>
            %dma_wait3A_380 = arith.constant 0 : i32
            %dma_wait3A_381 = arith.constant 0 : i32
            %dma_wait3A_382 = tpu.memref_slice %run_scoped3A[%rem3A_372, %dma_wait3A_380, %dma_wait3A_381] : memref<2x1x128xi32, #tpu.memory_space<vmem>> -> memref<1x1x128xi32, #tpu.memory_space<vmem>>
            %dma_wait3A_383 = tpu.memref_squeeze %dma_wait3A_382 : memref<1x1x128xi32, #tpu.memory_space<vmem>> -> memref<1x128xi32, #tpu.memory_space<vmem>>
            %dma_wait3A_384 = arith.constant 0 : i32
            %dma_wait3A_385 = tpu.memref_slice %arg7[%dma_wait3A_384, %mul3A_370] : memref<1x1024xi32, #tpu.memory_space<hbm>> -> memref<1x128xi32, #tpu.memory_space<hbm>>
            tpu.wait_dma2 semaphore(%dma_wait3A_379 : memref<!tpu.dma_semaphore, #tpu.memory_space<semaphore_mem>>) src(%dma_wait3A_385 : memref<1x128xi32, #tpu.memory_space<hbm>>) dst(%dma_wait3A_383 : memref<1x128xi32, #tpu.memory_space<vmem>>)
            "tpu.trace_stop"() : () -> ()
          } else {
          }
          %ne3A_291 = arith.cmpi ne, %add3A_230, %add3A_240 : i32
          %or3A_292 = arith.constant false
          %or3A_293 = arith.ori %or3A_292, %ne3A_291 : i1
          %or3A_294 = arith.constant false
          %or3A_295 = arith.ori %or3A_293, %or3A_294 : i1
          %or3A_296 = arith.ori %or3A_295, %eq3A_226 : i1
          %convert_element_type3A_297 = arith.extui %or3A_296 : i1 to i32
          %cond3A_298 = arith.constant 0 : i32
          %cond3A_299 = arith.cmpi ne, %convert_element_type3A_297, %cond3A_298 : i32
          scf.if %cond3A_299 {
          } else {
          }
          %rem3A_300 = arith.constant 2 : i32
          %rem3A_301 = arith.remui %while3A_219, %rem3A_300 : i32
          %rem3A_302 = arith.constant 2 : i32
          %rem3A_303 = arith.remui %while3A_220, %rem3A_302 : i32
          %run_scoped3A_304 = arith.constant 0 : i32
          "tpu.trace_start"() <{level = 10 : i32, message = "ep_run_kernel"}> : () -> ()
          "tpu.region"() ({
            %run_scoped3A_369 = tpu.sem_alloc : memref<!tpu.dma_semaphore, #tpu.memory_space<semaphore_mem>>
            %dma_start3A_370 = arith.constant 0 : i32
            %dma_start3A_371 = arith.constant 0 : i32
            %dma_start3A_372 = tpu.memref_slice %run_scoped3A_93[%rem3A_303, %dma_start3A_370, %dma_start3A_371] : memref<2x128x128xf32, #tpu.memory_space<vmem>> -> memref<1x128x128xf32, #tpu.memory_space<vmem>>
            %dma_start3A_373 = tpu.memref_squeeze %dma_start3A_372 : memref<1x128x128xf32, #tpu.memory_space<vmem>> -> memref<128x128xf32, #tpu.memory_space<vmem>>
            %dma_start3A_374 = arith.constant 0 : i32
            %dma_start3A_375 = arith.constant 0 : i32
            %dma_start3A_376 = tpu.memref_slice %run_scoped3A[%rem3A_301, %dma_start3A_374, %dma_start3A_375] : memref<2x1x128xi32, #tpu.memory_space<vmem>> -> memref<1x1x128xi32, #tpu.memory_space<vmem>>
            %dma_start3A_377 = tpu.memref_squeeze %dma_start3A_376 : memref<1x1x128xi32, #tpu.memory_space<vmem>> -> memref<1x128xi32, #tpu.memory_space<vmem>>
            %dma_start3A_378 = arith.constant 0 : i32
            %dma_start3A_379 = tpu.memref_slice %dma_start3A_377[%run_scoped3A_304, %dma_start3A_378] : memref<1x128xi32, #tpu.memory_space<vmem>> -> memref<1x128xi32, #tpu.memory_space<vmem>>
            %dma_start3A_380 = tpu.memref_squeeze %dma_start3A_379 : memref<1x128xi32, #tpu.memory_space<vmem>> -> memref<128xi32, #tpu.memory_space<vmem>>
            %dma_start3A_381 = arith.constant 0 : i32
            %dma_start3A_382 = arith.constant 0 : i32
            %dma_start3A_383 = tpu.memref_slice %arg6[%dma_start3A_381, %dma_start3A_382] : memref<50000x128xf32, #tpu.memory_space<hbm>> -> memref<50000x128xf32, #tpu.memory_space<hbm>>
            tpu.enqueue_indirect_dma source(%dma_start3A_383 : memref<50000x128xf32, #tpu.memory_space<hbm>>) target(%dma_start3A_373 : memref<128x128xf32, #tpu.memory_space<vmem>>) offsets(%dma_start3A_380 : memref<128xi32, #tpu.memory_space<vmem>>) semaphore(%run_scoped3A_369 : memref<!tpu.dma_semaphore, #tpu.memory_space<semaphore_mem>>)
            %dma_wait3A = arith.constant 0 : i32
            %dma_wait3A_384 = arith.constant 0 : i32
            %dma_wait3A_385 = tpu.memref_slice %run_scoped3A_93[%rem3A_303, %dma_wait3A, %dma_wait3A_384] : memref<2x128x128xf32, #tpu.memory_space<vmem>> -> memref<1x128x128xf32, #tpu.memory_space<vmem>>
            %dma_wait3A_386 = tpu.memref_squeeze %dma_wait3A_385 : memref<1x128x128xf32, #tpu.memory_space<vmem>> -> memref<128x128xf32, #tpu.memory_space<vmem>>
            %dma_wait3A_387 = arith.constant 0 : i32
            %dma_wait3A_388 = arith.constant 0 : i32
            %dma_wait3A_389 = tpu.memref_slice %run_scoped3A[%rem3A_301, %dma_wait3A_387, %dma_wait3A_388] : memref<2x1x128xi32, #tpu.memory_space<vmem>> -> memref<1x1x128xi32, #tpu.memory_space<vmem>>
            %dma_wait3A_390 = tpu.memref_squeeze %dma_wait3A_389 : memref<1x1x128xi32, #tpu.memory_space<vmem>> -> memref<1x128xi32, #tpu.memory_space<vmem>>
            %dma_wait3A_391 = arith.constant 0 : i32
            %dma_wait3A_392 = tpu.memref_slice %dma_wait3A_390[%run_scoped3A_304, %dma_wait3A_391] : memref<1x128xi32, #tpu.memory_space<vmem>> -> memref<1x128xi32, #tpu.memory_space<vmem>>
            %dma_wait3A_393 = tpu.memref_squeeze %dma_wait3A_392 : memref<1x128xi32, #tpu.memory_space<vmem>> -> memref<128xi32, #tpu.memory_space<vmem>>
            %dma_wait3A_394 = arith.constant 0 : i32
            %dma_wait3A_395 = arith.constant 0 : i32
            %dma_wait3A_396 = tpu.memref_slice %arg6[%dma_wait3A_394, %dma_wait3A_395] : memref<50000x128xf32, #tpu.memory_space<hbm>> -> memref<50000x128xf32, #tpu.memory_space<hbm>>
            tpu.wait_indirect_dma semaphore(%run_scoped3A_369 : memref<!tpu.dma_semaphore, #tpu.memory_space<semaphore_mem>>) src(%dma_wait3A_396 : memref<50000x128xf32, #tpu.memory_space<hbm>>) dst(%dma_wait3A_386 : memref<128x128xf32, #tpu.memory_space<vmem>>)
            tpu.yield
          }) : () -> ()
          "tpu.trace_stop"() : () -> ()
          %ne3A_305 = arith.cmpi ne, %add3A_230, %add3A_248 : i32
          %or3A_306 = arith.constant false
          %or3A_307 = arith.ori %or3A_306, %ne3A_305 : i1
          %or3A_308 = arith.ori %or3A_307, %eq3A_229 : i1
          %convert_element_type3A_309 = arith.extui %or3A_308 : i1 to i32
          %cond3A_310 = arith.constant 0 : i32
          %cond3A_311 = arith.cmpi ne, %convert_element_type3A_309, %cond3A_310 : i32
          scf.if %cond3A_311 {
          } else {
          }
          %and3A_312 = arith.constant false
          %and3A_313 = arith.andi %or3A_308, %and3A_312 : i1
          %ne3A_314 = arith.cmpi ne, %add3A_230, %add3A_248 : i32
          %or3A_315 = arith.constant false
          %or3A_316 = arith.ori %or3A_315, %ne3A_314 : i1
          %or3A_317 = arith.constant false
          %or3A_318 = arith.ori %or3A_316, %or3A_317 : i1
          %or3A_319 = arith.ori %or3A_318, %eq3A_229 : i1
          %convert_element_type3A_320 = arith.extui %or3A_319 : i1 to i32
          %cond3A_321 = arith.constant 0 : i32
          %cond3A_322 = arith.cmpi ne, %convert_element_type3A_320, %cond3A_321 : i32
          scf.if %cond3A_322 {
            "tpu.trace_start"() <{level = 10 : i32, message = "ep_copy_out"}> : () -> ()
            %rem3A_369 = arith.constant 2 : i32
            %rem3A_370 = arith.remui %while3A_220, %rem3A_369 : i32
            %mul3A_371 = arith.constant 128 : i32
            %mul3A_372 = arith.muli %mul3A_371, %add3A_230 : i32
            %dma_start3A_373 = arith.constant 0 : i32
            %dma_start3A_374 = arith.constant 0 : i32
            %dma_start3A_375 = tpu.memref_slice %run_scoped3A_93[%rem3A_370, %dma_start3A_373, %dma_start3A_374] : memref<2x128x128xf32, #tpu.memory_space<vmem>> -> memref<1x128x128xf32, #tpu.memory_space<vmem>>
            %dma_start3A_376 = tpu.memref_squeeze %dma_start3A_375 : memref<1x128x128xf32, #tpu.memory_space<vmem>> -> memref<128x128xf32, #tpu.memory_space<vmem>>
            %dma_start3A_377 = arith.constant 0 : i32
            %dma_start3A_378 = tpu.memref_slice %arg14[%mul3A_372, %dma_start3A_377] : memref<1024x128xf32, #tpu.memory_space<hbm>> -> memref<128x128xf32, #tpu.memory_space<hbm>>
            %dma_start3A_379 = tpu.memref_slice %run_scoped3A_94[%rem3A_370] : memref<2x!tpu.dma_semaphore, #tpu.memory_space<semaphore_mem>> -> memref<1x!tpu.dma_semaphore, #tpu.memory_space<semaphore_mem>>
            %dma_start3A_380 = tpu.memref_squeeze %dma_start3A_379 : memref<1x!tpu.dma_semaphore, #tpu.memory_space<semaphore_mem>> -> memref<!tpu.dma_semaphore, #tpu.memory_space<semaphore_mem>>
            %dma_start3A_381 = arith.constant 0 : i32
            %dma_start3A_382 = tpu.memref_slice %arg14[%mul3A_372, %dma_start3A_381] : memref<1024x128xf32, #tpu.memory_space<hbm>> -> memref<128x128xf32, #tpu.memory_space<hbm>>
            %dma_start3A_383 = arith.constant 0 : i32
            %dma_start3A_384 = arith.constant 0 : i32
            %dma_start3A_385 = tpu.memref_slice %run_scoped3A_93[%rem3A_370, %dma_start3A_383, %dma_start3A_384] : memref<2x128x128xf32, #tpu.memory_space<vmem>> -> memref<1x128x128xf32, #tpu.memory_space<vmem>>
            %dma_start3A_386 = tpu.memref_squeeze %dma_start3A_385 : memref<1x128x128xf32, #tpu.memory_space<vmem>> -> memref<128x128xf32, #tpu.memory_space<vmem>>
            tpu.enqueue_dma source(%dma_start3A_386 : memref<128x128xf32, #tpu.memory_space<vmem>>) target(%dma_start3A_382 : memref<128x128xf32, #tpu.memory_space<hbm>>) target_semaphore(%dma_start3A_380 : memref<!tpu.dma_semaphore, #tpu.memory_space<semaphore_mem>>)
            "tpu.trace_stop"() : () -> ()
          } else {
          }
          %and3A_323 = arith.constant true
          %and3A_324 = arith.andi %or3A_319, %and3A_323 : i1
          %add3A_325 = arith.constant 1 : i32
          %add3A_326 = arith.addi %while3A_220, %add3A_325 : i32
          %select_n3A_327 = arith.select %and3A_324, %add3A_326, %while3A_220 : i32
          %ne3A_328 = arith.cmpi ne, %add3A_230, %add3A_240 : i32
          %or3A_329 = arith.constant false
          %or3A_330 = arith.ori %or3A_329, %ne3A_328 : i1
          %not3A_331 = arith.constant true
          %not3A_332 = arith.xori %eq3A_226, %not3A_331 : i1
          %and3A_333 = arith.andi %or3A_330, %not3A_332 : i1
          %convert_element_type3A_334 = arith.extui %and3A_333 : i1 to i32
          %cond3A_335 = arith.constant 0 : i32
          %cond3A_336 = arith.cmpi ne, %convert_element_type3A_334, %cond3A_335 : i32
          scf.if %cond3A_336 {
          } else {
          }
          %and3A_337 = arith.constant false
          %and3A_338 = arith.andi %and3A_333, %and3A_337 : i1
          %ne3A_339 = arith.cmpi ne, %add3A_230, %add3A_240 : i32
          %or3A_340 = arith.constant false
          %or3A_341 = arith.ori %or3A_340, %ne3A_339 : i1
          %or3A_342 = arith.constant false
          %or3A_343 = arith.ori %or3A_341, %or3A_342 : i1
          %not3A_344 = arith.constant true
          %not3A_345 = arith.xori %eq3A_226, %not3A_344 : i1
          %and3A_346 = arith.andi %or3A_343, %not3A_345 : i1
          %convert_element_type3A_347 = arith.extui %and3A_346 : i1 to i32
          %cond3A_348 = arith.constant 0 : i32
          %cond3A_349 = arith.cmpi ne, %convert_element_type3A_347, %cond3A_348 : i32
          scf.if %cond3A_349 {
            "tpu.trace_start"() <{level = 10 : i32, message = "ep_wait_out"}> : () -> ()
            %rem3A_369 = arith.constant 2 : i32
            %rem3A_370 = arith.remui %while3A_221, %rem3A_369 : i32
            %mul3A_371 = arith.constant 128 : i32
            %mul3A_372 = arith.muli %mul3A_371, %add3A_240 : i32
            %dma_wait3A = arith.constant 0 : i32
            %dma_wait3A_373 = arith.constant 0 : i32
            %dma_wait3A_374 = tpu.memref_slice %run_scoped3A_93[%rem3A_370, %dma_wait3A, %dma_wait3A_373] : memref<2x128x128xf32, #tpu.memory_space<vmem>> -> memref<1x128x128xf32, #tpu.memory_space<vmem>>
            %dma_wait3A_375 = tpu.memref_squeeze %dma_wait3A_374 : memref<1x128x128xf32, #tpu.memory_space<vmem>> -> memref<128x128xf32, #tpu.memory_space<vmem>>
            %dma_wait3A_376 = arith.constant 0 : i32
            %dma_wait3A_377 = tpu.memref_slice %arg14[%mul3A_372, %dma_wait3A_376] : memref<1024x128xf32, #tpu.memory_space<hbm>> -> memref<128x128xf32, #tpu.memory_space<hbm>>
            %dma_wait3A_378 = tpu.memref_slice %run_scoped3A_94[%rem3A_370] : memref<2x!tpu.dma_semaphore, #tpu.memory_space<semaphore_mem>> -> memref<1x!tpu.dma_semaphore, #tpu.memory_space<semaphore_mem>>
            %dma_wait3A_379 = tpu.memref_squeeze %dma_wait3A_378 : memref<1x!tpu.dma_semaphore, #tpu.memory_space<semaphore_mem>> -> memref<!tpu.dma_semaphore, #tpu.memory_space<semaphore_mem>>
            %dma_wait3A_380 = arith.constant 0 : i32
            %dma_wait3A_381 = tpu.memref_slice %arg14[%mul3A_372, %dma_wait3A_380] : memref<1024x128xf32, #tpu.memory_space<hbm>> -> memref<128x128xf32, #tpu.memory_space<hbm>>
            %dma_wait3A_382 = arith.constant 0 : i32
            %dma_wait3A_383 = arith.constant 0 : i32
            %dma_wait3A_384 = tpu.memref_slice %run_scoped3A_93[%rem3A_370, %dma_wait3A_382, %dma_wait3A_383] : memref<2x128x128xf32, #tpu.memory_space<vmem>> -> memref<1x128x128xf32, #tpu.memory_space<vmem>>
            %dma_wait3A_385 = tpu.memref_squeeze %dma_wait3A_384 : memref<1x128x128xf32, #tpu.memory_space<vmem>> -> memref<128x128xf32, #tpu.memory_space<vmem>>
            tpu.wait_dma2 semaphore(%dma_wait3A_379 : memref<!tpu.dma_semaphore, #tpu.memory_space<semaphore_mem>>) src(%dma_wait3A_385 : memref<128x128xf32, #tpu.memory_space<vmem>>) dst(%dma_wait3A_381 : memref<128x128xf32, #tpu.memory_space<hbm>>)
            "tpu.trace_stop"() : () -> ()
          } else {
          }
          %and3A_350 = arith.constant true
          %and3A_351 = arith.andi %and3A_346, %and3A_350 : i1
          %add3A_352 = arith.constant 1 : i32
          %add3A_353 = arith.addi %while3A_221, %add3A_352 : i32
          %select_n3A_354 = arith.select %and3A_351, %add3A_353, %while3A_221 : i32
          %ne3A_355 = arith.cmpi ne, %add3A_230, %add3A_248 : i32
          %or3A_356 = arith.constant false
          %or3A_357 = arith.ori %or3A_356, %ne3A_355 : i1
          %or3A_358 = arith.ori %or3A_357, %eq3A_229 : i1
          %add3A_359 = arith.constant 1 : i32
          %add3A_360 = arith.addi %while3A_219, %add3A_359 : i32
          %select_n3A_361 = arith.select %or3A_358, %add3A_360, %while3A_219 : i32
          %add3A_362 = arith.constant 1 : i32
          %add3A_363 = arith.addi %while3A_222, %add3A_362 : i32
          %select_n3A_364 = arith.constant true
          %select_n3A_365 = arith.select %select_n3A_364, %add3A_363, %while3A_222 : i32
          %eq3A_366 = arith.cmpi eq, %select_n3A_365, %select_n3A_37 : i32
          %select_n3A_367 = arith.constant 0 : i32
          %select_n3A_368 = arith.select %eq3A_366, %select_n3A_367, %select_n3A_365 : i32
          scf.yield %select_n3A_270, %select_n3A_361, %select_n3A_327, %select_n3A_354, %select_n3A_368 : i32, i32, i32, i32, i32
        }
        %while3A_164 = arith.constant 1 : i32
        %while3A_165:5 = scf.for %while3A_217 = %while3A_161 to %while3A_157 step %while3A_164 iter_args(%while3A_218 = %while3A_163#0, %while3A_219 = %while3A_163#1, %while3A_220 = %while3A_163#2, %while3A_221 = %while3A_163#3, %while3A_222 = %while3A_163#4) -> (i32, i32, i32, i32, i32)  : i32 {
          %mul3A_223 = arith.constant 1 : i32
          %mul3A_224 = arith.muli %mul3A_223, %select_n3A_37 : i32
          %eq3A_225 = arith.constant 0 : i32
          %eq3A_226 = arith.cmpi eq, %while3A_217, %eq3A_225 : i32
          %sub3A_227 = arith.constant 1 : i32
          %sub3A_228 = arith.subi %mul3A_224, %sub3A_227 : i32
          %eq3A_229 = arith.cmpi eq, %while3A_217, %sub3A_228 : i32
          %add3A_230 = arith.addi %while3A_222, %select_n3A_45 : i32
          %sub3A_231 = arith.constant 1 : i32
          %sub3A_232 = arith.subi %while3A_222, %sub3A_231 : i32
          %select_n3A_233 = arith.constant true
          %select_n3A_234 = arith.select %select_n3A_233, %sub3A_232, %while3A_222 : i32
          %eq3A_235 = arith.constant -1 : i32
          %eq3A_236 = arith.cmpi eq, %select_n3A_234, %eq3A_235 : i32
          %sub3A_237 = arith.constant 1 : i32
          %sub3A_238 = arith.subi %select_n3A_37, %sub3A_237 : i32
          %select_n3A_239 = arith.select %eq3A_236, %sub3A_238, %select_n3A_234 : i32
          %add3A_240 = arith.addi %select_n3A_239, %select_n3A_45 : i32
          %add3A_241 = arith.constant 1 : i32
          %add3A_242 = arith.addi %while3A_222, %add3A_241 : i32
          %select_n3A_243 = arith.constant true
          %select_n3A_244 = arith.select %select_n3A_243, %add3A_242, %while3A_222 : i32
          %eq3A_245 = arith.cmpi eq, %select_n3A_244, %select_n3A_37 : i32
          %select_n3A_246 = arith.constant 0 : i32
          %select_n3A_247 = arith.select %eq3A_245, %select_n3A_246, %select_n3A_244 : i32
          %add3A_248 = arith.addi %select_n3A_247, %select_n3A_45 : i32
          %add3A_249 = arith.constant 1 : i32
          %add3A_250 = arith.addi %select_n3A_247, %add3A_249 : i32
          %select_n3A_251 = arith.constant true
          %select_n3A_252 = arith.select %select_n3A_251, %add3A_250, %select_n3A_247 : i32
          %eq3A_253 = arith.cmpi eq, %select_n3A_252, %select_n3A_37 : i32
          %select_n3A_254 = arith.constant 0 : i32
          %select_n3A_255 = arith.select %eq3A_253, %select_n3A_254, %select_n3A_252 : i32
          %add3A_256 = arith.addi %select_n3A_255, %select_n3A_45 : i32
          %ne3A = arith.cmpi ne, %add3A_230, %add3A_248 : i32
          %or3A = arith.constant false
          %or3A_257 = arith.ori %or3A, %ne3A : i1
          %sub3A_258 = arith.constant 2 : i32
          %sub3A_259 = arith.subi %mul3A_224, %sub3A_258 : i32
          %add3A_260 = arith.constant 1 : i32
          %add3A_261 = arith.addi %sub3A_259, %add3A_260 : i32
          %ge3A = arith.cmpi sge, %while3A_217, %add3A_261 : i32
          %not3A = arith.constant true
          %not3A_262 = arith.xori %ge3A, %not3A : i1
          %and3A = arith.andi %or3A_257, %not3A_262 : i1
          %convert_element_type3A_263 = arith.extui %and3A : i1 to i32
          %cond3A_264 = arith.constant 0 : i32
          %cond3A_265 = arith.cmpi ne, %convert_element_type3A_263, %cond3A_264 : i32
          scf.if %cond3A_265 {
            "tpu.trace_start"() <{level = 10 : i32, message = "ep_copy_in"}> : () -> ()
            %rem3A_369 = arith.constant 2 : i32
            %rem3A_370 = arith.remui %while3A_218, %rem3A_369 : i32
            %mul3A_371 = arith.constant 128 : i32
            %mul3A_372 = arith.muli %mul3A_371, %add3A_248 : i32
            %dma_start3A_373 = arith.constant 0 : i32
            %dma_start3A_374 = arith.constant 0 : i32
            %dma_start3A_375 = tpu.memref_slice %run_scoped3A[%rem3A_370, %dma_start3A_373, %dma_start3A_374] : memref<2x1x128xi32, #tpu.memory_space<vmem>> -> memref<1x1x128xi32, #tpu.memory_space<vmem>>
            %dma_start3A_376 = tpu.memref_squeeze %dma_start3A_375 : memref<1x1x128xi32, #tpu.memory_space<vmem>> -> memref<1x128xi32, #tpu.memory_space<vmem>>
            %dma_start3A_377 = arith.constant 0 : i32
            %dma_start3A_378 = tpu.memref_slice %arg7[%dma_start3A_377, %mul3A_372] : memref<1x1024xi32, #tpu.memory_space<hbm>> -> memref<1x128xi32, #tpu.memory_space<hbm>>
            %dma_start3A_379 = tpu.memref_slice %run_scoped3A_92[%rem3A_370] : memref<2x!tpu.dma_semaphore, #tpu.memory_space<semaphore_mem>> -> memref<1x!tpu.dma_semaphore, #tpu.memory_space<semaphore_mem>>
            %dma_start3A_380 = tpu.memref_squeeze %dma_start3A_379 : memref<1x!tpu.dma_semaphore, #tpu.memory_space<semaphore_mem>> -> memref<!tpu.dma_semaphore, #tpu.memory_space<semaphore_mem>>
            %dma_start3A_381 = arith.constant 0 : i32
            %dma_start3A_382 = arith.constant 0 : i32
            %dma_start3A_383 = tpu.memref_slice %run_scoped3A[%rem3A_370, %dma_start3A_381, %dma_start3A_382] : memref<2x1x128xi32, #tpu.memory_space<vmem>> -> memref<1x1x128xi32, #tpu.memory_space<vmem>>
            %dma_start3A_384 = tpu.memref_squeeze %dma_start3A_383 : memref<1x1x128xi32, #tpu.memory_space<vmem>> -> memref<1x128xi32, #tpu.memory_space<vmem>>
            %dma_start3A_385 = arith.constant 0 : i32
            %dma_start3A_386 = tpu.memref_slice %arg7[%dma_start3A_385, %mul3A_372] : memref<1x1024xi32, #tpu.memory_space<hbm>> -> memref<1x128xi32, #tpu.memory_space<hbm>>
            tpu.enqueue_dma source(%dma_start3A_386 : memref<1x128xi32, #tpu.memory_space<hbm>>) target(%dma_start3A_384 : memref<1x128xi32, #tpu.memory_space<vmem>>) target_semaphore(%dma_start3A_380 : memref<!tpu.dma_semaphore, #tpu.memory_space<semaphore_mem>>)
            "tpu.trace_stop"() : () -> ()
          } else {
          }
          %and3A_266 = arith.constant true
          %and3A_267 = arith.andi %and3A, %and3A_266 : i1
          %add3A_268 = arith.constant 1 : i32
          %add3A_269 = arith.addi %while3A_218, %add3A_268 : i32
          %select_n3A_270 = arith.select %and3A_267, %add3A_269, %while3A_218 : i32
          %ne3A_271 = arith.cmpi ne, %add3A_230, %add3A_248 : i32
          %or3A_272 = arith.constant false
          %or3A_273 = arith.ori %or3A_272, %ne3A_271 : i1
          %or3A_274 = arith.constant false
          %or3A_275 = arith.ori %or3A_273, %or3A_274 : i1
          %sub3A_276 = arith.constant 2 : i32
          %sub3A_277 = arith.subi %mul3A_224, %sub3A_276 : i32
          %add3A_278 = arith.constant 1 : i32
          %add3A_279 = arith.addi %sub3A_277, %add3A_278 : i32
          %ge3A_280 = arith.cmpi sge, %while3A_217, %add3A_279 : i32
          %not3A_281 = arith.constant true
          %not3A_282 = arith.xori %ge3A_280, %not3A_281 : i1
          %and3A_283 = arith.andi %or3A_275, %not3A_282 : i1
          %ne3A_284 = arith.cmpi ne, %add3A_230, %add3A_240 : i32
          %or3A_285 = arith.constant false
          %or3A_286 = arith.ori %or3A_285, %ne3A_284 : i1
          %or3A_287 = arith.ori %or3A_286, %eq3A_226 : i1
          %convert_element_type3A_288 = arith.extui %or3A_287 : i1 to i32
          %cond3A_289 = arith.constant 0 : i32
          %cond3A_290 = arith.cmpi ne, %convert_element_type3A_288, %cond3A_289 : i32
          scf.if %cond3A_290 {
            "tpu.trace_start"() <{level = 10 : i32, message = "ep_wait_in"}> : () -> ()
            %mul3A_369 = arith.constant 128 : i32
            %mul3A_370 = arith.muli %mul3A_369, %add3A_230 : i32
            %rem3A_371 = arith.constant 2 : i32
            %rem3A_372 = arith.remui %while3A_219, %rem3A_371 : i32
            %dma_wait3A = arith.constant 0 : i32
            %dma_wait3A_373 = arith.constant 0 : i32
            %dma_wait3A_374 = tpu.memref_slice %run_scoped3A[%rem3A_372, %dma_wait3A, %dma_wait3A_373] : memref<2x1x128xi32, #tpu.memory_space<vmem>> -> memref<1x1x128xi32, #tpu.memory_space<vmem>>
            %dma_wait3A_375 = tpu.memref_squeeze %dma_wait3A_374 : memref<1x1x128xi32, #tpu.memory_space<vmem>> -> memref<1x128xi32, #tpu.memory_space<vmem>>
            %dma_wait3A_376 = arith.constant 0 : i32
            %dma_wait3A_377 = tpu.memref_slice %arg7[%dma_wait3A_376, %mul3A_370] : memref<1x1024xi32, #tpu.memory_space<hbm>> -> memref<1x128xi32, #tpu.memory_space<hbm>>
            %dma_wait3A_378 = tpu.memref_slice %run_scoped3A_92[%rem3A_372] : memref<2x!tpu.dma_semaphore, #tpu.memory_space<semaphore_mem>> -> memref<1x!tpu.dma_semaphore, #tpu.memory_space<semaphore_mem>>
            %dma_wait3A_379 = tpu.memref_squeeze %dma_wait3A_378 : memref<1x!tpu.dma_semaphore, #tpu.memory_space<semaphore_mem>> -> memref<!tpu.dma_semaphore, #tpu.memory_space<semaphore_mem>>
            %dma_wait3A_380 = arith.constant 0 : i32
            %dma_wait3A_381 = arith.constant 0 : i32
            %dma_wait3A_382 = tpu.memref_slice %run_scoped3A[%rem3A_372, %dma_wait3A_380, %dma_wait3A_381] : memref<2x1x128xi32, #tpu.memory_space<vmem>> -> memref<1x1x128xi32, #tpu.memory_space<vmem>>
            %dma_wait3A_383 = tpu.memref_squeeze %dma_wait3A_382 : memref<1x1x128xi32, #tpu.memory_space<vmem>> -> memref<1x128xi32, #tpu.memory_space<vmem>>
            %dma_wait3A_384 = arith.constant 0 : i32
            %dma_wait3A_385 = tpu.memref_slice %arg7[%dma_wait3A_384, %mul3A_370] : memref<1x1024xi32, #tpu.memory_space<hbm>> -> memref<1x128xi32, #tpu.memory_space<hbm>>
            tpu.wait_dma2 semaphore(%dma_wait3A_379 : memref<!tpu.dma_semaphore, #tpu.memory_space<semaphore_mem>>) src(%dma_wait3A_385 : memref<1x128xi32, #tpu.memory_space<hbm>>) dst(%dma_wait3A_383 : memref<1x128xi32, #tpu.memory_space<vmem>>)
            "tpu.trace_stop"() : () -> ()
          } else {
          }
          %ne3A_291 = arith.cmpi ne, %add3A_230, %add3A_240 : i32
          %or3A_292 = arith.constant false
          %or3A_293 = arith.ori %or3A_292, %ne3A_291 : i1
          %or3A_294 = arith.constant false
          %or3A_295 = arith.ori %or3A_293, %or3A_294 : i1
          %or3A_296 = arith.ori %or3A_295, %eq3A_226 : i1
          %convert_element_type3A_297 = arith.extui %or3A_296 : i1 to i32
          %cond3A_298 = arith.constant 0 : i32
          %cond3A_299 = arith.cmpi ne, %convert_element_type3A_297, %cond3A_298 : i32
          scf.if %cond3A_299 {
          } else {
          }
          %rem3A_300 = arith.constant 2 : i32
          %rem3A_301 = arith.remui %while3A_219, %rem3A_300 : i32
          %rem3A_302 = arith.constant 2 : i32
          %rem3A_303 = arith.remui %while3A_220, %rem3A_302 : i32
          %run_scoped3A_304 = arith.constant 0 : i32
          "tpu.trace_start"() <{level = 10 : i32, message = "ep_run_kernel"}> : () -> ()
          "tpu.region"() ({
            %run_scoped3A_369 = tpu.sem_alloc : memref<!tpu.dma_semaphore, #tpu.memory_space<semaphore_mem>>
            %dma_start3A_370 = arith.constant 0 : i32
            %dma_start3A_371 = arith.constant 0 : i32
            %dma_start3A_372 = tpu.memref_slice %run_scoped3A_93[%rem3A_303, %dma_start3A_370, %dma_start3A_371] : memref<2x128x128xf32, #tpu.memory_space<vmem>> -> memref<1x128x128xf32, #tpu.memory_space<vmem>>
            %dma_start3A_373 = tpu.memref_squeeze %dma_start3A_372 : memref<1x128x128xf32, #tpu.memory_space<vmem>> -> memref<128x128xf32, #tpu.memory_space<vmem>>
            %dma_start3A_374 = arith.constant 0 : i32
            %dma_start3A_375 = arith.constant 0 : i32
            %dma_start3A_376 = tpu.memref_slice %run_scoped3A[%rem3A_301, %dma_start3A_374, %dma_start3A_375] : memref<2x1x128xi32, #tpu.memory_space<vmem>> -> memref<1x1x128xi32, #tpu.memory_space<vmem>>
            %dma_start3A_377 = tpu.memref_squeeze %dma_start3A_376 : memref<1x1x128xi32, #tpu.memory_space<vmem>> -> memref<1x128xi32, #tpu.memory_space<vmem>>
            %dma_start3A_378 = arith.constant 0 : i32
            %dma_start3A_379 = tpu.memref_slice %dma_start3A_377[%run_scoped3A_304, %dma_start3A_378] : memref<1x128xi32, #tpu.memory_space<vmem>> -> memref<1x128xi32, #tpu.memory_space<vmem>>
            %dma_start3A_380 = tpu.memref_squeeze %dma_start3A_379 : memref<1x128xi32, #tpu.memory_space<vmem>> -> memref<128xi32, #tpu.memory_space<vmem>>
            %dma_start3A_381 = arith.constant 0 : i32
            %dma_start3A_382 = arith.constant 0 : i32
            %dma_start3A_383 = tpu.memref_slice %arg6[%dma_start3A_381, %dma_start3A_382] : memref<50000x128xf32, #tpu.memory_space<hbm>> -> memref<50000x128xf32, #tpu.memory_space<hbm>>
            tpu.enqueue_indirect_dma source(%dma_start3A_383 : memref<50000x128xf32, #tpu.memory_space<hbm>>) target(%dma_start3A_373 : memref<128x128xf32, #tpu.memory_space<vmem>>) offsets(%dma_start3A_380 : memref<128xi32, #tpu.memory_space<vmem>>) semaphore(%run_scoped3A_369 : memref<!tpu.dma_semaphore, #tpu.memory_space<semaphore_mem>>)
            %dma_wait3A = arith.constant 0 : i32
            %dma_wait3A_384 = arith.constant 0 : i32
            %dma_wait3A_385 = tpu.memref_slice %run_scoped3A_93[%rem3A_303, %dma_wait3A, %dma_wait3A_384] : memref<2x128x128xf32, #tpu.memory_space<vmem>> -> memref<1x128x128xf32, #tpu.memory_space<vmem>>
            %dma_wait3A_386 = tpu.memref_squeeze %dma_wait3A_385 : memref<1x128x128xf32, #tpu.memory_space<vmem>> -> memref<128x128xf32, #tpu.memory_space<vmem>>
            %dma_wait3A_387 = arith.constant 0 : i32
            %dma_wait3A_388 = arith.constant 0 : i32
            %dma_wait3A_389 = tpu.memref_slice %run_scoped3A[%rem3A_301, %dma_wait3A_387, %dma_wait3A_388] : memref<2x1x128xi32, #tpu.memory_space<vmem>> -> memref<1x1x128xi32, #tpu.memory_space<vmem>>
            %dma_wait3A_390 = tpu.memref_squeeze %dma_wait3A_389 : memref<1x1x128xi32, #tpu.memory_space<vmem>> -> memref<1x128xi32, #tpu.memory_space<vmem>>
            %dma_wait3A_391 = arith.constant 0 : i32
            %dma_wait3A_392 = tpu.memref_slice %dma_wait3A_390[%run_scoped3A_304, %dma_wait3A_391] : memref<1x128xi32, #tpu.memory_space<vmem>> -> memref<1x128xi32, #tpu.memory_space<vmem>>
            %dma_wait3A_393 = tpu.memref_squeeze %dma_wait3A_392 : memref<1x128xi32, #tpu.memory_space<vmem>> -> memref<128xi32, #tpu.memory_space<vmem>>
            %dma_wait3A_394 = arith.constant 0 : i32
            %dma_wait3A_395 = arith.constant 0 : i32
            %dma_wait3A_396 = tpu.memref_slice %arg6[%dma_wait3A_394, %dma_wait3A_395] : memref<50000x128xf32, #tpu.memory_space<hbm>> -> memref<50000x128xf32, #tpu.memory_space<hbm>>
            tpu.wait_indirect_dma semaphore(%run_scoped3A_369 : memref<!tpu.dma_semaphore, #tpu.memory_space<semaphore_mem>>) src(%dma_wait3A_396 : memref<50000x128xf32, #tpu.memory_space<hbm>>) dst(%dma_wait3A_386 : memref<128x128xf32, #tpu.memory_space<vmem>>)
            tpu.yield
          }) : () -> ()
          "tpu.trace_stop"() : () -> ()
          %ne3A_305 = arith.cmpi ne, %add3A_230, %add3A_248 : i32
          %or3A_306 = arith.constant false
          %or3A_307 = arith.ori %or3A_306, %ne3A_305 : i1
          %or3A_308 = arith.ori %or3A_307, %eq3A_229 : i1
          %convert_element_type3A_309 = arith.extui %or3A_308 : i1 to i32
          %cond3A_310 = arith.constant 0 : i32
          %cond3A_311 = arith.cmpi ne, %convert_element_type3A_309, %cond3A_310 : i32
          scf.if %cond3A_311 {
          } else {
          }
          %and3A_312 = arith.constant false
          %and3A_313 = arith.andi %or3A_308, %and3A_312 : i1
          %ne3A_314 = arith.cmpi ne, %add3A_230, %add3A_248 : i32
          %or3A_315 = arith.constant false
          %or3A_316 = arith.ori %or3A_315, %ne3A_314 : i1
          %or3A_317 = arith.constant false
          %or3A_318 = arith.ori %or3A_316, %or3A_317 : i1
          %or3A_319 = arith.ori %or3A_318, %eq3A_229 : i1
          %convert_element_type3A_320 = arith.extui %or3A_319 : i1 to i32
          %cond3A_321 = arith.constant 0 : i32
          %cond3A_322 = arith.cmpi ne, %convert_element_type3A_320, %cond3A_321 : i32
          scf.if %cond3A_322 {
            "tpu.trace_start"() <{level = 10 : i32, message = "ep_copy_out"}> : () -> ()
            %rem3A_369 = arith.constant 2 : i32
            %rem3A_370 = arith.remui %while3A_220, %rem3A_369 : i32
            %mul3A_371 = arith.constant 128 : i32
            %mul3A_372 = arith.muli %mul3A_371, %add3A_230 : i32
            %dma_start3A_373 = arith.constant 0 : i32
            %dma_start3A_374 = arith.constant 0 : i32
            %dma_start3A_375 = tpu.memref_slice %run_scoped3A_93[%rem3A_370, %dma_start3A_373, %dma_start3A_374] : memref<2x128x128xf32, #tpu.memory_space<vmem>> -> memref<1x128x128xf32, #tpu.memory_space<vmem>>
            %dma_start3A_376 = tpu.memref_squeeze %dma_start3A_375 : memref<1x128x128xf32, #tpu.memory_space<vmem>> -> memref<128x128xf32, #tpu.memory_space<vmem>>
            %dma_start3A_377 = arith.constant 0 : i32
            %dma_start3A_378 = tpu.memref_slice %arg14[%mul3A_372, %dma_start3A_377] : memref<1024x128xf32, #tpu.memory_space<hbm>> -> memref<128x128xf32, #tpu.memory_space<hbm>>
            %dma_start3A_379 = tpu.memref_slice %run_scoped3A_94[%rem3A_370] : memref<2x!tpu.dma_semaphore, #tpu.memory_space<semaphore_mem>> -> memref<1x!tpu.dma_semaphore, #tpu.memory_space<semaphore_mem>>
            %dma_start3A_380 = tpu.memref_squeeze %dma_start3A_379 : memref<1x!tpu.dma_semaphore, #tpu.memory_space<semaphore_mem>> -> memref<!tpu.dma_semaphore, #tpu.memory_space<semaphore_mem>>
            %dma_start3A_381 = arith.constant 0 : i32
            %dma_start3A_382 = tpu.memref_slice %arg14[%mul3A_372, %dma_start3A_381] : memref<1024x128xf32, #tpu.memory_space<hbm>> -> memref<128x128xf32, #tpu.memory_space<hbm>>
            %dma_start3A_383 = arith.constant 0 : i32
            %dma_start3A_384 = arith.constant 0 : i32
            %dma_start3A_385 = tpu.memref_slice %run_scoped3A_93[%rem3A_370, %dma_start3A_383, %dma_start3A_384] : memref<2x128x128xf32, #tpu.memory_space<vmem>> -> memref<1x128x128xf32, #tpu.memory_space<vmem>>
            %dma_start3A_386 = tpu.memref_squeeze %dma_start3A_385 : memref<1x128x128xf32, #tpu.memory_space<vmem>> -> memref<128x128xf32, #tpu.memory_space<vmem>>
            tpu.enqueue_dma source(%dma_start3A_386 : memref<128x128xf32, #tpu.memory_space<vmem>>) target(%dma_start3A_382 : memref<128x128xf32, #tpu.memory_space<hbm>>) target_semaphore(%dma_start3A_380 : memref<!tpu.dma_semaphore, #tpu.memory_space<semaphore_mem>>)
            "tpu.trace_stop"() : () -> ()
          } else {
          }
          %and3A_323 = arith.constant true
          %and3A_324 = arith.andi %or3A_319, %and3A_323 : i1
          %add3A_325 = arith.constant 1 : i32
          %add3A_326 = arith.addi %while3A_220, %add3A_325 : i32
          %select_n3A_327 = arith.select %and3A_324, %add3A_326, %while3A_220 : i32
          %ne3A_328 = arith.cmpi ne, %add3A_230, %add3A_240 : i32
          %or3A_329 = arith.constant false
          %or3A_330 = arith.ori %or3A_329, %ne3A_328 : i1
          %not3A_331 = arith.constant true
          %not3A_332 = arith.xori %eq3A_226, %not3A_331 : i1
          %and3A_333 = arith.andi %or3A_330, %not3A_332 : i1
          %convert_element_type3A_334 = arith.extui %and3A_333 : i1 to i32
          %cond3A_335 = arith.constant 0 : i32
          %cond3A_336 = arith.cmpi ne, %convert_element_type3A_334, %cond3A_335 : i32
          scf.if %cond3A_336 {
          } else {
          }
          %and3A_337 = arith.constant false
          %and3A_338 = arith.andi %and3A_333, %and3A_337 : i1
          %ne3A_339 = arith.cmpi ne, %add3A_230, %add3A_240 : i32
          %or3A_340 = arith.constant false
          %or3A_341 = arith.ori %or3A_340, %ne3A_339 : i1
          %or3A_342 = arith.constant false
          %or3A_343 = arith.ori %or3A_341, %or3A_342 : i1
          %not3A_344 = arith.constant true
          %not3A_345 = arith.xori %eq3A_226, %not3A_344 : i1
          %and3A_346 = arith.andi %or3A_343, %not3A_345 : i1
          %convert_element_type3A_347 = arith.extui %and3A_346 : i1 to i32
          %cond3A_348 = arith.constant 0 : i32
          %cond3A_349 = arith.cmpi ne, %convert_element_type3A_347, %cond3A_348 : i32
          scf.if %cond3A_349 {
            "tpu.trace_start"() <{level = 10 : i32, message = "ep_wait_out"}> : () -> ()
            %rem3A_369 = arith.constant 2 : i32
            %rem3A_370 = arith.remui %while3A_221, %rem3A_369 : i32
            %mul3A_371 = arith.constant 128 : i32
            %mul3A_372 = arith.muli %mul3A_371, %add3A_240 : i32
            %dma_wait3A = arith.constant 0 : i32
            %dma_wait3A_373 = arith.constant 0 : i32
            %dma_wait3A_374 = tpu.memref_slice %run_scoped3A_93[%rem3A_370, %dma_wait3A, %dma_wait3A_373] : memref<2x128x128xf32, #tpu.memory_space<vmem>> -> memref<1x128x128xf32, #tpu.memory_space<vmem>>
            %dma_wait3A_375 = tpu.memref_squeeze %dma_wait3A_374 : memref<1x128x128xf32, #tpu.memory_space<vmem>> -> memref<128x128xf32, #tpu.memory_space<vmem>>
            %dma_wait3A_376 = arith.constant 0 : i32
            %dma_wait3A_377 = tpu.memref_slice %arg14[%mul3A_372, %dma_wait3A_376] : memref<1024x128xf32, #tpu.memory_space<hbm>> -> memref<128x128xf32, #tpu.memory_space<hbm>>
            %dma_wait3A_378 = tpu.memref_slice %run_scoped3A_94[%rem3A_370] : memref<2x!tpu.dma_semaphore, #tpu.memory_space<semaphore_mem>> -> memref<1x!tpu.dma_semaphore, #tpu.memory_space<semaphore_mem>>
            %dma_wait3A_379 = tpu.memref_squeeze %dma_wait3A_378 : memref<1x!tpu.dma_semaphore, #tpu.memory_space<semaphore_mem>> -> memref<!tpu.dma_semaphore, #tpu.memory_space<semaphore_mem>>
            %dma_wait3A_380 = arith.constant 0 : i32
            %dma_wait3A_381 = tpu.memref_slice %arg14[%mul3A_372, %dma_wait3A_380] : memref<1024x128xf32, #tpu.memory_space<hbm>> -> memref<128x128xf32, #tpu.memory_space<hbm>>
            %dma_wait3A_382 = arith.constant 0 : i32
            %dma_wait3A_383 = arith.constant 0 : i32
            %dma_wait3A_384 = tpu.memref_slice %run_scoped3A_93[%rem3A_370, %dma_wait3A_382, %dma_wait3A_383] : memref<2x128x128xf32, #tpu.memory_space<vmem>> -> memref<1x128x128xf32, #tpu.memory_space<vmem>>
            %dma_wait3A_385 = tpu.memref_squeeze %dma_wait3A_384 : memref<1x128x128xf32, #tpu.memory_space<vmem>> -> memref<128x128xf32, #tpu.memory_space<vmem>>
            tpu.wait_dma2 semaphore(%dma_wait3A_379 : memref<!tpu.dma_semaphore, #tpu.memory_space<semaphore_mem>>) src(%dma_wait3A_385 : memref<128x128xf32, #tpu.memory_space<vmem>>) dst(%dma_wait3A_381 : memref<128x128xf32, #tpu.memory_space<hbm>>)
            "tpu.trace_stop"() : () -> ()
          } else {
          }
          %and3A_350 = arith.constant true
          %and3A_351 = arith.andi %and3A_346, %and3A_350 : i1
          %add3A_352 = arith.constant 1 : i32
          %add3A_353 = arith.addi %while3A_221, %add3A_352 : i32
          %select_n3A_354 = arith.select %and3A_351, %add3A_353, %while3A_221 : i32
          %ne3A_355 = arith.cmpi ne, %add3A_230, %add3A_248 : i32
          %or3A_356 = arith.constant false
          %or3A_357 = arith.ori %or3A_356, %ne3A_355 : i1
          %or3A_358 = arith.ori %or3A_357, %eq3A_229 : i1
          %add3A_359 = arith.constant 1 : i32
          %add3A_360 = arith.addi %while3A_219, %add3A_359 : i32
          %select_n3A_361 = arith.select %or3A_358, %add3A_360, %while3A_219 : i32
          %add3A_362 = arith.constant 1 : i32
          %add3A_363 = arith.addi %while3A_222, %add3A_362 : i32
          %select_n3A_364 = arith.constant true
          %select_n3A_365 = arith.select %select_n3A_364, %add3A_363, %while3A_222 : i32
          %eq3A_366 = arith.cmpi eq, %select_n3A_365, %select_n3A_37 : i32
          %select_n3A_367 = arith.constant 0 : i32
          %select_n3A_368 = arith.select %eq3A_366, %select_n3A_367, %select_n3A_365 : i32
          scf.yield %select_n3A_270, %select_n3A_361, %select_n3A_327, %select_n3A_354, %select_n3A_368 : i32, i32, i32, i32, i32
        }
        %sub3A_166 = arith.constant 1 : i32
        %sub3A_167 = arith.subi %while3A_165#4, %sub3A_166 : i32
        %select_n3A_168 = arith.constant true
        %select_n3A_169 = arith.select %select_n3A_168, %sub3A_167, %while3A_165#4 : i32
        %eq3A_170 = arith.constant -1 : i32
        %eq3A_171 = arith.cmpi eq, %select_n3A_169, %eq3A_170 : i32
        %sub3A_172 = arith.constant 1 : i32
        %sub3A_173 = arith.subi %select_n3A_37, %sub3A_172 : i32
        %select_n3A_174 = arith.select %eq3A_171, %sub3A_173, %select_n3A_169 : i32
        %sub3A_175 = arith.constant 1 : i32
        %sub3A_176 = arith.subi %mul3A_47, %sub3A_175 : i32
        %mul3A_177 = arith.constant 1 : i32
        %mul3A_178 = arith.muli %mul3A_177, %select_n3A_37 : i32
        %eq3A_179 = arith.constant 0 : i32
        %eq3A_180 = arith.cmpi eq, %sub3A_176, %eq3A_179 : i32
        %sub3A_181 = arith.constant 1 : i32
        %sub3A_182 = arith.subi %mul3A_178, %sub3A_181 : i32
        %eq3A_183 = arith.cmpi eq, %sub3A_176, %sub3A_182 : i32
        %add3A_184 = arith.addi %select_n3A_174, %select_n3A_45 : i32
        %sub3A_185 = arith.constant 1 : i32
        %sub3A_186 = arith.subi %select_n3A_174, %sub3A_185 : i32
        %select_n3A_187 = arith.constant true
        %select_n3A_188 = arith.select %select_n3A_187, %sub3A_186, %select_n3A_174 : i32
        %eq3A_189 = arith.constant -1 : i32
        %eq3A_190 = arith.cmpi eq, %select_n3A_188, %eq3A_189 : i32
        %sub3A_191 = arith.constant 1 : i32
        %sub3A_192 = arith.subi %select_n3A_37, %sub3A_191 : i32
        %select_n3A_193 = arith.select %eq3A_190, %sub3A_192, %select_n3A_188 : i32
        %add3A_194 = arith.addi %select_n3A_193, %select_n3A_45 : i32
        %add3A_195 = arith.constant 1 : i32
        %add3A_196 = arith.addi %select_n3A_174, %add3A_195 : i32
        %select_n3A_197 = arith.constant true
        %select_n3A_198 = arith.select %select_n3A_197, %add3A_196, %select_n3A_174 : i32
        %eq3A_199 = arith.cmpi eq, %select_n3A_198, %select_n3A_37 : i32
        %select_n3A_200 = arith.constant 0 : i32
        %select_n3A_201 = arith.select %eq3A_199, %select_n3A_200, %select_n3A_198 : i32
        %add3A_202 = arith.addi %select_n3A_201, %select_n3A_45 : i32
        %add3A_203 = arith.constant 1 : i32
        %add3A_204 = arith.addi %select_n3A_201, %add3A_203 : i32
        %select_n3A_205 = arith.constant true
        %select_n3A_206 = arith.select %select_n3A_205, %add3A_204, %select_n3A_201 : i32
        %eq3A_207 = arith.cmpi eq, %select_n3A_206, %select_n3A_37 : i32
        %select_n3A_208 = arith.constant 0 : i32
        %select_n3A_209 = arith.select %eq3A_207, %select_n3A_208, %select_n3A_206 : i32
        %add3A_210 = arith.addi %select_n3A_209, %select_n3A_45 : i32
        %convert_element_type3A_211 = arith.extui %eq3A_183 : i1 to i32
        %cond3A_212 = arith.constant 0 : i32
        %cond3A_213 = arith.cmpi ne, %convert_element_type3A_211, %cond3A_212 : i32
        scf.if %cond3A_213 {
        } else {
        }
        %convert_element_type3A_214 = arith.extui %eq3A_183 : i1 to i32
        %cond3A_215 = arith.constant 0 : i32
        %cond3A_216 = arith.cmpi ne, %convert_element_type3A_214, %cond3A_215 : i32
        scf.if %cond3A_216 {
          "tpu.trace_start"() <{level = 10 : i32, message = "ep_finalize"}> : () -> ()
          %rem3A_217 = arith.constant 2 : i32
          %rem3A_218 = arith.remui %while3A_165#3, %rem3A_217 : i32
          %mul3A_219 = arith.constant 128 : i32
          %mul3A_220 = arith.muli %mul3A_219, %add3A_184 : i32
          %dma_wait3A = arith.constant 0 : i32
          %dma_wait3A_221 = arith.constant 0 : i32
          %dma_wait3A_222 = tpu.memref_slice %run_scoped3A_93[%rem3A_218, %dma_wait3A, %dma_wait3A_221] : memref<2x128x128xf32, #tpu.memory_space<vmem>> -> memref<1x128x128xf32, #tpu.memory_space<vmem>>
          %dma_wait3A_223 = tpu.memref_squeeze %dma_wait3A_222 : memref<1x128x128xf32, #tpu.memory_space<vmem>> -> memref<128x128xf32, #tpu.memory_space<vmem>>
          %dma_wait3A_224 = arith.constant 0 : i32
          %dma_wait3A_225 = tpu.memref_slice %arg14[%mul3A_220, %dma_wait3A_224] : memref<1024x128xf32, #tpu.memory_space<hbm>> -> memref<128x128xf32, #tpu.memory_space<hbm>>
          %dma_wait3A_226 = tpu.memref_slice %run_scoped3A_94[%rem3A_218] : memref<2x!tpu.dma_semaphore, #tpu.memory_space<semaphore_mem>> -> memref<1x!tpu.dma_semaphore, #tpu.memory_space<semaphore_mem>>
          %dma_wait3A_227 = tpu.memref_squeeze %dma_wait3A_226 : memref<1x!tpu.dma_semaphore, #tpu.memory_space<semaphore_mem>> -> memref<!tpu.dma_semaphore, #tpu.memory_space<semaphore_mem>>
          %dma_wait3A_228 = arith.constant 0 : i32
          %dma_wait3A_229 = tpu.memref_slice %arg14[%mul3A_220, %dma_wait3A_228] : memref<1024x128xf32, #tpu.memory_space<hbm>> -> memref<128x128xf32, #tpu.memory_space<hbm>>
          %dma_wait3A_230 = arith.constant 0 : i32
          %dma_wait3A_231 = arith.constant 0 : i32
          %dma_wait3A_232 = tpu.memref_slice %run_scoped3A_93[%rem3A_218, %dma_wait3A_230, %dma_wait3A_231] : memref<2x128x128xf32, #tpu.memory_space<vmem>> -> memref<1x128x128xf32, #tpu.memory_space<vmem>>
          %dma_wait3A_233 = tpu.memref_squeeze %dma_wait3A_232 : memref<1x128x128xf32, #tpu.memory_space<vmem>> -> memref<128x128xf32, #tpu.memory_space<vmem>>
          tpu.wait_dma2 semaphore(%dma_wait3A_227 : memref<!tpu.dma_semaphore, #tpu.memory_space<semaphore_mem>>) src(%dma_wait3A_233 : memref<128x128xf32, #tpu.memory_space<vmem>>) dst(%dma_wait3A_229 : memref<128x128xf32, #tpu.memory_space<hbm>>)
          "tpu.trace_stop"() : () -> ()
        } else {
        }
      } else {
      }
      tpu.yield
    }) : () -> ()
    %mul3A_48 = arith.constant 1 : i32
    %mul3A_49 = arith.muli %arg1, %mul3A_48 : i32
    %add3A_50 = arith.constant 0 : i32
    %add3A_51 = arith.addi %add3A_50, %mul3A_49 : i32
    %mul3A_52 = arith.constant 16 : i32
    %mul3A_53 = arith.muli %arg0, %mul3A_52 : i32
    %add3A_54 = arith.addi %add3A_51, %mul3A_53 : i32
    %lt3A_55 = arith.constant 8 : i32
    %lt3A_56 = arith.cmpi slt, %add3A_54, %lt3A_55 : i32
    %jit3A_57 = arith.constant 1 : i32
    %jit3A_58 = arith.constant 0 : i32
    %select_n3A_59 = arith.select %lt3A_56, %jit3A_57, %jit3A_58 : i32
    %lt3A_60 = arith.constant 8 : i32
    %lt3A_61 = arith.cmpi slt, %add3A_54, %lt3A_60 : i32
    %mul3A_62 = arith.muli %add3A_54, %select_n3A_59 : i32
    %mul3A_63 = arith.constant 0 : i32
    %mul3A_64 = arith.muli %add3A_54, %mul3A_63 : i32
    %add3A_65 = arith.constant 8 : i32
    %add3A_66 = arith.addi %mul3A_64, %add3A_65 : i32
    %select_n3A_67 = arith.select %lt3A_61, %mul3A_62, %add3A_66 : i32
    %mul3A_68 = arith.constant 1 : i32
    %mul3A_69 = arith.muli %mul3A_68, %select_n3A_59 : i32
    "tpu.region"() ({
      %run_scoped3A = memref.alloca() : memref<2x1x128xi32, #tpu.memory_space<vmem>>
      %run_scoped3A_92 = tpu.sem_alloc : memref<2x!tpu.dma_semaphore, #tpu.memory_space<semaphore_mem>>
      %run_scoped3A_93 = memref.alloca() : memref<2x128x128xf32, #tpu.memory_space<vmem>>
      %run_scoped3A_94 = tpu.sem_alloc : memref<2x!tpu.dma_semaphore, #tpu.memory_space<semaphore_mem>>
      %gt3A = arith.constant 0 : i32
      %gt3A_95 = arith.cmpi sgt, %mul3A_69, %gt3A : i32
      %convert_element_type3A = arith.extui %gt3A_95 : i1 to i32
      %cond3A = arith.constant 0 : i32
      %cond3A_96 = arith.cmpi ne, %convert_element_type3A, %cond3A : i32
      scf.if %cond3A_96 {
        %mul3A_97 = arith.constant 1 : i32
        %mul3A_98 = arith.muli %mul3A_97, %select_n3A_59 : i32
        %sub3A = arith.constant 1 : i32
        %sub3A_99 = arith.subi %mul3A_98, %sub3A : i32
        %eq3A = arith.constant 0 : i32
        %eq3A_100 = arith.cmpi eq, %sub3A_99, %eq3A : i32
        %add3A_101 = arith.constant 0 : i32
        %add3A_102 = arith.addi %add3A_101, %select_n3A_67 : i32
        %select_n3A_103 = arith.constant true
        %select_n3A_104 = arith.constant 0 : i32
        %select_n3A_105 = arith.constant -1 : i32
        %select_n3A_106 = arith.select %select_n3A_103, %select_n3A_105, %select_n3A_104 : i32
        %eq3A_107 = arith.constant -1 : i32
        %eq3A_108 = arith.cmpi eq, %select_n3A_106, %eq3A_107 : i32
        %sub3A_109 = arith.constant 1 : i32
        %sub3A_110 = arith.subi %select_n3A_59, %sub3A_109 : i32
        %select_n3A_111 = arith.select %eq3A_108, %sub3A_110, %select_n3A_106 : i32
        %add3A_112 = arith.addi %select_n3A_111, %select_n3A_67 : i32
        %select_n3A_113 = arith.constant true
        %select_n3A_114 = arith.constant 0 : i32
        %select_n3A_115 = arith.constant 1 : i32
        %select_n3A_116 = arith.select %select_n3A_113, %select_n3A_115, %select_n3A_114 : i32
        %eq3A_117 = arith.cmpi eq, %select_n3A_116, %select_n3A_59 : i32
        %select_n3A_118 = arith.constant 0 : i32
        %select_n3A_119 = arith.select %eq3A_117, %select_n3A_118, %select_n3A_116 : i32
        %add3A_120 = arith.addi %select_n3A_119, %select_n3A_67 : i32
        %add3A_121 = arith.constant 1 : i32
        %add3A_122 = arith.addi %select_n3A_119, %add3A_121 : i32
        %select_n3A_123 = arith.constant true
        %select_n3A_124 = arith.select %select_n3A_123, %add3A_122, %select_n3A_119 : i32
        %eq3A_125 = arith.cmpi eq, %select_n3A_124, %select_n3A_59 : i32
        %select_n3A_126 = arith.constant 0 : i32
        %select_n3A_127 = arith.select %eq3A_125, %select_n3A_126, %select_n3A_124 : i32
        %add3A_128 = arith.addi %select_n3A_127, %select_n3A_67 : i32
        "tpu.trace_start"() <{level = 10 : i32, message = "ep_initialize_0"}> : () -> ()
        %rem3A = arith.constant 0 : i32
        %rem3A_129 = arith.constant 2 : i32
        %rem3A_130 = arith.remui %rem3A, %rem3A_129 : i32
        %mul3A_131 = arith.constant 128 : i32
        %mul3A_132 = arith.muli %mul3A_131, %add3A_102 : i32
        %dma_start3A = arith.constant 0 : i32
        %dma_start3A_133 = arith.constant 0 : i32
        %dma_start3A_134 = tpu.memref_slice %run_scoped3A[%rem3A_130, %dma_start3A, %dma_start3A_133] : memref<2x1x128xi32, #tpu.memory_space<vmem>> -> memref<1x1x128xi32, #tpu.memory_space<vmem>>
        %dma_start3A_135 = tpu.memref_squeeze %dma_start3A_134 : memref<1x1x128xi32, #tpu.memory_space<vmem>> -> memref<1x128xi32, #tpu.memory_space<vmem>>
        %dma_start3A_136 = arith.constant 0 : i32
        %dma_start3A_137 = tpu.memref_slice %arg9[%dma_start3A_136, %mul3A_132] : memref<1x1024xi32, #tpu.memory_space<hbm>> -> memref<1x128xi32, #tpu.memory_space<hbm>>
        %dma_start3A_138 = tpu.memref_slice %run_scoped3A_92[%rem3A_130] : memref<2x!tpu.dma_semaphore, #tpu.memory_space<semaphore_mem>> -> memref<1x!tpu.dma_semaphore, #tpu.memory_space<semaphore_mem>>
        %dma_start3A_139 = tpu.memref_squeeze %dma_start3A_138 : memref<1x!tpu.dma_semaphore, #tpu.memory_space<semaphore_mem>> -> memref<!tpu.dma_semaphore, #tpu.memory_space<semaphore_mem>>
        %dma_start3A_140 = arith.constant 0 : i32
        %dma_start3A_141 = arith.constant 0 : i32
        %dma_start3A_142 = tpu.memref_slice %run_scoped3A[%rem3A_130, %dma_start3A_140, %dma_start3A_141] : memref<2x1x128xi32, #tpu.memory_space<vmem>> -> memref<1x1x128xi32, #tpu.memory_space<vmem>>
        %dma_start3A_143 = tpu.memref_squeeze %dma_start3A_142 : memref<1x1x128xi32, #tpu.memory_space<vmem>> -> memref<1x128xi32, #tpu.memory_space<vmem>>
        %dma_start3A_144 = arith.constant 0 : i32
        %dma_start3A_145 = tpu.memref_slice %arg9[%dma_start3A_144, %mul3A_132] : memref<1x1024xi32, #tpu.memory_space<hbm>> -> memref<1x128xi32, #tpu.memory_space<hbm>>
        tpu.enqueue_dma source(%dma_start3A_145 : memref<1x128xi32, #tpu.memory_space<hbm>>) target(%dma_start3A_143 : memref<1x128xi32, #tpu.memory_space<vmem>>) target_semaphore(%dma_start3A_139 : memref<!tpu.dma_semaphore, #tpu.memory_space<semaphore_mem>>)
        %add3A_146 = arith.constant 0 : i32
        %add3A_147 = arith.constant 1 : i32
        %add3A_148 = arith.addi %add3A_146, %add3A_147 : i32
        %select_n3A_149 = arith.constant true
        %select_n3A_150 = arith.constant 0 : i32
        %select_n3A_151 = arith.select %select_n3A_149, %add3A_148, %select_n3A_150 : i32
        %while3A = arith.constant 0 : i32
        %while3A_152 = arith.constant 0 : i32
        %while3A_153 = arith.constant 0 : i32
        %while3A_154 = arith.constant 0 : i32
        %while3A_155 = arith.constant 0 : i32
        "tpu.trace_stop"() : () -> ()
        %while3A_156 = arith.subi %mul3A_69, %while3A : i32
        %while3A_157 = arith.addi %while3A, %while3A_156 : i32
        %while3A_158 = arith.constant 1 : i32
        %while3A_159 = arith.divsi %while3A_156, %while3A_158 : i32
        %while3A_160 = arith.muli %while3A_159, %while3A_158 : i32
        %while3A_161 = arith.addi %while3A, %while3A_160 : i32
        %while3A_162 = arith.constant 1 : i32
        %while3A_163:5 = scf.for %while3A_217 = %while3A to %while3A_161 step %while3A_162 iter_args(%while3A_218 = %select_n3A_151, %while3A_219 = %while3A_152, %while3A_220 = %while3A_153, %while3A_221 = %while3A_154, %while3A_222 = %while3A_155) -> (i32, i32, i32, i32, i32)  : i32 {
          %mul3A_223 = arith.constant 1 : i32
          %mul3A_224 = arith.muli %mul3A_223, %select_n3A_59 : i32
          %eq3A_225 = arith.constant 0 : i32
          %eq3A_226 = arith.cmpi eq, %while3A_217, %eq3A_225 : i32
          %sub3A_227 = arith.constant 1 : i32
          %sub3A_228 = arith.subi %mul3A_224, %sub3A_227 : i32
          %eq3A_229 = arith.cmpi eq, %while3A_217, %sub3A_228 : i32
          %add3A_230 = arith.addi %while3A_222, %select_n3A_67 : i32
          %sub3A_231 = arith.constant 1 : i32
          %sub3A_232 = arith.subi %while3A_222, %sub3A_231 : i32
          %select_n3A_233 = arith.constant true
          %select_n3A_234 = arith.select %select_n3A_233, %sub3A_232, %while3A_222 : i32
          %eq3A_235 = arith.constant -1 : i32
          %eq3A_236 = arith.cmpi eq, %select_n3A_234, %eq3A_235 : i32
          %sub3A_237 = arith.constant 1 : i32
          %sub3A_238 = arith.subi %select_n3A_59, %sub3A_237 : i32
          %select_n3A_239 = arith.select %eq3A_236, %sub3A_238, %select_n3A_234 : i32
          %add3A_240 = arith.addi %select_n3A_239, %select_n3A_67 : i32
          %add3A_241 = arith.constant 1 : i32
          %add3A_242 = arith.addi %while3A_222, %add3A_241 : i32
          %select_n3A_243 = arith.constant true
          %select_n3A_244 = arith.select %select_n3A_243, %add3A_242, %while3A_222 : i32
          %eq3A_245 = arith.cmpi eq, %select_n3A_244, %select_n3A_59 : i32
          %select_n3A_246 = arith.constant 0 : i32
          %select_n3A_247 = arith.select %eq3A_245, %select_n3A_246, %select_n3A_244 : i32
          %add3A_248 = arith.addi %select_n3A_247, %select_n3A_67 : i32
          %add3A_249 = arith.constant 1 : i32
          %add3A_250 = arith.addi %select_n3A_247, %add3A_249 : i32
          %select_n3A_251 = arith.constant true
          %select_n3A_252 = arith.select %select_n3A_251, %add3A_250, %select_n3A_247 : i32
          %eq3A_253 = arith.cmpi eq, %select_n3A_252, %select_n3A_59 : i32
          %select_n3A_254 = arith.constant 0 : i32
          %select_n3A_255 = arith.select %eq3A_253, %select_n3A_254, %select_n3A_252 : i32
          %add3A_256 = arith.addi %select_n3A_255, %select_n3A_67 : i32
          %ne3A = arith.cmpi ne, %add3A_230, %add3A_248 : i32
          %or3A = arith.constant false
          %or3A_257 = arith.ori %or3A, %ne3A : i1
          %sub3A_258 = arith.constant 2 : i32
          %sub3A_259 = arith.subi %mul3A_224, %sub3A_258 : i32
          %add3A_260 = arith.constant 1 : i32
          %add3A_261 = arith.addi %sub3A_259, %add3A_260 : i32
          %ge3A = arith.cmpi sge, %while3A_217, %add3A_261 : i32
          %not3A = arith.constant true
          %not3A_262 = arith.xori %ge3A, %not3A : i1
          %and3A = arith.andi %or3A_257, %not3A_262 : i1
          %convert_element_type3A_263 = arith.extui %and3A : i1 to i32
          %cond3A_264 = arith.constant 0 : i32
          %cond3A_265 = arith.cmpi ne, %convert_element_type3A_263, %cond3A_264 : i32
          scf.if %cond3A_265 {
            "tpu.trace_start"() <{level = 10 : i32, message = "ep_copy_in"}> : () -> ()
            %rem3A_369 = arith.constant 2 : i32
            %rem3A_370 = arith.remui %while3A_218, %rem3A_369 : i32
            %mul3A_371 = arith.constant 128 : i32
            %mul3A_372 = arith.muli %mul3A_371, %add3A_248 : i32
            %dma_start3A_373 = arith.constant 0 : i32
            %dma_start3A_374 = arith.constant 0 : i32
            %dma_start3A_375 = tpu.memref_slice %run_scoped3A[%rem3A_370, %dma_start3A_373, %dma_start3A_374] : memref<2x1x128xi32, #tpu.memory_space<vmem>> -> memref<1x1x128xi32, #tpu.memory_space<vmem>>
            %dma_start3A_376 = tpu.memref_squeeze %dma_start3A_375 : memref<1x1x128xi32, #tpu.memory_space<vmem>> -> memref<1x128xi32, #tpu.memory_space<vmem>>
            %dma_start3A_377 = arith.constant 0 : i32
            %dma_start3A_378 = tpu.memref_slice %arg9[%dma_start3A_377, %mul3A_372] : memref<1x1024xi32, #tpu.memory_space<hbm>> -> memref<1x128xi32, #tpu.memory_space<hbm>>
            %dma_start3A_379 = tpu.memref_slice %run_scoped3A_92[%rem3A_370] : memref<2x!tpu.dma_semaphore, #tpu.memory_space<semaphore_mem>> -> memref<1x!tpu.dma_semaphore, #tpu.memory_space<semaphore_mem>>
            %dma_start3A_380 = tpu.memref_squeeze %dma_start3A_379 : memref<1x!tpu.dma_semaphore, #tpu.memory_space<semaphore_mem>> -> memref<!tpu.dma_semaphore, #tpu.memory_space<semaphore_mem>>
            %dma_start3A_381 = arith.constant 0 : i32
            %dma_start3A_382 = arith.constant 0 : i32
            %dma_start3A_383 = tpu.memref_slice %run_scoped3A[%rem3A_370, %dma_start3A_381, %dma_start3A_382] : memref<2x1x128xi32, #tpu.memory_space<vmem>> -> memref<1x1x128xi32, #tpu.memory_space<vmem>>
            %dma_start3A_384 = tpu.memref_squeeze %dma_start3A_383 : memref<1x1x128xi32, #tpu.memory_space<vmem>> -> memref<1x128xi32, #tpu.memory_space<vmem>>
            %dma_start3A_385 = arith.constant 0 : i32
            %dma_start3A_386 = tpu.memref_slice %arg9[%dma_start3A_385, %mul3A_372] : memref<1x1024xi32, #tpu.memory_space<hbm>> -> memref<1x128xi32, #tpu.memory_space<hbm>>
            tpu.enqueue_dma source(%dma_start3A_386 : memref<1x128xi32, #tpu.memory_space<hbm>>) target(%dma_start3A_384 : memref<1x128xi32, #tpu.memory_space<vmem>>) target_semaphore(%dma_start3A_380 : memref<!tpu.dma_semaphore, #tpu.memory_space<semaphore_mem>>)
            "tpu.trace_stop"() : () -> ()
          } else {
          }
          %and3A_266 = arith.constant true
          %and3A_267 = arith.andi %and3A, %and3A_266 : i1
          %add3A_268 = arith.constant 1 : i32
          %add3A_269 = arith.addi %while3A_218, %add3A_268 : i32
          %select_n3A_270 = arith.select %and3A_267, %add3A_269, %while3A_218 : i32
          %ne3A_271 = arith.cmpi ne, %add3A_230, %add3A_248 : i32
          %or3A_272 = arith.constant false
          %or3A_273 = arith.ori %or3A_272, %ne3A_271 : i1
          %or3A_274 = arith.constant false
          %or3A_275 = arith.ori %or3A_273, %or3A_274 : i1
          %sub3A_276 = arith.constant 2 : i32
          %sub3A_277 = arith.subi %mul3A_224, %sub3A_276 : i32
          %add3A_278 = arith.constant 1 : i32
          %add3A_279 = arith.addi %sub3A_277, %add3A_278 : i32
          %ge3A_280 = arith.cmpi sge, %while3A_217, %add3A_279 : i32
          %not3A_281 = arith.constant true
          %not3A_282 = arith.xori %ge3A_280, %not3A_281 : i1
          %and3A_283 = arith.andi %or3A_275, %not3A_282 : i1
          %ne3A_284 = arith.cmpi ne, %add3A_230, %add3A_240 : i32
          %or3A_285 = arith.constant false
          %or3A_286 = arith.ori %or3A_285, %ne3A_284 : i1
          %or3A_287 = arith.ori %or3A_286, %eq3A_226 : i1
          %convert_element_type3A_288 = arith.extui %or3A_287 : i1 to i32
          %cond3A_289 = arith.constant 0 : i32
          %cond3A_290 = arith.cmpi ne, %convert_element_type3A_288, %cond3A_289 : i32
          scf.if %cond3A_290 {
            "tpu.trace_start"() <{level = 10 : i32, message = "ep_wait_in"}> : () -> ()
            %mul3A_369 = arith.constant 128 : i32
            %mul3A_370 = arith.muli %mul3A_369, %add3A_230 : i32
            %rem3A_371 = arith.constant 2 : i32
            %rem3A_372 = arith.remui %while3A_219, %rem3A_371 : i32
            %dma_wait3A = arith.constant 0 : i32
            %dma_wait3A_373 = arith.constant 0 : i32
            %dma_wait3A_374 = tpu.memref_slice %run_scoped3A[%rem3A_372, %dma_wait3A, %dma_wait3A_373] : memref<2x1x128xi32, #tpu.memory_space<vmem>> -> memref<1x1x128xi32, #tpu.memory_space<vmem>>
            %dma_wait3A_375 = tpu.memref_squeeze %dma_wait3A_374 : memref<1x1x128xi32, #tpu.memory_space<vmem>> -> memref<1x128xi32, #tpu.memory_space<vmem>>
            %dma_wait3A_376 = arith.constant 0 : i32
            %dma_wait3A_377 = tpu.memref_slice %arg9[%dma_wait3A_376, %mul3A_370] : memref<1x1024xi32, #tpu.memory_space<hbm>> -> memref<1x128xi32, #tpu.memory_space<hbm>>
            %dma_wait3A_378 = tpu.memref_slice %run_scoped3A_92[%rem3A_372] : memref<2x!tpu.dma_semaphore, #tpu.memory_space<semaphore_mem>> -> memref<1x!tpu.dma_semaphore, #tpu.memory_space<semaphore_mem>>
            %dma_wait3A_379 = tpu.memref_squeeze %dma_wait3A_378 : memref<1x!tpu.dma_semaphore, #tpu.memory_space<semaphore_mem>> -> memref<!tpu.dma_semaphore, #tpu.memory_space<semaphore_mem>>
            %dma_wait3A_380 = arith.constant 0 : i32
            %dma_wait3A_381 = arith.constant 0 : i32
            %dma_wait3A_382 = tpu.memref_slice %run_scoped3A[%rem3A_372, %dma_wait3A_380, %dma_wait3A_381] : memref<2x1x128xi32, #tpu.memory_space<vmem>> -> memref<1x1x128xi32, #tpu.memory_space<vmem>>
            %dma_wait3A_383 = tpu.memref_squeeze %dma_wait3A_382 : memref<1x1x128xi32, #tpu.memory_space<vmem>> -> memref<1x128xi32, #tpu.memory_space<vmem>>
            %dma_wait3A_384 = arith.constant 0 : i32
            %dma_wait3A_385 = tpu.memref_slice %arg9[%dma_wait3A_384, %mul3A_370] : memref<1x1024xi32, #tpu.memory_space<hbm>> -> memref<1x128xi32, #tpu.memory_space<hbm>>
            tpu.wait_dma2 semaphore(%dma_wait3A_379 : memref<!tpu.dma_semaphore, #tpu.memory_space<semaphore_mem>>) src(%dma_wait3A_385 : memref<1x128xi32, #tpu.memory_space<hbm>>) dst(%dma_wait3A_383 : memref<1x128xi32, #tpu.memory_space<vmem>>)
            "tpu.trace_stop"() : () -> ()
          } else {
          }
          %ne3A_291 = arith.cmpi ne, %add3A_230, %add3A_240 : i32
          %or3A_292 = arith.constant false
          %or3A_293 = arith.ori %or3A_292, %ne3A_291 : i1
          %or3A_294 = arith.constant false
          %or3A_295 = arith.ori %or3A_293, %or3A_294 : i1
          %or3A_296 = arith.ori %or3A_295, %eq3A_226 : i1
          %convert_element_type3A_297 = arith.extui %or3A_296 : i1 to i32
          %cond3A_298 = arith.constant 0 : i32
          %cond3A_299 = arith.cmpi ne, %convert_element_type3A_297, %cond3A_298 : i32
          scf.if %cond3A_299 {
          } else {
          }
          %rem3A_300 = arith.constant 2 : i32
          %rem3A_301 = arith.remui %while3A_219, %rem3A_300 : i32
          %rem3A_302 = arith.constant 2 : i32
          %rem3A_303 = arith.remui %while3A_220, %rem3A_302 : i32
          %run_scoped3A_304 = arith.constant 0 : i32
          "tpu.trace_start"() <{level = 10 : i32, message = "ep_run_kernel"}> : () -> ()
          "tpu.region"() ({
            %run_scoped3A_369 = tpu.sem_alloc : memref<!tpu.dma_semaphore, #tpu.memory_space<semaphore_mem>>
            %dma_start3A_370 = arith.constant 0 : i32
            %dma_start3A_371 = arith.constant 0 : i32
            %dma_start3A_372 = tpu.memref_slice %run_scoped3A_93[%rem3A_303, %dma_start3A_370, %dma_start3A_371] : memref<2x128x128xf32, #tpu.memory_space<vmem>> -> memref<1x128x128xf32, #tpu.memory_space<vmem>>
            %dma_start3A_373 = tpu.memref_squeeze %dma_start3A_372 : memref<1x128x128xf32, #tpu.memory_space<vmem>> -> memref<128x128xf32, #tpu.memory_space<vmem>>
            %dma_start3A_374 = arith.constant 0 : i32
            %dma_start3A_375 = arith.constant 0 : i32
            %dma_start3A_376 = tpu.memref_slice %run_scoped3A[%rem3A_301, %dma_start3A_374, %dma_start3A_375] : memref<2x1x128xi32, #tpu.memory_space<vmem>> -> memref<1x1x128xi32, #tpu.memory_space<vmem>>
            %dma_start3A_377 = tpu.memref_squeeze %dma_start3A_376 : memref<1x1x128xi32, #tpu.memory_space<vmem>> -> memref<1x128xi32, #tpu.memory_space<vmem>>
            %dma_start3A_378 = arith.constant 0 : i32
            %dma_start3A_379 = tpu.memref_slice %dma_start3A_377[%run_scoped3A_304, %dma_start3A_378] : memref<1x128xi32, #tpu.memory_space<vmem>> -> memref<1x128xi32, #tpu.memory_space<vmem>>
            %dma_start3A_380 = tpu.memref_squeeze %dma_start3A_379 : memref<1x128xi32, #tpu.memory_space<vmem>> -> memref<128xi32, #tpu.memory_space<vmem>>
            %dma_start3A_381 = arith.constant 0 : i32
            %dma_start3A_382 = arith.constant 0 : i32
            %dma_start3A_383 = tpu.memref_slice %arg8[%dma_start3A_381, %dma_start3A_382] : memref<782x128xf32, #tpu.memory_space<hbm>> -> memref<782x128xf32, #tpu.memory_space<hbm>>
            tpu.enqueue_indirect_dma source(%dma_start3A_383 : memref<782x128xf32, #tpu.memory_space<hbm>>) target(%dma_start3A_373 : memref<128x128xf32, #tpu.memory_space<vmem>>) offsets(%dma_start3A_380 : memref<128xi32, #tpu.memory_space<vmem>>) semaphore(%run_scoped3A_369 : memref<!tpu.dma_semaphore, #tpu.memory_space<semaphore_mem>>)
            %dma_wait3A = arith.constant 0 : i32
            %dma_wait3A_384 = arith.constant 0 : i32
            %dma_wait3A_385 = tpu.memref_slice %run_scoped3A_93[%rem3A_303, %dma_wait3A, %dma_wait3A_384] : memref<2x128x128xf32, #tpu.memory_space<vmem>> -> memref<1x128x128xf32, #tpu.memory_space<vmem>>
            %dma_wait3A_386 = tpu.memref_squeeze %dma_wait3A_385 : memref<1x128x128xf32, #tpu.memory_space<vmem>> -> memref<128x128xf32, #tpu.memory_space<vmem>>
            %dma_wait3A_387 = arith.constant 0 : i32
            %dma_wait3A_388 = arith.constant 0 : i32
            %dma_wait3A_389 = tpu.memref_slice %run_scoped3A[%rem3A_301, %dma_wait3A_387, %dma_wait3A_388] : memref<2x1x128xi32, #tpu.memory_space<vmem>> -> memref<1x1x128xi32, #tpu.memory_space<vmem>>
            %dma_wait3A_390 = tpu.memref_squeeze %dma_wait3A_389 : memref<1x1x128xi32, #tpu.memory_space<vmem>> -> memref<1x128xi32, #tpu.memory_space<vmem>>
            %dma_wait3A_391 = arith.constant 0 : i32
            %dma_wait3A_392 = tpu.memref_slice %dma_wait3A_390[%run_scoped3A_304, %dma_wait3A_391] : memref<1x128xi32, #tpu.memory_space<vmem>> -> memref<1x128xi32, #tpu.memory_space<vmem>>
            %dma_wait3A_393 = tpu.memref_squeeze %dma_wait3A_392 : memref<1x128xi32, #tpu.memory_space<vmem>> -> memref<128xi32, #tpu.memory_space<vmem>>
            %dma_wait3A_394 = arith.constant 0 : i32
            %dma_wait3A_395 = arith.constant 0 : i32
            %dma_wait3A_396 = tpu.memref_slice %arg8[%dma_wait3A_394, %dma_wait3A_395] : memref<782x128xf32, #tpu.memory_space<hbm>> -> memref<782x128xf32, #tpu.memory_space<hbm>>
            tpu.wait_indirect_dma semaphore(%run_scoped3A_369 : memref<!tpu.dma_semaphore, #tpu.memory_space<semaphore_mem>>) src(%dma_wait3A_396 : memref<782x128xf32, #tpu.memory_space<hbm>>) dst(%dma_wait3A_386 : memref<128x128xf32, #tpu.memory_space<vmem>>)
            tpu.yield
          }) : () -> ()
          "tpu.trace_stop"() : () -> ()
          %ne3A_305 = arith.cmpi ne, %add3A_230, %add3A_248 : i32
          %or3A_306 = arith.constant false
          %or3A_307 = arith.ori %or3A_306, %ne3A_305 : i1
          %or3A_308 = arith.ori %or3A_307, %eq3A_229 : i1
          %convert_element_type3A_309 = arith.extui %or3A_308 : i1 to i32
          %cond3A_310 = arith.constant 0 : i32
          %cond3A_311 = arith.cmpi ne, %convert_element_type3A_309, %cond3A_310 : i32
          scf.if %cond3A_311 {
          } else {
          }
          %and3A_312 = arith.constant false
          %and3A_313 = arith.andi %or3A_308, %and3A_312 : i1
          %ne3A_314 = arith.cmpi ne, %add3A_230, %add3A_248 : i32
          %or3A_315 = arith.constant false
          %or3A_316 = arith.ori %or3A_315, %ne3A_314 : i1
          %or3A_317 = arith.constant false
          %or3A_318 = arith.ori %or3A_316, %or3A_317 : i1
          %or3A_319 = arith.ori %or3A_318, %eq3A_229 : i1
          %convert_element_type3A_320 = arith.extui %or3A_319 : i1 to i32
          %cond3A_321 = arith.constant 0 : i32
          %cond3A_322 = arith.cmpi ne, %convert_element_type3A_320, %cond3A_321 : i32
          scf.if %cond3A_322 {
            "tpu.trace_start"() <{level = 10 : i32, message = "ep_copy_out"}> : () -> ()
            %rem3A_369 = arith.constant 2 : i32
            %rem3A_370 = arith.remui %while3A_220, %rem3A_369 : i32
            %mul3A_371 = arith.constant 128 : i32
            %mul3A_372 = arith.muli %mul3A_371, %add3A_230 : i32
            %dma_start3A_373 = arith.constant 0 : i32
            %dma_start3A_374 = arith.constant 0 : i32
            %dma_start3A_375 = tpu.memref_slice %run_scoped3A_93[%rem3A_370, %dma_start3A_373, %dma_start3A_374] : memref<2x128x128xf32, #tpu.memory_space<vmem>> -> memref<1x128x128xf32, #tpu.memory_space<vmem>>
            %dma_start3A_376 = tpu.memref_squeeze %dma_start3A_375 : memref<1x128x128xf32, #tpu.memory_space<vmem>> -> memref<128x128xf32, #tpu.memory_space<vmem>>
            %dma_start3A_377 = arith.constant 0 : i32
            %dma_start3A_378 = tpu.memref_slice %arg15[%mul3A_372, %dma_start3A_377] : memref<1024x128xf32, #tpu.memory_space<hbm>> -> memref<128x128xf32, #tpu.memory_space<hbm>>
            %dma_start3A_379 = tpu.memref_slice %run_scoped3A_94[%rem3A_370] : memref<2x!tpu.dma_semaphore, #tpu.memory_space<semaphore_mem>> -> memref<1x!tpu.dma_semaphore, #tpu.memory_space<semaphore_mem>>
            %dma_start3A_380 = tpu.memref_squeeze %dma_start3A_379 : memref<1x!tpu.dma_semaphore, #tpu.memory_space<semaphore_mem>> -> memref<!tpu.dma_semaphore, #tpu.memory_space<semaphore_mem>>
            %dma_start3A_381 = arith.constant 0 : i32
            %dma_start3A_382 = tpu.memref_slice %arg15[%mul3A_372, %dma_start3A_381] : memref<1024x128xf32, #tpu.memory_space<hbm>> -> memref<128x128xf32, #tpu.memory_space<hbm>>
            %dma_start3A_383 = arith.constant 0 : i32
            %dma_start3A_384 = arith.constant 0 : i32
            %dma_start3A_385 = tpu.memref_slice %run_scoped3A_93[%rem3A_370, %dma_start3A_383, %dma_start3A_384] : memref<2x128x128xf32, #tpu.memory_space<vmem>> -> memref<1x128x128xf32, #tpu.memory_space<vmem>>
            %dma_start3A_386 = tpu.memref_squeeze %dma_start3A_385 : memref<1x128x128xf32, #tpu.memory_space<vmem>> -> memref<128x128xf32, #tpu.memory_space<vmem>>
            tpu.enqueue_dma source(%dma_start3A_386 : memref<128x128xf32, #tpu.memory_space<vmem>>) target(%dma_start3A_382 : memref<128x128xf32, #tpu.memory_space<hbm>>) target_semaphore(%dma_start3A_380 : memref<!tpu.dma_semaphore, #tpu.memory_space<semaphore_mem>>)
            "tpu.trace_stop"() : () -> ()
          } else {
          }
          %and3A_323 = arith.constant true
          %and3A_324 = arith.andi %or3A_319, %and3A_323 : i1
          %add3A_325 = arith.constant 1 : i32
          %add3A_326 = arith.addi %while3A_220, %add3A_325 : i32
          %select_n3A_327 = arith.select %and3A_324, %add3A_326, %while3A_220 : i32
          %ne3A_328 = arith.cmpi ne, %add3A_230, %add3A_240 : i32
          %or3A_329 = arith.constant false
          %or3A_330 = arith.ori %or3A_329, %ne3A_328 : i1
          %not3A_331 = arith.constant true
          %not3A_332 = arith.xori %eq3A_226, %not3A_331 : i1
          %and3A_333 = arith.andi %or3A_330, %not3A_332 : i1
          %convert_element_type3A_334 = arith.extui %and3A_333 : i1 to i32
          %cond3A_335 = arith.constant 0 : i32
          %cond3A_336 = arith.cmpi ne, %convert_element_type3A_334, %cond3A_335 : i32
          scf.if %cond3A_336 {
          } else {
          }
          %and3A_337 = arith.constant false
          %and3A_338 = arith.andi %and3A_333, %and3A_337 : i1
          %ne3A_339 = arith.cmpi ne, %add3A_230, %add3A_240 : i32
          %or3A_340 = arith.constant false
          %or3A_341 = arith.ori %or3A_340, %ne3A_339 : i1
          %or3A_342 = arith.constant false
          %or3A_343 = arith.ori %or3A_341, %or3A_342 : i1
          %not3A_344 = arith.constant true
          %not3A_345 = arith.xori %eq3A_226, %not3A_344 : i1
          %and3A_346 = arith.andi %or3A_343, %not3A_345 : i1
          %convert_element_type3A_347 = arith.extui %and3A_346 : i1 to i32
          %cond3A_348 = arith.constant 0 : i32
          %cond3A_349 = arith.cmpi ne, %convert_element_type3A_347, %cond3A_348 : i32
          scf.if %cond3A_349 {
            "tpu.trace_start"() <{level = 10 : i32, message = "ep_wait_out"}> : () -> ()
            %rem3A_369 = arith.constant 2 : i32
            %rem3A_370 = arith.remui %while3A_221, %rem3A_369 : i32
            %mul3A_371 = arith.constant 128 : i32
            %mul3A_372 = arith.muli %mul3A_371, %add3A_240 : i32
            %dma_wait3A = arith.constant 0 : i32
            %dma_wait3A_373 = arith.constant 0 : i32
            %dma_wait3A_374 = tpu.memref_slice %run_scoped3A_93[%rem3A_370, %dma_wait3A, %dma_wait3A_373] : memref<2x128x128xf32, #tpu.memory_space<vmem>> -> memref<1x128x128xf32, #tpu.memory_space<vmem>>
            %dma_wait3A_375 = tpu.memref_squeeze %dma_wait3A_374 : memref<1x128x128xf32, #tpu.memory_space<vmem>> -> memref<128x128xf32, #tpu.memory_space<vmem>>
            %dma_wait3A_376 = arith.constant 0 : i32
            %dma_wait3A_377 = tpu.memref_slice %arg15[%mul3A_372, %dma_wait3A_376] : memref<1024x128xf32, #tpu.memory_space<hbm>> -> memref<128x128xf32, #tpu.memory_space<hbm>>
            %dma_wait3A_378 = tpu.memref_slice %run_scoped3A_94[%rem3A_370] : memref<2x!tpu.dma_semaphore, #tpu.memory_space<semaphore_mem>> -> memref<1x!tpu.dma_semaphore, #tpu.memory_space<semaphore_mem>>
            %dma_wait3A_379 = tpu.memref_squeeze %dma_wait3A_378 : memref<1x!tpu.dma_semaphore, #tpu.memory_space<semaphore_mem>> -> memref<!tpu.dma_semaphore, #tpu.memory_space<semaphore_mem>>
            %dma_wait3A_380 = arith.constant 0 : i32
            %dma_wait3A_381 = tpu.memref_slice %arg15[%mul3A_372, %dma_wait3A_380] : memref<1024x128xf32, #tpu.memory_space<hbm>> -> memref<128x128xf32, #tpu.memory_space<hbm>>
            %dma_wait3A_382 = arith.constant 0 : i32
            %dma_wait3A_383 = arith.constant 0 : i32
            %dma_wait3A_384 = tpu.memref_slice %run_scoped3A_93[%rem3A_370, %dma_wait3A_382, %dma_wait3A_383] : memref<2x128x128xf32, #tpu.memory_space<vmem>> -> memref<1x128x128xf32, #tpu.memory_space<vmem>>
            %dma_wait3A_385 = tpu.memref_squeeze %dma_wait3A_384 : memref<1x128x128xf32, #tpu.memory_space<vmem>> -> memref<128x128xf32, #tpu.memory_space<vmem>>
            tpu.wait_dma2 semaphore(%dma_wait3A_379 : memref<!tpu.dma_semaphore, #tpu.memory_space<semaphore_mem>>) src(%dma_wait3A_385 : memref<128x128xf32, #tpu.memory_space<vmem>>) dst(%dma_wait3A_381 : memref<128x128xf32, #tpu.memory_space<hbm>>)
            "tpu.trace_stop"() : () -> ()
          } else {
          }
          %and3A_350 = arith.constant true
          %and3A_351 = arith.andi %and3A_346, %and3A_350 : i1
          %add3A_352 = arith.constant 1 : i32
          %add3A_353 = arith.addi %while3A_221, %add3A_352 : i32
          %select_n3A_354 = arith.select %and3A_351, %add3A_353, %while3A_221 : i32
          %ne3A_355 = arith.cmpi ne, %add3A_230, %add3A_248 : i32
          %or3A_356 = arith.constant false
          %or3A_357 = arith.ori %or3A_356, %ne3A_355 : i1
          %or3A_358 = arith.ori %or3A_357, %eq3A_229 : i1
          %add3A_359 = arith.constant 1 : i32
          %add3A_360 = arith.addi %while3A_219, %add3A_359 : i32
          %select_n3A_361 = arith.select %or3A_358, %add3A_360, %while3A_219 : i32
          %add3A_362 = arith.constant 1 : i32
          %add3A_363 = arith.addi %while3A_222, %add3A_362 : i32
          %select_n3A_364 = arith.constant true
          %select_n3A_365 = arith.select %select_n3A_364, %add3A_363, %while3A_222 : i32
          %eq3A_366 = arith.cmpi eq, %select_n3A_365, %select_n3A_59 : i32
          %select_n3A_367 = arith.constant 0 : i32
          %select_n3A_368 = arith.select %eq3A_366, %select_n3A_367, %select_n3A_365 : i32
          scf.yield %select_n3A_270, %select_n3A_361, %select_n3A_327, %select_n3A_354, %select_n3A_368 : i32, i32, i32, i32, i32
        }
        %while3A_164 = arith.constant 1 : i32
        %while3A_165:5 = scf.for %while3A_217 = %while3A_161 to %while3A_157 step %while3A_164 iter_args(%while3A_218 = %while3A_163#0, %while3A_219 = %while3A_163#1, %while3A_220 = %while3A_163#2, %while3A_221 = %while3A_163#3, %while3A_222 = %while3A_163#4) -> (i32, i32, i32, i32, i32)  : i32 {
          %mul3A_223 = arith.constant 1 : i32
          %mul3A_224 = arith.muli %mul3A_223, %select_n3A_59 : i32
          %eq3A_225 = arith.constant 0 : i32
          %eq3A_226 = arith.cmpi eq, %while3A_217, %eq3A_225 : i32
          %sub3A_227 = arith.constant 1 : i32
          %sub3A_228 = arith.subi %mul3A_224, %sub3A_227 : i32
          %eq3A_229 = arith.cmpi eq, %while3A_217, %sub3A_228 : i32
          %add3A_230 = arith.addi %while3A_222, %select_n3A_67 : i32
          %sub3A_231 = arith.constant 1 : i32
          %sub3A_232 = arith.subi %while3A_222, %sub3A_231 : i32
          %select_n3A_233 = arith.constant true
          %select_n3A_234 = arith.select %select_n3A_233, %sub3A_232, %while3A_222 : i32
          %eq3A_235 = arith.constant -1 : i32
          %eq3A_236 = arith.cmpi eq, %select_n3A_234, %eq3A_235 : i32
          %sub3A_237 = arith.constant 1 : i32
          %sub3A_238 = arith.subi %select_n3A_59, %sub3A_237 : i32
          %select_n3A_239 = arith.select %eq3A_236, %sub3A_238, %select_n3A_234 : i32
          %add3A_240 = arith.addi %select_n3A_239, %select_n3A_67 : i32
          %add3A_241 = arith.constant 1 : i32
          %add3A_242 = arith.addi %while3A_222, %add3A_241 : i32
          %select_n3A_243 = arith.constant true
          %select_n3A_244 = arith.select %select_n3A_243, %add3A_242, %while3A_222 : i32
          %eq3A_245 = arith.cmpi eq, %select_n3A_244, %select_n3A_59 : i32
          %select_n3A_246 = arith.constant 0 : i32
          %select_n3A_247 = arith.select %eq3A_245, %select_n3A_246, %select_n3A_244 : i32
          %add3A_248 = arith.addi %select_n3A_247, %select_n3A_67 : i32
          %add3A_249 = arith.constant 1 : i32
          %add3A_250 = arith.addi %select_n3A_247, %add3A_249 : i32
          %select_n3A_251 = arith.constant true
          %select_n3A_252 = arith.select %select_n3A_251, %add3A_250, %select_n3A_247 : i32
          %eq3A_253 = arith.cmpi eq, %select_n3A_252, %select_n3A_59 : i32
          %select_n3A_254 = arith.constant 0 : i32
          %select_n3A_255 = arith.select %eq3A_253, %select_n3A_254, %select_n3A_252 : i32
          %add3A_256 = arith.addi %select_n3A_255, %select_n3A_67 : i32
          %ne3A = arith.cmpi ne, %add3A_230, %add3A_248 : i32
          %or3A = arith.constant false
          %or3A_257 = arith.ori %or3A, %ne3A : i1
          %sub3A_258 = arith.constant 2 : i32
          %sub3A_259 = arith.subi %mul3A_224, %sub3A_258 : i32
          %add3A_260 = arith.constant 1 : i32
          %add3A_261 = arith.addi %sub3A_259, %add3A_260 : i32
          %ge3A = arith.cmpi sge, %while3A_217, %add3A_261 : i32
          %not3A = arith.constant true
          %not3A_262 = arith.xori %ge3A, %not3A : i1
          %and3A = arith.andi %or3A_257, %not3A_262 : i1
          %convert_element_type3A_263 = arith.extui %and3A : i1 to i32
          %cond3A_264 = arith.constant 0 : i32
          %cond3A_265 = arith.cmpi ne, %convert_element_type3A_263, %cond3A_264 : i32
          scf.if %cond3A_265 {
            "tpu.trace_start"() <{level = 10 : i32, message = "ep_copy_in"}> : () -> ()
            %rem3A_369 = arith.constant 2 : i32
            %rem3A_370 = arith.remui %while3A_218, %rem3A_369 : i32
            %mul3A_371 = arith.constant 128 : i32
            %mul3A_372 = arith.muli %mul3A_371, %add3A_248 : i32
            %dma_start3A_373 = arith.constant 0 : i32
            %dma_start3A_374 = arith.constant 0 : i32
            %dma_start3A_375 = tpu.memref_slice %run_scoped3A[%rem3A_370, %dma_start3A_373, %dma_start3A_374] : memref<2x1x128xi32, #tpu.memory_space<vmem>> -> memref<1x1x128xi32, #tpu.memory_space<vmem>>
            %dma_start3A_376 = tpu.memref_squeeze %dma_start3A_375 : memref<1x1x128xi32, #tpu.memory_space<vmem>> -> memref<1x128xi32, #tpu.memory_space<vmem>>
            %dma_start3A_377 = arith.constant 0 : i32
            %dma_start3A_378 = tpu.memref_slice %arg9[%dma_start3A_377, %mul3A_372] : memref<1x1024xi32, #tpu.memory_space<hbm>> -> memref<1x128xi32, #tpu.memory_space<hbm>>
            %dma_start3A_379 = tpu.memref_slice %run_scoped3A_92[%rem3A_370] : memref<2x!tpu.dma_semaphore, #tpu.memory_space<semaphore_mem>> -> memref<1x!tpu.dma_semaphore, #tpu.memory_space<semaphore_mem>>
            %dma_start3A_380 = tpu.memref_squeeze %dma_start3A_379 : memref<1x!tpu.dma_semaphore, #tpu.memory_space<semaphore_mem>> -> memref<!tpu.dma_semaphore, #tpu.memory_space<semaphore_mem>>
            %dma_start3A_381 = arith.constant 0 : i32
            %dma_start3A_382 = arith.constant 0 : i32
            %dma_start3A_383 = tpu.memref_slice %run_scoped3A[%rem3A_370, %dma_start3A_381, %dma_start3A_382] : memref<2x1x128xi32, #tpu.memory_space<vmem>> -> memref<1x1x128xi32, #tpu.memory_space<vmem>>
            %dma_start3A_384 = tpu.memref_squeeze %dma_start3A_383 : memref<1x1x128xi32, #tpu.memory_space<vmem>> -> memref<1x128xi32, #tpu.memory_space<vmem>>
            %dma_start3A_385 = arith.constant 0 : i32
            %dma_start3A_386 = tpu.memref_slice %arg9[%dma_start3A_385, %mul3A_372] : memref<1x1024xi32, #tpu.memory_space<hbm>> -> memref<1x128xi32, #tpu.memory_space<hbm>>
            tpu.enqueue_dma source(%dma_start3A_386 : memref<1x128xi32, #tpu.memory_space<hbm>>) target(%dma_start3A_384 : memref<1x128xi32, #tpu.memory_space<vmem>>) target_semaphore(%dma_start3A_380 : memref<!tpu.dma_semaphore, #tpu.memory_space<semaphore_mem>>)
            "tpu.trace_stop"() : () -> ()
          } else {
          }
          %and3A_266 = arith.constant true
          %and3A_267 = arith.andi %and3A, %and3A_266 : i1
          %add3A_268 = arith.constant 1 : i32
          %add3A_269 = arith.addi %while3A_218, %add3A_268 : i32
          %select_n3A_270 = arith.select %and3A_267, %add3A_269, %while3A_218 : i32
          %ne3A_271 = arith.cmpi ne, %add3A_230, %add3A_248 : i32
          %or3A_272 = arith.constant false
          %or3A_273 = arith.ori %or3A_272, %ne3A_271 : i1
          %or3A_274 = arith.constant false
          %or3A_275 = arith.ori %or3A_273, %or3A_274 : i1
          %sub3A_276 = arith.constant 2 : i32
          %sub3A_277 = arith.subi %mul3A_224, %sub3A_276 : i32
          %add3A_278 = arith.constant 1 : i32
          %add3A_279 = arith.addi %sub3A_277, %add3A_278 : i32
          %ge3A_280 = arith.cmpi sge, %while3A_217, %add3A_279 : i32
          %not3A_281 = arith.constant true
          %not3A_282 = arith.xori %ge3A_280, %not3A_281 : i1
          %and3A_283 = arith.andi %or3A_275, %not3A_282 : i1
          %ne3A_284 = arith.cmpi ne, %add3A_230, %add3A_240 : i32
          %or3A_285 = arith.constant false
          %or3A_286 = arith.ori %or3A_285, %ne3A_284 : i1
          %or3A_287 = arith.ori %or3A_286, %eq3A_226 : i1
          %convert_element_type3A_288 = arith.extui %or3A_287 : i1 to i32
          %cond3A_289 = arith.constant 0 : i32
          %cond3A_290 = arith.cmpi ne, %convert_element_type3A_288, %cond3A_289 : i32
          scf.if %cond3A_290 {
            "tpu.trace_start"() <{level = 10 : i32, message = "ep_wait_in"}> : () -> ()
            %mul3A_369 = arith.constant 128 : i32
            %mul3A_370 = arith.muli %mul3A_369, %add3A_230 : i32
            %rem3A_371 = arith.constant 2 : i32
            %rem3A_372 = arith.remui %while3A_219, %rem3A_371 : i32
            %dma_wait3A = arith.constant 0 : i32
            %dma_wait3A_373 = arith.constant 0 : i32
            %dma_wait3A_374 = tpu.memref_slice %run_scoped3A[%rem3A_372, %dma_wait3A, %dma_wait3A_373] : memref<2x1x128xi32, #tpu.memory_space<vmem>> -> memref<1x1x128xi32, #tpu.memory_space<vmem>>
            %dma_wait3A_375 = tpu.memref_squeeze %dma_wait3A_374 : memref<1x1x128xi32, #tpu.memory_space<vmem>> -> memref<1x128xi32, #tpu.memory_space<vmem>>
            %dma_wait3A_376 = arith.constant 0 : i32
            %dma_wait3A_377 = tpu.memref_slice %arg9[%dma_wait3A_376, %mul3A_370] : memref<1x1024xi32, #tpu.memory_space<hbm>> -> memref<1x128xi32, #tpu.memory_space<hbm>>
            %dma_wait3A_378 = tpu.memref_slice %run_scoped3A_92[%rem3A_372] : memref<2x!tpu.dma_semaphore, #tpu.memory_space<semaphore_mem>> -> memref<1x!tpu.dma_semaphore, #tpu.memory_space<semaphore_mem>>
            %dma_wait3A_379 = tpu.memref_squeeze %dma_wait3A_378 : memref<1x!tpu.dma_semaphore, #tpu.memory_space<semaphore_mem>> -> memref<!tpu.dma_semaphore, #tpu.memory_space<semaphore_mem>>
            %dma_wait3A_380 = arith.constant 0 : i32
            %dma_wait3A_381 = arith.constant 0 : i32
            %dma_wait3A_382 = tpu.memref_slice %run_scoped3A[%rem3A_372, %dma_wait3A_380, %dma_wait3A_381] : memref<2x1x128xi32, #tpu.memory_space<vmem>> -> memref<1x1x128xi32, #tpu.memory_space<vmem>>
            %dma_wait3A_383 = tpu.memref_squeeze %dma_wait3A_382 : memref<1x1x128xi32, #tpu.memory_space<vmem>> -> memref<1x128xi32, #tpu.memory_space<vmem>>
            %dma_wait3A_384 = arith.constant 0 : i32
            %dma_wait3A_385 = tpu.memref_slice %arg9[%dma_wait3A_384, %mul3A_370] : memref<1x1024xi32, #tpu.memory_space<hbm>> -> memref<1x128xi32, #tpu.memory_space<hbm>>
            tpu.wait_dma2 semaphore(%dma_wait3A_379 : memref<!tpu.dma_semaphore, #tpu.memory_space<semaphore_mem>>) src(%dma_wait3A_385 : memref<1x128xi32, #tpu.memory_space<hbm>>) dst(%dma_wait3A_383 : memref<1x128xi32, #tpu.memory_space<vmem>>)
            "tpu.trace_stop"() : () -> ()
          } else {
          }
          %ne3A_291 = arith.cmpi ne, %add3A_230, %add3A_240 : i32
          %or3A_292 = arith.constant false
          %or3A_293 = arith.ori %or3A_292, %ne3A_291 : i1
          %or3A_294 = arith.constant false
          %or3A_295 = arith.ori %or3A_293, %or3A_294 : i1
          %or3A_296 = arith.ori %or3A_295, %eq3A_226 : i1
          %convert_element_type3A_297 = arith.extui %or3A_296 : i1 to i32
          %cond3A_298 = arith.constant 0 : i32
          %cond3A_299 = arith.cmpi ne, %convert_element_type3A_297, %cond3A_298 : i32
          scf.if %cond3A_299 {
          } else {
          }
          %rem3A_300 = arith.constant 2 : i32
          %rem3A_301 = arith.remui %while3A_219, %rem3A_300 : i32
          %rem3A_302 = arith.constant 2 : i32
          %rem3A_303 = arith.remui %while3A_220, %rem3A_302 : i32
          %run_scoped3A_304 = arith.constant 0 : i32
          "tpu.trace_start"() <{level = 10 : i32, message = "ep_run_kernel"}> : () -> ()
          "tpu.region"() ({
            %run_scoped3A_369 = tpu.sem_alloc : memref<!tpu.dma_semaphore, #tpu.memory_space<semaphore_mem>>
            %dma_start3A_370 = arith.constant 0 : i32
            %dma_start3A_371 = arith.constant 0 : i32
            %dma_start3A_372 = tpu.memref_slice %run_scoped3A_93[%rem3A_303, %dma_start3A_370, %dma_start3A_371] : memref<2x128x128xf32, #tpu.memory_space<vmem>> -> memref<1x128x128xf32, #tpu.memory_space<vmem>>
            %dma_start3A_373 = tpu.memref_squeeze %dma_start3A_372 : memref<1x128x128xf32, #tpu.memory_space<vmem>> -> memref<128x128xf32, #tpu.memory_space<vmem>>
            %dma_start3A_374 = arith.constant 0 : i32
            %dma_start3A_375 = arith.constant 0 : i32
            %dma_start3A_376 = tpu.memref_slice %run_scoped3A[%rem3A_301, %dma_start3A_374, %dma_start3A_375] : memref<2x1x128xi32, #tpu.memory_space<vmem>> -> memref<1x1x128xi32, #tpu.memory_space<vmem>>
            %dma_start3A_377 = tpu.memref_squeeze %dma_start3A_376 : memref<1x1x128xi32, #tpu.memory_space<vmem>> -> memref<1x128xi32, #tpu.memory_space<vmem>>
            %dma_start3A_378 = arith.constant 0 : i32
            %dma_start3A_379 = tpu.memref_slice %dma_start3A_377[%run_scoped3A_304, %dma_start3A_378] : memref<1x128xi32, #tpu.memory_space<vmem>> -> memref<1x128xi32, #tpu.memory_space<vmem>>
            %dma_start3A_380 = tpu.memref_squeeze %dma_start3A_379 : memref<1x128xi32, #tpu.memory_space<vmem>> -> memref<128xi32, #tpu.memory_space<vmem>>
            %dma_start3A_381 = arith.constant 0 : i32
            %dma_start3A_382 = arith.constant 0 : i32
            %dma_start3A_383 = tpu.memref_slice %arg8[%dma_start3A_381, %dma_start3A_382] : memref<782x128xf32, #tpu.memory_space<hbm>> -> memref<782x128xf32, #tpu.memory_space<hbm>>
            tpu.enqueue_indirect_dma source(%dma_start3A_383 : memref<782x128xf32, #tpu.memory_space<hbm>>) target(%dma_start3A_373 : memref<128x128xf32, #tpu.memory_space<vmem>>) offsets(%dma_start3A_380 : memref<128xi32, #tpu.memory_space<vmem>>) semaphore(%run_scoped3A_369 : memref<!tpu.dma_semaphore, #tpu.memory_space<semaphore_mem>>)
            %dma_wait3A = arith.constant 0 : i32
            %dma_wait3A_384 = arith.constant 0 : i32
            %dma_wait3A_385 = tpu.memref_slice %run_scoped3A_93[%rem3A_303, %dma_wait3A, %dma_wait3A_384] : memref<2x128x128xf32, #tpu.memory_space<vmem>> -> memref<1x128x128xf32, #tpu.memory_space<vmem>>
            %dma_wait3A_386 = tpu.memref_squeeze %dma_wait3A_385 : memref<1x128x128xf32, #tpu.memory_space<vmem>> -> memref<128x128xf32, #tpu.memory_space<vmem>>
            %dma_wait3A_387 = arith.constant 0 : i32
            %dma_wait3A_388 = arith.constant 0 : i32
            %dma_wait3A_389 = tpu.memref_slice %run_scoped3A[%rem3A_301, %dma_wait3A_387, %dma_wait3A_388] : memref<2x1x128xi32, #tpu.memory_space<vmem>> -> memref<1x1x128xi32, #tpu.memory_space<vmem>>
            %dma_wait3A_390 = tpu.memref_squeeze %dma_wait3A_389 : memref<1x1x128xi32, #tpu.memory_space<vmem>> -> memref<1x128xi32, #tpu.memory_space<vmem>>
            %dma_wait3A_391 = arith.constant 0 : i32
            %dma_wait3A_392 = tpu.memref_slice %dma_wait3A_390[%run_scoped3A_304, %dma_wait3A_391] : memref<1x128xi32, #tpu.memory_space<vmem>> -> memref<1x128xi32, #tpu.memory_space<vmem>>
            %dma_wait3A_393 = tpu.memref_squeeze %dma_wait3A_392 : memref<1x128xi32, #tpu.memory_space<vmem>> -> memref<128xi32, #tpu.memory_space<vmem>>
            %dma_wait3A_394 = arith.constant 0 : i32
            %dma_wait3A_395 = arith.constant 0 : i32
            %dma_wait3A_396 = tpu.memref_slice %arg8[%dma_wait3A_394, %dma_wait3A_395] : memref<782x128xf32, #tpu.memory_space<hbm>> -> memref<782x128xf32, #tpu.memory_space<hbm>>
            tpu.wait_indirect_dma semaphore(%run_scoped3A_369 : memref<!tpu.dma_semaphore, #tpu.memory_space<semaphore_mem>>) src(%dma_wait3A_396 : memref<782x128xf32, #tpu.memory_space<hbm>>) dst(%dma_wait3A_386 : memref<128x128xf32, #tpu.memory_space<vmem>>)
            tpu.yield
          }) : () -> ()
          "tpu.trace_stop"() : () -> ()
          %ne3A_305 = arith.cmpi ne, %add3A_230, %add3A_248 : i32
          %or3A_306 = arith.constant false
          %or3A_307 = arith.ori %or3A_306, %ne3A_305 : i1
          %or3A_308 = arith.ori %or3A_307, %eq3A_229 : i1
          %convert_element_type3A_309 = arith.extui %or3A_308 : i1 to i32
          %cond3A_310 = arith.constant 0 : i32
          %cond3A_311 = arith.cmpi ne, %convert_element_type3A_309, %cond3A_310 : i32
          scf.if %cond3A_311 {
          } else {
          }
          %and3A_312 = arith.constant false
          %and3A_313 = arith.andi %or3A_308, %and3A_312 : i1
          %ne3A_314 = arith.cmpi ne, %add3A_230, %add3A_248 : i32
          %or3A_315 = arith.constant false
          %or3A_316 = arith.ori %or3A_315, %ne3A_314 : i1
          %or3A_317 = arith.constant false
          %or3A_318 = arith.ori %or3A_316, %or3A_317 : i1
          %or3A_319 = arith.ori %or3A_318, %eq3A_229 : i1
          %convert_element_type3A_320 = arith.extui %or3A_319 : i1 to i32
          %cond3A_321 = arith.constant 0 : i32
          %cond3A_322 = arith.cmpi ne, %convert_element_type3A_320, %cond3A_321 : i32
          scf.if %cond3A_322 {
            "tpu.trace_start"() <{level = 10 : i32, message = "ep_copy_out"}> : () -> ()
            %rem3A_369 = arith.constant 2 : i32
            %rem3A_370 = arith.remui %while3A_220, %rem3A_369 : i32
            %mul3A_371 = arith.constant 128 : i32
            %mul3A_372 = arith.muli %mul3A_371, %add3A_230 : i32
            %dma_start3A_373 = arith.constant 0 : i32
            %dma_start3A_374 = arith.constant 0 : i32
            %dma_start3A_375 = tpu.memref_slice %run_scoped3A_93[%rem3A_370, %dma_start3A_373, %dma_start3A_374] : memref<2x128x128xf32, #tpu.memory_space<vmem>> -> memref<1x128x128xf32, #tpu.memory_space<vmem>>
            %dma_start3A_376 = tpu.memref_squeeze %dma_start3A_375 : memref<1x128x128xf32, #tpu.memory_space<vmem>> -> memref<128x128xf32, #tpu.memory_space<vmem>>
            %dma_start3A_377 = arith.constant 0 : i32
            %dma_start3A_378 = tpu.memref_slice %arg15[%mul3A_372, %dma_start3A_377] : memref<1024x128xf32, #tpu.memory_space<hbm>> -> memref<128x128xf32, #tpu.memory_space<hbm>>
            %dma_start3A_379 = tpu.memref_slice %run_scoped3A_94[%rem3A_370] : memref<2x!tpu.dma_semaphore, #tpu.memory_space<semaphore_mem>> -> memref<1x!tpu.dma_semaphore, #tpu.memory_space<semaphore_mem>>
            %dma_start3A_380 = tpu.memref_squeeze %dma_start3A_379 : memref<1x!tpu.dma_semaphore, #tpu.memory_space<semaphore_mem>> -> memref<!tpu.dma_semaphore, #tpu.memory_space<semaphore_mem>>
            %dma_start3A_381 = arith.constant 0 : i32
            %dma_start3A_382 = tpu.memref_slice %arg15[%mul3A_372, %dma_start3A_381] : memref<1024x128xf32, #tpu.memory_space<hbm>> -> memref<128x128xf32, #tpu.memory_space<hbm>>
            %dma_start3A_383 = arith.constant 0 : i32
            %dma_start3A_384 = arith.constant 0 : i32
            %dma_start3A_385 = tpu.memref_slice %run_scoped3A_93[%rem3A_370, %dma_start3A_383, %dma_start3A_384] : memref<2x128x128xf32, #tpu.memory_space<vmem>> -> memref<1x128x128xf32, #tpu.memory_space<vmem>>
            %dma_start3A_386 = tpu.memref_squeeze %dma_start3A_385 : memref<1x128x128xf32, #tpu.memory_space<vmem>> -> memref<128x128xf32, #tpu.memory_space<vmem>>
            tpu.enqueue_dma source(%dma_start3A_386 : memref<128x128xf32, #tpu.memory_space<vmem>>) target(%dma_start3A_382 : memref<128x128xf32, #tpu.memory_space<hbm>>) target_semaphore(%dma_start3A_380 : memref<!tpu.dma_semaphore, #tpu.memory_space<semaphore_mem>>)
            "tpu.trace_stop"() : () -> ()
          } else {
          }
          %and3A_323 = arith.constant true
          %and3A_324 = arith.andi %or3A_319, %and3A_323 : i1
          %add3A_325 = arith.constant 1 : i32
          %add3A_326 = arith.addi %while3A_220, %add3A_325 : i32
          %select_n3A_327 = arith.select %and3A_324, %add3A_326, %while3A_220 : i32
          %ne3A_328 = arith.cmpi ne, %add3A_230, %add3A_240 : i32
          %or3A_329 = arith.constant false
          %or3A_330 = arith.ori %or3A_329, %ne3A_328 : i1
          %not3A_331 = arith.constant true
          %not3A_332 = arith.xori %eq3A_226, %not3A_331 : i1
          %and3A_333 = arith.andi %or3A_330, %not3A_332 : i1
          %convert_element_type3A_334 = arith.extui %and3A_333 : i1 to i32
          %cond3A_335 = arith.constant 0 : i32
          %cond3A_336 = arith.cmpi ne, %convert_element_type3A_334, %cond3A_335 : i32
          scf.if %cond3A_336 {
          } else {
          }
          %and3A_337 = arith.constant false
          %and3A_338 = arith.andi %and3A_333, %and3A_337 : i1
          %ne3A_339 = arith.cmpi ne, %add3A_230, %add3A_240 : i32
          %or3A_340 = arith.constant false
          %or3A_341 = arith.ori %or3A_340, %ne3A_339 : i1
          %or3A_342 = arith.constant false
          %or3A_343 = arith.ori %or3A_341, %or3A_342 : i1
          %not3A_344 = arith.constant true
          %not3A_345 = arith.xori %eq3A_226, %not3A_344 : i1
          %and3A_346 = arith.andi %or3A_343, %not3A_345 : i1
          %convert_element_type3A_347 = arith.extui %and3A_346 : i1 to i32
          %cond3A_348 = arith.constant 0 : i32
          %cond3A_349 = arith.cmpi ne, %convert_element_type3A_347, %cond3A_348 : i32
          scf.if %cond3A_349 {
            "tpu.trace_start"() <{level = 10 : i32, message = "ep_wait_out"}> : () -> ()
            %rem3A_369 = arith.constant 2 : i32
            %rem3A_370 = arith.remui %while3A_221, %rem3A_369 : i32
            %mul3A_371 = arith.constant 128 : i32
            %mul3A_372 = arith.muli %mul3A_371, %add3A_240 : i32
            %dma_wait3A = arith.constant 0 : i32
            %dma_wait3A_373 = arith.constant 0 : i32
            %dma_wait3A_374 = tpu.memref_slice %run_scoped3A_93[%rem3A_370, %dma_wait3A, %dma_wait3A_373] : memref<2x128x128xf32, #tpu.memory_space<vmem>> -> memref<1x128x128xf32, #tpu.memory_space<vmem>>
            %dma_wait3A_375 = tpu.memref_squeeze %dma_wait3A_374 : memref<1x128x128xf32, #tpu.memory_space<vmem>> -> memref<128x128xf32, #tpu.memory_space<vmem>>
            %dma_wait3A_376 = arith.constant 0 : i32
            %dma_wait3A_377 = tpu.memref_slice %arg15[%mul3A_372, %dma_wait3A_376] : memref<1024x128xf32, #tpu.memory_space<hbm>> -> memref<128x128xf32, #tpu.memory_space<hbm>>
            %dma_wait3A_378 = tpu.memref_slice %run_scoped3A_94[%rem3A_370] : memref<2x!tpu.dma_semaphore, #tpu.memory_space<semaphore_mem>> -> memref<1x!tpu.dma_semaphore, #tpu.memory_space<semaphore_mem>>
            %dma_wait3A_379 = tpu.memref_squeeze %dma_wait3A_378 : memref<1x!tpu.dma_semaphore, #tpu.memory_space<semaphore_mem>> -> memref<!tpu.dma_semaphore, #tpu.memory_space<semaphore_mem>>
            %dma_wait3A_380 = arith.constant 0 : i32
            %dma_wait3A_381 = tpu.memref_slice %arg15[%mul3A_372, %dma_wait3A_380] : memref<1024x128xf32, #tpu.memory_space<hbm>> -> memref<128x128xf32, #tpu.memory_space<hbm>>
            %dma_wait3A_382 = arith.constant 0 : i32
            %dma_wait3A_383 = arith.constant 0 : i32
            %dma_wait3A_384 = tpu.memref_slice %run_scoped3A_93[%rem3A_370, %dma_wait3A_382, %dma_wait3A_383] : memref<2x128x128xf32, #tpu.memory_space<vmem>> -> memref<1x128x128xf32, #tpu.memory_space<vmem>>
            %dma_wait3A_385 = tpu.memref_squeeze %dma_wait3A_384 : memref<1x128x128xf32, #tpu.memory_space<vmem>> -> memref<128x128xf32, #tpu.memory_space<vmem>>
            tpu.wait_dma2 semaphore(%dma_wait3A_379 : memref<!tpu.dma_semaphore, #tpu.memory_space<semaphore_mem>>) src(%dma_wait3A_385 : memref<128x128xf32, #tpu.memory_space<vmem>>) dst(%dma_wait3A_381 : memref<128x128xf32, #tpu.memory_space<hbm>>)
            "tpu.trace_stop"() : () -> ()
          } else {
          }
          %and3A_350 = arith.constant true
          %and3A_351 = arith.andi %and3A_346, %and3A_350 : i1
          %add3A_352 = arith.constant 1 : i32
          %add3A_353 = arith.addi %while3A_221, %add3A_352 : i32
          %select_n3A_354 = arith.select %and3A_351, %add3A_353, %while3A_221 : i32
          %ne3A_355 = arith.cmpi ne, %add3A_230, %add3A_248 : i32
          %or3A_356 = arith.constant false
          %or3A_357 = arith.ori %or3A_356, %ne3A_355 : i1
          %or3A_358 = arith.ori %or3A_357, %eq3A_229 : i1
          %add3A_359 = arith.constant 1 : i32
          %add3A_360 = arith.addi %while3A_219, %add3A_359 : i32
          %select_n3A_361 = arith.select %or3A_358, %add3A_360, %while3A_219 : i32
          %add3A_362 = arith.constant 1 : i32
          %add3A_363 = arith.addi %while3A_222, %add3A_362 : i32
          %select_n3A_364 = arith.constant true
          %select_n3A_365 = arith.select %select_n3A_364, %add3A_363, %while3A_222 : i32
          %eq3A_366 = arith.cmpi eq, %select_n3A_365, %select_n3A_59 : i32
          %select_n3A_367 = arith.constant 0 : i32
          %select_n3A_368 = arith.select %eq3A_366, %select_n3A_367, %select_n3A_365 : i32
          scf.yield %select_n3A_270, %select_n3A_361, %select_n3A_327, %select_n3A_354, %select_n3A_368 : i32, i32, i32, i32, i32
        }
        %sub3A_166 = arith.constant 1 : i32
        %sub3A_167 = arith.subi %while3A_165#4, %sub3A_166 : i32
        %select_n3A_168 = arith.constant true
        %select_n3A_169 = arith.select %select_n3A_168, %sub3A_167, %while3A_165#4 : i32
        %eq3A_170 = arith.constant -1 : i32
        %eq3A_171 = arith.cmpi eq, %select_n3A_169, %eq3A_170 : i32
        %sub3A_172 = arith.constant 1 : i32
        %sub3A_173 = arith.subi %select_n3A_59, %sub3A_172 : i32
        %select_n3A_174 = arith.select %eq3A_171, %sub3A_173, %select_n3A_169 : i32
        %sub3A_175 = arith.constant 1 : i32
        %sub3A_176 = arith.subi %mul3A_69, %sub3A_175 : i32
        %mul3A_177 = arith.constant 1 : i32
        %mul3A_178 = arith.muli %mul3A_177, %select_n3A_59 : i32
        %eq3A_179 = arith.constant 0 : i32
        %eq3A_180 = arith.cmpi eq, %sub3A_176, %eq3A_179 : i32
        %sub3A_181 = arith.constant 1 : i32
        %sub3A_182 = arith.subi %mul3A_178, %sub3A_181 : i32
        %eq3A_183 = arith.cmpi eq, %sub3A_176, %sub3A_182 : i32
        %add3A_184 = arith.addi %select_n3A_174, %select_n3A_67 : i32
        %sub3A_185 = arith.constant 1 : i32
        %sub3A_186 = arith.subi %select_n3A_174, %sub3A_185 : i32
        %select_n3A_187 = arith.constant true
        %select_n3A_188 = arith.select %select_n3A_187, %sub3A_186, %select_n3A_174 : i32
        %eq3A_189 = arith.constant -1 : i32
        %eq3A_190 = arith.cmpi eq, %select_n3A_188, %eq3A_189 : i32
        %sub3A_191 = arith.constant 1 : i32
        %sub3A_192 = arith.subi %select_n3A_59, %sub3A_191 : i32
        %select_n3A_193 = arith.select %eq3A_190, %sub3A_192, %select_n3A_188 : i32
        %add3A_194 = arith.addi %select_n3A_193, %select_n3A_67 : i32
        %add3A_195 = arith.constant 1 : i32
        %add3A_196 = arith.addi %select_n3A_174, %add3A_195 : i32
        %select_n3A_197 = arith.constant true
        %select_n3A_198 = arith.select %select_n3A_197, %add3A_196, %select_n3A_174 : i32
        %eq3A_199 = arith.cmpi eq, %select_n3A_198, %select_n3A_59 : i32
        %select_n3A_200 = arith.constant 0 : i32
        %select_n3A_201 = arith.select %eq3A_199, %select_n3A_200, %select_n3A_198 : i32
        %add3A_202 = arith.addi %select_n3A_201, %select_n3A_67 : i32
        %add3A_203 = arith.constant 1 : i32
        %add3A_204 = arith.addi %select_n3A_201, %add3A_203 : i32
        %select_n3A_205 = arith.constant true
        %select_n3A_206 = arith.select %select_n3A_205, %add3A_204, %select_n3A_201 : i32
        %eq3A_207 = arith.cmpi eq, %select_n3A_206, %select_n3A_59 : i32
        %select_n3A_208 = arith.constant 0 : i32
        %select_n3A_209 = arith.select %eq3A_207, %select_n3A_208, %select_n3A_206 : i32
        %add3A_210 = arith.addi %select_n3A_209, %select_n3A_67 : i32
        %convert_element_type3A_211 = arith.extui %eq3A_183 : i1 to i32
        %cond3A_212 = arith.constant 0 : i32
        %cond3A_213 = arith.cmpi ne, %convert_element_type3A_211, %cond3A_212 : i32
        scf.if %cond3A_213 {
        } else {
        }
        %convert_element_type3A_214 = arith.extui %eq3A_183 : i1 to i32
        %cond3A_215 = arith.constant 0 : i32
        %cond3A_216 = arith.cmpi ne, %convert_element_type3A_214, %cond3A_215 : i32
        scf.if %cond3A_216 {
          "tpu.trace_start"() <{level = 10 : i32, message = "ep_finalize"}> : () -> ()
          %rem3A_217 = arith.constant 2 : i32
          %rem3A_218 = arith.remui %while3A_165#3, %rem3A_217 : i32
          %mul3A_219 = arith.constant 128 : i32
          %mul3A_220 = arith.muli %mul3A_219, %add3A_184 : i32
          %dma_wait3A = arith.constant 0 : i32
          %dma_wait3A_221 = arith.constant 0 : i32
          %dma_wait3A_222 = tpu.memref_slice %run_scoped3A_93[%rem3A_218, %dma_wait3A, %dma_wait3A_221] : memref<2x128x128xf32, #tpu.memory_space<vmem>> -> memref<1x128x128xf32, #tpu.memory_space<vmem>>
          %dma_wait3A_223 = tpu.memref_squeeze %dma_wait3A_222 : memref<1x128x128xf32, #tpu.memory_space<vmem>> -> memref<128x128xf32, #tpu.memory_space<vmem>>
          %dma_wait3A_224 = arith.constant 0 : i32
          %dma_wait3A_225 = tpu.memref_slice %arg15[%mul3A_220, %dma_wait3A_224] : memref<1024x128xf32, #tpu.memory_space<hbm>> -> memref<128x128xf32, #tpu.memory_space<hbm>>
          %dma_wait3A_226 = tpu.memref_slice %run_scoped3A_94[%rem3A_218] : memref<2x!tpu.dma_semaphore, #tpu.memory_space<semaphore_mem>> -> memref<1x!tpu.dma_semaphore, #tpu.memory_space<semaphore_mem>>
          %dma_wait3A_227 = tpu.memref_squeeze %dma_wait3A_226 : memref<1x!tpu.dma_semaphore, #tpu.memory_space<semaphore_mem>> -> memref<!tpu.dma_semaphore, #tpu.memory_space<semaphore_mem>>
          %dma_wait3A_228 = arith.constant 0 : i32
          %dma_wait3A_229 = tpu.memref_slice %arg15[%mul3A_220, %dma_wait3A_228] : memref<1024x128xf32, #tpu.memory_space<hbm>> -> memref<128x128xf32, #tpu.memory_space<hbm>>
          %dma_wait3A_230 = arith.constant 0 : i32
          %dma_wait3A_231 = arith.constant 0 : i32
          %dma_wait3A_232 = tpu.memref_slice %run_scoped3A_93[%rem3A_218, %dma_wait3A_230, %dma_wait3A_231] : memref<2x128x128xf32, #tpu.memory_space<vmem>> -> memref<1x128x128xf32, #tpu.memory_space<vmem>>
          %dma_wait3A_233 = tpu.memref_squeeze %dma_wait3A_232 : memref<1x128x128xf32, #tpu.memory_space<vmem>> -> memref<128x128xf32, #tpu.memory_space<vmem>>
          tpu.wait_dma2 semaphore(%dma_wait3A_227 : memref<!tpu.dma_semaphore, #tpu.memory_space<semaphore_mem>>) src(%dma_wait3A_233 : memref<128x128xf32, #tpu.memory_space<vmem>>) dst(%dma_wait3A_229 : memref<128x128xf32, #tpu.memory_space<hbm>>)
          "tpu.trace_stop"() : () -> ()
        } else {
        }
      } else {
      }
      tpu.yield
    }) : () -> ()
    %mul3A_70 = arith.constant 1 : i32
    %mul3A_71 = arith.muli %arg1, %mul3A_70 : i32
    %add3A_72 = arith.constant 0 : i32
    %add3A_73 = arith.addi %add3A_72, %mul3A_71 : i32
    %mul3A_74 = arith.constant 16 : i32
    %mul3A_75 = arith.muli %arg0, %mul3A_74 : i32
    %add3A_76 = arith.addi %add3A_73, %mul3A_75 : i32
    %lt3A_77 = arith.constant 8 : i32
    %lt3A_78 = arith.cmpi slt, %add3A_76, %lt3A_77 : i32
    %jit3A_79 = arith.constant 1 : i32
    %jit3A_80 = arith.constant 0 : i32
    %select_n3A_81 = arith.select %lt3A_78, %jit3A_79, %jit3A_80 : i32
    %lt3A_82 = arith.constant 8 : i32
    %lt3A_83 = arith.cmpi slt, %add3A_76, %lt3A_82 : i32
    %mul3A_84 = arith.muli %add3A_76, %select_n3A_81 : i32
    %mul3A_85 = arith.constant 0 : i32
    %mul3A_86 = arith.muli %add3A_76, %mul3A_85 : i32
    %add3A_87 = arith.constant 8 : i32
    %add3A_88 = arith.addi %mul3A_86, %add3A_87 : i32
    %select_n3A_89 = arith.select %lt3A_83, %mul3A_84, %add3A_88 : i32
    %mul3A_90 = arith.constant 1 : i32
    %mul3A_91 = arith.muli %mul3A_90, %select_n3A_81 : i32
    "tpu.region"() ({
      %run_scoped3A = memref.alloca() : memref<2x1x128xi32, #tpu.memory_space<vmem>>
      %run_scoped3A_92 = tpu.sem_alloc : memref<2x!tpu.dma_semaphore, #tpu.memory_space<semaphore_mem>>
      %run_scoped3A_93 = memref.alloca() : memref<2x128x128xf32, #tpu.memory_space<vmem>>
      %run_scoped3A_94 = tpu.sem_alloc : memref<2x!tpu.dma_semaphore, #tpu.memory_space<semaphore_mem>>
      %gt3A = arith.constant 0 : i32
      %gt3A_95 = arith.cmpi sgt, %mul3A_91, %gt3A : i32
      %convert_element_type3A = arith.extui %gt3A_95 : i1 to i32
      %cond3A = arith.constant 0 : i32
      %cond3A_96 = arith.cmpi ne, %convert_element_type3A, %cond3A : i32
      scf.if %cond3A_96 {
        %mul3A_97 = arith.constant 1 : i32
        %mul3A_98 = arith.muli %mul3A_97, %select_n3A_81 : i32
        %sub3A = arith.constant 1 : i32
        %sub3A_99 = arith.subi %mul3A_98, %sub3A : i32
        %eq3A = arith.constant 0 : i32
        %eq3A_100 = arith.cmpi eq, %sub3A_99, %eq3A : i32
        %add3A_101 = arith.constant 0 : i32
        %add3A_102 = arith.addi %add3A_101, %select_n3A_89 : i32
        %select_n3A_103 = arith.constant true
        %select_n3A_104 = arith.constant 0 : i32
        %select_n3A_105 = arith.constant -1 : i32
        %select_n3A_106 = arith.select %select_n3A_103, %select_n3A_105, %select_n3A_104 : i32
        %eq3A_107 = arith.constant -1 : i32
        %eq3A_108 = arith.cmpi eq, %select_n3A_106, %eq3A_107 : i32
        %sub3A_109 = arith.constant 1 : i32
        %sub3A_110 = arith.subi %select_n3A_81, %sub3A_109 : i32
        %select_n3A_111 = arith.select %eq3A_108, %sub3A_110, %select_n3A_106 : i32
        %add3A_112 = arith.addi %select_n3A_111, %select_n3A_89 : i32
        %select_n3A_113 = arith.constant true
        %select_n3A_114 = arith.constant 0 : i32
        %select_n3A_115 = arith.constant 1 : i32
        %select_n3A_116 = arith.select %select_n3A_113, %select_n3A_115, %select_n3A_114 : i32
        %eq3A_117 = arith.cmpi eq, %select_n3A_116, %select_n3A_81 : i32
        %select_n3A_118 = arith.constant 0 : i32
        %select_n3A_119 = arith.select %eq3A_117, %select_n3A_118, %select_n3A_116 : i32
        %add3A_120 = arith.addi %select_n3A_119, %select_n3A_89 : i32
        %add3A_121 = arith.constant 1 : i32
        %add3A_122 = arith.addi %select_n3A_119, %add3A_121 : i32
        %select_n3A_123 = arith.constant true
        %select_n3A_124 = arith.select %select_n3A_123, %add3A_122, %select_n3A_119 : i32
        %eq3A_125 = arith.cmpi eq, %select_n3A_124, %select_n3A_81 : i32
        %select_n3A_126 = arith.constant 0 : i32
        %select_n3A_127 = arith.select %eq3A_125, %select_n3A_126, %select_n3A_124 : i32
        %add3A_128 = arith.addi %select_n3A_127, %select_n3A_89 : i32
        "tpu.trace_start"() <{level = 10 : i32, message = "ep_initialize_0"}> : () -> ()
        %rem3A = arith.constant 0 : i32
        %rem3A_129 = arith.constant 2 : i32
        %rem3A_130 = arith.remui %rem3A, %rem3A_129 : i32
        %mul3A_131 = arith.constant 128 : i32
        %mul3A_132 = arith.muli %mul3A_131, %add3A_102 : i32
        %dma_start3A = arith.constant 0 : i32
        %dma_start3A_133 = arith.constant 0 : i32
        %dma_start3A_134 = tpu.memref_slice %run_scoped3A[%rem3A_130, %dma_start3A, %dma_start3A_133] : memref<2x1x128xi32, #tpu.memory_space<vmem>> -> memref<1x1x128xi32, #tpu.memory_space<vmem>>
        %dma_start3A_135 = tpu.memref_squeeze %dma_start3A_134 : memref<1x1x128xi32, #tpu.memory_space<vmem>> -> memref<1x128xi32, #tpu.memory_space<vmem>>
        %dma_start3A_136 = arith.constant 0 : i32
        %dma_start3A_137 = tpu.memref_slice %arg11[%dma_start3A_136, %mul3A_132] : memref<1x1024xi32, #tpu.memory_space<hbm>> -> memref<1x128xi32, #tpu.memory_space<hbm>>
        %dma_start3A_138 = tpu.memref_slice %run_scoped3A_92[%rem3A_130] : memref<2x!tpu.dma_semaphore, #tpu.memory_space<semaphore_mem>> -> memref<1x!tpu.dma_semaphore, #tpu.memory_space<semaphore_mem>>
        %dma_start3A_139 = tpu.memref_squeeze %dma_start3A_138 : memref<1x!tpu.dma_semaphore, #tpu.memory_space<semaphore_mem>> -> memref<!tpu.dma_semaphore, #tpu.memory_space<semaphore_mem>>
        %dma_start3A_140 = arith.constant 0 : i32
        %dma_start3A_141 = arith.constant 0 : i32
        %dma_start3A_142 = tpu.memref_slice %run_scoped3A[%rem3A_130, %dma_start3A_140, %dma_start3A_141] : memref<2x1x128xi32, #tpu.memory_space<vmem>> -> memref<1x1x128xi32, #tpu.memory_space<vmem>>
        %dma_start3A_143 = tpu.memref_squeeze %dma_start3A_142 : memref<1x1x128xi32, #tpu.memory_space<vmem>> -> memref<1x128xi32, #tpu.memory_space<vmem>>
        %dma_start3A_144 = arith.constant 0 : i32
        %dma_start3A_145 = tpu.memref_slice %arg11[%dma_start3A_144, %mul3A_132] : memref<1x1024xi32, #tpu.memory_space<hbm>> -> memref<1x128xi32, #tpu.memory_space<hbm>>
        tpu.enqueue_dma source(%dma_start3A_145 : memref<1x128xi32, #tpu.memory_space<hbm>>) target(%dma_start3A_143 : memref<1x128xi32, #tpu.memory_space<vmem>>) target_semaphore(%dma_start3A_139 : memref<!tpu.dma_semaphore, #tpu.memory_space<semaphore_mem>>)
        %add3A_146 = arith.constant 0 : i32
        %add3A_147 = arith.constant 1 : i32
        %add3A_148 = arith.addi %add3A_146, %add3A_147 : i32
        %select_n3A_149 = arith.constant true
        %select_n3A_150 = arith.constant 0 : i32
        %select_n3A_151 = arith.select %select_n3A_149, %add3A_148, %select_n3A_150 : i32
        %while3A = arith.constant 0 : i32
        %while3A_152 = arith.constant 0 : i32
        %while3A_153 = arith.constant 0 : i32
        %while3A_154 = arith.constant 0 : i32
        %while3A_155 = arith.constant 0 : i32
        "tpu.trace_stop"() : () -> ()
        %while3A_156 = arith.subi %mul3A_91, %while3A : i32
        %while3A_157 = arith.addi %while3A, %while3A_156 : i32
        %while3A_158 = arith.constant 1 : i32
        %while3A_159 = arith.divsi %while3A_156, %while3A_158 : i32
        %while3A_160 = arith.muli %while3A_159, %while3A_158 : i32
        %while3A_161 = arith.addi %while3A, %while3A_160 : i32
        %while3A_162 = arith.constant 1 : i32
        %while3A_163:5 = scf.for %while3A_217 = %while3A to %while3A_161 step %while3A_162 iter_args(%while3A_218 = %select_n3A_151, %while3A_219 = %while3A_152, %while3A_220 = %while3A_153, %while3A_221 = %while3A_154, %while3A_222 = %while3A_155) -> (i32, i32, i32, i32, i32)  : i32 {
          %mul3A_223 = arith.constant 1 : i32
          %mul3A_224 = arith.muli %mul3A_223, %select_n3A_81 : i32
          %eq3A_225 = arith.constant 0 : i32
          %eq3A_226 = arith.cmpi eq, %while3A_217, %eq3A_225 : i32
          %sub3A_227 = arith.constant 1 : i32
          %sub3A_228 = arith.subi %mul3A_224, %sub3A_227 : i32
          %eq3A_229 = arith.cmpi eq, %while3A_217, %sub3A_228 : i32
          %add3A_230 = arith.addi %while3A_222, %select_n3A_89 : i32
          %sub3A_231 = arith.constant 1 : i32
          %sub3A_232 = arith.subi %while3A_222, %sub3A_231 : i32
          %select_n3A_233 = arith.constant true
          %select_n3A_234 = arith.select %select_n3A_233, %sub3A_232, %while3A_222 : i32
          %eq3A_235 = arith.constant -1 : i32
          %eq3A_236 = arith.cmpi eq, %select_n3A_234, %eq3A_235 : i32
          %sub3A_237 = arith.constant 1 : i32
          %sub3A_238 = arith.subi %select_n3A_81, %sub3A_237 : i32
          %select_n3A_239 = arith.select %eq3A_236, %sub3A_238, %select_n3A_234 : i32
          %add3A_240 = arith.addi %select_n3A_239, %select_n3A_89 : i32
          %add3A_241 = arith.constant 1 : i32
          %add3A_242 = arith.addi %while3A_222, %add3A_241 : i32
          %select_n3A_243 = arith.constant true
          %select_n3A_244 = arith.select %select_n3A_243, %add3A_242, %while3A_222 : i32
          %eq3A_245 = arith.cmpi eq, %select_n3A_244, %select_n3A_81 : i32
          %select_n3A_246 = arith.constant 0 : i32
          %select_n3A_247 = arith.select %eq3A_245, %select_n3A_246, %select_n3A_244 : i32
          %add3A_248 = arith.addi %select_n3A_247, %select_n3A_89 : i32
          %add3A_249 = arith.constant 1 : i32
          %add3A_250 = arith.addi %select_n3A_247, %add3A_249 : i32
          %select_n3A_251 = arith.constant true
          %select_n3A_252 = arith.select %select_n3A_251, %add3A_250, %select_n3A_247 : i32
          %eq3A_253 = arith.cmpi eq, %select_n3A_252, %select_n3A_81 : i32
          %select_n3A_254 = arith.constant 0 : i32
          %select_n3A_255 = arith.select %eq3A_253, %select_n3A_254, %select_n3A_252 : i32
          %add3A_256 = arith.addi %select_n3A_255, %select_n3A_89 : i32
          %ne3A = arith.cmpi ne, %add3A_230, %add3A_248 : i32
          %or3A = arith.constant false
          %or3A_257 = arith.ori %or3A, %ne3A : i1
          %sub3A_258 = arith.constant 2 : i32
          %sub3A_259 = arith.subi %mul3A_224, %sub3A_258 : i32
          %add3A_260 = arith.constant 1 : i32
          %add3A_261 = arith.addi %sub3A_259, %add3A_260 : i32
          %ge3A = arith.cmpi sge, %while3A_217, %add3A_261 : i32
          %not3A = arith.constant true
          %not3A_262 = arith.xori %ge3A, %not3A : i1
          %and3A = arith.andi %or3A_257, %not3A_262 : i1
          %convert_element_type3A_263 = arith.extui %and3A : i1 to i32
          %cond3A_264 = arith.constant 0 : i32
          %cond3A_265 = arith.cmpi ne, %convert_element_type3A_263, %cond3A_264 : i32
          scf.if %cond3A_265 {
            "tpu.trace_start"() <{level = 10 : i32, message = "ep_copy_in"}> : () -> ()
            %rem3A_369 = arith.constant 2 : i32
            %rem3A_370 = arith.remui %while3A_218, %rem3A_369 : i32
            %mul3A_371 = arith.constant 128 : i32
            %mul3A_372 = arith.muli %mul3A_371, %add3A_248 : i32
            %dma_start3A_373 = arith.constant 0 : i32
            %dma_start3A_374 = arith.constant 0 : i32
            %dma_start3A_375 = tpu.memref_slice %run_scoped3A[%rem3A_370, %dma_start3A_373, %dma_start3A_374] : memref<2x1x128xi32, #tpu.memory_space<vmem>> -> memref<1x1x128xi32, #tpu.memory_space<vmem>>
            %dma_start3A_376 = tpu.memref_squeeze %dma_start3A_375 : memref<1x1x128xi32, #tpu.memory_space<vmem>> -> memref<1x128xi32, #tpu.memory_space<vmem>>
            %dma_start3A_377 = arith.constant 0 : i32
            %dma_start3A_378 = tpu.memref_slice %arg11[%dma_start3A_377, %mul3A_372] : memref<1x1024xi32, #tpu.memory_space<hbm>> -> memref<1x128xi32, #tpu.memory_space<hbm>>
            %dma_start3A_379 = tpu.memref_slice %run_scoped3A_92[%rem3A_370] : memref<2x!tpu.dma_semaphore, #tpu.memory_space<semaphore_mem>> -> memref<1x!tpu.dma_semaphore, #tpu.memory_space<semaphore_mem>>
            %dma_start3A_380 = tpu.memref_squeeze %dma_start3A_379 : memref<1x!tpu.dma_semaphore, #tpu.memory_space<semaphore_mem>> -> memref<!tpu.dma_semaphore, #tpu.memory_space<semaphore_mem>>
            %dma_start3A_381 = arith.constant 0 : i32
            %dma_start3A_382 = arith.constant 0 : i32
            %dma_start3A_383 = tpu.memref_slice %run_scoped3A[%rem3A_370, %dma_start3A_381, %dma_start3A_382] : memref<2x1x128xi32, #tpu.memory_space<vmem>> -> memref<1x1x128xi32, #tpu.memory_space<vmem>>
            %dma_start3A_384 = tpu.memref_squeeze %dma_start3A_383 : memref<1x1x128xi32, #tpu.memory_space<vmem>> -> memref<1x128xi32, #tpu.memory_space<vmem>>
            %dma_start3A_385 = arith.constant 0 : i32
            %dma_start3A_386 = tpu.memref_slice %arg11[%dma_start3A_385, %mul3A_372] : memref<1x1024xi32, #tpu.memory_space<hbm>> -> memref<1x128xi32, #tpu.memory_space<hbm>>
            tpu.enqueue_dma source(%dma_start3A_386 : memref<1x128xi32, #tpu.memory_space<hbm>>) target(%dma_start3A_384 : memref<1x128xi32, #tpu.memory_space<vmem>>) target_semaphore(%dma_start3A_380 : memref<!tpu.dma_semaphore, #tpu.memory_space<semaphore_mem>>)
            "tpu.trace_stop"() : () -> ()
          } else {
          }
          %and3A_266 = arith.constant true
          %and3A_267 = arith.andi %and3A, %and3A_266 : i1
          %add3A_268 = arith.constant 1 : i32
          %add3A_269 = arith.addi %while3A_218, %add3A_268 : i32
          %select_n3A_270 = arith.select %and3A_267, %add3A_269, %while3A_218 : i32
          %ne3A_271 = arith.cmpi ne, %add3A_230, %add3A_248 : i32
          %or3A_272 = arith.constant false
          %or3A_273 = arith.ori %or3A_272, %ne3A_271 : i1
          %or3A_274 = arith.constant false
          %or3A_275 = arith.ori %or3A_273, %or3A_274 : i1
          %sub3A_276 = arith.constant 2 : i32
          %sub3A_277 = arith.subi %mul3A_224, %sub3A_276 : i32
          %add3A_278 = arith.constant 1 : i32
          %add3A_279 = arith.addi %sub3A_277, %add3A_278 : i32
          %ge3A_280 = arith.cmpi sge, %while3A_217, %add3A_279 : i32
          %not3A_281 = arith.constant true
          %not3A_282 = arith.xori %ge3A_280, %not3A_281 : i1
          %and3A_283 = arith.andi %or3A_275, %not3A_282 : i1
          %ne3A_284 = arith.cmpi ne, %add3A_230, %add3A_240 : i32
          %or3A_285 = arith.constant false
          %or3A_286 = arith.ori %or3A_285, %ne3A_284 : i1
          %or3A_287 = arith.ori %or3A_286, %eq3A_226 : i1
          %convert_element_type3A_288 = arith.extui %or3A_287 : i1 to i32
          %cond3A_289 = arith.constant 0 : i32
          %cond3A_290 = arith.cmpi ne, %convert_element_type3A_288, %cond3A_289 : i32
          scf.if %cond3A_290 {
            "tpu.trace_start"() <{level = 10 : i32, message = "ep_wait_in"}> : () -> ()
            %mul3A_369 = arith.constant 128 : i32
            %mul3A_370 = arith.muli %mul3A_369, %add3A_230 : i32
            %rem3A_371 = arith.constant 2 : i32
            %rem3A_372 = arith.remui %while3A_219, %rem3A_371 : i32
            %dma_wait3A = arith.constant 0 : i32
            %dma_wait3A_373 = arith.constant 0 : i32
            %dma_wait3A_374 = tpu.memref_slice %run_scoped3A[%rem3A_372, %dma_wait3A, %dma_wait3A_373] : memref<2x1x128xi32, #tpu.memory_space<vmem>> -> memref<1x1x128xi32, #tpu.memory_space<vmem>>
            %dma_wait3A_375 = tpu.memref_squeeze %dma_wait3A_374 : memref<1x1x128xi32, #tpu.memory_space<vmem>> -> memref<1x128xi32, #tpu.memory_space<vmem>>
            %dma_wait3A_376 = arith.constant 0 : i32
            %dma_wait3A_377 = tpu.memref_slice %arg11[%dma_wait3A_376, %mul3A_370] : memref<1x1024xi32, #tpu.memory_space<hbm>> -> memref<1x128xi32, #tpu.memory_space<hbm>>
            %dma_wait3A_378 = tpu.memref_slice %run_scoped3A_92[%rem3A_372] : memref<2x!tpu.dma_semaphore, #tpu.memory_space<semaphore_mem>> -> memref<1x!tpu.dma_semaphore, #tpu.memory_space<semaphore_mem>>
            %dma_wait3A_379 = tpu.memref_squeeze %dma_wait3A_378 : memref<1x!tpu.dma_semaphore, #tpu.memory_space<semaphore_mem>> -> memref<!tpu.dma_semaphore, #tpu.memory_space<semaphore_mem>>
            %dma_wait3A_380 = arith.constant 0 : i32
            %dma_wait3A_381 = arith.constant 0 : i32
            %dma_wait3A_382 = tpu.memref_slice %run_scoped3A[%rem3A_372, %dma_wait3A_380, %dma_wait3A_381] : memref<2x1x128xi32, #tpu.memory_space<vmem>> -> memref<1x1x128xi32, #tpu.memory_space<vmem>>
            %dma_wait3A_383 = tpu.memref_squeeze %dma_wait3A_382 : memref<1x1x128xi32, #tpu.memory_space<vmem>> -> memref<1x128xi32, #tpu.memory_space<vmem>>
            %dma_wait3A_384 = arith.constant 0 : i32
            %dma_wait3A_385 = tpu.memref_slice %arg11[%dma_wait3A_384, %mul3A_370] : memref<1x1024xi32, #tpu.memory_space<hbm>> -> memref<1x128xi32, #tpu.memory_space<hbm>>
            tpu.wait_dma2 semaphore(%dma_wait3A_379 : memref<!tpu.dma_semaphore, #tpu.memory_space<semaphore_mem>>) src(%dma_wait3A_385 : memref<1x128xi32, #tpu.memory_space<hbm>>) dst(%dma_wait3A_383 : memref<1x128xi32, #tpu.memory_space<vmem>>)
            "tpu.trace_stop"() : () -> ()
          } else {
          }
          %ne3A_291 = arith.cmpi ne, %add3A_230, %add3A_240 : i32
          %or3A_292 = arith.constant false
          %or3A_293 = arith.ori %or3A_292, %ne3A_291 : i1
          %or3A_294 = arith.constant false
          %or3A_295 = arith.ori %or3A_293, %or3A_294 : i1
          %or3A_296 = arith.ori %or3A_295, %eq3A_226 : i1
          %convert_element_type3A_297 = arith.extui %or3A_296 : i1 to i32
          %cond3A_298 = arith.constant 0 : i32
          %cond3A_299 = arith.cmpi ne, %convert_element_type3A_297, %cond3A_298 : i32
          scf.if %cond3A_299 {
          } else {
          }
          %rem3A_300 = arith.constant 2 : i32
          %rem3A_301 = arith.remui %while3A_219, %rem3A_300 : i32
          %rem3A_302 = arith.constant 2 : i32
          %rem3A_303 = arith.remui %while3A_220, %rem3A_302 : i32
          %run_scoped3A_304 = arith.constant 0 : i32
          "tpu.trace_start"() <{level = 10 : i32, message = "ep_run_kernel"}> : () -> ()
          "tpu.region"() ({
            %run_scoped3A_369 = tpu.sem_alloc : memref<!tpu.dma_semaphore, #tpu.memory_space<semaphore_mem>>
            %dma_start3A_370 = arith.constant 0 : i32
            %dma_start3A_371 = arith.constant 0 : i32
            %dma_start3A_372 = tpu.memref_slice %run_scoped3A_93[%rem3A_303, %dma_start3A_370, %dma_start3A_371] : memref<2x128x128xf32, #tpu.memory_space<vmem>> -> memref<1x128x128xf32, #tpu.memory_space<vmem>>
            %dma_start3A_373 = tpu.memref_squeeze %dma_start3A_372 : memref<1x128x128xf32, #tpu.memory_space<vmem>> -> memref<128x128xf32, #tpu.memory_space<vmem>>
            %dma_start3A_374 = arith.constant 0 : i32
            %dma_start3A_375 = arith.constant 0 : i32
            %dma_start3A_376 = tpu.memref_slice %run_scoped3A[%rem3A_301, %dma_start3A_374, %dma_start3A_375] : memref<2x1x128xi32, #tpu.memory_space<vmem>> -> memref<1x1x128xi32, #tpu.memory_space<vmem>>
            %dma_start3A_377 = tpu.memref_squeeze %dma_start3A_376 : memref<1x1x128xi32, #tpu.memory_space<vmem>> -> memref<1x128xi32, #tpu.memory_space<vmem>>
            %dma_start3A_378 = arith.constant 0 : i32
            %dma_start3A_379 = tpu.memref_slice %dma_start3A_377[%run_scoped3A_304, %dma_start3A_378] : memref<1x128xi32, #tpu.memory_space<vmem>> -> memref<1x128xi32, #tpu.memory_space<vmem>>
            %dma_start3A_380 = tpu.memref_squeeze %dma_start3A_379 : memref<1x128xi32, #tpu.memory_space<vmem>> -> memref<128xi32, #tpu.memory_space<vmem>>
            %dma_start3A_381 = arith.constant 0 : i32
            %dma_start3A_382 = arith.constant 0 : i32
            %dma_start3A_383 = tpu.memref_slice %arg10[%dma_start3A_381, %dma_start3A_382] : memref<782x128xf32, #tpu.memory_space<hbm>> -> memref<782x128xf32, #tpu.memory_space<hbm>>
            tpu.enqueue_indirect_dma source(%dma_start3A_383 : memref<782x128xf32, #tpu.memory_space<hbm>>) target(%dma_start3A_373 : memref<128x128xf32, #tpu.memory_space<vmem>>) offsets(%dma_start3A_380 : memref<128xi32, #tpu.memory_space<vmem>>) semaphore(%run_scoped3A_369 : memref<!tpu.dma_semaphore, #tpu.memory_space<semaphore_mem>>)
            %dma_wait3A = arith.constant 0 : i32
            %dma_wait3A_384 = arith.constant 0 : i32
            %dma_wait3A_385 = tpu.memref_slice %run_scoped3A_93[%rem3A_303, %dma_wait3A, %dma_wait3A_384] : memref<2x128x128xf32, #tpu.memory_space<vmem>> -> memref<1x128x128xf32, #tpu.memory_space<vmem>>
            %dma_wait3A_386 = tpu.memref_squeeze %dma_wait3A_385 : memref<1x128x128xf32, #tpu.memory_space<vmem>> -> memref<128x128xf32, #tpu.memory_space<vmem>>
            %dma_wait3A_387 = arith.constant 0 : i32
            %dma_wait3A_388 = arith.constant 0 : i32
            %dma_wait3A_389 = tpu.memref_slice %run_scoped3A[%rem3A_301, %dma_wait3A_387, %dma_wait3A_388] : memref<2x1x128xi32, #tpu.memory_space<vmem>> -> memref<1x1x128xi32, #tpu.memory_space<vmem>>
            %dma_wait3A_390 = tpu.memref_squeeze %dma_wait3A_389 : memref<1x1x128xi32, #tpu.memory_space<vmem>> -> memref<1x128xi32, #tpu.memory_space<vmem>>
            %dma_wait3A_391 = arith.constant 0 : i32
            %dma_wait3A_392 = tpu.memref_slice %dma_wait3A_390[%run_scoped3A_304, %dma_wait3A_391] : memref<1x128xi32, #tpu.memory_space<vmem>> -> memref<1x128xi32, #tpu.memory_space<vmem>>
            %dma_wait3A_393 = tpu.memref_squeeze %dma_wait3A_392 : memref<1x128xi32, #tpu.memory_space<vmem>> -> memref<128xi32, #tpu.memory_space<vmem>>
            %dma_wait3A_394 = arith.constant 0 : i32
            %dma_wait3A_395 = arith.constant 0 : i32
            %dma_wait3A_396 = tpu.memref_slice %arg10[%dma_wait3A_394, %dma_wait3A_395] : memref<782x128xf32, #tpu.memory_space<hbm>> -> memref<782x128xf32, #tpu.memory_space<hbm>>
            tpu.wait_indirect_dma semaphore(%run_scoped3A_369 : memref<!tpu.dma_semaphore, #tpu.memory_space<semaphore_mem>>) src(%dma_wait3A_396 : memref<782x128xf32, #tpu.memory_space<hbm>>) dst(%dma_wait3A_386 : memref<128x128xf32, #tpu.memory_space<vmem>>)
            tpu.yield
          }) : () -> ()
          "tpu.trace_stop"() : () -> ()
          %ne3A_305 = arith.cmpi ne, %add3A_230, %add3A_248 : i32
          %or3A_306 = arith.constant false
          %or3A_307 = arith.ori %or3A_306, %ne3A_305 : i1
          %or3A_308 = arith.ori %or3A_307, %eq3A_229 : i1
          %convert_element_type3A_309 = arith.extui %or3A_308 : i1 to i32
          %cond3A_310 = arith.constant 0 : i32
          %cond3A_311 = arith.cmpi ne, %convert_element_type3A_309, %cond3A_310 : i32
          scf.if %cond3A_311 {
          } else {
          }
          %and3A_312 = arith.constant false
          %and3A_313 = arith.andi %or3A_308, %and3A_312 : i1
          %ne3A_314 = arith.cmpi ne, %add3A_230, %add3A_248 : i32
          %or3A_315 = arith.constant false
          %or3A_316 = arith.ori %or3A_315, %ne3A_314 : i1
          %or3A_317 = arith.constant false
          %or3A_318 = arith.ori %or3A_316, %or3A_317 : i1
          %or3A_319 = arith.ori %or3A_318, %eq3A_229 : i1
          %convert_element_type3A_320 = arith.extui %or3A_319 : i1 to i32
          %cond3A_321 = arith.constant 0 : i32
          %cond3A_322 = arith.cmpi ne, %convert_element_type3A_320, %cond3A_321 : i32
          scf.if %cond3A_322 {
            "tpu.trace_start"() <{level = 10 : i32, message = "ep_copy_out"}> : () -> ()
            %rem3A_369 = arith.constant 2 : i32
            %rem3A_370 = arith.remui %while3A_220, %rem3A_369 : i32
            %mul3A_371 = arith.constant 128 : i32
            %mul3A_372 = arith.muli %mul3A_371, %add3A_230 : i32
            %dma_start3A_373 = arith.constant 0 : i32
            %dma_start3A_374 = arith.constant 0 : i32
            %dma_start3A_375 = tpu.memref_slice %run_scoped3A_93[%rem3A_370, %dma_start3A_373, %dma_start3A_374] : memref<2x128x128xf32, #tpu.memory_space<vmem>> -> memref<1x128x128xf32, #tpu.memory_space<vmem>>
            %dma_start3A_376 = tpu.memref_squeeze %dma_start3A_375 : memref<1x128x128xf32, #tpu.memory_space<vmem>> -> memref<128x128xf32, #tpu.memory_space<vmem>>
            %dma_start3A_377 = arith.constant 0 : i32
            %dma_start3A_378 = tpu.memref_slice %arg16[%mul3A_372, %dma_start3A_377] : memref<1024x128xf32, #tpu.memory_space<hbm>> -> memref<128x128xf32, #tpu.memory_space<hbm>>
            %dma_start3A_379 = tpu.memref_slice %run_scoped3A_94[%rem3A_370] : memref<2x!tpu.dma_semaphore, #tpu.memory_space<semaphore_mem>> -> memref<1x!tpu.dma_semaphore, #tpu.memory_space<semaphore_mem>>
            %dma_start3A_380 = tpu.memref_squeeze %dma_start3A_379 : memref<1x!tpu.dma_semaphore, #tpu.memory_space<semaphore_mem>> -> memref<!tpu.dma_semaphore, #tpu.memory_space<semaphore_mem>>
            %dma_start3A_381 = arith.constant 0 : i32
            %dma_start3A_382 = tpu.memref_slice %arg16[%mul3A_372, %dma_start3A_381] : memref<1024x128xf32, #tpu.memory_space<hbm>> -> memref<128x128xf32, #tpu.memory_space<hbm>>
            %dma_start3A_383 = arith.constant 0 : i32
            %dma_start3A_384 = arith.constant 0 : i32
            %dma_start3A_385 = tpu.memref_slice %run_scoped3A_93[%rem3A_370, %dma_start3A_383, %dma_start3A_384] : memref<2x128x128xf32, #tpu.memory_space<vmem>> -> memref<1x128x128xf32, #tpu.memory_space<vmem>>
            %dma_start3A_386 = tpu.memref_squeeze %dma_start3A_385 : memref<1x128x128xf32, #tpu.memory_space<vmem>> -> memref<128x128xf32, #tpu.memory_space<vmem>>
            tpu.enqueue_dma source(%dma_start3A_386 : memref<128x128xf32, #tpu.memory_space<vmem>>) target(%dma_start3A_382 : memref<128x128xf32, #tpu.memory_space<hbm>>) target_semaphore(%dma_start3A_380 : memref<!tpu.dma_semaphore, #tpu.memory_space<semaphore_mem>>)
            "tpu.trace_stop"() : () -> ()
          } else {
          }
          %and3A_323 = arith.constant true
          %and3A_324 = arith.andi %or3A_319, %and3A_323 : i1
          %add3A_325 = arith.constant 1 : i32
          %add3A_326 = arith.addi %while3A_220, %add3A_325 : i32
          %select_n3A_327 = arith.select %and3A_324, %add3A_326, %while3A_220 : i32
          %ne3A_328 = arith.cmpi ne, %add3A_230, %add3A_240 : i32
          %or3A_329 = arith.constant false
          %or3A_330 = arith.ori %or3A_329, %ne3A_328 : i1
          %not3A_331 = arith.constant true
          %not3A_332 = arith.xori %eq3A_226, %not3A_331 : i1
          %and3A_333 = arith.andi %or3A_330, %not3A_332 : i1
          %convert_element_type3A_334 = arith.extui %and3A_333 : i1 to i32
          %cond3A_335 = arith.constant 0 : i32
          %cond3A_336 = arith.cmpi ne, %convert_element_type3A_334, %cond3A_335 : i32
          scf.if %cond3A_336 {
          } else {
          }
          %and3A_337 = arith.constant false
          %and3A_338 = arith.andi %and3A_333, %and3A_337 : i1
          %ne3A_339 = arith.cmpi ne, %add3A_230, %add3A_240 : i32
          %or3A_340 = arith.constant false
          %or3A_341 = arith.ori %or3A_340, %ne3A_339 : i1
          %or3A_342 = arith.constant false
          %or3A_343 = arith.ori %or3A_341, %or3A_342 : i1
          %not3A_344 = arith.constant true
          %not3A_345 = arith.xori %eq3A_226, %not3A_344 : i1
          %and3A_346 = arith.andi %or3A_343, %not3A_345 : i1
          %convert_element_type3A_347 = arith.extui %and3A_346 : i1 to i32
          %cond3A_348 = arith.constant 0 : i32
          %cond3A_349 = arith.cmpi ne, %convert_element_type3A_347, %cond3A_348 : i32
          scf.if %cond3A_349 {
            "tpu.trace_start"() <{level = 10 : i32, message = "ep_wait_out"}> : () -> ()
            %rem3A_369 = arith.constant 2 : i32
            %rem3A_370 = arith.remui %while3A_221, %rem3A_369 : i32
            %mul3A_371 = arith.constant 128 : i32
            %mul3A_372 = arith.muli %mul3A_371, %add3A_240 : i32
            %dma_wait3A = arith.constant 0 : i32
            %dma_wait3A_373 = arith.constant 0 : i32
            %dma_wait3A_374 = tpu.memref_slice %run_scoped3A_93[%rem3A_370, %dma_wait3A, %dma_wait3A_373] : memref<2x128x128xf32, #tpu.memory_space<vmem>> -> memref<1x128x128xf32, #tpu.memory_space<vmem>>
            %dma_wait3A_375 = tpu.memref_squeeze %dma_wait3A_374 : memref<1x128x128xf32, #tpu.memory_space<vmem>> -> memref<128x128xf32, #tpu.memory_space<vmem>>
            %dma_wait3A_376 = arith.constant 0 : i32
            %dma_wait3A_377 = tpu.memref_slice %arg16[%mul3A_372, %dma_wait3A_376] : memref<1024x128xf32, #tpu.memory_space<hbm>> -> memref<128x128xf32, #tpu.memory_space<hbm>>
            %dma_wait3A_378 = tpu.memref_slice %run_scoped3A_94[%rem3A_370] : memref<2x!tpu.dma_semaphore, #tpu.memory_space<semaphore_mem>> -> memref<1x!tpu.dma_semaphore, #tpu.memory_space<semaphore_mem>>
            %dma_wait3A_379 = tpu.memref_squeeze %dma_wait3A_378 : memref<1x!tpu.dma_semaphore, #tpu.memory_space<semaphore_mem>> -> memref<!tpu.dma_semaphore, #tpu.memory_space<semaphore_mem>>
            %dma_wait3A_380 = arith.constant 0 : i32
            %dma_wait3A_381 = tpu.memref_slice %arg16[%mul3A_372, %dma_wait3A_380] : memref<1024x128xf32, #tpu.memory_space<hbm>> -> memref<128x128xf32, #tpu.memory_space<hbm>>
            %dma_wait3A_382 = arith.constant 0 : i32
            %dma_wait3A_383 = arith.constant 0 : i32
            %dma_wait3A_384 = tpu.memref_slice %run_scoped3A_93[%rem3A_370, %dma_wait3A_382, %dma_wait3A_383] : memref<2x128x128xf32, #tpu.memory_space<vmem>> -> memref<1x128x128xf32, #tpu.memory_space<vmem>>
            %dma_wait3A_385 = tpu.memref_squeeze %dma_wait3A_384 : memref<1x128x128xf32, #tpu.memory_space<vmem>> -> memref<128x128xf32, #tpu.memory_space<vmem>>
            tpu.wait_dma2 semaphore(%dma_wait3A_379 : memref<!tpu.dma_semaphore, #tpu.memory_space<semaphore_mem>>) src(%dma_wait3A_385 : memref<128x128xf32, #tpu.memory_space<vmem>>) dst(%dma_wait3A_381 : memref<128x128xf32, #tpu.memory_space<hbm>>)
            "tpu.trace_stop"() : () -> ()
          } else {
          }
          %and3A_350 = arith.constant true
          %and3A_351 = arith.andi %and3A_346, %and3A_350 : i1
          %add3A_352 = arith.constant 1 : i32
          %add3A_353 = arith.addi %while3A_221, %add3A_352 : i32
          %select_n3A_354 = arith.select %and3A_351, %add3A_353, %while3A_221 : i32
          %ne3A_355 = arith.cmpi ne, %add3A_230, %add3A_248 : i32
          %or3A_356 = arith.constant false
          %or3A_357 = arith.ori %or3A_356, %ne3A_355 : i1
          %or3A_358 = arith.ori %or3A_357, %eq3A_229 : i1
          %add3A_359 = arith.constant 1 : i32
          %add3A_360 = arith.addi %while3A_219, %add3A_359 : i32
          %select_n3A_361 = arith.select %or3A_358, %add3A_360, %while3A_219 : i32
          %add3A_362 = arith.constant 1 : i32
          %add3A_363 = arith.addi %while3A_222, %add3A_362 : i32
          %select_n3A_364 = arith.constant true
          %select_n3A_365 = arith.select %select_n3A_364, %add3A_363, %while3A_222 : i32
          %eq3A_366 = arith.cmpi eq, %select_n3A_365, %select_n3A_81 : i32
          %select_n3A_367 = arith.constant 0 : i32
          %select_n3A_368 = arith.select %eq3A_366, %select_n3A_367, %select_n3A_365 : i32
          scf.yield %select_n3A_270, %select_n3A_361, %select_n3A_327, %select_n3A_354, %select_n3A_368 : i32, i32, i32, i32, i32
        }
        %while3A_164 = arith.constant 1 : i32
        %while3A_165:5 = scf.for %while3A_217 = %while3A_161 to %while3A_157 step %while3A_164 iter_args(%while3A_218 = %while3A_163#0, %while3A_219 = %while3A_163#1, %while3A_220 = %while3A_163#2, %while3A_221 = %while3A_163#3, %while3A_222 = %while3A_163#4) -> (i32, i32, i32, i32, i32)  : i32 {
          %mul3A_223 = arith.constant 1 : i32
          %mul3A_224 = arith.muli %mul3A_223, %select_n3A_81 : i32
          %eq3A_225 = arith.constant 0 : i32
          %eq3A_226 = arith.cmpi eq, %while3A_217, %eq3A_225 : i32
          %sub3A_227 = arith.constant 1 : i32
          %sub3A_228 = arith.subi %mul3A_224, %sub3A_227 : i32
          %eq3A_229 = arith.cmpi eq, %while3A_217, %sub3A_228 : i32
          %add3A_230 = arith.addi %while3A_222, %select_n3A_89 : i32
          %sub3A_231 = arith.constant 1 : i32
          %sub3A_232 = arith.subi %while3A_222, %sub3A_231 : i32
          %select_n3A_233 = arith.constant true
          %select_n3A_234 = arith.select %select_n3A_233, %sub3A_232, %while3A_222 : i32
          %eq3A_235 = arith.constant -1 : i32
          %eq3A_236 = arith.cmpi eq, %select_n3A_234, %eq3A_235 : i32
          %sub3A_237 = arith.constant 1 : i32
          %sub3A_238 = arith.subi %select_n3A_81, %sub3A_237 : i32
          %select_n3A_239 = arith.select %eq3A_236, %sub3A_238, %select_n3A_234 : i32
          %add3A_240 = arith.addi %select_n3A_239, %select_n3A_89 : i32
          %add3A_241 = arith.constant 1 : i32
          %add3A_242 = arith.addi %while3A_222, %add3A_241 : i32
          %select_n3A_243 = arith.constant true
          %select_n3A_244 = arith.select %select_n3A_243, %add3A_242, %while3A_222 : i32
          %eq3A_245 = arith.cmpi eq, %select_n3A_244, %select_n3A_81 : i32
          %select_n3A_246 = arith.constant 0 : i32
          %select_n3A_247 = arith.select %eq3A_245, %select_n3A_246, %select_n3A_244 : i32
          %add3A_248 = arith.addi %select_n3A_247, %select_n3A_89 : i32
          %add3A_249 = arith.constant 1 : i32
          %add3A_250 = arith.addi %select_n3A_247, %add3A_249 : i32
          %select_n3A_251 = arith.constant true
          %select_n3A_252 = arith.select %select_n3A_251, %add3A_250, %select_n3A_247 : i32
          %eq3A_253 = arith.cmpi eq, %select_n3A_252, %select_n3A_81 : i32
          %select_n3A_254 = arith.constant 0 : i32
          %select_n3A_255 = arith.select %eq3A_253, %select_n3A_254, %select_n3A_252 : i32
          %add3A_256 = arith.addi %select_n3A_255, %select_n3A_89 : i32
          %ne3A = arith.cmpi ne, %add3A_230, %add3A_248 : i32
          %or3A = arith.constant false
          %or3A_257 = arith.ori %or3A, %ne3A : i1
          %sub3A_258 = arith.constant 2 : i32
          %sub3A_259 = arith.subi %mul3A_224, %sub3A_258 : i32
          %add3A_260 = arith.constant 1 : i32
          %add3A_261 = arith.addi %sub3A_259, %add3A_260 : i32
          %ge3A = arith.cmpi sge, %while3A_217, %add3A_261 : i32
          %not3A = arith.constant true
          %not3A_262 = arith.xori %ge3A, %not3A : i1
          %and3A = arith.andi %or3A_257, %not3A_262 : i1
          %convert_element_type3A_263 = arith.extui %and3A : i1 to i32
          %cond3A_264 = arith.constant 0 : i32
          %cond3A_265 = arith.cmpi ne, %convert_element_type3A_263, %cond3A_264 : i32
          scf.if %cond3A_265 {
            "tpu.trace_start"() <{level = 10 : i32, message = "ep_copy_in"}> : () -> ()
            %rem3A_369 = arith.constant 2 : i32
            %rem3A_370 = arith.remui %while3A_218, %rem3A_369 : i32
            %mul3A_371 = arith.constant 128 : i32
            %mul3A_372 = arith.muli %mul3A_371, %add3A_248 : i32
            %dma_start3A_373 = arith.constant 0 : i32
            %dma_start3A_374 = arith.constant 0 : i32
            %dma_start3A_375 = tpu.memref_slice %run_scoped3A[%rem3A_370, %dma_start3A_373, %dma_start3A_374] : memref<2x1x128xi32, #tpu.memory_space<vmem>> -> memref<1x1x128xi32, #tpu.memory_space<vmem>>
            %dma_start3A_376 = tpu.memref_squeeze %dma_start3A_375 : memref<1x1x128xi32, #tpu.memory_space<vmem>> -> memref<1x128xi32, #tpu.memory_space<vmem>>
            %dma_start3A_377 = arith.constant 0 : i32
            %dma_start3A_378 = tpu.memref_slice %arg11[%dma_start3A_377, %mul3A_372] : memref<1x1024xi32, #tpu.memory_space<hbm>> -> memref<1x128xi32, #tpu.memory_space<hbm>>
            %dma_start3A_379 = tpu.memref_slice %run_scoped3A_92[%rem3A_370] : memref<2x!tpu.dma_semaphore, #tpu.memory_space<semaphore_mem>> -> memref<1x!tpu.dma_semaphore, #tpu.memory_space<semaphore_mem>>
            %dma_start3A_380 = tpu.memref_squeeze %dma_start3A_379 : memref<1x!tpu.dma_semaphore, #tpu.memory_space<semaphore_mem>> -> memref<!tpu.dma_semaphore, #tpu.memory_space<semaphore_mem>>
            %dma_start3A_381 = arith.constant 0 : i32
            %dma_start3A_382 = arith.constant 0 : i32
            %dma_start3A_383 = tpu.memref_slice %run_scoped3A[%rem3A_370, %dma_start3A_381, %dma_start3A_382] : memref<2x1x128xi32, #tpu.memory_space<vmem>> -> memref<1x1x128xi32, #tpu.memory_space<vmem>>
            %dma_start3A_384 = tpu.memref_squeeze %dma_start3A_383 : memref<1x1x128xi32, #tpu.memory_space<vmem>> -> memref<1x128xi32, #tpu.memory_space<vmem>>
            %dma_start3A_385 = arith.constant 0 : i32
            %dma_start3A_386 = tpu.memref_slice %arg11[%dma_start3A_385, %mul3A_372] : memref<1x1024xi32, #tpu.memory_space<hbm>> -> memref<1x128xi32, #tpu.memory_space<hbm>>
            tpu.enqueue_dma source(%dma_start3A_386 : memref<1x128xi32, #tpu.memory_space<hbm>>) target(%dma_start3A_384 : memref<1x128xi32, #tpu.memory_space<vmem>>) target_semaphore(%dma_start3A_380 : memref<!tpu.dma_semaphore, #tpu.memory_space<semaphore_mem>>)
            "tpu.trace_stop"() : () -> ()
          } else {
          }
          %and3A_266 = arith.constant true
          %and3A_267 = arith.andi %and3A, %and3A_266 : i1
          %add3A_268 = arith.constant 1 : i32
          %add3A_269 = arith.addi %while3A_218, %add3A_268 : i32
          %select_n3A_270 = arith.select %and3A_267, %add3A_269, %while3A_218 : i32
          %ne3A_271 = arith.cmpi ne, %add3A_230, %add3A_248 : i32
          %or3A_272 = arith.constant false
          %or3A_273 = arith.ori %or3A_272, %ne3A_271 : i1
          %or3A_274 = arith.constant false
          %or3A_275 = arith.ori %or3A_273, %or3A_274 : i1
          %sub3A_276 = arith.constant 2 : i32
          %sub3A_277 = arith.subi %mul3A_224, %sub3A_276 : i32
          %add3A_278 = arith.constant 1 : i32
          %add3A_279 = arith.addi %sub3A_277, %add3A_278 : i32
          %ge3A_280 = arith.cmpi sge, %while3A_217, %add3A_279 : i32
          %not3A_281 = arith.constant true
          %not3A_282 = arith.xori %ge3A_280, %not3A_281 : i1
          %and3A_283 = arith.andi %or3A_275, %not3A_282 : i1
          %ne3A_284 = arith.cmpi ne, %add3A_230, %add3A_240 : i32
          %or3A_285 = arith.constant false
          %or3A_286 = arith.ori %or3A_285, %ne3A_284 : i1
          %or3A_287 = arith.ori %or3A_286, %eq3A_226 : i1
          %convert_element_type3A_288 = arith.extui %or3A_287 : i1 to i32
          %cond3A_289 = arith.constant 0 : i32
          %cond3A_290 = arith.cmpi ne, %convert_element_type3A_288, %cond3A_289 : i32
          scf.if %cond3A_290 {
            "tpu.trace_start"() <{level = 10 : i32, message = "ep_wait_in"}> : () -> ()
            %mul3A_369 = arith.constant 128 : i32
            %mul3A_370 = arith.muli %mul3A_369, %add3A_230 : i32
            %rem3A_371 = arith.constant 2 : i32
            %rem3A_372 = arith.remui %while3A_219, %rem3A_371 : i32
            %dma_wait3A = arith.constant 0 : i32
            %dma_wait3A_373 = arith.constant 0 : i32
            %dma_wait3A_374 = tpu.memref_slice %run_scoped3A[%rem3A_372, %dma_wait3A, %dma_wait3A_373] : memref<2x1x128xi32, #tpu.memory_space<vmem>> -> memref<1x1x128xi32, #tpu.memory_space<vmem>>
            %dma_wait3A_375 = tpu.memref_squeeze %dma_wait3A_374 : memref<1x1x128xi32, #tpu.memory_space<vmem>> -> memref<1x128xi32, #tpu.memory_space<vmem>>
            %dma_wait3A_376 = arith.constant 0 : i32
            %dma_wait3A_377 = tpu.memref_slice %arg11[%dma_wait3A_376, %mul3A_370] : memref<1x1024xi32, #tpu.memory_space<hbm>> -> memref<1x128xi32, #tpu.memory_space<hbm>>
            %dma_wait3A_378 = tpu.memref_slice %run_scoped3A_92[%rem3A_372] : memref<2x!tpu.dma_semaphore, #tpu.memory_space<semaphore_mem>> -> memref<1x!tpu.dma_semaphore, #tpu.memory_space<semaphore_mem>>
            %dma_wait3A_379 = tpu.memref_squeeze %dma_wait3A_378 : memref<1x!tpu.dma_semaphore, #tpu.memory_space<semaphore_mem>> -> memref<!tpu.dma_semaphore, #tpu.memory_space<semaphore_mem>>
            %dma_wait3A_380 = arith.constant 0 : i32
            %dma_wait3A_381 = arith.constant 0 : i32
            %dma_wait3A_382 = tpu.memref_slice %run_scoped3A[%rem3A_372, %dma_wait3A_380, %dma_wait3A_381] : memref<2x1x128xi32, #tpu.memory_space<vmem>> -> memref<1x1x128xi32, #tpu.memory_space<vmem>>
            %dma_wait3A_383 = tpu.memref_squeeze %dma_wait3A_382 : memref<1x1x128xi32, #tpu.memory_space<vmem>> -> memref<1x128xi32, #tpu.memory_space<vmem>>
            %dma_wait3A_384 = arith.constant 0 : i32
            %dma_wait3A_385 = tpu.memref_slice %arg11[%dma_wait3A_384, %mul3A_370] : memref<1x1024xi32, #tpu.memory_space<hbm>> -> memref<1x128xi32, #tpu.memory_space<hbm>>
            tpu.wait_dma2 semaphore(%dma_wait3A_379 : memref<!tpu.dma_semaphore, #tpu.memory_space<semaphore_mem>>) src(%dma_wait3A_385 : memref<1x128xi32, #tpu.memory_space<hbm>>) dst(%dma_wait3A_383 : memref<1x128xi32, #tpu.memory_space<vmem>>)
            "tpu.trace_stop"() : () -> ()
          } else {
          }
          %ne3A_291 = arith.cmpi ne, %add3A_230, %add3A_240 : i32
          %or3A_292 = arith.constant false
          %or3A_293 = arith.ori %or3A_292, %ne3A_291 : i1
          %or3A_294 = arith.constant false
          %or3A_295 = arith.ori %or3A_293, %or3A_294 : i1
          %or3A_296 = arith.ori %or3A_295, %eq3A_226 : i1
          %convert_element_type3A_297 = arith.extui %or3A_296 : i1 to i32
          %cond3A_298 = arith.constant 0 : i32
          %cond3A_299 = arith.cmpi ne, %convert_element_type3A_297, %cond3A_298 : i32
          scf.if %cond3A_299 {
          } else {
          }
          %rem3A_300 = arith.constant 2 : i32
          %rem3A_301 = arith.remui %while3A_219, %rem3A_300 : i32
          %rem3A_302 = arith.constant 2 : i32
          %rem3A_303 = arith.remui %while3A_220, %rem3A_302 : i32
          %run_scoped3A_304 = arith.constant 0 : i32
          "tpu.trace_start"() <{level = 10 : i32, message = "ep_run_kernel"}> : () -> ()
          "tpu.region"() ({
            %run_scoped3A_369 = tpu.sem_alloc : memref<!tpu.dma_semaphore, #tpu.memory_space<semaphore_mem>>
            %dma_start3A_370 = arith.constant 0 : i32
            %dma_start3A_371 = arith.constant 0 : i32
            %dma_start3A_372 = tpu.memref_slice %run_scoped3A_93[%rem3A_303, %dma_start3A_370, %dma_start3A_371] : memref<2x128x128xf32, #tpu.memory_space<vmem>> -> memref<1x128x128xf32, #tpu.memory_space<vmem>>
            %dma_start3A_373 = tpu.memref_squeeze %dma_start3A_372 : memref<1x128x128xf32, #tpu.memory_space<vmem>> -> memref<128x128xf32, #tpu.memory_space<vmem>>
            %dma_start3A_374 = arith.constant 0 : i32
            %dma_start3A_375 = arith.constant 0 : i32
            %dma_start3A_376 = tpu.memref_slice %run_scoped3A[%rem3A_301, %dma_start3A_374, %dma_start3A_375] : memref<2x1x128xi32, #tpu.memory_space<vmem>> -> memref<1x1x128xi32, #tpu.memory_space<vmem>>
            %dma_start3A_377 = tpu.memref_squeeze %dma_start3A_376 : memref<1x1x128xi32, #tpu.memory_space<vmem>> -> memref<1x128xi32, #tpu.memory_space<vmem>>
            %dma_start3A_378 = arith.constant 0 : i32
            %dma_start3A_379 = tpu.memref_slice %dma_start3A_377[%run_scoped3A_304, %dma_start3A_378] : memref<1x128xi32, #tpu.memory_space<vmem>> -> memref<1x128xi32, #tpu.memory_space<vmem>>
            %dma_start3A_380 = tpu.memref_squeeze %dma_start3A_379 : memref<1x128xi32, #tpu.memory_space<vmem>> -> memref<128xi32, #tpu.memory_space<vmem>>
            %dma_start3A_381 = arith.constant 0 : i32
            %dma_start3A_382 = arith.constant 0 : i32
            %dma_start3A_383 = tpu.memref_slice %arg10[%dma_start3A_381, %dma_start3A_382] : memref<782x128xf32, #tpu.memory_space<hbm>> -> memref<782x128xf32, #tpu.memory_space<hbm>>
            tpu.enqueue_indirect_dma source(%dma_start3A_383 : memref<782x128xf32, #tpu.memory_space<hbm>>) target(%dma_start3A_373 : memref<128x128xf32, #tpu.memory_space<vmem>>) offsets(%dma_start3A_380 : memref<128xi32, #tpu.memory_space<vmem>>) semaphore(%run_scoped3A_369 : memref<!tpu.dma_semaphore, #tpu.memory_space<semaphore_mem>>)
            %dma_wait3A = arith.constant 0 : i32
            %dma_wait3A_384 = arith.constant 0 : i32
            %dma_wait3A_385 = tpu.memref_slice %run_scoped3A_93[%rem3A_303, %dma_wait3A, %dma_wait3A_384] : memref<2x128x128xf32, #tpu.memory_space<vmem>> -> memref<1x128x128xf32, #tpu.memory_space<vmem>>
            %dma_wait3A_386 = tpu.memref_squeeze %dma_wait3A_385 : memref<1x128x128xf32, #tpu.memory_space<vmem>> -> memref<128x128xf32, #tpu.memory_space<vmem>>
            %dma_wait3A_387 = arith.constant 0 : i32
            %dma_wait3A_388 = arith.constant 0 : i32
            %dma_wait3A_389 = tpu.memref_slice %run_scoped3A[%rem3A_301, %dma_wait3A_387, %dma_wait3A_388] : memref<2x1x128xi32, #tpu.memory_space<vmem>> -> memref<1x1x128xi32, #tpu.memory_space<vmem>>
            %dma_wait3A_390 = tpu.memref_squeeze %dma_wait3A_389 : memref<1x1x128xi32, #tpu.memory_space<vmem>> -> memref<1x128xi32, #tpu.memory_space<vmem>>
            %dma_wait3A_391 = arith.constant 0 : i32
            %dma_wait3A_392 = tpu.memref_slice %dma_wait3A_390[%run_scoped3A_304, %dma_wait3A_391] : memref<1x128xi32, #tpu.memory_space<vmem>> -> memref<1x128xi32, #tpu.memory_space<vmem>>
            %dma_wait3A_393 = tpu.memref_squeeze %dma_wait3A_392 : memref<1x128xi32, #tpu.memory_space<vmem>> -> memref<128xi32, #tpu.memory_space<vmem>>
            %dma_wait3A_394 = arith.constant 0 : i32
            %dma_wait3A_395 = arith.constant 0 : i32
            %dma_wait3A_396 = tpu.memref_slice %arg10[%dma_wait3A_394, %dma_wait3A_395] : memref<782x128xf32, #tpu.memory_space<hbm>> -> memref<782x128xf32, #tpu.memory_space<hbm>>
            tpu.wait_indirect_dma semaphore(%run_scoped3A_369 : memref<!tpu.dma_semaphore, #tpu.memory_space<semaphore_mem>>) src(%dma_wait3A_396 : memref<782x128xf32, #tpu.memory_space<hbm>>) dst(%dma_wait3A_386 : memref<128x128xf32, #tpu.memory_space<vmem>>)
            tpu.yield
          }) : () -> ()
          "tpu.trace_stop"() : () -> ()
          %ne3A_305 = arith.cmpi ne, %add3A_230, %add3A_248 : i32
          %or3A_306 = arith.constant false
          %or3A_307 = arith.ori %or3A_306, %ne3A_305 : i1
          %or3A_308 = arith.ori %or3A_307, %eq3A_229 : i1
          %convert_element_type3A_309 = arith.extui %or3A_308 : i1 to i32
          %cond3A_310 = arith.constant 0 : i32
          %cond3A_311 = arith.cmpi ne, %convert_element_type3A_309, %cond3A_310 : i32
          scf.if %cond3A_311 {
          } else {
          }
          %and3A_312 = arith.constant false
          %and3A_313 = arith.andi %or3A_308, %and3A_312 : i1
          %ne3A_314 = arith.cmpi ne, %add3A_230, %add3A_248 : i32
          %or3A_315 = arith.constant false
          %or3A_316 = arith.ori %or3A_315, %ne3A_314 : i1
          %or3A_317 = arith.constant false
          %or3A_318 = arith.ori %or3A_316, %or3A_317 : i1
          %or3A_319 = arith.ori %or3A_318, %eq3A_229 : i1
          %convert_element_type3A_320 = arith.extui %or3A_319 : i1 to i32
          %cond3A_321 = arith.constant 0 : i32
          %cond3A_322 = arith.cmpi ne, %convert_element_type3A_320, %cond3A_321 : i32
          scf.if %cond3A_322 {
            "tpu.trace_start"() <{level = 10 : i32, message = "ep_copy_out"}> : () -> ()
            %rem3A_369 = arith.constant 2 : i32
            %rem3A_370 = arith.remui %while3A_220, %rem3A_369 : i32
            %mul3A_371 = arith.constant 128 : i32
            %mul3A_372 = arith.muli %mul3A_371, %add3A_230 : i32
            %dma_start3A_373 = arith.constant 0 : i32
            %dma_start3A_374 = arith.constant 0 : i32
            %dma_start3A_375 = tpu.memref_slice %run_scoped3A_93[%rem3A_370, %dma_start3A_373, %dma_start3A_374] : memref<2x128x128xf32, #tpu.memory_space<vmem>> -> memref<1x128x128xf32, #tpu.memory_space<vmem>>
            %dma_start3A_376 = tpu.memref_squeeze %dma_start3A_375 : memref<1x128x128xf32, #tpu.memory_space<vmem>> -> memref<128x128xf32, #tpu.memory_space<vmem>>
            %dma_start3A_377 = arith.constant 0 : i32
            %dma_start3A_378 = tpu.memref_slice %arg16[%mul3A_372, %dma_start3A_377] : memref<1024x128xf32, #tpu.memory_space<hbm>> -> memref<128x128xf32, #tpu.memory_space<hbm>>
            %dma_start3A_379 = tpu.memref_slice %run_scoped3A_94[%rem3A_370] : memref<2x!tpu.dma_semaphore, #tpu.memory_space<semaphore_mem>> -> memref<1x!tpu.dma_semaphore, #tpu.memory_space<semaphore_mem>>
            %dma_start3A_380 = tpu.memref_squeeze %dma_start3A_379 : memref<1x!tpu.dma_semaphore, #tpu.memory_space<semaphore_mem>> -> memref<!tpu.dma_semaphore, #tpu.memory_space<semaphore_mem>>
            %dma_start3A_381 = arith.constant 0 : i32
            %dma_start3A_382 = tpu.memref_slice %arg16[%mul3A_372, %dma_start3A_381] : memref<1024x128xf32, #tpu.memory_space<hbm>> -> memref<128x128xf32, #tpu.memory_space<hbm>>
            %dma_start3A_383 = arith.constant 0 : i32
            %dma_start3A_384 = arith.constant 0 : i32
            %dma_start3A_385 = tpu.memref_slice %run_scoped3A_93[%rem3A_370, %dma_start3A_383, %dma_start3A_384] : memref<2x128x128xf32, #tpu.memory_space<vmem>> -> memref<1x128x128xf32, #tpu.memory_space<vmem>>
            %dma_start3A_386 = tpu.memref_squeeze %dma_start3A_385 : memref<1x128x128xf32, #tpu.memory_space<vmem>> -> memref<128x128xf32, #tpu.memory_space<vmem>>
            tpu.enqueue_dma source(%dma_start3A_386 : memref<128x128xf32, #tpu.memory_space<vmem>>) target(%dma_start3A_382 : memref<128x128xf32, #tpu.memory_space<hbm>>) target_semaphore(%dma_start3A_380 : memref<!tpu.dma_semaphore, #tpu.memory_space<semaphore_mem>>)
            "tpu.trace_stop"() : () -> ()
          } else {
          }
          %and3A_323 = arith.constant true
          %and3A_324 = arith.andi %or3A_319, %and3A_323 : i1
          %add3A_325 = arith.constant 1 : i32
          %add3A_326 = arith.addi %while3A_220, %add3A_325 : i32
          %select_n3A_327 = arith.select %and3A_324, %add3A_326, %while3A_220 : i32
          %ne3A_328 = arith.cmpi ne, %add3A_230, %add3A_240 : i32
          %or3A_329 = arith.constant false
          %or3A_330 = arith.ori %or3A_329, %ne3A_328 : i1
          %not3A_331 = arith.constant true
          %not3A_332 = arith.xori %eq3A_226, %not3A_331 : i1
          %and3A_333 = arith.andi %or3A_330, %not3A_332 : i1
          %convert_element_type3A_334 = arith.extui %and3A_333 : i1 to i32
          %cond3A_335 = arith.constant 0 : i32
          %cond3A_336 = arith.cmpi ne, %convert_element_type3A_334, %cond3A_335 : i32
          scf.if %cond3A_336 {
          } else {
          }
          %and3A_337 = arith.constant false
          %and3A_338 = arith.andi %and3A_333, %and3A_337 : i1
          %ne3A_339 = arith.cmpi ne, %add3A_230, %add3A_240 : i32
          %or3A_340 = arith.constant false
          %or3A_341 = arith.ori %or3A_340, %ne3A_339 : i1
          %or3A_342 = arith.constant false
          %or3A_343 = arith.ori %or3A_341, %or3A_342 : i1
          %not3A_344 = arith.constant true
          %not3A_345 = arith.xori %eq3A_226, %not3A_344 : i1
          %and3A_346 = arith.andi %or3A_343, %not3A_345 : i1
          %convert_element_type3A_347 = arith.extui %and3A_346 : i1 to i32
          %cond3A_348 = arith.constant 0 : i32
          %cond3A_349 = arith.cmpi ne, %convert_element_type3A_347, %cond3A_348 : i32
          scf.if %cond3A_349 {
            "tpu.trace_start"() <{level = 10 : i32, message = "ep_wait_out"}> : () -> ()
            %rem3A_369 = arith.constant 2 : i32
            %rem3A_370 = arith.remui %while3A_221, %rem3A_369 : i32
            %mul3A_371 = arith.constant 128 : i32
            %mul3A_372 = arith.muli %mul3A_371, %add3A_240 : i32
            %dma_wait3A = arith.constant 0 : i32
            %dma_wait3A_373 = arith.constant 0 : i32
            %dma_wait3A_374 = tpu.memref_slice %run_scoped3A_93[%rem3A_370, %dma_wait3A, %dma_wait3A_373] : memref<2x128x128xf32, #tpu.memory_space<vmem>> -> memref<1x128x128xf32, #tpu.memory_space<vmem>>
            %dma_wait3A_375 = tpu.memref_squeeze %dma_wait3A_374 : memref<1x128x128xf32, #tpu.memory_space<vmem>> -> memref<128x128xf32, #tpu.memory_space<vmem>>
            %dma_wait3A_376 = arith.constant 0 : i32
            %dma_wait3A_377 = tpu.memref_slice %arg16[%mul3A_372, %dma_wait3A_376] : memref<1024x128xf32, #tpu.memory_space<hbm>> -> memref<128x128xf32, #tpu.memory_space<hbm>>
            %dma_wait3A_378 = tpu.memref_slice %run_scoped3A_94[%rem3A_370] : memref<2x!tpu.dma_semaphore, #tpu.memory_space<semaphore_mem>> -> memref<1x!tpu.dma_semaphore, #tpu.memory_space<semaphore_mem>>
            %dma_wait3A_379 = tpu.memref_squeeze %dma_wait3A_378 : memref<1x!tpu.dma_semaphore, #tpu.memory_space<semaphore_mem>> -> memref<!tpu.dma_semaphore, #tpu.memory_space<semaphore_mem>>
            %dma_wait3A_380 = arith.constant 0 : i32
            %dma_wait3A_381 = tpu.memref_slice %arg16[%mul3A_372, %dma_wait3A_380] : memref<1024x128xf32, #tpu.memory_space<hbm>> -> memref<128x128xf32, #tpu.memory_space<hbm>>
            %dma_wait3A_382 = arith.constant 0 : i32
            %dma_wait3A_383 = arith.constant 0 : i32
            %dma_wait3A_384 = tpu.memref_slice %run_scoped3A_93[%rem3A_370, %dma_wait3A_382, %dma_wait3A_383] : memref<2x128x128xf32, #tpu.memory_space<vmem>> -> memref<1x128x128xf32, #tpu.memory_space<vmem>>
            %dma_wait3A_385 = tpu.memref_squeeze %dma_wait3A_384 : memref<1x128x128xf32, #tpu.memory_space<vmem>> -> memref<128x128xf32, #tpu.memory_space<vmem>>
            tpu.wait_dma2 semaphore(%dma_wait3A_379 : memref<!tpu.dma_semaphore, #tpu.memory_space<semaphore_mem>>) src(%dma_wait3A_385 : memref<128x128xf32, #tpu.memory_space<vmem>>) dst(%dma_wait3A_381 : memref<128x128xf32, #tpu.memory_space<hbm>>)
            "tpu.trace_stop"() : () -> ()
          } else {
          }
          %and3A_350 = arith.constant true
          %and3A_351 = arith.andi %and3A_346, %and3A_350 : i1
          %add3A_352 = arith.constant 1 : i32
          %add3A_353 = arith.addi %while3A_221, %add3A_352 : i32
          %select_n3A_354 = arith.select %and3A_351, %add3A_353, %while3A_221 : i32
          %ne3A_355 = arith.cmpi ne, %add3A_230, %add3A_248 : i32
          %or3A_356 = arith.constant false
          %or3A_357 = arith.ori %or3A_356, %ne3A_355 : i1
          %or3A_358 = arith.ori %or3A_357, %eq3A_229 : i1
          %add3A_359 = arith.constant 1 : i32
          %add3A_360 = arith.addi %while3A_219, %add3A_359 : i32
          %select_n3A_361 = arith.select %or3A_358, %add3A_360, %while3A_219 : i32
          %add3A_362 = arith.constant 1 : i32
          %add3A_363 = arith.addi %while3A_222, %add3A_362 : i32
          %select_n3A_364 = arith.constant true
          %select_n3A_365 = arith.select %select_n3A_364, %add3A_363, %while3A_222 : i32
          %eq3A_366 = arith.cmpi eq, %select_n3A_365, %select_n3A_81 : i32
          %select_n3A_367 = arith.constant 0 : i32
          %select_n3A_368 = arith.select %eq3A_366, %select_n3A_367, %select_n3A_365 : i32
          scf.yield %select_n3A_270, %select_n3A_361, %select_n3A_327, %select_n3A_354, %select_n3A_368 : i32, i32, i32, i32, i32
        }
        %sub3A_166 = arith.constant 1 : i32
        %sub3A_167 = arith.subi %while3A_165#4, %sub3A_166 : i32
        %select_n3A_168 = arith.constant true
        %select_n3A_169 = arith.select %select_n3A_168, %sub3A_167, %while3A_165#4 : i32
        %eq3A_170 = arith.constant -1 : i32
        %eq3A_171 = arith.cmpi eq, %select_n3A_169, %eq3A_170 : i32
        %sub3A_172 = arith.constant 1 : i32
        %sub3A_173 = arith.subi %select_n3A_81, %sub3A_172 : i32
        %select_n3A_174 = arith.select %eq3A_171, %sub3A_173, %select_n3A_169 : i32
        %sub3A_175 = arith.constant 1 : i32
        %sub3A_176 = arith.subi %mul3A_91, %sub3A_175 : i32
        %mul3A_177 = arith.constant 1 : i32
        %mul3A_178 = arith.muli %mul3A_177, %select_n3A_81 : i32
        %eq3A_179 = arith.constant 0 : i32
        %eq3A_180 = arith.cmpi eq, %sub3A_176, %eq3A_179 : i32
        %sub3A_181 = arith.constant 1 : i32
        %sub3A_182 = arith.subi %mul3A_178, %sub3A_181 : i32
        %eq3A_183 = arith.cmpi eq, %sub3A_176, %sub3A_182 : i32
        %add3A_184 = arith.addi %select_n3A_174, %select_n3A_89 : i32
        %sub3A_185 = arith.constant 1 : i32
        %sub3A_186 = arith.subi %select_n3A_174, %sub3A_185 : i32
        %select_n3A_187 = arith.constant true
        %select_n3A_188 = arith.select %select_n3A_187, %sub3A_186, %select_n3A_174 : i32
        %eq3A_189 = arith.constant -1 : i32
        %eq3A_190 = arith.cmpi eq, %select_n3A_188, %eq3A_189 : i32
        %sub3A_191 = arith.constant 1 : i32
        %sub3A_192 = arith.subi %select_n3A_81, %sub3A_191 : i32
        %select_n3A_193 = arith.select %eq3A_190, %sub3A_192, %select_n3A_188 : i32
        %add3A_194 = arith.addi %select_n3A_193, %select_n3A_89 : i32
        %add3A_195 = arith.constant 1 : i32
        %add3A_196 = arith.addi %select_n3A_174, %add3A_195 : i32
        %select_n3A_197 = arith.constant true
        %select_n3A_198 = arith.select %select_n3A_197, %add3A_196, %select_n3A_174 : i32
        %eq3A_199 = arith.cmpi eq, %select_n3A_198, %select_n3A_81 : i32
        %select_n3A_200 = arith.constant 0 : i32
        %select_n3A_201 = arith.select %eq3A_199, %select_n3A_200, %select_n3A_198 : i32
        %add3A_202 = arith.addi %select_n3A_201, %select_n3A_89 : i32
        %add3A_203 = arith.constant 1 : i32
        %add3A_204 = arith.addi %select_n3A_201, %add3A_203 : i32
        %select_n3A_205 = arith.constant true
        %select_n3A_206 = arith.select %select_n3A_205, %add3A_204, %select_n3A_201 : i32
        %eq3A_207 = arith.cmpi eq, %select_n3A_206, %select_n3A_81 : i32
        %select_n3A_208 = arith.constant 0 : i32
        %select_n3A_209 = arith.select %eq3A_207, %select_n3A_208, %select_n3A_206 : i32
        %add3A_210 = arith.addi %select_n3A_209, %select_n3A_89 : i32
        %convert_element_type3A_211 = arith.extui %eq3A_183 : i1 to i32
        %cond3A_212 = arith.constant 0 : i32
        %cond3A_213 = arith.cmpi ne, %convert_element_type3A_211, %cond3A_212 : i32
        scf.if %cond3A_213 {
        } else {
        }
        %convert_element_type3A_214 = arith.extui %eq3A_183 : i1 to i32
        %cond3A_215 = arith.constant 0 : i32
        %cond3A_216 = arith.cmpi ne, %convert_element_type3A_214, %cond3A_215 : i32
        scf.if %cond3A_216 {
          "tpu.trace_start"() <{level = 10 : i32, message = "ep_finalize"}> : () -> ()
          %rem3A_217 = arith.constant 2 : i32
          %rem3A_218 = arith.remui %while3A_165#3, %rem3A_217 : i32
          %mul3A_219 = arith.constant 128 : i32
          %mul3A_220 = arith.muli %mul3A_219, %add3A_184 : i32
          %dma_wait3A = arith.constant 0 : i32
          %dma_wait3A_221 = arith.constant 0 : i32
          %dma_wait3A_222 = tpu.memref_slice %run_scoped3A_93[%rem3A_218, %dma_wait3A, %dma_wait3A_221] : memref<2x128x128xf32, #tpu.memory_space<vmem>> -> memref<1x128x128xf32, #tpu.memory_space<vmem>>
          %dma_wait3A_223 = tpu.memref_squeeze %dma_wait3A_222 : memref<1x128x128xf32, #tpu.memory_space<vmem>> -> memref<128x128xf32, #tpu.memory_space<vmem>>
          %dma_wait3A_224 = arith.constant 0 : i32
          %dma_wait3A_225 = tpu.memref_slice %arg16[%mul3A_220, %dma_wait3A_224] : memref<1024x128xf32, #tpu.memory_space<hbm>> -> memref<128x128xf32, #tpu.memory_space<hbm>>
          %dma_wait3A_226 = tpu.memref_slice %run_scoped3A_94[%rem3A_218] : memref<2x!tpu.dma_semaphore, #tpu.memory_space<semaphore_mem>> -> memref<1x!tpu.dma_semaphore, #tpu.memory_space<semaphore_mem>>
          %dma_wait3A_227 = tpu.memref_squeeze %dma_wait3A_226 : memref<1x!tpu.dma_semaphore, #tpu.memory_space<semaphore_mem>> -> memref<!tpu.dma_semaphore, #tpu.memory_space<semaphore_mem>>
          %dma_wait3A_228 = arith.constant 0 : i32
          %dma_wait3A_229 = tpu.memref_slice %arg16[%mul3A_220, %dma_wait3A_228] : memref<1024x128xf32, #tpu.memory_space<hbm>> -> memref<128x128xf32, #tpu.memory_space<hbm>>
          %dma_wait3A_230 = arith.constant 0 : i32
          %dma_wait3A_231 = arith.constant 0 : i32
          %dma_wait3A_232 = tpu.memref_slice %run_scoped3A_93[%rem3A_218, %dma_wait3A_230, %dma_wait3A_231] : memref<2x128x128xf32, #tpu.memory_space<vmem>> -> memref<1x128x128xf32, #tpu.memory_space<vmem>>
          %dma_wait3A_233 = tpu.memref_squeeze %dma_wait3A_232 : memref<1x128x128xf32, #tpu.memory_space<vmem>> -> memref<128x128xf32, #tpu.memory_space<vmem>>
          tpu.wait_dma2 semaphore(%dma_wait3A_227 : memref<!tpu.dma_semaphore, #tpu.memory_space<semaphore_mem>>) src(%dma_wait3A_233 : memref<128x128xf32, #tpu.memory_space<vmem>>) dst(%dma_wait3A_229 : memref<128x128xf32, #tpu.memory_space<hbm>>)
          "tpu.trace_stop"() : () -> ()
        } else {
        }
      } else {
      }
      tpu.yield
    }) : () -> ()
    return
  }
}

module attributes {stable_mosaic.version = 14 : i64} {
  func.func @_tc_body(%arg0: i32, %arg1: memref<1024x128xf32, #tpu.memory_space<vmem>>, %arg2: memref<1024x1xi32, #tpu.memory_space<vmem>>, %arg3: memref<1024x128xf32, #tpu.memory_space<vmem>>, %arg4: memref<1024x1xi32, #tpu.memory_space<vmem>>, %arg5: memref<8x128xf32, #tpu.memory_space<vmem>>, %arg6: memref<8x1xi32, #tpu.memory_space<vmem>>, %arg7: memref<8x128xf32, #tpu.memory_space<vmem>>, %arg8: memref<8x1xi32, #tpu.memory_space<vmem>>, %arg9: memref<8x128xf32, #tpu.memory_space<vmem>>, %arg10: memref<8x128xf32, #tpu.memory_space<vmem>>, %arg11: memref<8x1xi32, #tpu.memory_space<vmem>>, %arg12: memref<8x1xi32, #tpu.memory_space<vmem>>, %arg13: memref<8x2x256xi32, #tpu.memory_space<vmem>>, %arg14: memref<8x256x2xi32, #tpu.memory_space<vmem>>, %arg15: memref<8x256xi32, #tpu.memory_space<vmem>>, %arg16: memref<8x2x256xi32, #tpu.memory_space<vmem>>, %arg17: memref<8x256x2xi32, #tpu.memory_space<vmem>>, %arg18: memref<8x256xi32, #tpu.memory_space<vmem>>, %arg19: memref<2x64x64xf32, #tpu.memory_space<vmem>>, %arg20: memref<2x64xf32, #tpu.memory_space<vmem>>, %arg21: memref<2x64x64xf32, #tpu.memory_space<vmem>>, %arg22: memref<2x64xf32, #tpu.memory_space<vmem>>, %arg23: memref<2x64x64xf32, #tpu.memory_space<vmem>>, %arg24: memref<2x64xf32, #tpu.memory_space<vmem>>, %arg25: memref<2x64x64xf32, #tpu.memory_space<vmem>>, %arg26: memref<2x64x2xf32, #tpu.memory_space<vmem>>, %arg27: memref<2x4xf32, #tpu.memory_space<vmem>>, %arg28: memref<2x64x64xf32, #tpu.memory_space<vmem>>, %arg29: memref<2x64x2xf32, #tpu.memory_space<vmem>>, %arg30: memref<2x4xf32, #tpu.memory_space<vmem>>, %arg31: memref<64x64xf32, #tpu.memory_space<vmem>>, %arg32: memref<64x64xf32, #tpu.memory_space<vmem>>, %arg33: memref<1x64xf32, #tpu.memory_space<vmem>>, %arg34: memref<64x64xf32, #tpu.memory_space<vmem>>, %arg35: memref<1x64xf32, #tpu.memory_space<vmem>>, %arg36: memref<384x1xf32, #tpu.memory_space<vmem>>, %arg37: memref<384x384xf32, #tpu.memory_space<vmem>>, %arg38: memref<1x1xf32, #tpu.memory_space<vmem>>, %arg39: memref<8x1xf32, #tpu.memory_space<vmem>>, %arg40: memref<32x64xf32, #tpu.memory_space<vmem>>) attributes {dimension_semantics = [#tpu.dimension_semantics<parallel>], iteration_bounds = array<i64: 128>, scalar_prefetch = 0 : i64, scratch_operands = 1 : i64, tpu.core_type = #tpu.core_type<tc>, window_params = [{transform_indices = @transform_0, window_bounds = array<i64: 1024, 128>}, {transform_indices = @transform_1, window_bounds = array<i64: 1024, 1>}, {transform_indices = @transform_2, window_bounds = array<i64: 1024, 128>}, {transform_indices = @transform_3, window_bounds = array<i64: 1024, 1>}, {transform_indices = @transform_4, window_bounds = array<i64: 8, 128>}, {transform_indices = @transform_5, window_bounds = array<i64: 8, 1>}, {transform_indices = @transform_6, window_bounds = array<i64: 8, 128>}, {transform_indices = @transform_7, window_bounds = array<i64: 8, 1>}, {transform_indices = @transform_8, window_bounds = array<i64: 8, 128>}, {transform_indices = @transform_9, window_bounds = array<i64: 8, 128>}, {transform_indices = @transform_10, window_bounds = array<i64: 8, 1>}, {transform_indices = @transform_11, window_bounds = array<i64: 8, 1>}, {transform_indices = @transform_12, window_bounds = array<i64: 8, 2, 256>}, {transform_indices = @transform_13, window_bounds = array<i64: 8, 256, 2>}, {transform_indices = @transform_14, window_bounds = array<i64: 8, 256>}, {transform_indices = @transform_15, window_bounds = array<i64: 8, 2, 256>}, {transform_indices = @transform_16, window_bounds = array<i64: 8, 256, 2>}, {transform_indices = @transform_17, window_bounds = array<i64: 8, 256>}, {pipeline_mode = #tpu.pipeline_mode<synchronous>, transform_indices = @transform_18, window_bounds = array<i64: 2, 64, 64>}, {pipeline_mode = #tpu.pipeline_mode<synchronous>, transform_indices = @transform_19, window_bounds = array<i64: 2, 64>}, {pipeline_mode = #tpu.pipeline_mode<synchronous>, transform_indices = @transform_20, window_bounds = array<i64: 2, 64, 64>}, {pipeline_mode = #tpu.pipeline_mode<synchronous>, transform_indices = @transform_21, window_bounds = array<i64: 2, 64>}, {pipeline_mode = #tpu.pipeline_mode<synchronous>, transform_indices = @transform_22, window_bounds = array<i64: 2, 64, 64>}, {pipeline_mode = #tpu.pipeline_mode<synchronous>, transform_indices = @transform_23, window_bounds = array<i64: 2, 64>}, {pipeline_mode = #tpu.pipeline_mode<synchronous>, transform_indices = @transform_24, window_bounds = array<i64: 2, 64, 64>}, {pipeline_mode = #tpu.pipeline_mode<synchronous>, transform_indices = @transform_25, window_bounds = array<i64: 2, 64, 2>}, {pipeline_mode = #tpu.pipeline_mode<synchronous>, transform_indices = @transform_26, window_bounds = array<i64: 2, 4>}, {pipeline_mode = #tpu.pipeline_mode<synchronous>, transform_indices = @transform_27, window_bounds = array<i64: 2, 64, 64>}, {pipeline_mode = #tpu.pipeline_mode<synchronous>, transform_indices = @transform_28, window_bounds = array<i64: 2, 64, 2>}, {pipeline_mode = #tpu.pipeline_mode<synchronous>, transform_indices = @transform_29, window_bounds = array<i64: 2, 4>}, {pipeline_mode = #tpu.pipeline_mode<synchronous>, transform_indices = @transform_30, window_bounds = array<i64: 64, 64>}, {pipeline_mode = #tpu.pipeline_mode<synchronous>, transform_indices = @transform_31, window_bounds = array<i64: 64, 64>}, {pipeline_mode = #tpu.pipeline_mode<synchronous>, transform_indices = @transform_32, window_bounds = array<i64: 1, 64>}, {pipeline_mode = #tpu.pipeline_mode<synchronous>, transform_indices = @transform_33, window_bounds = array<i64: 64, 64>}, {pipeline_mode = #tpu.pipeline_mode<synchronous>, transform_indices = @transform_34, window_bounds = array<i64: 1, 64>}, {pipeline_mode = #tpu.pipeline_mode<synchronous>, transform_indices = @transform_35, window_bounds = array<i64: 384, 1>}, {pipeline_mode = #tpu.pipeline_mode<synchronous>, transform_indices = @transform_36, window_bounds = array<i64: 384, 384>}, {pipeline_mode = #tpu.pipeline_mode<synchronous>, transform_indices = @transform_37, window_bounds = array<i64: 1, 1>}, {transform_indices = @transform_38, window_bounds = array<i64: 8, 1>}]} {
    %iota3A = tpu.iota {dimensions = array<i32: 1>} : vector<8x128x256xi32>
    %get3A = arith.constant 0 : index
    %get3A_0 = arith.constant 0 : index
    %get3A_1 = vector.load %arg1[%get3A, %get3A_0] : memref<1024x128xf32, #tpu.memory_space<vmem>>, vector<1024x128xf32>
    %get3A_2 = arith.constant 0 : index
    %get3A_3 = arith.constant 0 : index
    %get3A_4 = vector.load %arg2[%get3A_2, %get3A_3] : memref<1024x1xi32, #tpu.memory_space<vmem>>, vector<1024x1xi32>
    %eq3A = arith.constant 1 : i32
    %eq3A_5 = vector.broadcast %eq3A : i32 to vector<1024x1xi32>
    %eq3A_6 = arith.cmpi eq, %get3A_4, %eq3A_5 : vector<1024x1xi32>
    %slice3A = vector.extract_strided_slice %get3A_1 {offsets = [0, 64], sizes = [1024, 64], strides = [1, 1]} : vector<1024x128xf32> to vector<1024x64xf32>
    %slice3A_7 = vector.extract_strided_slice %get3A_1 {offsets = [0, 0], sizes = [1024, 64], strides = [1, 1]} : vector<1024x128xf32> to vector<1024x64xf32>
    %broadcast_in_dim3A = vector.shape_cast %eq3A_6 : vector<1024x1xi1> to vector<1024x1xi1>
    %broadcast_in_dim3A_8 = vector.broadcast %broadcast_in_dim3A : vector<1024x1xi1> to vector<1024x64xi1>
    %select_n3A = arith.select %broadcast_in_dim3A_8, %slice3A, %slice3A_7 : vector<1024x64xi1>, vector<1024x64xf32>
    %get3A_9 = arith.constant 0 : index
    %get3A_10 = arith.constant 0 : index
    %get3A_11 = vector.load %arg5[%get3A_9, %get3A_10] : memref<8x128xf32, #tpu.memory_space<vmem>>, vector<8x128xf32>
    %get3A_12 = arith.constant 0 : index
    %get3A_13 = arith.constant 0 : index
    %get3A_14 = vector.load %arg6[%get3A_12, %get3A_13] : memref<8x1xi32, #tpu.memory_space<vmem>>, vector<8x1xi32>
    %eq3A_15 = arith.constant 1 : i32
    %eq3A_16 = vector.broadcast %eq3A_15 : i32 to vector<8x1xi32>
    %eq3A_17 = arith.cmpi eq, %get3A_14, %eq3A_16 : vector<8x1xi32>
    %slice3A_18 = vector.extract_strided_slice %get3A_11 {offsets = [0, 64], sizes = [8, 64], strides = [1, 1]} : vector<8x128xf32> to vector<8x64xf32>
    %slice3A_19 = vector.extract_strided_slice %get3A_11 {offsets = [0, 0], sizes = [8, 64], strides = [1, 1]} : vector<8x128xf32> to vector<8x64xf32>
    %broadcast_in_dim3A_20 = vector.shape_cast %eq3A_17 : vector<8x1xi1> to vector<8x1xi1>
    %broadcast_in_dim3A_21 = vector.broadcast %broadcast_in_dim3A_20 : vector<8x1xi1> to vector<8x64xi1>
    %select_n3A_22 = arith.select %broadcast_in_dim3A_21, %slice3A_18, %slice3A_19 : vector<8x64xi1>, vector<8x64xf32>
    %get3A_23 = arith.constant 0 : index
    %get3A_24 = arith.constant 0 : index
    %get3A_25 = arith.constant 0 : index
    %get3A_26 = vector.load %arg13[%get3A_23, %get3A_24, %get3A_25] : memref<8x2x256xi32, #tpu.memory_space<vmem>>, vector<8x1x256xi32>
    %get3A_27 = arith.constant 0 : index
    %get3A_28 = arith.constant 1 : index
    %get3A_29 = arith.constant 0 : index
    %get3A_30 = vector.load %arg13[%get3A_27, %get3A_28, %get3A_29] : memref<8x2x256xi32, #tpu.memory_space<vmem>>, vector<8x1x256xi32>
    %get3A_31 = arith.constant 0 : index
    %get3A_32 = arith.constant 0 : index
    %get3A_33 = vector.load %arg15[%get3A_31, %get3A_32] : memref<8x256xi32, #tpu.memory_space<vmem>>, vector<8x256xi32>
    %reshape3A = vector.shape_cast %get3A_33 : vector<8x256xi32> to vector<8x1x256xi32>
    %eq3A_34 = vector.broadcast %get3A_26 : vector<8x1x256xi32> to vector<8x128x256xi32>
    %eq3A_35 = arith.cmpi eq, %eq3A_34, %iota3A : vector<8x128x256xi32>
    %eq3A_36 = vector.broadcast %get3A_30 : vector<8x1x256xi32> to vector<8x128x256xi32>
    %eq3A_37 = arith.cmpi eq, %eq3A_36, %iota3A : vector<8x128x256xi32>
    %eq3A_38 = vector.broadcast %get3A_30 : vector<8x1x256xi32> to vector<8x128x256xi32>
    %eq3A_39 = arith.cmpi eq, %eq3A_38, %iota3A : vector<8x128x256xi32>
    %convert_element_type3A = arith.extui %eq3A_39 : vector<8x128x256xi1> to vector<8x128x256xi32>
    %convert_element_type3A_40 = arith.sitofp %convert_element_type3A : vector<8x128x256xi32> to vector<8x128x256xf32>
    %convert_element_type3A_41 = arith.truncf %convert_element_type3A_40 : vector<8x128x256xf32> to vector<8x128x256xbf16>
    %convert_element_type3A_42 = arith.extui %eq3A_35 : vector<8x128x256xi1> to vector<8x128x256xi32>
    %convert_element_type3A_43 = arith.sitofp %convert_element_type3A_42 : vector<8x128x256xi32> to vector<8x128x256xf32>
    %convert_element_type3A_44 = arith.truncf %convert_element_type3A_43 : vector<8x128x256xf32> to vector<8x128x256xbf16>
    %broadcast_in_dim3A_45 = arith.constant 1.000000e+00 : bf16
    %broadcast_in_dim3A_46 = vector.broadcast %broadcast_in_dim3A_45 : bf16 to vector<8x128x1xbf16>
    %get3A_47 = arith.constant 0 : index
    %get3A_48 = arith.constant 0 : index
    %get3A_49 = arith.constant 0 : index
    %get3A_50 = vector.load %arg25[%get3A_47, %get3A_48, %get3A_49] : memref<2x64x64xf32, #tpu.memory_space<vmem>>, vector<1x64x64xf32>
    %get3A_51 = vector.shape_cast %get3A_50 : vector<1x64x64xf32> to vector<64x64xf32>
    %convert_element_type3A_52 = arith.truncf %get3A_51 : vector<64x64xf32> to vector<64x64xbf16>
    %get3A_53 = arith.constant 0 : index
    %get3A_54 = arith.constant 0 : index
    %get3A_55 = arith.constant 0 : index
    %get3A_56 = vector.load %arg26[%get3A_53, %get3A_54, %get3A_55] : memref<2x64x2xf32, #tpu.memory_space<vmem>>, vector<1x64x2xf32>
    %get3A_57 = vector.shape_cast %get3A_56 : vector<1x64x2xf32> to vector<64x2xf32>
    %convert_element_type3A_58 = arith.truncf %get3A_57 : vector<64x2xf32> to vector<64x2xbf16>
    %dot_general3A = arith.constant dense<0.000000e+00> : vector<64x2xf32>
    %dot_general3A_59 = tpu.matmul %convert_element_type3A_52, %convert_element_type3A_58, %dot_general3A {dimension_numbers = #tpu.dot_dimension_numbers<[1], [0], [0], [1], [0, 0, 1, 1], [], []>, transpose_lhs_hint = false} : vector<64x64xbf16>, vector<64x2xbf16>, vector<64x2xf32> -> vector<64x2xf32>
    %get3A_60 = arith.constant 0 : index
    %get3A_61 = arith.constant 0 : index
    %get3A_62 = arith.constant 0 : index
    %get3A_63 = vector.load %arg25[%get3A_60, %get3A_61, %get3A_62] : memref<2x64x64xf32, #tpu.memory_space<vmem>>, vector<1x64x64xf32>
    %get3A_64 = vector.shape_cast %get3A_63 : vector<1x64x64xf32> to vector<64x64xf32>
    %concatenate3A = tpu.concatenate %get3A_64, %dot_general3A_59 in 1 : vector<64x64xf32>, vector<64x2xf32> -> vector<64x66xf32>
    %convert_element_type3A_65 = arith.truncf %select_n3A : vector<1024x64xf32> to vector<1024x64xbf16>
    %convert_element_type3A_66 = arith.truncf %concatenate3A : vector<64x66xf32> to vector<64x66xbf16>
    %dot_general3A_67 = arith.constant dense<0.000000e+00> : vector<1024x66xf32>
    %dot_general3A_68 = tpu.matmul %convert_element_type3A_65, %convert_element_type3A_66, %dot_general3A_67 {dimension_numbers = #tpu.dot_dimension_numbers<[1], [0], [0], [1], [0, 0, 1, 1], [], []>, transpose_lhs_hint = false} : vector<1024x64xbf16>, vector<64x66xbf16>, vector<1024x66xf32> -> vector<1024x66xf32>
    %get3A_69 = arith.constant 0 : index
    %get3A_70 = arith.constant 0 : index
    %get3A_71 = arith.constant 0 : index
    %get3A_72 = vector.load %arg19[%get3A_69, %get3A_70, %get3A_71] : memref<2x64x64xf32, #tpu.memory_space<vmem>>, vector<1x64x64xf32>
    %get3A_73 = vector.shape_cast %get3A_72 : vector<1x64x64xf32> to vector<64x64xf32>
    %dot_general3A_74 = arith.constant dense<0.000000e+00> : vector<8x64xf32>
    %dot_general3A_75 = tpu.matmul %select_n3A_22, %get3A_73, %dot_general3A_74 {dimension_numbers = #tpu.dot_dimension_numbers<[1], [0], [0], [1], [0, 0, 1, 1], [], []>, transpose_lhs_hint = false} : vector<8x64xf32>, vector<64x64xf32>, vector<8x64xf32> -> vector<8x64xf32>
    %get3A_76 = arith.constant 0 : index
    %get3A_77 = arith.constant 0 : index
    %get3A_78 = vector.load %arg20[%get3A_76, %get3A_77] : memref<2x64xf32, #tpu.memory_space<vmem>>, vector<1x64xf32>
    %add3A = vector.broadcast %get3A_78 : vector<1x64xf32> to vector<8x64xf32>
    %add3A_79 = arith.addf %dot_general3A_75, %add3A : vector<8x64xf32>
    %max3A = arith.constant 0.000000e+00 : f32
    %max3A_80 = vector.broadcast %max3A : f32 to vector<8x64xf32>
    %max3A_81 = arith.maximumf %add3A_79, %max3A_80 : vector<8x64xf32>
    %get3A_82 = arith.constant 0 : index
    %get3A_83 = arith.constant 0 : index
    %get3A_84 = vector.load %arg31[%get3A_82, %get3A_83] : memref<64x64xf32, #tpu.memory_space<vmem>>, vector<64x64xf32>
    %dot_general3A_85 = arith.constant dense<0.000000e+00> : vector<8x64xf32>
    %dot_general3A_86 = tpu.matmul %max3A_81, %get3A_84, %dot_general3A_85 {dimension_numbers = #tpu.dot_dimension_numbers<[1], [1], [0], [0], [0, 0, 1, 0], [], []>, transpose_lhs_hint = false} : vector<8x64xf32>, vector<64x64xf32>, vector<8x64xf32> -> vector<8x64xf32>
    %slice3A_87 = vector.extract_strided_slice %dot_general3A_68 {offsets = [0, 0], sizes = [1024, 64], strides = [1, 1]} : vector<1024x66xf32> to vector<1024x64xf32>
    %reshape3A_88 = vector.shape_cast %slice3A_87 : vector<1024x64xf32> to vector<8x128x64xf32>
    %slice3A_89 = vector.extract_strided_slice %dot_general3A_68 {offsets = [0, 64], sizes = [1024, 1], strides = [1, 1]} : vector<1024x66xf32> to vector<1024x1xf32>
    %reshape3A_90 = vector.shape_cast %slice3A_89 : vector<1024x1xf32> to vector<8x128x1xf32>
    %slice3A_91 = vector.extract_strided_slice %dot_general3A_68 {offsets = [0, 65], sizes = [1024, 1], strides = [1, 1]} : vector<1024x66xf32> to vector<1024x1xf32>
    %reshape3A_92 = vector.shape_cast %slice3A_91 : vector<1024x1xf32> to vector<8x128x1xf32>
    %jit3A = arith.constant 0.000000e+00 : f32
    %broadcast_in_dim3A_93 = vector.shape_cast %reshape3A_90 : vector<8x128x1xf32> to vector<8x128x1xf32>
    %broadcast_in_dim3A_94 = vector.broadcast %broadcast_in_dim3A_93 : vector<8x128x1xf32> to vector<8x128x256xf32>
    %broadcast_in_dim3A_95 = vector.broadcast %jit3A : f32 to vector<8x128x256xf32>
    %select_n3A_96 = arith.select %eq3A_35, %broadcast_in_dim3A_94, %broadcast_in_dim3A_95 : vector<8x128x256xi1>, vector<8x128x256xf32>
    %jit3A_97 = arith.constant 0.000000e+00 : f32
    %broadcast_in_dim3A_98 = vector.shape_cast %reshape3A_92 : vector<8x128x1xf32> to vector<8x128x1xf32>
    %broadcast_in_dim3A_99 = vector.broadcast %broadcast_in_dim3A_98 : vector<8x128x1xf32> to vector<8x128x256xf32>
    %broadcast_in_dim3A_100 = vector.broadcast %jit3A_97 : f32 to vector<8x128x256xf32>
    %select_n3A_101 = arith.select %eq3A_37, %broadcast_in_dim3A_99, %broadcast_in_dim3A_100 : vector<8x128x256xi1>, vector<8x128x256xf32>
    %add3A_102 = arith.addf %select_n3A_96, %select_n3A_101 : vector<8x128x256xf32>
    %reduce_sum3A = arith.constant dense<0.000000e+00> : vector<8x256xf32>
    %reduce_sum3A_103 = vector.multi_reduction <add>, %add3A_102, %reduce_sum3A [1] : vector<8x128x256xf32> to vector<8x256xf32>
    %broadcast_in_dim3A_104 = vector.shape_cast %reduce_sum3A_103 : vector<8x256xf32> to vector<8x1x256xf32>
    %broadcast_in_dim3A_105 = arith.constant 0.000000e+00 : f32
    %broadcast_in_dim3A_106 = vector.broadcast %broadcast_in_dim3A_105 : f32 to vector<8x1x256xf32>
    %eq3A_107 = arith.constant 0 : i32
    %eq3A_108 = vector.broadcast %eq3A_107 : i32 to vector<8x1x256xi32>
    %eq3A_109 = arith.cmpi eq, %reshape3A, %eq3A_108 : vector<8x1x256xi32>
    %get3A_110 = arith.constant 0 : index
    %get3A_111 = arith.constant 0 : index
    %get3A_112 = vector.load %arg27[%get3A_110, %get3A_111] : memref<2x4xf32, #tpu.memory_space<vmem>>, vector<1x1xf32>
    %get3A_113 = vector.extract %get3A_112[0, 0] : f32 from vector<1x1xf32>
    %jit3A_114 = arith.constant 0.000000e+00 : f32
    %broadcast_in_dim3A_115 = vector.broadcast %get3A_113 : f32 to vector<8x1x256xf32>
    %broadcast_in_dim3A_116 = vector.broadcast %jit3A_114 : f32 to vector<8x1x256xf32>
    %select_n3A_117 = arith.select %eq3A_109, %broadcast_in_dim3A_115, %broadcast_in_dim3A_116 : vector<8x1x256xi1>, vector<8x1x256xf32>
    %add3A_118 = arith.addf %broadcast_in_dim3A_106, %select_n3A_117 : vector<8x1x256xf32>
    %eq3A_119 = arith.constant 1 : i32
    %eq3A_120 = vector.broadcast %eq3A_119 : i32 to vector<8x1x256xi32>
    %eq3A_121 = arith.cmpi eq, %reshape3A, %eq3A_120 : vector<8x1x256xi32>
    %get3A_122 = arith.constant 0 : index
    %get3A_123 = arith.constant 1 : index
    %get3A_124 = vector.load %arg27[%get3A_122, %get3A_123] : memref<2x4xf32, #tpu.memory_space<vmem>>, vector<1x1xf32>
    %get3A_125 = vector.extract %get3A_124[0, 0] : f32 from vector<1x1xf32>
    %jit3A_126 = arith.constant 0.000000e+00 : f32
    %broadcast_in_dim3A_127 = vector.broadcast %get3A_125 : f32 to vector<8x1x256xf32>
    %broadcast_in_dim3A_128 = vector.broadcast %jit3A_126 : f32 to vector<8x1x256xf32>
    %select_n3A_129 = arith.select %eq3A_121, %broadcast_in_dim3A_127, %broadcast_in_dim3A_128 : vector<8x1x256xi1>, vector<8x1x256xf32>
    %add3A_130 = arith.addf %add3A_118, %select_n3A_129 : vector<8x1x256xf32>
    %eq3A_131 = arith.constant 2 : i32
    %eq3A_132 = vector.broadcast %eq3A_131 : i32 to vector<8x1x256xi32>
    %eq3A_133 = arith.cmpi eq, %reshape3A, %eq3A_132 : vector<8x1x256xi32>
    %get3A_134 = arith.constant 0 : index
    %get3A_135 = arith.constant 2 : index
    %get3A_136 = vector.load %arg27[%get3A_134, %get3A_135] : memref<2x4xf32, #tpu.memory_space<vmem>>, vector<1x1xf32>
    %get3A_137 = vector.extract %get3A_136[0, 0] : f32 from vector<1x1xf32>
    %jit3A_138 = arith.constant 0.000000e+00 : f32
    %broadcast_in_dim3A_139 = vector.broadcast %get3A_137 : f32 to vector<8x1x256xf32>
    %broadcast_in_dim3A_140 = vector.broadcast %jit3A_138 : f32 to vector<8x1x256xf32>
    %select_n3A_141 = arith.select %eq3A_133, %broadcast_in_dim3A_139, %broadcast_in_dim3A_140 : vector<8x1x256xi1>, vector<8x1x256xf32>
    %add3A_142 = arith.addf %add3A_130, %select_n3A_141 : vector<8x1x256xf32>
    %eq3A_143 = arith.constant 3 : i32
    %eq3A_144 = vector.broadcast %eq3A_143 : i32 to vector<8x1x256xi32>
    %eq3A_145 = arith.cmpi eq, %reshape3A, %eq3A_144 : vector<8x1x256xi32>
    %get3A_146 = arith.constant 0 : index
    %get3A_147 = arith.constant 3 : index
    %get3A_148 = vector.load %arg27[%get3A_146, %get3A_147] : memref<2x4xf32, #tpu.memory_space<vmem>>, vector<1x1xf32>
    %get3A_149 = vector.extract %get3A_148[0, 0] : f32 from vector<1x1xf32>
    %jit3A_150 = arith.constant 0.000000e+00 : f32
    %broadcast_in_dim3A_151 = vector.broadcast %get3A_149 : f32 to vector<8x1x256xf32>
    %broadcast_in_dim3A_152 = vector.broadcast %jit3A_150 : f32 to vector<8x1x256xf32>
    %select_n3A_153 = arith.select %eq3A_145, %broadcast_in_dim3A_151, %broadcast_in_dim3A_152 : vector<8x1x256xi1>, vector<8x1x256xf32>
    %add3A_154 = arith.addf %add3A_142, %select_n3A_153 : vector<8x1x256xf32>
    %add3A_155 = arith.addf %broadcast_in_dim3A_104, %add3A_154 : vector<8x1x256xf32>
    %ge3A = arith.constant 0.000000e+00 : f32
    %ge3A_156 = vector.broadcast %ge3A : f32 to vector<8x1x256xf32>
    %ge3A_157 = arith.cmpf oge, %add3A_155, %ge3A_156 : vector<8x1x256xf32>
    %mul3A = arith.constant 2.000000e-01 : f32
    %mul3A_158 = vector.broadcast %mul3A : f32 to vector<8x1x256xf32>
    %mul3A_159 = arith.mulf %mul3A_158, %add3A_155 : vector<8x1x256xf32>
    %select_n3A_160 = arith.select %ge3A_157, %add3A_155, %mul3A_159 : vector<8x1x256xi1>, vector<8x1x256xf32>
    %jit3A_161 = arith.constant 0xFF800000 : f32
    %broadcast_in_dim3A_162 = vector.shape_cast %select_n3A_160 : vector<8x1x256xf32> to vector<8x1x256xf32>
    %broadcast_in_dim3A_163 = vector.broadcast %broadcast_in_dim3A_162 : vector<8x1x256xf32> to vector<8x128x256xf32>
    %broadcast_in_dim3A_164 = vector.broadcast %jit3A_161 : f32 to vector<8x128x256xf32>
    %select_n3A_165 = arith.select %eq3A_37, %broadcast_in_dim3A_163, %broadcast_in_dim3A_164 : vector<8x128x256xi1>, vector<8x128x256xf32>
    %reduce_max3A = arith.constant dense<0xFF800000> : vector<8x128xf32>
    %reduce_max3A_166 = vector.multi_reduction <maximumf>, %select_n3A_165, %reduce_max3A [2] : vector<8x128x256xf32> to vector<8x128xf32>
    %broadcast_in_dim3A_167 = vector.shape_cast %reduce_max3A_166 : vector<8x128xf32> to vector<8x128x1xf32>
    %gt3A = arith.constant -9.99999993E+36 : f32
    %gt3A_168 = vector.broadcast %gt3A : f32 to vector<8x128x1xf32>
    %gt3A_169 = arith.cmpf ogt, %broadcast_in_dim3A_167, %gt3A_168 : vector<8x128x1xf32>
    %jit3A_170 = arith.constant 0.000000e+00 : f32
    %broadcast_in_dim3A_171 = vector.broadcast %jit3A_170 : f32 to vector<8x128x1xf32>
    %select_n3A_172 = arith.select %gt3A_169, %broadcast_in_dim3A_167, %broadcast_in_dim3A_171 : vector<8x128x1xi1>, vector<8x128x1xf32>
    %jit3A_173 = arith.constant 0.000000e+00 : f32
    %broadcast_in_dim3A_174 = vector.shape_cast %select_n3A_172 : vector<8x128x1xf32> to vector<8x128x1xf32>
    %broadcast_in_dim3A_175 = vector.broadcast %broadcast_in_dim3A_174 : vector<8x128x1xf32> to vector<8x128x256xf32>
    %broadcast_in_dim3A_176 = vector.broadcast %jit3A_173 : f32 to vector<8x128x256xf32>
    %select_n3A_177 = arith.select %eq3A_37, %broadcast_in_dim3A_175, %broadcast_in_dim3A_176 : vector<8x128x256xi1>, vector<8x128x256xf32>
    %reduce_sum3A_178 = arith.constant dense<0.000000e+00> : vector<8x256xf32>
    %reduce_sum3A_179 = vector.multi_reduction <add>, %select_n3A_177, %reduce_sum3A_178 [1] : vector<8x128x256xf32> to vector<8x256xf32>
    %broadcast_in_dim3A_180 = vector.shape_cast %reduce_sum3A_179 : vector<8x256xf32> to vector<8x1x256xf32>
    %sub3A = arith.subf %select_n3A_160, %broadcast_in_dim3A_180 : vector<8x1x256xf32>
    %exp3A = math.exp %sub3A : vector<8x1x256xf32>
    %convert_element_type3A_181 = arith.truncf %exp3A : vector<8x1x256xf32> to vector<8x1x256xbf16>
    %mul3A_182 = vector.broadcast %convert_element_type3A_181 : vector<8x1x256xbf16> to vector<8x128x256xbf16>
    %mul3A_183 = arith.mulf %convert_element_type3A_41, %mul3A_182 : vector<8x128x256xbf16>
    %convert_element_type3A_184 = arith.truncf %reshape3A_88 : vector<8x128x64xf32> to vector<8x128x64xbf16>
    %concatenate3A_185 = tpu.concatenate %convert_element_type3A_184, %broadcast_in_dim3A_46 in 2 : vector<8x128x64xbf16>, vector<8x128x1xbf16> -> vector<8x128x65xbf16>
    %slice3A_186 = vector.extract_strided_slice %mul3A_183 {offsets = [0, 0, 0], sizes = [1, 128, 256], strides = [1, 1, 1]} : vector<8x128x256xbf16> to vector<1x128x256xbf16>
    %squeeze3A = vector.shape_cast %slice3A_186 : vector<1x128x256xbf16> to vector<128x256xbf16>
    %slice3A_187 = vector.extract_strided_slice %convert_element_type3A_44 {offsets = [0, 0, 0], sizes = [1, 128, 256], strides = [1, 1, 1]} : vector<8x128x256xbf16> to vector<1x128x256xbf16>
    %squeeze3A_188 = vector.shape_cast %slice3A_187 : vector<1x128x256xbf16> to vector<128x256xbf16>
    %dot_general3A_189 = arith.constant dense<0.000000e+00> : vector<128x128xf32>
    %dot_general3A_190 = tpu.matmul %squeeze3A, %squeeze3A_188, %dot_general3A_189 {dimension_numbers = #tpu.dot_dimension_numbers<[1], [1], [0], [0], [0, 0, 1, 0], [], []>, transpose_lhs_hint = false} : vector<128x256xbf16>, vector<128x256xbf16>, vector<128x128xf32> -> vector<128x128xf32>
    %convert_element_type3A_191 = arith.truncf %dot_general3A_190 : vector<128x128xf32> to vector<128x128xbf16>
    %slice3A_192 = vector.extract_strided_slice %concatenate3A_185 {offsets = [0, 0, 0], sizes = [1, 128, 65], strides = [1, 1, 1]} : vector<8x128x65xbf16> to vector<1x128x65xbf16>
    %squeeze3A_193 = vector.shape_cast %slice3A_192 : vector<1x128x65xbf16> to vector<128x65xbf16>
    %dot_general3A_194 = arith.constant dense<0.000000e+00> : vector<128x65xf32>
    %dot_general3A_195 = tpu.matmul %convert_element_type3A_191, %squeeze3A_193, %dot_general3A_194 {dimension_numbers = #tpu.dot_dimension_numbers<[1], [0], [0], [1], [0, 0, 1, 1], [], []>, transpose_lhs_hint = false} : vector<128x128xbf16>, vector<128x65xbf16>, vector<128x65xf32> -> vector<128x65xf32>
    %slice3A_196 = vector.extract_strided_slice %mul3A_183 {offsets = [1, 0, 0], sizes = [1, 128, 256], strides = [1, 1, 1]} : vector<8x128x256xbf16> to vector<1x128x256xbf16>
    %squeeze3A_197 = vector.shape_cast %slice3A_196 : vector<1x128x256xbf16> to vector<128x256xbf16>
    %slice3A_198 = vector.extract_strided_slice %convert_element_type3A_44 {offsets = [1, 0, 0], sizes = [1, 128, 256], strides = [1, 1, 1]} : vector<8x128x256xbf16> to vector<1x128x256xbf16>
    %squeeze3A_199 = vector.shape_cast %slice3A_198 : vector<1x128x256xbf16> to vector<128x256xbf16>
    %dot_general3A_200 = arith.constant dense<0.000000e+00> : vector<128x128xf32>
    %dot_general3A_201 = tpu.matmul %squeeze3A_197, %squeeze3A_199, %dot_general3A_200 {dimension_numbers = #tpu.dot_dimension_numbers<[1], [1], [0], [0], [0, 0, 1, 0], [], []>, transpose_lhs_hint = false} : vector<128x256xbf16>, vector<128x256xbf16>, vector<128x128xf32> -> vector<128x128xf32>
    %convert_element_type3A_202 = arith.truncf %dot_general3A_201 : vector<128x128xf32> to vector<128x128xbf16>
    %slice3A_203 = vector.extract_strided_slice %concatenate3A_185 {offsets = [1, 0, 0], sizes = [1, 128, 65], strides = [1, 1, 1]} : vector<8x128x65xbf16> to vector<1x128x65xbf16>
    %squeeze3A_204 = vector.shape_cast %slice3A_203 : vector<1x128x65xbf16> to vector<128x65xbf16>
    %dot_general3A_205 = arith.constant dense<0.000000e+00> : vector<128x65xf32>
    %dot_general3A_206 = tpu.matmul %convert_element_type3A_202, %squeeze3A_204, %dot_general3A_205 {dimension_numbers = #tpu.dot_dimension_numbers<[1], [0], [0], [1], [0, 0, 1, 1], [], []>, transpose_lhs_hint = false} : vector<128x128xbf16>, vector<128x65xbf16>, vector<128x65xf32> -> vector<128x65xf32>
    %slice3A_207 = vector.extract_strided_slice %mul3A_183 {offsets = [2, 0, 0], sizes = [1, 128, 256], strides = [1, 1, 1]} : vector<8x128x256xbf16> to vector<1x128x256xbf16>
    %squeeze3A_208 = vector.shape_cast %slice3A_207 : vector<1x128x256xbf16> to vector<128x256xbf16>
    %slice3A_209 = vector.extract_strided_slice %convert_element_type3A_44 {offsets = [2, 0, 0], sizes = [1, 128, 256], strides = [1, 1, 1]} : vector<8x128x256xbf16> to vector<1x128x256xbf16>
    %squeeze3A_210 = vector.shape_cast %slice3A_209 : vector<1x128x256xbf16> to vector<128x256xbf16>
    %dot_general3A_211 = arith.constant dense<0.000000e+00> : vector<128x128xf32>
    %dot_general3A_212 = tpu.matmul %squeeze3A_208, %squeeze3A_210, %dot_general3A_211 {dimension_numbers = #tpu.dot_dimension_numbers<[1], [1], [0], [0], [0, 0, 1, 0], [], []>, transpose_lhs_hint = false} : vector<128x256xbf16>, vector<128x256xbf16>, vector<128x128xf32> -> vector<128x128xf32>
    %convert_element_type3A_213 = arith.truncf %dot_general3A_212 : vector<128x128xf32> to vector<128x128xbf16>
    %slice3A_214 = vector.extract_strided_slice %concatenate3A_185 {offsets = [2, 0, 0], sizes = [1, 128, 65], strides = [1, 1, 1]} : vector<8x128x65xbf16> to vector<1x128x65xbf16>
    %squeeze3A_215 = vector.shape_cast %slice3A_214 : vector<1x128x65xbf16> to vector<128x65xbf16>
    %dot_general3A_216 = arith.constant dense<0.000000e+00> : vector<128x65xf32>
    %dot_general3A_217 = tpu.matmul %convert_element_type3A_213, %squeeze3A_215, %dot_general3A_216 {dimension_numbers = #tpu.dot_dimension_numbers<[1], [0], [0], [1], [0, 0, 1, 1], [], []>, transpose_lhs_hint = false} : vector<128x128xbf16>, vector<128x65xbf16>, vector<128x65xf32> -> vector<128x65xf32>
    %slice3A_218 = vector.extract_strided_slice %mul3A_183 {offsets = [3, 0, 0], sizes = [1, 128, 256], strides = [1, 1, 1]} : vector<8x128x256xbf16> to vector<1x128x256xbf16>
    %squeeze3A_219 = vector.shape_cast %slice3A_218 : vector<1x128x256xbf16> to vector<128x256xbf16>
    %slice3A_220 = vector.extract_strided_slice %convert_element_type3A_44 {offsets = [3, 0, 0], sizes = [1, 128, 256], strides = [1, 1, 1]} : vector<8x128x256xbf16> to vector<1x128x256xbf16>
    %squeeze3A_221 = vector.shape_cast %slice3A_220 : vector<1x128x256xbf16> to vector<128x256xbf16>
    %dot_general3A_222 = arith.constant dense<0.000000e+00> : vector<128x128xf32>
    %dot_general3A_223 = tpu.matmul %squeeze3A_219, %squeeze3A_221, %dot_general3A_222 {dimension_numbers = #tpu.dot_dimension_numbers<[1], [1], [0], [0], [0, 0, 1, 0], [], []>, transpose_lhs_hint = false} : vector<128x256xbf16>, vector<128x256xbf16>, vector<128x128xf32> -> vector<128x128xf32>
    %convert_element_type3A_224 = arith.truncf %dot_general3A_223 : vector<128x128xf32> to vector<128x128xbf16>
    %slice3A_225 = vector.extract_strided_slice %concatenate3A_185 {offsets = [3, 0, 0], sizes = [1, 128, 65], strides = [1, 1, 1]} : vector<8x128x65xbf16> to vector<1x128x65xbf16>
    %squeeze3A_226 = vector.shape_cast %slice3A_225 : vector<1x128x65xbf16> to vector<128x65xbf16>
    %dot_general3A_227 = arith.constant dense<0.000000e+00> : vector<128x65xf32>
    %dot_general3A_228 = tpu.matmul %convert_element_type3A_224, %squeeze3A_226, %dot_general3A_227 {dimension_numbers = #tpu.dot_dimension_numbers<[1], [0], [0], [1], [0, 0, 1, 1], [], []>, transpose_lhs_hint = false} : vector<128x128xbf16>, vector<128x65xbf16>, vector<128x65xf32> -> vector<128x65xf32>
    %slice3A_229 = vector.extract_strided_slice %mul3A_183 {offsets = [4, 0, 0], sizes = [1, 128, 256], strides = [1, 1, 1]} : vector<8x128x256xbf16> to vector<1x128x256xbf16>
    %squeeze3A_230 = vector.shape_cast %slice3A_229 : vector<1x128x256xbf16> to vector<128x256xbf16>
    %slice3A_231 = vector.extract_strided_slice %convert_element_type3A_44 {offsets = [4, 0, 0], sizes = [1, 128, 256], strides = [1, 1, 1]} : vector<8x128x256xbf16> to vector<1x128x256xbf16>
    %squeeze3A_232 = vector.shape_cast %slice3A_231 : vector<1x128x256xbf16> to vector<128x256xbf16>
    %dot_general3A_233 = arith.constant dense<0.000000e+00> : vector<128x128xf32>
    %dot_general3A_234 = tpu.matmul %squeeze3A_230, %squeeze3A_232, %dot_general3A_233 {dimension_numbers = #tpu.dot_dimension_numbers<[1], [1], [0], [0], [0, 0, 1, 0], [], []>, transpose_lhs_hint = false} : vector<128x256xbf16>, vector<128x256xbf16>, vector<128x128xf32> -> vector<128x128xf32>
    %convert_element_type3A_235 = arith.truncf %dot_general3A_234 : vector<128x128xf32> to vector<128x128xbf16>
    %slice3A_236 = vector.extract_strided_slice %concatenate3A_185 {offsets = [4, 0, 0], sizes = [1, 128, 65], strides = [1, 1, 1]} : vector<8x128x65xbf16> to vector<1x128x65xbf16>
    %squeeze3A_237 = vector.shape_cast %slice3A_236 : vector<1x128x65xbf16> to vector<128x65xbf16>
    %dot_general3A_238 = arith.constant dense<0.000000e+00> : vector<128x65xf32>
    %dot_general3A_239 = tpu.matmul %convert_element_type3A_235, %squeeze3A_237, %dot_general3A_238 {dimension_numbers = #tpu.dot_dimension_numbers<[1], [0], [0], [1], [0, 0, 1, 1], [], []>, transpose_lhs_hint = false} : vector<128x128xbf16>, vector<128x65xbf16>, vector<128x65xf32> -> vector<128x65xf32>
    %slice3A_240 = vector.extract_strided_slice %mul3A_183 {offsets = [5, 0, 0], sizes = [1, 128, 256], strides = [1, 1, 1]} : vector<8x128x256xbf16> to vector<1x128x256xbf16>
    %squeeze3A_241 = vector.shape_cast %slice3A_240 : vector<1x128x256xbf16> to vector<128x256xbf16>
    %slice3A_242 = vector.extract_strided_slice %convert_element_type3A_44 {offsets = [5, 0, 0], sizes = [1, 128, 256], strides = [1, 1, 1]} : vector<8x128x256xbf16> to vector<1x128x256xbf16>
    %squeeze3A_243 = vector.shape_cast %slice3A_242 : vector<1x128x256xbf16> to vector<128x256xbf16>
    %dot_general3A_244 = arith.constant dense<0.000000e+00> : vector<128x128xf32>
    %dot_general3A_245 = tpu.matmul %squeeze3A_241, %squeeze3A_243, %dot_general3A_244 {dimension_numbers = #tpu.dot_dimension_numbers<[1], [1], [0], [0], [0, 0, 1, 0], [], []>, transpose_lhs_hint = false} : vector<128x256xbf16>, vector<128x256xbf16>, vector<128x128xf32> -> vector<128x128xf32>
    %convert_element_type3A_246 = arith.truncf %dot_general3A_245 : vector<128x128xf32> to vector<128x128xbf16>
    %slice3A_247 = vector.extract_strided_slice %concatenate3A_185 {offsets = [5, 0, 0], sizes = [1, 128, 65], strides = [1, 1, 1]} : vector<8x128x65xbf16> to vector<1x128x65xbf16>
    %squeeze3A_248 = vector.shape_cast %slice3A_247 : vector<1x128x65xbf16> to vector<128x65xbf16>
    %dot_general3A_249 = arith.constant dense<0.000000e+00> : vector<128x65xf32>
    %dot_general3A_250 = tpu.matmul %convert_element_type3A_246, %squeeze3A_248, %dot_general3A_249 {dimension_numbers = #tpu.dot_dimension_numbers<[1], [0], [0], [1], [0, 0, 1, 1], [], []>, transpose_lhs_hint = false} : vector<128x128xbf16>, vector<128x65xbf16>, vector<128x65xf32> -> vector<128x65xf32>
    %slice3A_251 = vector.extract_strided_slice %mul3A_183 {offsets = [6, 0, 0], sizes = [1, 128, 256], strides = [1, 1, 1]} : vector<8x128x256xbf16> to vector<1x128x256xbf16>
    %squeeze3A_252 = vector.shape_cast %slice3A_251 : vector<1x128x256xbf16> to vector<128x256xbf16>
    %slice3A_253 = vector.extract_strided_slice %convert_element_type3A_44 {offsets = [6, 0, 0], sizes = [1, 128, 256], strides = [1, 1, 1]} : vector<8x128x256xbf16> to vector<1x128x256xbf16>
    %squeeze3A_254 = vector.shape_cast %slice3A_253 : vector<1x128x256xbf16> to vector<128x256xbf16>
    %dot_general3A_255 = arith.constant dense<0.000000e+00> : vector<128x128xf32>
    %dot_general3A_256 = tpu.matmul %squeeze3A_252, %squeeze3A_254, %dot_general3A_255 {dimension_numbers = #tpu.dot_dimension_numbers<[1], [1], [0], [0], [0, 0, 1, 0], [], []>, transpose_lhs_hint = false} : vector<128x256xbf16>, vector<128x256xbf16>, vector<128x128xf32> -> vector<128x128xf32>
    %convert_element_type3A_257 = arith.truncf %dot_general3A_256 : vector<128x128xf32> to vector<128x128xbf16>
    %slice3A_258 = vector.extract_strided_slice %concatenate3A_185 {offsets = [6, 0, 0], sizes = [1, 128, 65], strides = [1, 1, 1]} : vector<8x128x65xbf16> to vector<1x128x65xbf16>
    %squeeze3A_259 = vector.shape_cast %slice3A_258 : vector<1x128x65xbf16> to vector<128x65xbf16>
    %dot_general3A_260 = arith.constant dense<0.000000e+00> : vector<128x65xf32>
    %dot_general3A_261 = tpu.matmul %convert_element_type3A_257, %squeeze3A_259, %dot_general3A_260 {dimension_numbers = #tpu.dot_dimension_numbers<[1], [0], [0], [1], [0, 0, 1, 1], [], []>, transpose_lhs_hint = false} : vector<128x128xbf16>, vector<128x65xbf16>, vector<128x65xf32> -> vector<128x65xf32>
    %slice3A_262 = vector.extract_strided_slice %mul3A_183 {offsets = [7, 0, 0], sizes = [1, 128, 256], strides = [1, 1, 1]} : vector<8x128x256xbf16> to vector<1x128x256xbf16>
    %squeeze3A_263 = vector.shape_cast %slice3A_262 : vector<1x128x256xbf16> to vector<128x256xbf16>
    %slice3A_264 = vector.extract_strided_slice %convert_element_type3A_44 {offsets = [7, 0, 0], sizes = [1, 128, 256], strides = [1, 1, 1]} : vector<8x128x256xbf16> to vector<1x128x256xbf16>
    %squeeze3A_265 = vector.shape_cast %slice3A_264 : vector<1x128x256xbf16> to vector<128x256xbf16>
    %dot_general3A_266 = arith.constant dense<0.000000e+00> : vector<128x128xf32>
    %dot_general3A_267 = tpu.matmul %squeeze3A_263, %squeeze3A_265, %dot_general3A_266 {dimension_numbers = #tpu.dot_dimension_numbers<[1], [1], [0], [0], [0, 0, 1, 0], [], []>, transpose_lhs_hint = false} : vector<128x256xbf16>, vector<128x256xbf16>, vector<128x128xf32> -> vector<128x128xf32>
    %convert_element_type3A_268 = arith.truncf %dot_general3A_267 : vector<128x128xf32> to vector<128x128xbf16>
    %slice3A_269 = vector.extract_strided_slice %concatenate3A_185 {offsets = [7, 0, 0], sizes = [1, 128, 65], strides = [1, 1, 1]} : vector<8x128x65xbf16> to vector<1x128x65xbf16>
    %squeeze3A_270 = vector.shape_cast %slice3A_269 : vector<1x128x65xbf16> to vector<128x65xbf16>
    %dot_general3A_271 = arith.constant dense<0.000000e+00> : vector<128x65xf32>
    %dot_general3A_272 = tpu.matmul %convert_element_type3A_268, %squeeze3A_270, %dot_general3A_271 {dimension_numbers = #tpu.dot_dimension_numbers<[1], [0], [0], [1], [0, 0, 1, 1], [], []>, transpose_lhs_hint = false} : vector<128x128xbf16>, vector<128x65xbf16>, vector<128x65xf32> -> vector<128x65xf32>
    %stack3A = vector.shape_cast %dot_general3A_195 : vector<128x65xf32> to vector<1x128x65xf32>
    %stack3A_273 = vector.shape_cast %dot_general3A_206 : vector<128x65xf32> to vector<1x128x65xf32>
    %stack3A_274 = vector.shape_cast %dot_general3A_217 : vector<128x65xf32> to vector<1x128x65xf32>
    %stack3A_275 = vector.shape_cast %dot_general3A_228 : vector<128x65xf32> to vector<1x128x65xf32>
    %stack3A_276 = vector.shape_cast %dot_general3A_239 : vector<128x65xf32> to vector<1x128x65xf32>
    %stack3A_277 = vector.shape_cast %dot_general3A_250 : vector<128x65xf32> to vector<1x128x65xf32>
    %stack3A_278 = vector.shape_cast %dot_general3A_261 : vector<128x65xf32> to vector<1x128x65xf32>
    %stack3A_279 = vector.shape_cast %dot_general3A_272 : vector<128x65xf32> to vector<1x128x65xf32>
    %stack3A_280 = tpu.concatenate %stack3A, %stack3A_273, %stack3A_274, %stack3A_275, %stack3A_276, %stack3A_277, %stack3A_278, %stack3A_279 in 0 : vector<1x128x65xf32>, vector<1x128x65xf32>, vector<1x128x65xf32>, vector<1x128x65xf32>, vector<1x128x65xf32>, vector<1x128x65xf32>, vector<1x128x65xf32>, vector<1x128x65xf32> -> vector<8x128x65xf32>
    %slice3A_281 = vector.extract_strided_slice %stack3A_280 {offsets = [0, 0, 64], sizes = [8, 128, 1], strides = [1, 1, 1]} : vector<8x128x65xf32> to vector<8x128x1xf32>
    %add3A_282 = arith.constant 1.000000e-16 : f32
    %add3A_283 = vector.broadcast %add3A_282 : f32 to vector<8x128x1xf32>
    %add3A_284 = arith.addf %slice3A_281, %add3A_283 : vector<8x128x1xf32>
    %slice3A_285 = vector.extract_strided_slice %stack3A_280 {offsets = [0, 0, 0], sizes = [8, 128, 64], strides = [1, 1, 1]} : vector<8x128x65xf32> to vector<8x128x64xf32>
    %max3A_286 = arith.constant 0.000000e+00 : f32
    %max3A_287 = vector.broadcast %max3A_286 : f32 to vector<8x128x64xf32>
    %max3A_288 = arith.maximumf %slice3A_285, %max3A_287 : vector<8x128x64xf32>
    %div3A = vector.broadcast %add3A_284 : vector<8x128x1xf32> to vector<8x128x64xf32>
    %div3A_289 = arith.divf %max3A_288, %div3A : vector<8x128x64xf32>
    %reshape3A_290 = vector.shape_cast %dot_general3A_86 : vector<8x64xf32> to vector<8x1x64xf32>
    %mul3A_291 = vector.broadcast %reshape3A_290 : vector<8x1x64xf32> to vector<8x128x64xf32>
    %mul3A_292 = arith.mulf %div3A_289, %mul3A_291 : vector<8x128x64xf32>
    %reduce_sum3A_293 = arith.constant dense<0.000000e+00> : vector<8x128xf32>
    %reduce_sum3A_294 = vector.multi_reduction <add>, %mul3A_292, %reduce_sum3A_293 [2] : vector<8x128x64xf32> to vector<8x128xf32>
    %broadcast_in_dim3A_295 = vector.shape_cast %reduce_sum3A_294 : vector<8x128xf32> to vector<8x128x1xf32>
    %logistic3A = arith.negf %broadcast_in_dim3A_295 : vector<8x128x1xf32>
    %logistic3A_296 = math.exp %logistic3A : vector<8x128x1xf32>
    %logistic3A_297 = arith.constant 1.000000e+00 : f32
    %logistic3A_298 = vector.broadcast %logistic3A_297 : f32 to vector<8x128x1xf32>
    %logistic3A_299 = arith.addf %logistic3A_298, %logistic3A_296 : vector<8x128x1xf32>
    %logistic3A_300 = arith.divf %logistic3A_298, %logistic3A_299 : vector<8x128x1xf32>
    %mul3A_301 = vector.broadcast %logistic3A_300 : vector<8x128x1xf32> to vector<8x128x64xf32>
    %mul3A_302 = arith.mulf %div3A_289, %mul3A_301 : vector<8x128x64xf32>
    %reshape3A_303 = vector.shape_cast %mul3A_302 : vector<8x128x64xf32> to vector<1024x64xf32>
    %reduce_max3A_304 = arith.constant dense<0xFF800000> : vector<8x64xf32>
    %reduce_max3A_305 = vector.multi_reduction <maximumf>, %mul3A_302, %reduce_max3A_304 [1] : vector<8x128x64xf32> to vector<8x64xf32>
    %swap3A = arith.constant 0 : index
    %swap3A_306 = arith.constant 0 : index
    %swap3A_307 = vector.load %arg40[%swap3A, %swap3A_306] : memref<32x64xf32, #tpu.memory_space<vmem>>, vector<8x64xf32>
    tpu.vector_store %arg40[%swap3A, %swap3A_306], %reduce_max3A_305 {strides = array<i32>} : memref<32x64xf32, #tpu.memory_space<vmem>>, vector<8x64xf32>,
    %get3A_308 = arith.constant 1 : index
    %get3A_309 = arith.constant 0 : index
    %get3A_310 = arith.constant 0 : index
    %get3A_311 = vector.load %arg25[%get3A_308, %get3A_309, %get3A_310] : memref<2x64x64xf32, #tpu.memory_space<vmem>>, vector<1x64x64xf32>
    %get3A_312 = vector.shape_cast %get3A_311 : vector<1x64x64xf32> to vector<64x64xf32>
    %convert_element_type3A_313 = arith.truncf %get3A_312 : vector<64x64xf32> to vector<64x64xbf16>
    %get3A_314 = arith.constant 1 : index
    %get3A_315 = arith.constant 0 : index
    %get3A_316 = arith.constant 0 : index
    %get3A_317 = vector.load %arg26[%get3A_314, %get3A_315, %get3A_316] : memref<2x64x2xf32, #tpu.memory_space<vmem>>, vector<1x64x2xf32>
    %get3A_318 = vector.shape_cast %get3A_317 : vector<1x64x2xf32> to vector<64x2xf32>
    %convert_element_type3A_319 = arith.truncf %get3A_318 : vector<64x2xf32> to vector<64x2xbf16>
    %dot_general3A_320 = arith.constant dense<0.000000e+00> : vector<64x2xf32>
    %dot_general3A_321 = tpu.matmul %convert_element_type3A_313, %convert_element_type3A_319, %dot_general3A_320 {dimension_numbers = #tpu.dot_dimension_numbers<[1], [0], [0], [1], [0, 0, 1, 1], [], []>, transpose_lhs_hint = false} : vector<64x64xbf16>, vector<64x2xbf16>, vector<64x2xf32> -> vector<64x2xf32>
    %get3A_322 = arith.constant 1 : index
    %get3A_323 = arith.constant 0 : index
    %get3A_324 = arith.constant 0 : index
    %get3A_325 = vector.load %arg25[%get3A_322, %get3A_323, %get3A_324] : memref<2x64x64xf32, #tpu.memory_space<vmem>>, vector<1x64x64xf32>
    %get3A_326 = vector.shape_cast %get3A_325 : vector<1x64x64xf32> to vector<64x64xf32>
    %concatenate3A_327 = tpu.concatenate %get3A_326, %dot_general3A_321 in 1 : vector<64x64xf32>, vector<64x2xf32> -> vector<64x66xf32>
    %convert_element_type3A_328 = arith.truncf %reshape3A_303 : vector<1024x64xf32> to vector<1024x64xbf16>
    %convert_element_type3A_329 = arith.truncf %concatenate3A_327 : vector<64x66xf32> to vector<64x66xbf16>
    %dot_general3A_330 = arith.constant dense<0.000000e+00> : vector<1024x66xf32>
    %dot_general3A_331 = tpu.matmul %convert_element_type3A_328, %convert_element_type3A_329, %dot_general3A_330 {dimension_numbers = #tpu.dot_dimension_numbers<[1], [0], [0], [1], [0, 0, 1, 1], [], []>, transpose_lhs_hint = false} : vector<1024x64xbf16>, vector<64x66xbf16>, vector<1024x66xf32> -> vector<1024x66xf32>
    %get3A_332 = arith.constant 1 : index
    %get3A_333 = arith.constant 0 : index
    %get3A_334 = arith.constant 0 : index
    %get3A_335 = vector.load %arg19[%get3A_332, %get3A_333, %get3A_334] : memref<2x64x64xf32, #tpu.memory_space<vmem>>, vector<1x64x64xf32>
    %get3A_336 = vector.shape_cast %get3A_335 : vector<1x64x64xf32> to vector<64x64xf32>
    %dot_general3A_337 = arith.constant dense<0.000000e+00> : vector<8x64xf32>
    %dot_general3A_338 = tpu.matmul %select_n3A_22, %get3A_336, %dot_general3A_337 {dimension_numbers = #tpu.dot_dimension_numbers<[1], [0], [0], [1], [0, 0, 1, 1], [], []>, transpose_lhs_hint = false} : vector<8x64xf32>, vector<64x64xf32>, vector<8x64xf32> -> vector<8x64xf32>
    %get3A_339 = arith.constant 1 : index
    %get3A_340 = arith.constant 0 : index
    %get3A_341 = vector.load %arg20[%get3A_339, %get3A_340] : memref<2x64xf32, #tpu.memory_space<vmem>>, vector<1x64xf32>
    %add3A_342 = vector.broadcast %get3A_341 : vector<1x64xf32> to vector<8x64xf32>
    %add3A_343 = arith.addf %dot_general3A_338, %add3A_342 : vector<8x64xf32>
    %max3A_344 = arith.constant 0.000000e+00 : f32
    %max3A_345 = vector.broadcast %max3A_344 : f32 to vector<8x64xf32>
    %max3A_346 = arith.maximumf %add3A_343, %max3A_345 : vector<8x64xf32>
    %get3A_347 = arith.constant 0 : index
    %get3A_348 = arith.constant 0 : index
    %get3A_349 = vector.load %arg31[%get3A_347, %get3A_348] : memref<64x64xf32, #tpu.memory_space<vmem>>, vector<64x64xf32>
    %dot_general3A_350 = arith.constant dense<0.000000e+00> : vector<8x64xf32>
    %dot_general3A_351 = tpu.matmul %max3A_346, %get3A_349, %dot_general3A_350 {dimension_numbers = #tpu.dot_dimension_numbers<[1], [1], [0], [0], [0, 0, 1, 0], [], []>, transpose_lhs_hint = false} : vector<8x64xf32>, vector<64x64xf32>, vector<8x64xf32> -> vector<8x64xf32>
    %slice3A_352 = vector.extract_strided_slice %dot_general3A_331 {offsets = [0, 0], sizes = [1024, 64], strides = [1, 1]} : vector<1024x66xf32> to vector<1024x64xf32>
    %reshape3A_353 = vector.shape_cast %slice3A_352 : vector<1024x64xf32> to vector<8x128x64xf32>
    %slice3A_354 = vector.extract_strided_slice %dot_general3A_331 {offsets = [0, 64], sizes = [1024, 1], strides = [1, 1]} : vector<1024x66xf32> to vector<1024x1xf32>
    %reshape3A_355 = vector.shape_cast %slice3A_354 : vector<1024x1xf32> to vector<8x128x1xf32>
    %slice3A_356 = vector.extract_strided_slice %dot_general3A_331 {offsets = [0, 65], sizes = [1024, 1], strides = [1, 1]} : vector<1024x66xf32> to vector<1024x1xf32>
    %reshape3A_357 = vector.shape_cast %slice3A_356 : vector<1024x1xf32> to vector<8x128x1xf32>
    %jit3A_358 = arith.constant 0.000000e+00 : f32
    %broadcast_in_dim3A_359 = vector.shape_cast %reshape3A_355 : vector<8x128x1xf32> to vector<8x128x1xf32>
    %broadcast_in_dim3A_360 = vector.broadcast %broadcast_in_dim3A_359 : vector<8x128x1xf32> to vector<8x128x256xf32>
    %broadcast_in_dim3A_361 = vector.broadcast %jit3A_358 : f32 to vector<8x128x256xf32>
    %select_n3A_362 = arith.select %eq3A_35, %broadcast_in_dim3A_360, %broadcast_in_dim3A_361 : vector<8x128x256xi1>, vector<8x128x256xf32>
    %jit3A_363 = arith.constant 0.000000e+00 : f32
    %broadcast_in_dim3A_364 = vector.shape_cast %reshape3A_357 : vector<8x128x1xf32> to vector<8x128x1xf32>
    %broadcast_in_dim3A_365 = vector.broadcast %broadcast_in_dim3A_364 : vector<8x128x1xf32> to vector<8x128x256xf32>
    %broadcast_in_dim3A_366 = vector.broadcast %jit3A_363 : f32 to vector<8x128x256xf32>
    %select_n3A_367 = arith.select %eq3A_37, %broadcast_in_dim3A_365, %broadcast_in_dim3A_366 : vector<8x128x256xi1>, vector<8x128x256xf32>
    %add3A_368 = arith.addf %select_n3A_362, %select_n3A_367 : vector<8x128x256xf32>
    %reduce_sum3A_369 = arith.constant dense<0.000000e+00> : vector<8x256xf32>
    %reduce_sum3A_370 = vector.multi_reduction <add>, %add3A_368, %reduce_sum3A_369 [1] : vector<8x128x256xf32> to vector<8x256xf32>
    %broadcast_in_dim3A_371 = vector.shape_cast %reduce_sum3A_370 : vector<8x256xf32> to vector<8x1x256xf32>
    %broadcast_in_dim3A_372 = arith.constant 0.000000e+00 : f32
    %broadcast_in_dim3A_373 = vector.broadcast %broadcast_in_dim3A_372 : f32 to vector<8x1x256xf32>
    %eq3A_374 = arith.constant 0 : i32
    %eq3A_375 = vector.broadcast %eq3A_374 : i32 to vector<8x1x256xi32>
    %eq3A_376 = arith.cmpi eq, %reshape3A, %eq3A_375 : vector<8x1x256xi32>
    %get3A_377 = arith.constant 1 : index
    %get3A_378 = arith.constant 0 : index
    %get3A_379 = vector.load %arg27[%get3A_377, %get3A_378] : memref<2x4xf32, #tpu.memory_space<vmem>>, vector<1x1xf32>
    %get3A_380 = vector.extract %get3A_379[0, 0] : f32 from vector<1x1xf32>
    %jit3A_381 = arith.constant 0.000000e+00 : f32
    %broadcast_in_dim3A_382 = vector.broadcast %get3A_380 : f32 to vector<8x1x256xf32>
    %broadcast_in_dim3A_383 = vector.broadcast %jit3A_381 : f32 to vector<8x1x256xf32>
    %select_n3A_384 = arith.select %eq3A_376, %broadcast_in_dim3A_382, %broadcast_in_dim3A_383 : vector<8x1x256xi1>, vector<8x1x256xf32>
    %add3A_385 = arith.addf %broadcast_in_dim3A_373, %select_n3A_384 : vector<8x1x256xf32>
    %eq3A_386 = arith.constant 1 : i32
    %eq3A_387 = vector.broadcast %eq3A_386 : i32 to vector<8x1x256xi32>
    %eq3A_388 = arith.cmpi eq, %reshape3A, %eq3A_387 : vector<8x1x256xi32>
    %get3A_389 = arith.constant 1 : index
    %get3A_390 = arith.constant 1 : index
    %get3A_391 = vector.load %arg27[%get3A_389, %get3A_390] : memref<2x4xf32, #tpu.memory_space<vmem>>, vector<1x1xf32>
    %get3A_392 = vector.extract %get3A_391[0, 0] : f32 from vector<1x1xf32>
    %jit3A_393 = arith.constant 0.000000e+00 : f32
    %broadcast_in_dim3A_394 = vector.broadcast %get3A_392 : f32 to vector<8x1x256xf32>
    %broadcast_in_dim3A_395 = vector.broadcast %jit3A_393 : f32 to vector<8x1x256xf32>
    %select_n3A_396 = arith.select %eq3A_388, %broadcast_in_dim3A_394, %broadcast_in_dim3A_395 : vector<8x1x256xi1>, vector<8x1x256xf32>
    %add3A_397 = arith.addf %add3A_385, %select_n3A_396 : vector<8x1x256xf32>
    %eq3A_398 = arith.constant 2 : i32
    %eq3A_399 = vector.broadcast %eq3A_398 : i32 to vector<8x1x256xi32>
    %eq3A_400 = arith.cmpi eq, %reshape3A, %eq3A_399 : vector<8x1x256xi32>
    %get3A_401 = arith.constant 1 : index
    %get3A_402 = arith.constant 2 : index
    %get3A_403 = vector.load %arg27[%get3A_401, %get3A_402] : memref<2x4xf32, #tpu.memory_space<vmem>>, vector<1x1xf32>
    %get3A_404 = vector.extract %get3A_403[0, 0] : f32 from vector<1x1xf32>
    %jit3A_405 = arith.constant 0.000000e+00 : f32
    %broadcast_in_dim3A_406 = vector.broadcast %get3A_404 : f32 to vector<8x1x256xf32>
    %broadcast_in_dim3A_407 = vector.broadcast %jit3A_405 : f32 to vector<8x1x256xf32>
    %select_n3A_408 = arith.select %eq3A_400, %broadcast_in_dim3A_406, %broadcast_in_dim3A_407 : vector<8x1x256xi1>, vector<8x1x256xf32>
    %add3A_409 = arith.addf %add3A_397, %select_n3A_408 : vector<8x1x256xf32>
    %eq3A_410 = arith.constant 3 : i32
    %eq3A_411 = vector.broadcast %eq3A_410 : i32 to vector<8x1x256xi32>
    %eq3A_412 = arith.cmpi eq, %reshape3A, %eq3A_411 : vector<8x1x256xi32>
    %get3A_413 = arith.constant 1 : index
    %get3A_414 = arith.constant 3 : index
    %get3A_415 = vector.load %arg27[%get3A_413, %get3A_414] : memref<2x4xf32, #tpu.memory_space<vmem>>, vector<1x1xf32>
    %get3A_416 = vector.extract %get3A_415[0, 0] : f32 from vector<1x1xf32>
    %jit3A_417 = arith.constant 0.000000e+00 : f32
    %broadcast_in_dim3A_418 = vector.broadcast %get3A_416 : f32 to vector<8x1x256xf32>
    %broadcast_in_dim3A_419 = vector.broadcast %jit3A_417 : f32 to vector<8x1x256xf32>
    %select_n3A_420 = arith.select %eq3A_412, %broadcast_in_dim3A_418, %broadcast_in_dim3A_419 : vector<8x1x256xi1>, vector<8x1x256xf32>
    %add3A_421 = arith.addf %add3A_409, %select_n3A_420 : vector<8x1x256xf32>
    %add3A_422 = arith.addf %broadcast_in_dim3A_371, %add3A_421 : vector<8x1x256xf32>
    %ge3A_423 = arith.constant 0.000000e+00 : f32
    %ge3A_424 = vector.broadcast %ge3A_423 : f32 to vector<8x1x256xf32>
    %ge3A_425 = arith.cmpf oge, %add3A_422, %ge3A_424 : vector<8x1x256xf32>
    %mul3A_426 = arith.constant 2.000000e-01 : f32
    %mul3A_427 = vector.broadcast %mul3A_426 : f32 to vector<8x1x256xf32>
    %mul3A_428 = arith.mulf %mul3A_427, %add3A_422 : vector<8x1x256xf32>
    %select_n3A_429 = arith.select %ge3A_425, %add3A_422, %mul3A_428 : vector<8x1x256xi1>, vector<8x1x256xf32>
    %jit3A_430 = arith.constant 0xFF800000 : f32
    %broadcast_in_dim3A_431 = vector.shape_cast %select_n3A_429 : vector<8x1x256xf32> to vector<8x1x256xf32>
    %broadcast_in_dim3A_432 = vector.broadcast %broadcast_in_dim3A_431 : vector<8x1x256xf32> to vector<8x128x256xf32>
    %broadcast_in_dim3A_433 = vector.broadcast %jit3A_430 : f32 to vector<8x128x256xf32>
    %select_n3A_434 = arith.select %eq3A_37, %broadcast_in_dim3A_432, %broadcast_in_dim3A_433 : vector<8x128x256xi1>, vector<8x128x256xf32>
    %reduce_max3A_435 = arith.constant dense<0xFF800000> : vector<8x128xf32>
    %reduce_max3A_436 = vector.multi_reduction <maximumf>, %select_n3A_434, %reduce_max3A_435 [2] : vector<8x128x256xf32> to vector<8x128xf32>
    %broadcast_in_dim3A_437 = vector.shape_cast %reduce_max3A_436 : vector<8x128xf32> to vector<8x128x1xf32>
    %gt3A_438 = arith.constant -9.99999993E+36 : f32
    %gt3A_439 = vector.broadcast %gt3A_438 : f32 to vector<8x128x1xf32>
    %gt3A_440 = arith.cmpf ogt, %broadcast_in_dim3A_437, %gt3A_439 : vector<8x128x1xf32>
    %jit3A_441 = arith.constant 0.000000e+00 : f32
    %broadcast_in_dim3A_442 = vector.broadcast %jit3A_441 : f32 to vector<8x128x1xf32>
    %select_n3A_443 = arith.select %gt3A_440, %broadcast_in_dim3A_437, %broadcast_in_dim3A_442 : vector<8x128x1xi1>, vector<8x128x1xf32>
    %jit3A_444 = arith.constant 0.000000e+00 : f32
    %broadcast_in_dim3A_445 = vector.shape_cast %select_n3A_443 : vector<8x128x1xf32> to vector<8x128x1xf32>
    %broadcast_in_dim3A_446 = vector.broadcast %broadcast_in_dim3A_445 : vector<8x128x1xf32> to vector<8x128x256xf32>
    %broadcast_in_dim3A_447 = vector.broadcast %jit3A_444 : f32 to vector<8x128x256xf32>
    %select_n3A_448 = arith.select %eq3A_37, %broadcast_in_dim3A_446, %broadcast_in_dim3A_447 : vector<8x128x256xi1>, vector<8x128x256xf32>
    %reduce_sum3A_449 = arith.constant dense<0.000000e+00> : vector<8x256xf32>
    %reduce_sum3A_450 = vector.multi_reduction <add>, %select_n3A_448, %reduce_sum3A_449 [1] : vector<8x128x256xf32> to vector<8x256xf32>
    %broadcast_in_dim3A_451 = vector.shape_cast %reduce_sum3A_450 : vector<8x256xf32> to vector<8x1x256xf32>
    %sub3A_452 = arith.subf %select_n3A_429, %broadcast_in_dim3A_451 : vector<8x1x256xf32>
    %exp3A_453 = math.exp %sub3A_452 : vector<8x1x256xf32>
    %convert_element_type3A_454 = arith.truncf %exp3A_453 : vector<8x1x256xf32> to vector<8x1x256xbf16>
    %mul3A_455 = vector.broadcast %convert_element_type3A_454 : vector<8x1x256xbf16> to vector<8x128x256xbf16>
    %mul3A_456 = arith.mulf %convert_element_type3A_41, %mul3A_455 : vector<8x128x256xbf16>
    %convert_element_type3A_457 = arith.truncf %reshape3A_353 : vector<8x128x64xf32> to vector<8x128x64xbf16>
    %concatenate3A_458 = tpu.concatenate %convert_element_type3A_457, %broadcast_in_dim3A_46 in 2 : vector<8x128x64xbf16>, vector<8x128x1xbf16> -> vector<8x128x65xbf16>
    %slice3A_459 = vector.extract_strided_slice %mul3A_456 {offsets = [0, 0, 0], sizes = [1, 128, 256], strides = [1, 1, 1]} : vector<8x128x256xbf16> to vector<1x128x256xbf16>
    %squeeze3A_460 = vector.shape_cast %slice3A_459 : vector<1x128x256xbf16> to vector<128x256xbf16>
    %slice3A_461 = vector.extract_strided_slice %convert_element_type3A_44 {offsets = [0, 0, 0], sizes = [1, 128, 256], strides = [1, 1, 1]} : vector<8x128x256xbf16> to vector<1x128x256xbf16>
    %squeeze3A_462 = vector.shape_cast %slice3A_461 : vector<1x128x256xbf16> to vector<128x256xbf16>
    %dot_general3A_463 = arith.constant dense<0.000000e+00> : vector<128x128xf32>
    %dot_general3A_464 = tpu.matmul %squeeze3A_460, %squeeze3A_462, %dot_general3A_463 {dimension_numbers = #tpu.dot_dimension_numbers<[1], [1], [0], [0], [0, 0, 1, 0], [], []>, transpose_lhs_hint = false} : vector<128x256xbf16>, vector<128x256xbf16>, vector<128x128xf32> -> vector<128x128xf32>
    %convert_element_type3A_465 = arith.truncf %dot_general3A_464 : vector<128x128xf32> to vector<128x128xbf16>
    %slice3A_466 = vector.extract_strided_slice %concatenate3A_458 {offsets = [0, 0, 0], sizes = [1, 128, 65], strides = [1, 1, 1]} : vector<8x128x65xbf16> to vector<1x128x65xbf16>
    %squeeze3A_467 = vector.shape_cast %slice3A_466 : vector<1x128x65xbf16> to vector<128x65xbf16>
    %dot_general3A_468 = arith.constant dense<0.000000e+00> : vector<128x65xf32>
    %dot_general3A_469 = tpu.matmul %convert_element_type3A_465, %squeeze3A_467, %dot_general3A_468 {dimension_numbers = #tpu.dot_dimension_numbers<[1], [0], [0], [1], [0, 0, 1, 1], [], []>, transpose_lhs_hint = false} : vector<128x128xbf16>, vector<128x65xbf16>, vector<128x65xf32> -> vector<128x65xf32>
    %slice3A_470 = vector.extract_strided_slice %mul3A_456 {offsets = [1, 0, 0], sizes = [1, 128, 256], strides = [1, 1, 1]} : vector<8x128x256xbf16> to vector<1x128x256xbf16>
    %squeeze3A_471 = vector.shape_cast %slice3A_470 : vector<1x128x256xbf16> to vector<128x256xbf16>
    %slice3A_472 = vector.extract_strided_slice %convert_element_type3A_44 {offsets = [1, 0, 0], sizes = [1, 128, 256], strides = [1, 1, 1]} : vector<8x128x256xbf16> to vector<1x128x256xbf16>
    %squeeze3A_473 = vector.shape_cast %slice3A_472 : vector<1x128x256xbf16> to vector<128x256xbf16>
    %dot_general3A_474 = arith.constant dense<0.000000e+00> : vector<128x128xf32>
    %dot_general3A_475 = tpu.matmul %squeeze3A_471, %squeeze3A_473, %dot_general3A_474 {dimension_numbers = #tpu.dot_dimension_numbers<[1], [1], [0], [0], [0, 0, 1, 0], [], []>, transpose_lhs_hint = false} : vector<128x256xbf16>, vector<128x256xbf16>, vector<128x128xf32> -> vector<128x128xf32>
    %convert_element_type3A_476 = arith.truncf %dot_general3A_475 : vector<128x128xf32> to vector<128x128xbf16>
    %slice3A_477 = vector.extract_strided_slice %concatenate3A_458 {offsets = [1, 0, 0], sizes = [1, 128, 65], strides = [1, 1, 1]} : vector<8x128x65xbf16> to vector<1x128x65xbf16>
    %squeeze3A_478 = vector.shape_cast %slice3A_477 : vector<1x128x65xbf16> to vector<128x65xbf16>
    %dot_general3A_479 = arith.constant dense<0.000000e+00> : vector<128x65xf32>
    %dot_general3A_480 = tpu.matmul %convert_element_type3A_476, %squeeze3A_478, %dot_general3A_479 {dimension_numbers = #tpu.dot_dimension_numbers<[1], [0], [0], [1], [0, 0, 1, 1], [], []>, transpose_lhs_hint = false} : vector<128x128xbf16>, vector<128x65xbf16>, vector<128x65xf32> -> vector<128x65xf32>
    %slice3A_481 = vector.extract_strided_slice %mul3A_456 {offsets = [2, 0, 0], sizes = [1, 128, 256], strides = [1, 1, 1]} : vector<8x128x256xbf16> to vector<1x128x256xbf16>
    %squeeze3A_482 = vector.shape_cast %slice3A_481 : vector<1x128x256xbf16> to vector<128x256xbf16>
    %slice3A_483 = vector.extract_strided_slice %convert_element_type3A_44 {offsets = [2, 0, 0], sizes = [1, 128, 256], strides = [1, 1, 1]} : vector<8x128x256xbf16> to vector<1x128x256xbf16>
    %squeeze3A_484 = vector.shape_cast %slice3A_483 : vector<1x128x256xbf16> to vector<128x256xbf16>
    %dot_general3A_485 = arith.constant dense<0.000000e+00> : vector<128x128xf32>
    %dot_general3A_486 = tpu.matmul %squeeze3A_482, %squeeze3A_484, %dot_general3A_485 {dimension_numbers = #tpu.dot_dimension_numbers<[1], [1], [0], [0], [0, 0, 1, 0], [], []>, transpose_lhs_hint = false} : vector<128x256xbf16>, vector<128x256xbf16>, vector<128x128xf32> -> vector<128x128xf32>
    %convert_element_type3A_487 = arith.truncf %dot_general3A_486 : vector<128x128xf32> to vector<128x128xbf16>
    %slice3A_488 = vector.extract_strided_slice %concatenate3A_458 {offsets = [2, 0, 0], sizes = [1, 128, 65], strides = [1, 1, 1]} : vector<8x128x65xbf16> to vector<1x128x65xbf16>
    %squeeze3A_489 = vector.shape_cast %slice3A_488 : vector<1x128x65xbf16> to vector<128x65xbf16>
    %dot_general3A_490 = arith.constant dense<0.000000e+00> : vector<128x65xf32>
    %dot_general3A_491 = tpu.matmul %convert_element_type3A_487, %squeeze3A_489, %dot_general3A_490 {dimension_numbers = #tpu.dot_dimension_numbers<[1], [0], [0], [1], [0, 0, 1, 1], [], []>, transpose_lhs_hint = false} : vector<128x128xbf16>, vector<128x65xbf16>, vector<128x65xf32> -> vector<128x65xf32>
    %slice3A_492 = vector.extract_strided_slice %mul3A_456 {offsets = [3, 0, 0], sizes = [1, 128, 256], strides = [1, 1, 1]} : vector<8x128x256xbf16> to vector<1x128x256xbf16>
    %squeeze3A_493 = vector.shape_cast %slice3A_492 : vector<1x128x256xbf16> to vector<128x256xbf16>
    %slice3A_494 = vector.extract_strided_slice %convert_element_type3A_44 {offsets = [3, 0, 0], sizes = [1, 128, 256], strides = [1, 1, 1]} : vector<8x128x256xbf16> to vector<1x128x256xbf16>
    %squeeze3A_495 = vector.shape_cast %slice3A_494 : vector<1x128x256xbf16> to vector<128x256xbf16>
    %dot_general3A_496 = arith.constant dense<0.000000e+00> : vector<128x128xf32>
    %dot_general3A_497 = tpu.matmul %squeeze3A_493, %squeeze3A_495, %dot_general3A_496 {dimension_numbers = #tpu.dot_dimension_numbers<[1], [1], [0], [0], [0, 0, 1, 0], [], []>, transpose_lhs_hint = false} : vector<128x256xbf16>, vector<128x256xbf16>, vector<128x128xf32> -> vector<128x128xf32>
    %convert_element_type3A_498 = arith.truncf %dot_general3A_497 : vector<128x128xf32> to vector<128x128xbf16>
    %slice3A_499 = vector.extract_strided_slice %concatenate3A_458 {offsets = [3, 0, 0], sizes = [1, 128, 65], strides = [1, 1, 1]} : vector<8x128x65xbf16> to vector<1x128x65xbf16>
    %squeeze3A_500 = vector.shape_cast %slice3A_499 : vector<1x128x65xbf16> to vector<128x65xbf16>
    %dot_general3A_501 = arith.constant dense<0.000000e+00> : vector<128x65xf32>
    %dot_general3A_502 = tpu.matmul %convert_element_type3A_498, %squeeze3A_500, %dot_general3A_501 {dimension_numbers = #tpu.dot_dimension_numbers<[1], [0], [0], [1], [0, 0, 1, 1], [], []>, transpose_lhs_hint = false} : vector<128x128xbf16>, vector<128x65xbf16>, vector<128x65xf32> -> vector<128x65xf32>
    %slice3A_503 = vector.extract_strided_slice %mul3A_456 {offsets = [4, 0, 0], sizes = [1, 128, 256], strides = [1, 1, 1]} : vector<8x128x256xbf16> to vector<1x128x256xbf16>
    %squeeze3A_504 = vector.shape_cast %slice3A_503 : vector<1x128x256xbf16> to vector<128x256xbf16>
    %slice3A_505 = vector.extract_strided_slice %convert_element_type3A_44 {offsets = [4, 0, 0], sizes = [1, 128, 256], strides = [1, 1, 1]} : vector<8x128x256xbf16> to vector<1x128x256xbf16>
    %squeeze3A_506 = vector.shape_cast %slice3A_505 : vector<1x128x256xbf16> to vector<128x256xbf16>
    %dot_general3A_507 = arith.constant dense<0.000000e+00> : vector<128x128xf32>
    %dot_general3A_508 = tpu.matmul %squeeze3A_504, %squeeze3A_506, %dot_general3A_507 {dimension_numbers = #tpu.dot_dimension_numbers<[1], [1], [0], [0], [0, 0, 1, 0], [], []>, transpose_lhs_hint = false} : vector<128x256xbf16>, vector<128x256xbf16>, vector<128x128xf32> -> vector<128x128xf32>
    %convert_element_type3A_509 = arith.truncf %dot_general3A_508 : vector<128x128xf32> to vector<128x128xbf16>
    %slice3A_510 = vector.extract_strided_slice %concatenate3A_458 {offsets = [4, 0, 0], sizes = [1, 128, 65], strides = [1, 1, 1]} : vector<8x128x65xbf16> to vector<1x128x65xbf16>
    %squeeze3A_511 = vector.shape_cast %slice3A_510 : vector<1x128x65xbf16> to vector<128x65xbf16>
    %dot_general3A_512 = arith.constant dense<0.000000e+00> : vector<128x65xf32>
    %dot_general3A_513 = tpu.matmul %convert_element_type3A_509, %squeeze3A_511, %dot_general3A_512 {dimension_numbers = #tpu.dot_dimension_numbers<[1], [0], [0], [1], [0, 0, 1, 1], [], []>, transpose_lhs_hint = false} : vector<128x128xbf16>, vector<128x65xbf16>, vector<128x65xf32> -> vector<128x65xf32>
    %slice3A_514 = vector.extract_strided_slice %mul3A_456 {offsets = [5, 0, 0], sizes = [1, 128, 256], strides = [1, 1, 1]} : vector<8x128x256xbf16> to vector<1x128x256xbf16>
    %squeeze3A_515 = vector.shape_cast %slice3A_514 : vector<1x128x256xbf16> to vector<128x256xbf16>
    %slice3A_516 = vector.extract_strided_slice %convert_element_type3A_44 {offsets = [5, 0, 0], sizes = [1, 128, 256], strides = [1, 1, 1]} : vector<8x128x256xbf16> to vector<1x128x256xbf16>
    %squeeze3A_517 = vector.shape_cast %slice3A_516 : vector<1x128x256xbf16> to vector<128x256xbf16>
    %dot_general3A_518 = arith.constant dense<0.000000e+00> : vector<128x128xf32>
    %dot_general3A_519 = tpu.matmul %squeeze3A_515, %squeeze3A_517, %dot_general3A_518 {dimension_numbers = #tpu.dot_dimension_numbers<[1], [1], [0], [0], [0, 0, 1, 0], [], []>, transpose_lhs_hint = false} : vector<128x256xbf16>, vector<128x256xbf16>, vector<128x128xf32> -> vector<128x128xf32>
    %convert_element_type3A_520 = arith.truncf %dot_general3A_519 : vector<128x128xf32> to vector<128x128xbf16>
    %slice3A_521 = vector.extract_strided_slice %concatenate3A_458 {offsets = [5, 0, 0], sizes = [1, 128, 65], strides = [1, 1, 1]} : vector<8x128x65xbf16> to vector<1x128x65xbf16>
    %squeeze3A_522 = vector.shape_cast %slice3A_521 : vector<1x128x65xbf16> to vector<128x65xbf16>
    %dot_general3A_523 = arith.constant dense<0.000000e+00> : vector<128x65xf32>
    %dot_general3A_524 = tpu.matmul %convert_element_type3A_520, %squeeze3A_522, %dot_general3A_523 {dimension_numbers = #tpu.dot_dimension_numbers<[1], [0], [0], [1], [0, 0, 1, 1], [], []>, transpose_lhs_hint = false} : vector<128x128xbf16>, vector<128x65xbf16>, vector<128x65xf32> -> vector<128x65xf32>
    %slice3A_525 = vector.extract_strided_slice %mul3A_456 {offsets = [6, 0, 0], sizes = [1, 128, 256], strides = [1, 1, 1]} : vector<8x128x256xbf16> to vector<1x128x256xbf16>
    %squeeze3A_526 = vector.shape_cast %slice3A_525 : vector<1x128x256xbf16> to vector<128x256xbf16>
    %slice3A_527 = vector.extract_strided_slice %convert_element_type3A_44 {offsets = [6, 0, 0], sizes = [1, 128, 256], strides = [1, 1, 1]} : vector<8x128x256xbf16> to vector<1x128x256xbf16>
    %squeeze3A_528 = vector.shape_cast %slice3A_527 : vector<1x128x256xbf16> to vector<128x256xbf16>
    %dot_general3A_529 = arith.constant dense<0.000000e+00> : vector<128x128xf32>
    %dot_general3A_530 = tpu.matmul %squeeze3A_526, %squeeze3A_528, %dot_general3A_529 {dimension_numbers = #tpu.dot_dimension_numbers<[1], [1], [0], [0], [0, 0, 1, 0], [], []>, transpose_lhs_hint = false} : vector<128x256xbf16>, vector<128x256xbf16>, vector<128x128xf32> -> vector<128x128xf32>
    %convert_element_type3A_531 = arith.truncf %dot_general3A_530 : vector<128x128xf32> to vector<128x128xbf16>
    %slice3A_532 = vector.extract_strided_slice %concatenate3A_458 {offsets = [6, 0, 0], sizes = [1, 128, 65], strides = [1, 1, 1]} : vector<8x128x65xbf16> to vector<1x128x65xbf16>
    %squeeze3A_533 = vector.shape_cast %slice3A_532 : vector<1x128x65xbf16> to vector<128x65xbf16>
    %dot_general3A_534 = arith.constant dense<0.000000e+00> : vector<128x65xf32>
    %dot_general3A_535 = tpu.matmul %convert_element_type3A_531, %squeeze3A_533, %dot_general3A_534 {dimension_numbers = #tpu.dot_dimension_numbers<[1], [0], [0], [1], [0, 0, 1, 1], [], []>, transpose_lhs_hint = false} : vector<128x128xbf16>, vector<128x65xbf16>, vector<128x65xf32> -> vector<128x65xf32>
    %slice3A_536 = vector.extract_strided_slice %mul3A_456 {offsets = [7, 0, 0], sizes = [1, 128, 256], strides = [1, 1, 1]} : vector<8x128x256xbf16> to vector<1x128x256xbf16>
    %squeeze3A_537 = vector.shape_cast %slice3A_536 : vector<1x128x256xbf16> to vector<128x256xbf16>
    %slice3A_538 = vector.extract_strided_slice %convert_element_type3A_44 {offsets = [7, 0, 0], sizes = [1, 128, 256], strides = [1, 1, 1]} : vector<8x128x256xbf16> to vector<1x128x256xbf16>
    %squeeze3A_539 = vector.shape_cast %slice3A_538 : vector<1x128x256xbf16> to vector<128x256xbf16>
    %dot_general3A_540 = arith.constant dense<0.000000e+00> : vector<128x128xf32>
    %dot_general3A_541 = tpu.matmul %squeeze3A_537, %squeeze3A_539, %dot_general3A_540 {dimension_numbers = #tpu.dot_dimension_numbers<[1], [1], [0], [0], [0, 0, 1, 0], [], []>, transpose_lhs_hint = false} : vector<128x256xbf16>, vector<128x256xbf16>, vector<128x128xf32> -> vector<128x128xf32>
    %convert_element_type3A_542 = arith.truncf %dot_general3A_541 : vector<128x128xf32> to vector<128x128xbf16>
    %slice3A_543 = vector.extract_strided_slice %concatenate3A_458 {offsets = [7, 0, 0], sizes = [1, 128, 65], strides = [1, 1, 1]} : vector<8x128x65xbf16> to vector<1x128x65xbf16>
    %squeeze3A_544 = vector.shape_cast %slice3A_543 : vector<1x128x65xbf16> to vector<128x65xbf16>
    %dot_general3A_545 = arith.constant dense<0.000000e+00> : vector<128x65xf32>
    %dot_general3A_546 = tpu.matmul %convert_element_type3A_542, %squeeze3A_544, %dot_general3A_545 {dimension_numbers = #tpu.dot_dimension_numbers<[1], [0], [0], [1], [0, 0, 1, 1], [], []>, transpose_lhs_hint = false} : vector<128x128xbf16>, vector<128x65xbf16>, vector<128x65xf32> -> vector<128x65xf32>
    %stack3A_547 = vector.shape_cast %dot_general3A_469 : vector<128x65xf32> to vector<1x128x65xf32>
    %stack3A_548 = vector.shape_cast %dot_general3A_480 : vector<128x65xf32> to vector<1x128x65xf32>
    %stack3A_549 = vector.shape_cast %dot_general3A_491 : vector<128x65xf32> to vector<1x128x65xf32>
    %stack3A_550 = vector.shape_cast %dot_general3A_502 : vector<128x65xf32> to vector<1x128x65xf32>
    %stack3A_551 = vector.shape_cast %dot_general3A_513 : vector<128x65xf32> to vector<1x128x65xf32>
    %stack3A_552 = vector.shape_cast %dot_general3A_524 : vector<128x65xf32> to vector<1x128x65xf32>
    %stack3A_553 = vector.shape_cast %dot_general3A_535 : vector<128x65xf32> to vector<1x128x65xf32>
    %stack3A_554 = vector.shape_cast %dot_general3A_546 : vector<128x65xf32> to vector<1x128x65xf32>
    %stack3A_555 = tpu.concatenate %stack3A_547, %stack3A_548, %stack3A_549, %stack3A_550, %stack3A_551, %stack3A_552, %stack3A_553, %stack3A_554 in 0 : vector<1x128x65xf32>, vector<1x128x65xf32>, vector<1x128x65xf32>, vector<1x128x65xf32>, vector<1x128x65xf32>, vector<1x128x65xf32>, vector<1x128x65xf32>, vector<1x128x65xf32> -> vector<8x128x65xf32>
    %slice3A_556 = vector.extract_strided_slice %stack3A_555 {offsets = [0, 0, 64], sizes = [8, 128, 1], strides = [1, 1, 1]} : vector<8x128x65xf32> to vector<8x128x1xf32>
    %add3A_557 = arith.constant 1.000000e-16 : f32
    %add3A_558 = vector.broadcast %add3A_557 : f32 to vector<8x128x1xf32>
    %add3A_559 = arith.addf %slice3A_556, %add3A_558 : vector<8x128x1xf32>
    %slice3A_560 = vector.extract_strided_slice %stack3A_555 {offsets = [0, 0, 0], sizes = [8, 128, 64], strides = [1, 1, 1]} : vector<8x128x65xf32> to vector<8x128x64xf32>
    %max3A_561 = arith.constant 0.000000e+00 : f32
    %max3A_562 = vector.broadcast %max3A_561 : f32 to vector<8x128x64xf32>
    %max3A_563 = arith.maximumf %slice3A_560, %max3A_562 : vector<8x128x64xf32>
    %div3A_564 = vector.broadcast %add3A_559 : vector<8x128x1xf32> to vector<8x128x64xf32>
    %div3A_565 = arith.divf %max3A_563, %div3A_564 : vector<8x128x64xf32>
    %reshape3A_566 = vector.shape_cast %dot_general3A_351 : vector<8x64xf32> to vector<8x1x64xf32>
    %mul3A_567 = vector.broadcast %reshape3A_566 : vector<8x1x64xf32> to vector<8x128x64xf32>
    %mul3A_568 = arith.mulf %div3A_565, %mul3A_567 : vector<8x128x64xf32>
    %reduce_sum3A_569 = arith.constant dense<0.000000e+00> : vector<8x128xf32>
    %reduce_sum3A_570 = vector.multi_reduction <add>, %mul3A_568, %reduce_sum3A_569 [2] : vector<8x128x64xf32> to vector<8x128xf32>
    %broadcast_in_dim3A_571 = vector.shape_cast %reduce_sum3A_570 : vector<8x128xf32> to vector<8x128x1xf32>
    %logistic3A_572 = arith.negf %broadcast_in_dim3A_571 : vector<8x128x1xf32>
    %logistic3A_573 = math.exp %logistic3A_572 : vector<8x128x1xf32>
    %logistic3A_574 = arith.constant 1.000000e+00 : f32
    %logistic3A_575 = vector.broadcast %logistic3A_574 : f32 to vector<8x128x1xf32>
    %logistic3A_576 = arith.addf %logistic3A_575, %logistic3A_573 : vector<8x128x1xf32>
    %logistic3A_577 = arith.divf %logistic3A_575, %logistic3A_576 : vector<8x128x1xf32>
    %mul3A_578 = vector.broadcast %logistic3A_577 : vector<8x128x1xf32> to vector<8x128x64xf32>
    %mul3A_579 = arith.mulf %div3A_565, %mul3A_578 : vector<8x128x64xf32>
    %reduce_max3A_580 = arith.constant dense<0xFF800000> : vector<8x64xf32>
    %reduce_max3A_581 = vector.multi_reduction <maximumf>, %mul3A_579, %reduce_max3A_580 [1] : vector<8x128x64xf32> to vector<8x64xf32>
    %swap3A_582 = arith.constant 8 : index
    %swap3A_583 = arith.constant 0 : index
    %swap3A_584 = vector.load %arg40[%swap3A_582, %swap3A_583] : memref<32x64xf32, #tpu.memory_space<vmem>>, vector<8x64xf32>
    tpu.vector_store %arg40[%swap3A_582, %swap3A_583], %reduce_max3A_581 {strides = array<i32>} : memref<32x64xf32, #tpu.memory_space<vmem>>, vector<8x64xf32>,
    %get3A_585 = arith.constant 0 : index
    %get3A_586 = arith.constant 0 : index
    %get3A_587 = vector.load %arg3[%get3A_585, %get3A_586] : memref<1024x128xf32, #tpu.memory_space<vmem>>, vector<1024x128xf32>
    %get3A_588 = arith.constant 0 : index
    %get3A_589 = arith.constant 0 : index
    %get3A_590 = vector.load %arg4[%get3A_588, %get3A_589] : memref<1024x1xi32, #tpu.memory_space<vmem>>, vector<1024x1xi32>
    %eq3A_591 = arith.constant 1 : i32
    %eq3A_592 = vector.broadcast %eq3A_591 : i32 to vector<1024x1xi32>
    %eq3A_593 = arith.cmpi eq, %get3A_590, %eq3A_592 : vector<1024x1xi32>
    %slice3A_594 = vector.extract_strided_slice %get3A_587 {offsets = [0, 64], sizes = [1024, 64], strides = [1, 1]} : vector<1024x128xf32> to vector<1024x64xf32>
    %slice3A_595 = vector.extract_strided_slice %get3A_587 {offsets = [0, 0], sizes = [1024, 64], strides = [1, 1]} : vector<1024x128xf32> to vector<1024x64xf32>
    %broadcast_in_dim3A_596 = vector.shape_cast %eq3A_593 : vector<1024x1xi1> to vector<1024x1xi1>
    %broadcast_in_dim3A_597 = vector.broadcast %broadcast_in_dim3A_596 : vector<1024x1xi1> to vector<1024x64xi1>
    %select_n3A_598 = arith.select %broadcast_in_dim3A_597, %slice3A_594, %slice3A_595 : vector<1024x64xi1>, vector<1024x64xf32>
    %get3A_599 = arith.constant 0 : index
    %get3A_600 = arith.constant 0 : index
    %get3A_601 = vector.load %arg7[%get3A_599, %get3A_600] : memref<8x128xf32, #tpu.memory_space<vmem>>, vector<8x128xf32>
    %get3A_602 = arith.constant 0 : index
    %get3A_603 = arith.constant 0 : index
    %get3A_604 = vector.load %arg8[%get3A_602, %get3A_603] : memref<8x1xi32, #tpu.memory_space<vmem>>, vector<8x1xi32>
    %eq3A_605 = arith.constant 1 : i32
    %eq3A_606 = vector.broadcast %eq3A_605 : i32 to vector<8x1xi32>
    %eq3A_607 = arith.cmpi eq, %get3A_604, %eq3A_606 : vector<8x1xi32>
    %slice3A_608 = vector.extract_strided_slice %get3A_601 {offsets = [0, 64], sizes = [8, 64], strides = [1, 1]} : vector<8x128xf32> to vector<8x64xf32>
    %slice3A_609 = vector.extract_strided_slice %get3A_601 {offsets = [0, 0], sizes = [8, 64], strides = [1, 1]} : vector<8x128xf32> to vector<8x64xf32>
    %broadcast_in_dim3A_610 = vector.shape_cast %eq3A_607 : vector<8x1xi1> to vector<8x1xi1>
    %broadcast_in_dim3A_611 = vector.broadcast %broadcast_in_dim3A_610 : vector<8x1xi1> to vector<8x64xi1>
    %select_n3A_612 = arith.select %broadcast_in_dim3A_611, %slice3A_608, %slice3A_609 : vector<8x64xi1>, vector<8x64xf32>
    %get3A_613 = arith.constant 0 : index
    %get3A_614 = arith.constant 0 : index
    %get3A_615 = arith.constant 0 : index
    %get3A_616 = vector.load %arg16[%get3A_613, %get3A_614, %get3A_615] : memref<8x2x256xi32, #tpu.memory_space<vmem>>, vector<8x1x256xi32>
    %get3A_617 = arith.constant 0 : index
    %get3A_618 = arith.constant 1 : index
    %get3A_619 = arith.constant 0 : index
    %get3A_620 = vector.load %arg16[%get3A_617, %get3A_618, %get3A_619] : memref<8x2x256xi32, #tpu.memory_space<vmem>>, vector<8x1x256xi32>
    %get3A_621 = arith.constant 0 : index
    %get3A_622 = arith.constant 0 : index
    %get3A_623 = vector.load %arg18[%get3A_621, %get3A_622] : memref<8x256xi32, #tpu.memory_space<vmem>>, vector<8x256xi32>
    %reshape3A_624 = vector.shape_cast %get3A_623 : vector<8x256xi32> to vector<8x1x256xi32>
    %eq3A_625 = vector.broadcast %get3A_616 : vector<8x1x256xi32> to vector<8x128x256xi32>
    %eq3A_626 = arith.cmpi eq, %eq3A_625, %iota3A : vector<8x128x256xi32>
    %eq3A_627 = vector.broadcast %get3A_620 : vector<8x1x256xi32> to vector<8x128x256xi32>
    %eq3A_628 = arith.cmpi eq, %eq3A_627, %iota3A : vector<8x128x256xi32>
    %eq3A_629 = vector.broadcast %get3A_620 : vector<8x1x256xi32> to vector<8x128x256xi32>
    %eq3A_630 = arith.cmpi eq, %eq3A_629, %iota3A : vector<8x128x256xi32>
    %convert_element_type3A_631 = arith.extui %eq3A_630 : vector<8x128x256xi1> to vector<8x128x256xi32>
    %convert_element_type3A_632 = arith.sitofp %convert_element_type3A_631 : vector<8x128x256xi32> to vector<8x128x256xf32>
    %convert_element_type3A_633 = arith.truncf %convert_element_type3A_632 : vector<8x128x256xf32> to vector<8x128x256xbf16>
    %convert_element_type3A_634 = arith.extui %eq3A_626 : vector<8x128x256xi1> to vector<8x128x256xi32>
    %convert_element_type3A_635 = arith.sitofp %convert_element_type3A_634 : vector<8x128x256xi32> to vector<8x128x256xf32>
    %convert_element_type3A_636 = arith.truncf %convert_element_type3A_635 : vector<8x128x256xf32> to vector<8x128x256xbf16>
    %broadcast_in_dim3A_637 = arith.constant 1.000000e+00 : bf16
    %broadcast_in_dim3A_638 = vector.broadcast %broadcast_in_dim3A_637 : bf16 to vector<8x128x1xbf16>
    %get3A_639 = arith.constant 0 : index
    %get3A_640 = arith.constant 0 : index
    %get3A_641 = arith.constant 0 : index
    %get3A_642 = vector.load %arg28[%get3A_639, %get3A_640, %get3A_641] : memref<2x64x64xf32, #tpu.memory_space<vmem>>, vector<1x64x64xf32>
    %get3A_643 = vector.shape_cast %get3A_642 : vector<1x64x64xf32> to vector<64x64xf32>
    %convert_element_type3A_644 = arith.truncf %get3A_643 : vector<64x64xf32> to vector<64x64xbf16>
    %get3A_645 = arith.constant 0 : index
    %get3A_646 = arith.constant 0 : index
    %get3A_647 = arith.constant 0 : index
    %get3A_648 = vector.load %arg29[%get3A_645, %get3A_646, %get3A_647] : memref<2x64x2xf32, #tpu.memory_space<vmem>>, vector<1x64x2xf32>
    %get3A_649 = vector.shape_cast %get3A_648 : vector<1x64x2xf32> to vector<64x2xf32>
    %convert_element_type3A_650 = arith.truncf %get3A_649 : vector<64x2xf32> to vector<64x2xbf16>
    %dot_general3A_651 = arith.constant dense<0.000000e+00> : vector<64x2xf32>
    %dot_general3A_652 = tpu.matmul %convert_element_type3A_644, %convert_element_type3A_650, %dot_general3A_651 {dimension_numbers = #tpu.dot_dimension_numbers<[1], [0], [0], [1], [0, 0, 1, 1], [], []>, transpose_lhs_hint = false} : vector<64x64xbf16>, vector<64x2xbf16>, vector<64x2xf32> -> vector<64x2xf32>
    %get3A_653 = arith.constant 0 : index
    %get3A_654 = arith.constant 0 : index
    %get3A_655 = arith.constant 0 : index
    %get3A_656 = vector.load %arg28[%get3A_653, %get3A_654, %get3A_655] : memref<2x64x64xf32, #tpu.memory_space<vmem>>, vector<1x64x64xf32>
    %get3A_657 = vector.shape_cast %get3A_656 : vector<1x64x64xf32> to vector<64x64xf32>
    %concatenate3A_658 = tpu.concatenate %get3A_657, %dot_general3A_652 in 1 : vector<64x64xf32>, vector<64x2xf32> -> vector<64x66xf32>
    %convert_element_type3A_659 = arith.truncf %select_n3A_598 : vector<1024x64xf32> to vector<1024x64xbf16>
    %convert_element_type3A_660 = arith.truncf %concatenate3A_658 : vector<64x66xf32> to vector<64x66xbf16>
    %dot_general3A_661 = arith.constant dense<0.000000e+00> : vector<1024x66xf32>
    %dot_general3A_662 = tpu.matmul %convert_element_type3A_659, %convert_element_type3A_660, %dot_general3A_661 {dimension_numbers = #tpu.dot_dimension_numbers<[1], [0], [0], [1], [0, 0, 1, 1], [], []>, transpose_lhs_hint = false} : vector<1024x64xbf16>, vector<64x66xbf16>, vector<1024x66xf32> -> vector<1024x66xf32>
    %get3A_663 = arith.constant 0 : index
    %get3A_664 = arith.constant 0 : index
    %get3A_665 = arith.constant 0 : index
    %get3A_666 = vector.load %arg21[%get3A_663, %get3A_664, %get3A_665] : memref<2x64x64xf32, #tpu.memory_space<vmem>>, vector<1x64x64xf32>
    %get3A_667 = vector.shape_cast %get3A_666 : vector<1x64x64xf32> to vector<64x64xf32>
    %dot_general3A_668 = arith.constant dense<0.000000e+00> : vector<8x64xf32>
    %dot_general3A_669 = tpu.matmul %select_n3A_612, %get3A_667, %dot_general3A_668 {dimension_numbers = #tpu.dot_dimension_numbers<[1], [0], [0], [1], [0, 0, 1, 1], [], []>, transpose_lhs_hint = false} : vector<8x64xf32>, vector<64x64xf32>, vector<8x64xf32> -> vector<8x64xf32>
    %get3A_670 = arith.constant 0 : index
    %get3A_671 = arith.constant 0 : index
    %get3A_672 = vector.load %arg22[%get3A_670, %get3A_671] : memref<2x64xf32, #tpu.memory_space<vmem>>, vector<1x64xf32>
    %add3A_673 = vector.broadcast %get3A_672 : vector<1x64xf32> to vector<8x64xf32>
    %add3A_674 = arith.addf %dot_general3A_669, %add3A_673 : vector<8x64xf32>
    %max3A_675 = arith.constant 0.000000e+00 : f32
    %max3A_676 = vector.broadcast %max3A_675 : f32 to vector<8x64xf32>
    %max3A_677 = arith.maximumf %add3A_674, %max3A_676 : vector<8x64xf32>
    %get3A_678 = arith.constant 0 : index
    %get3A_679 = arith.constant 0 : index
    %get3A_680 = vector.load %arg31[%get3A_678, %get3A_679] : memref<64x64xf32, #tpu.memory_space<vmem>>, vector<64x64xf32>
    %dot_general3A_681 = arith.constant dense<0.000000e+00> : vector<8x64xf32>
    %dot_general3A_682 = tpu.matmul %max3A_677, %get3A_680, %dot_general3A_681 {dimension_numbers = #tpu.dot_dimension_numbers<[1], [1], [0], [0], [0, 0, 1, 0], [], []>, transpose_lhs_hint = false} : vector<8x64xf32>, vector<64x64xf32>, vector<8x64xf32> -> vector<8x64xf32>
    %slice3A_683 = vector.extract_strided_slice %dot_general3A_662 {offsets = [0, 0], sizes = [1024, 64], strides = [1, 1]} : vector<1024x66xf32> to vector<1024x64xf32>
    %reshape3A_684 = vector.shape_cast %slice3A_683 : vector<1024x64xf32> to vector<8x128x64xf32>
    %slice3A_685 = vector.extract_strided_slice %dot_general3A_662 {offsets = [0, 64], sizes = [1024, 1], strides = [1, 1]} : vector<1024x66xf32> to vector<1024x1xf32>
    %reshape3A_686 = vector.shape_cast %slice3A_685 : vector<1024x1xf32> to vector<8x128x1xf32>
    %slice3A_687 = vector.extract_strided_slice %dot_general3A_662 {offsets = [0, 65], sizes = [1024, 1], strides = [1, 1]} : vector<1024x66xf32> to vector<1024x1xf32>
    %reshape3A_688 = vector.shape_cast %slice3A_687 : vector<1024x1xf32> to vector<8x128x1xf32>
    %jit3A_689 = arith.constant 0.000000e+00 : f32
    %broadcast_in_dim3A_690 = vector.shape_cast %reshape3A_686 : vector<8x128x1xf32> to vector<8x128x1xf32>
    %broadcast_in_dim3A_691 = vector.broadcast %broadcast_in_dim3A_690 : vector<8x128x1xf32> to vector<8x128x256xf32>
    %broadcast_in_dim3A_692 = vector.broadcast %jit3A_689 : f32 to vector<8x128x256xf32>
    %select_n3A_693 = arith.select %eq3A_626, %broadcast_in_dim3A_691, %broadcast_in_dim3A_692 : vector<8x128x256xi1>, vector<8x128x256xf32>
    %jit3A_694 = arith.constant 0.000000e+00 : f32
    %broadcast_in_dim3A_695 = vector.shape_cast %reshape3A_688 : vector<8x128x1xf32> to vector<8x128x1xf32>
    %broadcast_in_dim3A_696 = vector.broadcast %broadcast_in_dim3A_695 : vector<8x128x1xf32> to vector<8x128x256xf32>
    %broadcast_in_dim3A_697 = vector.broadcast %jit3A_694 : f32 to vector<8x128x256xf32>
    %select_n3A_698 = arith.select %eq3A_628, %broadcast_in_dim3A_696, %broadcast_in_dim3A_697 : vector<8x128x256xi1>, vector<8x128x256xf32>
    %add3A_699 = arith.addf %select_n3A_693, %select_n3A_698 : vector<8x128x256xf32>
    %reduce_sum3A_700 = arith.constant dense<0.000000e+00> : vector<8x256xf32>
    %reduce_sum3A_701 = vector.multi_reduction <add>, %add3A_699, %reduce_sum3A_700 [1] : vector<8x128x256xf32> to vector<8x256xf32>
    %broadcast_in_dim3A_702 = vector.shape_cast %reduce_sum3A_701 : vector<8x256xf32> to vector<8x1x256xf32>
    %broadcast_in_dim3A_703 = arith.constant 0.000000e+00 : f32
    %broadcast_in_dim3A_704 = vector.broadcast %broadcast_in_dim3A_703 : f32 to vector<8x1x256xf32>
    %eq3A_705 = arith.constant 0 : i32
    %eq3A_706 = vector.broadcast %eq3A_705 : i32 to vector<8x1x256xi32>
    %eq3A_707 = arith.cmpi eq, %reshape3A_624, %eq3A_706 : vector<8x1x256xi32>
    %get3A_708 = arith.constant 0 : index
    %get3A_709 = arith.constant 0 : index
    %get3A_710 = vector.load %arg30[%get3A_708, %get3A_709] : memref<2x4xf32, #tpu.memory_space<vmem>>, vector<1x1xf32>
    %get3A_711 = vector.extract %get3A_710[0, 0] : f32 from vector<1x1xf32>
    %jit3A_712 = arith.constant 0.000000e+00 : f32
    %broadcast_in_dim3A_713 = vector.broadcast %get3A_711 : f32 to vector<8x1x256xf32>
    %broadcast_in_dim3A_714 = vector.broadcast %jit3A_712 : f32 to vector<8x1x256xf32>
    %select_n3A_715 = arith.select %eq3A_707, %broadcast_in_dim3A_713, %broadcast_in_dim3A_714 : vector<8x1x256xi1>, vector<8x1x256xf32>
    %add3A_716 = arith.addf %broadcast_in_dim3A_704, %select_n3A_715 : vector<8x1x256xf32>
    %eq3A_717 = arith.constant 1 : i32
    %eq3A_718 = vector.broadcast %eq3A_717 : i32 to vector<8x1x256xi32>
    %eq3A_719 = arith.cmpi eq, %reshape3A_624, %eq3A_718 : vector<8x1x256xi32>
    %get3A_720 = arith.constant 0 : index
    %get3A_721 = arith.constant 1 : index
    %get3A_722 = vector.load %arg30[%get3A_720, %get3A_721] : memref<2x4xf32, #tpu.memory_space<vmem>>, vector<1x1xf32>
    %get3A_723 = vector.extract %get3A_722[0, 0] : f32 from vector<1x1xf32>
    %jit3A_724 = arith.constant 0.000000e+00 : f32
    %broadcast_in_dim3A_725 = vector.broadcast %get3A_723 : f32 to vector<8x1x256xf32>
    %broadcast_in_dim3A_726 = vector.broadcast %jit3A_724 : f32 to vector<8x1x256xf32>
    %select_n3A_727 = arith.select %eq3A_719, %broadcast_in_dim3A_725, %broadcast_in_dim3A_726 : vector<8x1x256xi1>, vector<8x1x256xf32>
    %add3A_728 = arith.addf %add3A_716, %select_n3A_727 : vector<8x1x256xf32>
    %eq3A_729 = arith.constant 2 : i32
    %eq3A_730 = vector.broadcast %eq3A_729 : i32 to vector<8x1x256xi32>
    %eq3A_731 = arith.cmpi eq, %reshape3A_624, %eq3A_730 : vector<8x1x256xi32>
    %get3A_732 = arith.constant 0 : index
    %get3A_733 = arith.constant 2 : index
    %get3A_734 = vector.load %arg30[%get3A_732, %get3A_733] : memref<2x4xf32, #tpu.memory_space<vmem>>, vector<1x1xf32>
    %get3A_735 = vector.extract %get3A_734[0, 0] : f32 from vector<1x1xf32>
    %jit3A_736 = arith.constant 0.000000e+00 : f32
    %broadcast_in_dim3A_737 = vector.broadcast %get3A_735 : f32 to vector<8x1x256xf32>
    %broadcast_in_dim3A_738 = vector.broadcast %jit3A_736 : f32 to vector<8x1x256xf32>
    %select_n3A_739 = arith.select %eq3A_731, %broadcast_in_dim3A_737, %broadcast_in_dim3A_738 : vector<8x1x256xi1>, vector<8x1x256xf32>
    %add3A_740 = arith.addf %add3A_728, %select_n3A_739 : vector<8x1x256xf32>
    %eq3A_741 = arith.constant 3 : i32
    %eq3A_742 = vector.broadcast %eq3A_741 : i32 to vector<8x1x256xi32>
    %eq3A_743 = arith.cmpi eq, %reshape3A_624, %eq3A_742 : vector<8x1x256xi32>
    %get3A_744 = arith.constant 0 : index
    %get3A_745 = arith.constant 3 : index
    %get3A_746 = vector.load %arg30[%get3A_744, %get3A_745] : memref<2x4xf32, #tpu.memory_space<vmem>>, vector<1x1xf32>
    %get3A_747 = vector.extract %get3A_746[0, 0] : f32 from vector<1x1xf32>
    %jit3A_748 = arith.constant 0.000000e+00 : f32
    %broadcast_in_dim3A_749 = vector.broadcast %get3A_747 : f32 to vector<8x1x256xf32>
    %broadcast_in_dim3A_750 = vector.broadcast %jit3A_748 : f32 to vector<8x1x256xf32>
    %select_n3A_751 = arith.select %eq3A_743, %broadcast_in_dim3A_749, %broadcast_in_dim3A_750 : vector<8x1x256xi1>, vector<8x1x256xf32>
    %add3A_752 = arith.addf %add3A_740, %select_n3A_751 : vector<8x1x256xf32>
    %add3A_753 = arith.addf %broadcast_in_dim3A_702, %add3A_752 : vector<8x1x256xf32>
    %ge3A_754 = arith.constant 0.000000e+00 : f32
    %ge3A_755 = vector.broadcast %ge3A_754 : f32 to vector<8x1x256xf32>
    %ge3A_756 = arith.cmpf oge, %add3A_753, %ge3A_755 : vector<8x1x256xf32>
    %mul3A_757 = arith.constant 2.000000e-01 : f32
    %mul3A_758 = vector.broadcast %mul3A_757 : f32 to vector<8x1x256xf32>
    %mul3A_759 = arith.mulf %mul3A_758, %add3A_753 : vector<8x1x256xf32>
    %select_n3A_760 = arith.select %ge3A_756, %add3A_753, %mul3A_759 : vector<8x1x256xi1>, vector<8x1x256xf32>
    %jit3A_761 = arith.constant 0xFF800000 : f32
    %broadcast_in_dim3A_762 = vector.shape_cast %select_n3A_760 : vector<8x1x256xf32> to vector<8x1x256xf32>
    %broadcast_in_dim3A_763 = vector.broadcast %broadcast_in_dim3A_762 : vector<8x1x256xf32> to vector<8x128x256xf32>
    %broadcast_in_dim3A_764 = vector.broadcast %jit3A_761 : f32 to vector<8x128x256xf32>
    %select_n3A_765 = arith.select %eq3A_628, %broadcast_in_dim3A_763, %broadcast_in_dim3A_764 : vector<8x128x256xi1>, vector<8x128x256xf32>
    %reduce_max3A_766 = arith.constant dense<0xFF800000> : vector<8x128xf32>
    %reduce_max3A_767 = vector.multi_reduction <maximumf>, %select_n3A_765, %reduce_max3A_766 [2] : vector<8x128x256xf32> to vector<8x128xf32>
    %broadcast_in_dim3A_768 = vector.shape_cast %reduce_max3A_767 : vector<8x128xf32> to vector<8x128x1xf32>
    %gt3A_769 = arith.constant -9.99999993E+36 : f32
    %gt3A_770 = vector.broadcast %gt3A_769 : f32 to vector<8x128x1xf32>
    %gt3A_771 = arith.cmpf ogt, %broadcast_in_dim3A_768, %gt3A_770 : vector<8x128x1xf32>
    %jit3A_772 = arith.constant 0.000000e+00 : f32
    %broadcast_in_dim3A_773 = vector.broadcast %jit3A_772 : f32 to vector<8x128x1xf32>
    %select_n3A_774 = arith.select %gt3A_771, %broadcast_in_dim3A_768, %broadcast_in_dim3A_773 : vector<8x128x1xi1>, vector<8x128x1xf32>
    %jit3A_775 = arith.constant 0.000000e+00 : f32
    %broadcast_in_dim3A_776 = vector.shape_cast %select_n3A_774 : vector<8x128x1xf32> to vector<8x128x1xf32>
    %broadcast_in_dim3A_777 = vector.broadcast %broadcast_in_dim3A_776 : vector<8x128x1xf32> to vector<8x128x256xf32>
    %broadcast_in_dim3A_778 = vector.broadcast %jit3A_775 : f32 to vector<8x128x256xf32>
    %select_n3A_779 = arith.select %eq3A_628, %broadcast_in_dim3A_777, %broadcast_in_dim3A_778 : vector<8x128x256xi1>, vector<8x128x256xf32>
    %reduce_sum3A_780 = arith.constant dense<0.000000e+00> : vector<8x256xf32>
    %reduce_sum3A_781 = vector.multi_reduction <add>, %select_n3A_779, %reduce_sum3A_780 [1] : vector<8x128x256xf32> to vector<8x256xf32>
    %broadcast_in_dim3A_782 = vector.shape_cast %reduce_sum3A_781 : vector<8x256xf32> to vector<8x1x256xf32>
    %sub3A_783 = arith.subf %select_n3A_760, %broadcast_in_dim3A_782 : vector<8x1x256xf32>
    %exp3A_784 = math.exp %sub3A_783 : vector<8x1x256xf32>
    %convert_element_type3A_785 = arith.truncf %exp3A_784 : vector<8x1x256xf32> to vector<8x1x256xbf16>
    %mul3A_786 = vector.broadcast %convert_element_type3A_785 : vector<8x1x256xbf16> to vector<8x128x256xbf16>
    %mul3A_787 = arith.mulf %convert_element_type3A_633, %mul3A_786 : vector<8x128x256xbf16>
    %convert_element_type3A_788 = arith.truncf %reshape3A_684 : vector<8x128x64xf32> to vector<8x128x64xbf16>
    %concatenate3A_789 = tpu.concatenate %convert_element_type3A_788, %broadcast_in_dim3A_638 in 2 : vector<8x128x64xbf16>, vector<8x128x1xbf16> -> vector<8x128x65xbf16>
    %slice3A_790 = vector.extract_strided_slice %mul3A_787 {offsets = [0, 0, 0], sizes = [1, 128, 256], strides = [1, 1, 1]} : vector<8x128x256xbf16> to vector<1x128x256xbf16>
    %squeeze3A_791 = vector.shape_cast %slice3A_790 : vector<1x128x256xbf16> to vector<128x256xbf16>
    %slice3A_792 = vector.extract_strided_slice %convert_element_type3A_636 {offsets = [0, 0, 0], sizes = [1, 128, 256], strides = [1, 1, 1]} : vector<8x128x256xbf16> to vector<1x128x256xbf16>
    %squeeze3A_793 = vector.shape_cast %slice3A_792 : vector<1x128x256xbf16> to vector<128x256xbf16>
    %dot_general3A_794 = arith.constant dense<0.000000e+00> : vector<128x128xf32>
    %dot_general3A_795 = tpu.matmul %squeeze3A_791, %squeeze3A_793, %dot_general3A_794 {dimension_numbers = #tpu.dot_dimension_numbers<[1], [1], [0], [0], [0, 0, 1, 0], [], []>, transpose_lhs_hint = false} : vector<128x256xbf16>, vector<128x256xbf16>, vector<128x128xf32> -> vector<128x128xf32>
    %convert_element_type3A_796 = arith.truncf %dot_general3A_795 : vector<128x128xf32> to vector<128x128xbf16>
    %slice3A_797 = vector.extract_strided_slice %concatenate3A_789 {offsets = [0, 0, 0], sizes = [1, 128, 65], strides = [1, 1, 1]} : vector<8x128x65xbf16> to vector<1x128x65xbf16>
    %squeeze3A_798 = vector.shape_cast %slice3A_797 : vector<1x128x65xbf16> to vector<128x65xbf16>
    %dot_general3A_799 = arith.constant dense<0.000000e+00> : vector<128x65xf32>
    %dot_general3A_800 = tpu.matmul %convert_element_type3A_796, %squeeze3A_798, %dot_general3A_799 {dimension_numbers = #tpu.dot_dimension_numbers<[1], [0], [0], [1], [0, 0, 1, 1], [], []>, transpose_lhs_hint = false} : vector<128x128xbf16>, vector<128x65xbf16>, vector<128x65xf32> -> vector<128x65xf32>
    %slice3A_801 = vector.extract_strided_slice %mul3A_787 {offsets = [1, 0, 0], sizes = [1, 128, 256], strides = [1, 1, 1]} : vector<8x128x256xbf16> to vector<1x128x256xbf16>
    %squeeze3A_802 = vector.shape_cast %slice3A_801 : vector<1x128x256xbf16> to vector<128x256xbf16>
    %slice3A_803 = vector.extract_strided_slice %convert_element_type3A_636 {offsets = [1, 0, 0], sizes = [1, 128, 256], strides = [1, 1, 1]} : vector<8x128x256xbf16> to vector<1x128x256xbf16>
    %squeeze3A_804 = vector.shape_cast %slice3A_803 : vector<1x128x256xbf16> to vector<128x256xbf16>
    %dot_general3A_805 = arith.constant dense<0.000000e+00> : vector<128x128xf32>
    %dot_general3A_806 = tpu.matmul %squeeze3A_802, %squeeze3A_804, %dot_general3A_805 {dimension_numbers = #tpu.dot_dimension_numbers<[1], [1], [0], [0], [0, 0, 1, 0], [], []>, transpose_lhs_hint = false} : vector<128x256xbf16>, vector<128x256xbf16>, vector<128x128xf32> -> vector<128x128xf32>
    %convert_element_type3A_807 = arith.truncf %dot_general3A_806 : vector<128x128xf32> to vector<128x128xbf16>
    %slice3A_808 = vector.extract_strided_slice %concatenate3A_789 {offsets = [1, 0, 0], sizes = [1, 128, 65], strides = [1, 1, 1]} : vector<8x128x65xbf16> to vector<1x128x65xbf16>
    %squeeze3A_809 = vector.shape_cast %slice3A_808 : vector<1x128x65xbf16> to vector<128x65xbf16>
    %dot_general3A_810 = arith.constant dense<0.000000e+00> : vector<128x65xf32>
    %dot_general3A_811 = tpu.matmul %convert_element_type3A_807, %squeeze3A_809, %dot_general3A_810 {dimension_numbers = #tpu.dot_dimension_numbers<[1], [0], [0], [1], [0, 0, 1, 1], [], []>, transpose_lhs_hint = false} : vector<128x128xbf16>, vector<128x65xbf16>, vector<128x65xf32> -> vector<128x65xf32>
    %slice3A_812 = vector.extract_strided_slice %mul3A_787 {offsets = [2, 0, 0], sizes = [1, 128, 256], strides = [1, 1, 1]} : vector<8x128x256xbf16> to vector<1x128x256xbf16>
    %squeeze3A_813 = vector.shape_cast %slice3A_812 : vector<1x128x256xbf16> to vector<128x256xbf16>
    %slice3A_814 = vector.extract_strided_slice %convert_element_type3A_636 {offsets = [2, 0, 0], sizes = [1, 128, 256], strides = [1, 1, 1]} : vector<8x128x256xbf16> to vector<1x128x256xbf16>
    %squeeze3A_815 = vector.shape_cast %slice3A_814 : vector<1x128x256xbf16> to vector<128x256xbf16>
    %dot_general3A_816 = arith.constant dense<0.000000e+00> : vector<128x128xf32>
    %dot_general3A_817 = tpu.matmul %squeeze3A_813, %squeeze3A_815, %dot_general3A_816 {dimension_numbers = #tpu.dot_dimension_numbers<[1], [1], [0], [0], [0, 0, 1, 0], [], []>, transpose_lhs_hint = false} : vector<128x256xbf16>, vector<128x256xbf16>, vector<128x128xf32> -> vector<128x128xf32>
    %convert_element_type3A_818 = arith.truncf %dot_general3A_817 : vector<128x128xf32> to vector<128x128xbf16>
    %slice3A_819 = vector.extract_strided_slice %concatenate3A_789 {offsets = [2, 0, 0], sizes = [1, 128, 65], strides = [1, 1, 1]} : vector<8x128x65xbf16> to vector<1x128x65xbf16>
    %squeeze3A_820 = vector.shape_cast %slice3A_819 : vector<1x128x65xbf16> to vector<128x65xbf16>
    %dot_general3A_821 = arith.constant dense<0.000000e+00> : vector<128x65xf32>
    %dot_general3A_822 = tpu.matmul %convert_element_type3A_818, %squeeze3A_820, %dot_general3A_821 {dimension_numbers = #tpu.dot_dimension_numbers<[1], [0], [0], [1], [0, 0, 1, 1], [], []>, transpose_lhs_hint = false} : vector<128x128xbf16>, vector<128x65xbf16>, vector<128x65xf32> -> vector<128x65xf32>
    %slice3A_823 = vector.extract_strided_slice %mul3A_787 {offsets = [3, 0, 0], sizes = [1, 128, 256], strides = [1, 1, 1]} : vector<8x128x256xbf16> to vector<1x128x256xbf16>
    %squeeze3A_824 = vector.shape_cast %slice3A_823 : vector<1x128x256xbf16> to vector<128x256xbf16>
    %slice3A_825 = vector.extract_strided_slice %convert_element_type3A_636 {offsets = [3, 0, 0], sizes = [1, 128, 256], strides = [1, 1, 1]} : vector<8x128x256xbf16> to vector<1x128x256xbf16>
    %squeeze3A_826 = vector.shape_cast %slice3A_825 : vector<1x128x256xbf16> to vector<128x256xbf16>
    %dot_general3A_827 = arith.constant dense<0.000000e+00> : vector<128x128xf32>
    %dot_general3A_828 = tpu.matmul %squeeze3A_824, %squeeze3A_826, %dot_general3A_827 {dimension_numbers = #tpu.dot_dimension_numbers<[1], [1], [0], [0], [0, 0, 1, 0], [], []>, transpose_lhs_hint = false} : vector<128x256xbf16>, vector<128x256xbf16>, vector<128x128xf32> -> vector<128x128xf32>
    %convert_element_type3A_829 = arith.truncf %dot_general3A_828 : vector<128x128xf32> to vector<128x128xbf16>
    %slice3A_830 = vector.extract_strided_slice %concatenate3A_789 {offsets = [3, 0, 0], sizes = [1, 128, 65], strides = [1, 1, 1]} : vector<8x128x65xbf16> to vector<1x128x65xbf16>
    %squeeze3A_831 = vector.shape_cast %slice3A_830 : vector<1x128x65xbf16> to vector<128x65xbf16>
    %dot_general3A_832 = arith.constant dense<0.000000e+00> : vector<128x65xf32>
    %dot_general3A_833 = tpu.matmul %convert_element_type3A_829, %squeeze3A_831, %dot_general3A_832 {dimension_numbers = #tpu.dot_dimension_numbers<[1], [0], [0], [1], [0, 0, 1, 1], [], []>, transpose_lhs_hint = false} : vector<128x128xbf16>, vector<128x65xbf16>, vector<128x65xf32> -> vector<128x65xf32>
    %slice3A_834 = vector.extract_strided_slice %mul3A_787 {offsets = [4, 0, 0], sizes = [1, 128, 256], strides = [1, 1, 1]} : vector<8x128x256xbf16> to vector<1x128x256xbf16>
    %squeeze3A_835 = vector.shape_cast %slice3A_834 : vector<1x128x256xbf16> to vector<128x256xbf16>
    %slice3A_836 = vector.extract_strided_slice %convert_element_type3A_636 {offsets = [4, 0, 0], sizes = [1, 128, 256], strides = [1, 1, 1]} : vector<8x128x256xbf16> to vector<1x128x256xbf16>
    %squeeze3A_837 = vector.shape_cast %slice3A_836 : vector<1x128x256xbf16> to vector<128x256xbf16>
    %dot_general3A_838 = arith.constant dense<0.000000e+00> : vector<128x128xf32>
    %dot_general3A_839 = tpu.matmul %squeeze3A_835, %squeeze3A_837, %dot_general3A_838 {dimension_numbers = #tpu.dot_dimension_numbers<[1], [1], [0], [0], [0, 0, 1, 0], [], []>, transpose_lhs_hint = false} : vector<128x256xbf16>, vector<128x256xbf16>, vector<128x128xf32> -> vector<128x128xf32>
    %convert_element_type3A_840 = arith.truncf %dot_general3A_839 : vector<128x128xf32> to vector<128x128xbf16>
    %slice3A_841 = vector.extract_strided_slice %concatenate3A_789 {offsets = [4, 0, 0], sizes = [1, 128, 65], strides = [1, 1, 1]} : vector<8x128x65xbf16> to vector<1x128x65xbf16>
    %squeeze3A_842 = vector.shape_cast %slice3A_841 : vector<1x128x65xbf16> to vector<128x65xbf16>
    %dot_general3A_843 = arith.constant dense<0.000000e+00> : vector<128x65xf32>
    %dot_general3A_844 = tpu.matmul %convert_element_type3A_840, %squeeze3A_842, %dot_general3A_843 {dimension_numbers = #tpu.dot_dimension_numbers<[1], [0], [0], [1], [0, 0, 1, 1], [], []>, transpose_lhs_hint = false} : vector<128x128xbf16>, vector<128x65xbf16>, vector<128x65xf32> -> vector<128x65xf32>
    %slice3A_845 = vector.extract_strided_slice %mul3A_787 {offsets = [5, 0, 0], sizes = [1, 128, 256], strides = [1, 1, 1]} : vector<8x128x256xbf16> to vector<1x128x256xbf16>
    %squeeze3A_846 = vector.shape_cast %slice3A_845 : vector<1x128x256xbf16> to vector<128x256xbf16>
    %slice3A_847 = vector.extract_strided_slice %convert_element_type3A_636 {offsets = [5, 0, 0], sizes = [1, 128, 256], strides = [1, 1, 1]} : vector<8x128x256xbf16> to vector<1x128x256xbf16>
    %squeeze3A_848 = vector.shape_cast %slice3A_847 : vector<1x128x256xbf16> to vector<128x256xbf16>
    %dot_general3A_849 = arith.constant dense<0.000000e+00> : vector<128x128xf32>
    %dot_general3A_850 = tpu.matmul %squeeze3A_846, %squeeze3A_848, %dot_general3A_849 {dimension_numbers = #tpu.dot_dimension_numbers<[1], [1], [0], [0], [0, 0, 1, 0], [], []>, transpose_lhs_hint = false} : vector<128x256xbf16>, vector<128x256xbf16>, vector<128x128xf32> -> vector<128x128xf32>
    %convert_element_type3A_851 = arith.truncf %dot_general3A_850 : vector<128x128xf32> to vector<128x128xbf16>
    %slice3A_852 = vector.extract_strided_slice %concatenate3A_789 {offsets = [5, 0, 0], sizes = [1, 128, 65], strides = [1, 1, 1]} : vector<8x128x65xbf16> to vector<1x128x65xbf16>
    %squeeze3A_853 = vector.shape_cast %slice3A_852 : vector<1x128x65xbf16> to vector<128x65xbf16>
    %dot_general3A_854 = arith.constant dense<0.000000e+00> : vector<128x65xf32>
    %dot_general3A_855 = tpu.matmul %convert_element_type3A_851, %squeeze3A_853, %dot_general3A_854 {dimension_numbers = #tpu.dot_dimension_numbers<[1], [0], [0], [1], [0, 0, 1, 1], [], []>, transpose_lhs_hint = false} : vector<128x128xbf16>, vector<128x65xbf16>, vector<128x65xf32> -> vector<128x65xf32>
    %slice3A_856 = vector.extract_strided_slice %mul3A_787 {offsets = [6, 0, 0], sizes = [1, 128, 256], strides = [1, 1, 1]} : vector<8x128x256xbf16> to vector<1x128x256xbf16>
    %squeeze3A_857 = vector.shape_cast %slice3A_856 : vector<1x128x256xbf16> to vector<128x256xbf16>
    %slice3A_858 = vector.extract_strided_slice %convert_element_type3A_636 {offsets = [6, 0, 0], sizes = [1, 128, 256], strides = [1, 1, 1]} : vector<8x128x256xbf16> to vector<1x128x256xbf16>
    %squeeze3A_859 = vector.shape_cast %slice3A_858 : vector<1x128x256xbf16> to vector<128x256xbf16>
    %dot_general3A_860 = arith.constant dense<0.000000e+00> : vector<128x128xf32>
    %dot_general3A_861 = tpu.matmul %squeeze3A_857, %squeeze3A_859, %dot_general3A_860 {dimension_numbers = #tpu.dot_dimension_numbers<[1], [1], [0], [0], [0, 0, 1, 0], [], []>, transpose_lhs_hint = false} : vector<128x256xbf16>, vector<128x256xbf16>, vector<128x128xf32> -> vector<128x128xf32>
    %convert_element_type3A_862 = arith.truncf %dot_general3A_861 : vector<128x128xf32> to vector<128x128xbf16>
    %slice3A_863 = vector.extract_strided_slice %concatenate3A_789 {offsets = [6, 0, 0], sizes = [1, 128, 65], strides = [1, 1, 1]} : vector<8x128x65xbf16> to vector<1x128x65xbf16>
    %squeeze3A_864 = vector.shape_cast %slice3A_863 : vector<1x128x65xbf16> to vector<128x65xbf16>
    %dot_general3A_865 = arith.constant dense<0.000000e+00> : vector<128x65xf32>
    %dot_general3A_866 = tpu.matmul %convert_element_type3A_862, %squeeze3A_864, %dot_general3A_865 {dimension_numbers = #tpu.dot_dimension_numbers<[1], [0], [0], [1], [0, 0, 1, 1], [], []>, transpose_lhs_hint = false} : vector<128x128xbf16>, vector<128x65xbf16>, vector<128x65xf32> -> vector<128x65xf32>
    %slice3A_867 = vector.extract_strided_slice %mul3A_787 {offsets = [7, 0, 0], sizes = [1, 128, 256], strides = [1, 1, 1]} : vector<8x128x256xbf16> to vector<1x128x256xbf16>
    %squeeze3A_868 = vector.shape_cast %slice3A_867 : vector<1x128x256xbf16> to vector<128x256xbf16>
    %slice3A_869 = vector.extract_strided_slice %convert_element_type3A_636 {offsets = [7, 0, 0], sizes = [1, 128, 256], strides = [1, 1, 1]} : vector<8x128x256xbf16> to vector<1x128x256xbf16>
    %squeeze3A_870 = vector.shape_cast %slice3A_869 : vector<1x128x256xbf16> to vector<128x256xbf16>
    %dot_general3A_871 = arith.constant dense<0.000000e+00> : vector<128x128xf32>
    %dot_general3A_872 = tpu.matmul %squeeze3A_868, %squeeze3A_870, %dot_general3A_871 {dimension_numbers = #tpu.dot_dimension_numbers<[1], [1], [0], [0], [0, 0, 1, 0], [], []>, transpose_lhs_hint = false} : vector<128x256xbf16>, vector<128x256xbf16>, vector<128x128xf32> -> vector<128x128xf32>
    %convert_element_type3A_873 = arith.truncf %dot_general3A_872 : vector<128x128xf32> to vector<128x128xbf16>
    %slice3A_874 = vector.extract_strided_slice %concatenate3A_789 {offsets = [7, 0, 0], sizes = [1, 128, 65], strides = [1, 1, 1]} : vector<8x128x65xbf16> to vector<1x128x65xbf16>
    %squeeze3A_875 = vector.shape_cast %slice3A_874 : vector<1x128x65xbf16> to vector<128x65xbf16>
    %dot_general3A_876 = arith.constant dense<0.000000e+00> : vector<128x65xf32>
    %dot_general3A_877 = tpu.matmul %convert_element_type3A_873, %squeeze3A_875, %dot_general3A_876 {dimension_numbers = #tpu.dot_dimension_numbers<[1], [0], [0], [1], [0, 0, 1, 1], [], []>, transpose_lhs_hint = false} : vector<128x128xbf16>, vector<128x65xbf16>, vector<128x65xf32> -> vector<128x65xf32>
    %stack3A_878 = vector.shape_cast %dot_general3A_800 : vector<128x65xf32> to vector<1x128x65xf32>
    %stack3A_879 = vector.shape_cast %dot_general3A_811 : vector<128x65xf32> to vector<1x128x65xf32>
    %stack3A_880 = vector.shape_cast %dot_general3A_822 : vector<128x65xf32> to vector<1x128x65xf32>
    %stack3A_881 = vector.shape_cast %dot_general3A_833 : vector<128x65xf32> to vector<1x128x65xf32>
    %stack3A_882 = vector.shape_cast %dot_general3A_844 : vector<128x65xf32> to vector<1x128x65xf32>
    %stack3A_883 = vector.shape_cast %dot_general3A_855 : vector<128x65xf32> to vector<1x128x65xf32>
    %stack3A_884 = vector.shape_cast %dot_general3A_866 : vector<128x65xf32> to vector<1x128x65xf32>
    %stack3A_885 = vector.shape_cast %dot_general3A_877 : vector<128x65xf32> to vector<1x128x65xf32>
    %stack3A_886 = tpu.concatenate %stack3A_878, %stack3A_879, %stack3A_880, %stack3A_881, %stack3A_882, %stack3A_883, %stack3A_884, %stack3A_885 in 0 : vector<1x128x65xf32>, vector<1x128x65xf32>, vector<1x128x65xf32>, vector<1x128x65xf32>, vector<1x128x65xf32>, vector<1x128x65xf32>, vector<1x128x65xf32>, vector<1x128x65xf32> -> vector<8x128x65xf32>
    %slice3A_887 = vector.extract_strided_slice %stack3A_886 {offsets = [0, 0, 64], sizes = [8, 128, 1], strides = [1, 1, 1]} : vector<8x128x65xf32> to vector<8x128x1xf32>
    %add3A_888 = arith.constant 1.000000e-16 : f32
    %add3A_889 = vector.broadcast %add3A_888 : f32 to vector<8x128x1xf32>
    %add3A_890 = arith.addf %slice3A_887, %add3A_889 : vector<8x128x1xf32>
    %slice3A_891 = vector.extract_strided_slice %stack3A_886 {offsets = [0, 0, 0], sizes = [8, 128, 64], strides = [1, 1, 1]} : vector<8x128x65xf32> to vector<8x128x64xf32>
    %max3A_892 = arith.constant 0.000000e+00 : f32
    %max3A_893 = vector.broadcast %max3A_892 : f32 to vector<8x128x64xf32>
    %max3A_894 = arith.maximumf %slice3A_891, %max3A_893 : vector<8x128x64xf32>
    %div3A_895 = vector.broadcast %add3A_890 : vector<8x128x1xf32> to vector<8x128x64xf32>
    %div3A_896 = arith.divf %max3A_894, %div3A_895 : vector<8x128x64xf32>
    %reshape3A_897 = vector.shape_cast %dot_general3A_682 : vector<8x64xf32> to vector<8x1x64xf32>
    %mul3A_898 = vector.broadcast %reshape3A_897 : vector<8x1x64xf32> to vector<8x128x64xf32>
    %mul3A_899 = arith.mulf %div3A_896, %mul3A_898 : vector<8x128x64xf32>
    %reduce_sum3A_900 = arith.constant dense<0.000000e+00> : vector<8x128xf32>
    %reduce_sum3A_901 = vector.multi_reduction <add>, %mul3A_899, %reduce_sum3A_900 [2] : vector<8x128x64xf32> to vector<8x128xf32>
    %broadcast_in_dim3A_902 = vector.shape_cast %reduce_sum3A_901 : vector<8x128xf32> to vector<8x128x1xf32>
    %logistic3A_903 = arith.negf %broadcast_in_dim3A_902 : vector<8x128x1xf32>
    %logistic3A_904 = math.exp %logistic3A_903 : vector<8x128x1xf32>
    %logistic3A_905 = arith.constant 1.000000e+00 : f32
    %logistic3A_906 = vector.broadcast %logistic3A_905 : f32 to vector<8x128x1xf32>
    %logistic3A_907 = arith.addf %logistic3A_906, %logistic3A_904 : vector<8x128x1xf32>
    %logistic3A_908 = arith.divf %logistic3A_906, %logistic3A_907 : vector<8x128x1xf32>
    %mul3A_909 = vector.broadcast %logistic3A_908 : vector<8x128x1xf32> to vector<8x128x64xf32>
    %mul3A_910 = arith.mulf %div3A_896, %mul3A_909 : vector<8x128x64xf32>
    %reshape3A_911 = vector.shape_cast %mul3A_910 : vector<8x128x64xf32> to vector<1024x64xf32>
    %reduce_max3A_912 = arith.constant dense<0xFF800000> : vector<8x64xf32>
    %reduce_max3A_913 = vector.multi_reduction <maximumf>, %mul3A_910, %reduce_max3A_912 [1] : vector<8x128x64xf32> to vector<8x64xf32>
    %swap3A_914 = arith.constant 16 : index
    %swap3A_915 = arith.constant 0 : index
    %swap3A_916 = vector.load %arg40[%swap3A_914, %swap3A_915] : memref<32x64xf32, #tpu.memory_space<vmem>>, vector<8x64xf32>
    tpu.vector_store %arg40[%swap3A_914, %swap3A_915], %reduce_max3A_913 {strides = array<i32>} : memref<32x64xf32, #tpu.memory_space<vmem>>, vector<8x64xf32>,
    %get3A_917 = arith.constant 1 : index
    %get3A_918 = arith.constant 0 : index
    %get3A_919 = arith.constant 0 : index
    %get3A_920 = vector.load %arg28[%get3A_917, %get3A_918, %get3A_919] : memref<2x64x64xf32, #tpu.memory_space<vmem>>, vector<1x64x64xf32>
    %get3A_921 = vector.shape_cast %get3A_920 : vector<1x64x64xf32> to vector<64x64xf32>
    %convert_element_type3A_922 = arith.truncf %get3A_921 : vector<64x64xf32> to vector<64x64xbf16>
    %get3A_923 = arith.constant 1 : index
    %get3A_924 = arith.constant 0 : index
    %get3A_925 = arith.constant 0 : index
    %get3A_926 = vector.load %arg29[%get3A_923, %get3A_924, %get3A_925] : memref<2x64x2xf32, #tpu.memory_space<vmem>>, vector<1x64x2xf32>
    %get3A_927 = vector.shape_cast %get3A_926 : vector<1x64x2xf32> to vector<64x2xf32>
    %convert_element_type3A_928 = arith.truncf %get3A_927 : vector<64x2xf32> to vector<64x2xbf16>
    %dot_general3A_929 = arith.constant dense<0.000000e+00> : vector<64x2xf32>
    %dot_general3A_930 = tpu.matmul %convert_element_type3A_922, %convert_element_type3A_928, %dot_general3A_929 {dimension_numbers = #tpu.dot_dimension_numbers<[1], [0], [0], [1], [0, 0, 1, 1], [], []>, transpose_lhs_hint = false} : vector<64x64xbf16>, vector<64x2xbf16>, vector<64x2xf32> -> vector<64x2xf32>
    %get3A_931 = arith.constant 1 : index
    %get3A_932 = arith.constant 0 : index
    %get3A_933 = arith.constant 0 : index
    %get3A_934 = vector.load %arg28[%get3A_931, %get3A_932, %get3A_933] : memref<2x64x64xf32, #tpu.memory_space<vmem>>, vector<1x64x64xf32>
    %get3A_935 = vector.shape_cast %get3A_934 : vector<1x64x64xf32> to vector<64x64xf32>
    %concatenate3A_936 = tpu.concatenate %get3A_935, %dot_general3A_930 in 1 : vector<64x64xf32>, vector<64x2xf32> -> vector<64x66xf32>
    %convert_element_type3A_937 = arith.truncf %reshape3A_911 : vector<1024x64xf32> to vector<1024x64xbf16>
    %convert_element_type3A_938 = arith.truncf %concatenate3A_936 : vector<64x66xf32> to vector<64x66xbf16>
    %dot_general3A_939 = arith.constant dense<0.000000e+00> : vector<1024x66xf32>
    %dot_general3A_940 = tpu.matmul %convert_element_type3A_937, %convert_element_type3A_938, %dot_general3A_939 {dimension_numbers = #tpu.dot_dimension_numbers<[1], [0], [0], [1], [0, 0, 1, 1], [], []>, transpose_lhs_hint = false} : vector<1024x64xbf16>, vector<64x66xbf16>, vector<1024x66xf32> -> vector<1024x66xf32>
    %get3A_941 = arith.constant 1 : index
    %get3A_942 = arith.constant 0 : index
    %get3A_943 = arith.constant 0 : index
    %get3A_944 = vector.load %arg21[%get3A_941, %get3A_942, %get3A_943] : memref<2x64x64xf32, #tpu.memory_space<vmem>>, vector<1x64x64xf32>
    %get3A_945 = vector.shape_cast %get3A_944 : vector<1x64x64xf32> to vector<64x64xf32>
    %dot_general3A_946 = arith.constant dense<0.000000e+00> : vector<8x64xf32>
    %dot_general3A_947 = tpu.matmul %select_n3A_612, %get3A_945, %dot_general3A_946 {dimension_numbers = #tpu.dot_dimension_numbers<[1], [0], [0], [1], [0, 0, 1, 1], [], []>, transpose_lhs_hint = false} : vector<8x64xf32>, vector<64x64xf32>, vector<8x64xf32> -> vector<8x64xf32>
    %get3A_948 = arith.constant 1 : index
    %get3A_949 = arith.constant 0 : index
    %get3A_950 = vector.load %arg22[%get3A_948, %get3A_949] : memref<2x64xf32, #tpu.memory_space<vmem>>, vector<1x64xf32>
    %add3A_951 = vector.broadcast %get3A_950 : vector<1x64xf32> to vector<8x64xf32>
    %add3A_952 = arith.addf %dot_general3A_947, %add3A_951 : vector<8x64xf32>
    %max3A_953 = arith.constant 0.000000e+00 : f32
    %max3A_954 = vector.broadcast %max3A_953 : f32 to vector<8x64xf32>
    %max3A_955 = arith.maximumf %add3A_952, %max3A_954 : vector<8x64xf32>
    %get3A_956 = arith.constant 0 : index
    %get3A_957 = arith.constant 0 : index
    %get3A_958 = vector.load %arg31[%get3A_956, %get3A_957] : memref<64x64xf32, #tpu.memory_space<vmem>>, vector<64x64xf32>
    %dot_general3A_959 = arith.constant dense<0.000000e+00> : vector<8x64xf32>
    %dot_general3A_960 = tpu.matmul %max3A_955, %get3A_958, %dot_general3A_959 {dimension_numbers = #tpu.dot_dimension_numbers<[1], [1], [0], [0], [0, 0, 1, 0], [], []>, transpose_lhs_hint = false} : vector<8x64xf32>, vector<64x64xf32>, vector<8x64xf32> -> vector<8x64xf32>
    %slice3A_961 = vector.extract_strided_slice %dot_general3A_940 {offsets = [0, 0], sizes = [1024, 64], strides = [1, 1]} : vector<1024x66xf32> to vector<1024x64xf32>
    %reshape3A_962 = vector.shape_cast %slice3A_961 : vector<1024x64xf32> to vector<8x128x64xf32>
    %slice3A_963 = vector.extract_strided_slice %dot_general3A_940 {offsets = [0, 64], sizes = [1024, 1], strides = [1, 1]} : vector<1024x66xf32> to vector<1024x1xf32>
    %reshape3A_964 = vector.shape_cast %slice3A_963 : vector<1024x1xf32> to vector<8x128x1xf32>
    %slice3A_965 = vector.extract_strided_slice %dot_general3A_940 {offsets = [0, 65], sizes = [1024, 1], strides = [1, 1]} : vector<1024x66xf32> to vector<1024x1xf32>
    %reshape3A_966 = vector.shape_cast %slice3A_965 : vector<1024x1xf32> to vector<8x128x1xf32>
    %jit3A_967 = arith.constant 0.000000e+00 : f32
    %broadcast_in_dim3A_968 = vector.shape_cast %reshape3A_964 : vector<8x128x1xf32> to vector<8x128x1xf32>
    %broadcast_in_dim3A_969 = vector.broadcast %broadcast_in_dim3A_968 : vector<8x128x1xf32> to vector<8x128x256xf32>
    %broadcast_in_dim3A_970 = vector.broadcast %jit3A_967 : f32 to vector<8x128x256xf32>
    %select_n3A_971 = arith.select %eq3A_626, %broadcast_in_dim3A_969, %broadcast_in_dim3A_970 : vector<8x128x256xi1>, vector<8x128x256xf32>
    %jit3A_972 = arith.constant 0.000000e+00 : f32
    %broadcast_in_dim3A_973 = vector.shape_cast %reshape3A_966 : vector<8x128x1xf32> to vector<8x128x1xf32>
    %broadcast_in_dim3A_974 = vector.broadcast %broadcast_in_dim3A_973 : vector<8x128x1xf32> to vector<8x128x256xf32>
    %broadcast_in_dim3A_975 = vector.broadcast %jit3A_972 : f32 to vector<8x128x256xf32>
    %select_n3A_976 = arith.select %eq3A_628, %broadcast_in_dim3A_974, %broadcast_in_dim3A_975 : vector<8x128x256xi1>, vector<8x128x256xf32>
    %add3A_977 = arith.addf %select_n3A_971, %select_n3A_976 : vector<8x128x256xf32>
    %reduce_sum3A_978 = arith.constant dense<0.000000e+00> : vector<8x256xf32>
    %reduce_sum3A_979 = vector.multi_reduction <add>, %add3A_977, %reduce_sum3A_978 [1] : vector<8x128x256xf32> to vector<8x256xf32>
    %broadcast_in_dim3A_980 = vector.shape_cast %reduce_sum3A_979 : vector<8x256xf32> to vector<8x1x256xf32>
    %broadcast_in_dim3A_981 = arith.constant 0.000000e+00 : f32
    %broadcast_in_dim3A_982 = vector.broadcast %broadcast_in_dim3A_981 : f32 to vector<8x1x256xf32>
    %eq3A_983 = arith.constant 0 : i32
    %eq3A_984 = vector.broadcast %eq3A_983 : i32 to vector<8x1x256xi32>
    %eq3A_985 = arith.cmpi eq, %reshape3A_624, %eq3A_984 : vector<8x1x256xi32>
    %get3A_986 = arith.constant 1 : index
    %get3A_987 = arith.constant 0 : index
    %get3A_988 = vector.load %arg30[%get3A_986, %get3A_987] : memref<2x4xf32, #tpu.memory_space<vmem>>, vector<1x1xf32>
    %get3A_989 = vector.extract %get3A_988[0, 0] : f32 from vector<1x1xf32>
    %jit3A_990 = arith.constant 0.000000e+00 : f32
    %broadcast_in_dim3A_991 = vector.broadcast %get3A_989 : f32 to vector<8x1x256xf32>
    %broadcast_in_dim3A_992 = vector.broadcast %jit3A_990 : f32 to vector<8x1x256xf32>
    %select_n3A_993 = arith.select %eq3A_985, %broadcast_in_dim3A_991, %broadcast_in_dim3A_992 : vector<8x1x256xi1>, vector<8x1x256xf32>
    %add3A_994 = arith.addf %broadcast_in_dim3A_982, %select_n3A_993 : vector<8x1x256xf32>
    %eq3A_995 = arith.constant 1 : i32
    %eq3A_996 = vector.broadcast %eq3A_995 : i32 to vector<8x1x256xi32>
    %eq3A_997 = arith.cmpi eq, %reshape3A_624, %eq3A_996 : vector<8x1x256xi32>
    %get3A_998 = arith.constant 1 : index
    %get3A_999 = arith.constant 1 : index
    %get3A_1000 = vector.load %arg30[%get3A_998, %get3A_999] : memref<2x4xf32, #tpu.memory_space<vmem>>, vector<1x1xf32>
    %get3A_1001 = vector.extract %get3A_1000[0, 0] : f32 from vector<1x1xf32>
    %jit3A_1002 = arith.constant 0.000000e+00 : f32
    %broadcast_in_dim3A_1003 = vector.broadcast %get3A_1001 : f32 to vector<8x1x256xf32>
    %broadcast_in_dim3A_1004 = vector.broadcast %jit3A_1002 : f32 to vector<8x1x256xf32>
    %select_n3A_1005 = arith.select %eq3A_997, %broadcast_in_dim3A_1003, %broadcast_in_dim3A_1004 : vector<8x1x256xi1>, vector<8x1x256xf32>
    %add3A_1006 = arith.addf %add3A_994, %select_n3A_1005 : vector<8x1x256xf32>
    %eq3A_1007 = arith.constant 2 : i32
    %eq3A_1008 = vector.broadcast %eq3A_1007 : i32 to vector<8x1x256xi32>
    %eq3A_1009 = arith.cmpi eq, %reshape3A_624, %eq3A_1008 : vector<8x1x256xi32>
    %get3A_1010 = arith.constant 1 : index
    %get3A_1011 = arith.constant 2 : index
    %get3A_1012 = vector.load %arg30[%get3A_1010, %get3A_1011] : memref<2x4xf32, #tpu.memory_space<vmem>>, vector<1x1xf32>
    %get3A_1013 = vector.extract %get3A_1012[0, 0] : f32 from vector<1x1xf32>
    %jit3A_1014 = arith.constant 0.000000e+00 : f32
    %broadcast_in_dim3A_1015 = vector.broadcast %get3A_1013 : f32 to vector<8x1x256xf32>
    %broadcast_in_dim3A_1016 = vector.broadcast %jit3A_1014 : f32 to vector<8x1x256xf32>
    %select_n3A_1017 = arith.select %eq3A_1009, %broadcast_in_dim3A_1015, %broadcast_in_dim3A_1016 : vector<8x1x256xi1>, vector<8x1x256xf32>
    %add3A_1018 = arith.addf %add3A_1006, %select_n3A_1017 : vector<8x1x256xf32>
    %eq3A_1019 = arith.constant 3 : i32
    %eq3A_1020 = vector.broadcast %eq3A_1019 : i32 to vector<8x1x256xi32>
    %eq3A_1021 = arith.cmpi eq, %reshape3A_624, %eq3A_1020 : vector<8x1x256xi32>
    %get3A_1022 = arith.constant 1 : index
    %get3A_1023 = arith.constant 3 : index
    %get3A_1024 = vector.load %arg30[%get3A_1022, %get3A_1023] : memref<2x4xf32, #tpu.memory_space<vmem>>, vector<1x1xf32>
    %get3A_1025 = vector.extract %get3A_1024[0, 0] : f32 from vector<1x1xf32>
    %jit3A_1026 = arith.constant 0.000000e+00 : f32
    %broadcast_in_dim3A_1027 = vector.broadcast %get3A_1025 : f32 to vector<8x1x256xf32>
    %broadcast_in_dim3A_1028 = vector.broadcast %jit3A_1026 : f32 to vector<8x1x256xf32>
    %select_n3A_1029 = arith.select %eq3A_1021, %broadcast_in_dim3A_1027, %broadcast_in_dim3A_1028 : vector<8x1x256xi1>, vector<8x1x256xf32>
    %add3A_1030 = arith.addf %add3A_1018, %select_n3A_1029 : vector<8x1x256xf32>
    %add3A_1031 = arith.addf %broadcast_in_dim3A_980, %add3A_1030 : vector<8x1x256xf32>
    %ge3A_1032 = arith.constant 0.000000e+00 : f32
    %ge3A_1033 = vector.broadcast %ge3A_1032 : f32 to vector<8x1x256xf32>
    %ge3A_1034 = arith.cmpf oge, %add3A_1031, %ge3A_1033 : vector<8x1x256xf32>
    %mul3A_1035 = arith.constant 2.000000e-01 : f32
    %mul3A_1036 = vector.broadcast %mul3A_1035 : f32 to vector<8x1x256xf32>
    %mul3A_1037 = arith.mulf %mul3A_1036, %add3A_1031 : vector<8x1x256xf32>
    %select_n3A_1038 = arith.select %ge3A_1034, %add3A_1031, %mul3A_1037 : vector<8x1x256xi1>, vector<8x1x256xf32>
    %jit3A_1039 = arith.constant 0xFF800000 : f32
    %broadcast_in_dim3A_1040 = vector.shape_cast %select_n3A_1038 : vector<8x1x256xf32> to vector<8x1x256xf32>
    %broadcast_in_dim3A_1041 = vector.broadcast %broadcast_in_dim3A_1040 : vector<8x1x256xf32> to vector<8x128x256xf32>
    %broadcast_in_dim3A_1042 = vector.broadcast %jit3A_1039 : f32 to vector<8x128x256xf32>
    %select_n3A_1043 = arith.select %eq3A_628, %broadcast_in_dim3A_1041, %broadcast_in_dim3A_1042 : vector<8x128x256xi1>, vector<8x128x256xf32>
    %reduce_max3A_1044 = arith.constant dense<0xFF800000> : vector<8x128xf32>
    %reduce_max3A_1045 = vector.multi_reduction <maximumf>, %select_n3A_1043, %reduce_max3A_1044 [2] : vector<8x128x256xf32> to vector<8x128xf32>
    %broadcast_in_dim3A_1046 = vector.shape_cast %reduce_max3A_1045 : vector<8x128xf32> to vector<8x128x1xf32>
    %gt3A_1047 = arith.constant -9.99999993E+36 : f32
    %gt3A_1048 = vector.broadcast %gt3A_1047 : f32 to vector<8x128x1xf32>
    %gt3A_1049 = arith.cmpf ogt, %broadcast_in_dim3A_1046, %gt3A_1048 : vector<8x128x1xf32>
    %jit3A_1050 = arith.constant 0.000000e+00 : f32
    %broadcast_in_dim3A_1051 = vector.broadcast %jit3A_1050 : f32 to vector<8x128x1xf32>
    %select_n3A_1052 = arith.select %gt3A_1049, %broadcast_in_dim3A_1046, %broadcast_in_dim3A_1051 : vector<8x128x1xi1>, vector<8x128x1xf32>
    %jit3A_1053 = arith.constant 0.000000e+00 : f32
    %broadcast_in_dim3A_1054 = vector.shape_cast %select_n3A_1052 : vector<8x128x1xf32> to vector<8x128x1xf32>
    %broadcast_in_dim3A_1055 = vector.broadcast %broadcast_in_dim3A_1054 : vector<8x128x1xf32> to vector<8x128x256xf32>
    %broadcast_in_dim3A_1056 = vector.broadcast %jit3A_1053 : f32 to vector<8x128x256xf32>
    %select_n3A_1057 = arith.select %eq3A_628, %broadcast_in_dim3A_1055, %broadcast_in_dim3A_1056 : vector<8x128x256xi1>, vector<8x128x256xf32>
    %reduce_sum3A_1058 = arith.constant dense<0.000000e+00> : vector<8x256xf32>
    %reduce_sum3A_1059 = vector.multi_reduction <add>, %select_n3A_1057, %reduce_sum3A_1058 [1] : vector<8x128x256xf32> to vector<8x256xf32>
    %broadcast_in_dim3A_1060 = vector.shape_cast %reduce_sum3A_1059 : vector<8x256xf32> to vector<8x1x256xf32>
    %sub3A_1061 = arith.subf %select_n3A_1038, %broadcast_in_dim3A_1060 : vector<8x1x256xf32>
    %exp3A_1062 = math.exp %sub3A_1061 : vector<8x1x256xf32>
    %convert_element_type3A_1063 = arith.truncf %exp3A_1062 : vector<8x1x256xf32> to vector<8x1x256xbf16>
    %mul3A_1064 = vector.broadcast %convert_element_type3A_1063 : vector<8x1x256xbf16> to vector<8x128x256xbf16>
    %mul3A_1065 = arith.mulf %convert_element_type3A_633, %mul3A_1064 : vector<8x128x256xbf16>
    %convert_element_type3A_1066 = arith.truncf %reshape3A_962 : vector<8x128x64xf32> to vector<8x128x64xbf16>
    %concatenate3A_1067 = tpu.concatenate %convert_element_type3A_1066, %broadcast_in_dim3A_638 in 2 : vector<8x128x64xbf16>, vector<8x128x1xbf16> -> vector<8x128x65xbf16>
    %slice3A_1068 = vector.extract_strided_slice %mul3A_1065 {offsets = [0, 0, 0], sizes = [1, 128, 256], strides = [1, 1, 1]} : vector<8x128x256xbf16> to vector<1x128x256xbf16>
    %squeeze3A_1069 = vector.shape_cast %slice3A_1068 : vector<1x128x256xbf16> to vector<128x256xbf16>
    %slice3A_1070 = vector.extract_strided_slice %convert_element_type3A_636 {offsets = [0, 0, 0], sizes = [1, 128, 256], strides = [1, 1, 1]} : vector<8x128x256xbf16> to vector<1x128x256xbf16>
    %squeeze3A_1071 = vector.shape_cast %slice3A_1070 : vector<1x128x256xbf16> to vector<128x256xbf16>
    %dot_general3A_1072 = arith.constant dense<0.000000e+00> : vector<128x128xf32>
    %dot_general3A_1073 = tpu.matmul %squeeze3A_1069, %squeeze3A_1071, %dot_general3A_1072 {dimension_numbers = #tpu.dot_dimension_numbers<[1], [1], [0], [0], [0, 0, 1, 0], [], []>, transpose_lhs_hint = false} : vector<128x256xbf16>, vector<128x256xbf16>, vector<128x128xf32> -> vector<128x128xf32>
    %convert_element_type3A_1074 = arith.truncf %dot_general3A_1073 : vector<128x128xf32> to vector<128x128xbf16>
    %slice3A_1075 = vector.extract_strided_slice %concatenate3A_1067 {offsets = [0, 0, 0], sizes = [1, 128, 65], strides = [1, 1, 1]} : vector<8x128x65xbf16> to vector<1x128x65xbf16>
    %squeeze3A_1076 = vector.shape_cast %slice3A_1075 : vector<1x128x65xbf16> to vector<128x65xbf16>
    %dot_general3A_1077 = arith.constant dense<0.000000e+00> : vector<128x65xf32>
    %dot_general3A_1078 = tpu.matmul %convert_element_type3A_1074, %squeeze3A_1076, %dot_general3A_1077 {dimension_numbers = #tpu.dot_dimension_numbers<[1], [0], [0], [1], [0, 0, 1, 1], [], []>, transpose_lhs_hint = false} : vector<128x128xbf16>, vector<128x65xbf16>, vector<128x65xf32> -> vector<128x65xf32>
    %slice3A_1079 = vector.extract_strided_slice %mul3A_1065 {offsets = [1, 0, 0], sizes = [1, 128, 256], strides = [1, 1, 1]} : vector<8x128x256xbf16> to vector<1x128x256xbf16>
    %squeeze3A_1080 = vector.shape_cast %slice3A_1079 : vector<1x128x256xbf16> to vector<128x256xbf16>
    %slice3A_1081 = vector.extract_strided_slice %convert_element_type3A_636 {offsets = [1, 0, 0], sizes = [1, 128, 256], strides = [1, 1, 1]} : vector<8x128x256xbf16> to vector<1x128x256xbf16>
    %squeeze3A_1082 = vector.shape_cast %slice3A_1081 : vector<1x128x256xbf16> to vector<128x256xbf16>
    %dot_general3A_1083 = arith.constant dense<0.000000e+00> : vector<128x128xf32>
    %dot_general3A_1084 = tpu.matmul %squeeze3A_1080, %squeeze3A_1082, %dot_general3A_1083 {dimension_numbers = #tpu.dot_dimension_numbers<[1], [1], [0], [0], [0, 0, 1, 0], [], []>, transpose_lhs_hint = false} : vector<128x256xbf16>, vector<128x256xbf16>, vector<128x128xf32> -> vector<128x128xf32>
    %convert_element_type3A_1085 = arith.truncf %dot_general3A_1084 : vector<128x128xf32> to vector<128x128xbf16>
    %slice3A_1086 = vector.extract_strided_slice %concatenate3A_1067 {offsets = [1, 0, 0], sizes = [1, 128, 65], strides = [1, 1, 1]} : vector<8x128x65xbf16> to vector<1x128x65xbf16>
    %squeeze3A_1087 = vector.shape_cast %slice3A_1086 : vector<1x128x65xbf16> to vector<128x65xbf16>
    %dot_general3A_1088 = arith.constant dense<0.000000e+00> : vector<128x65xf32>
    %dot_general3A_1089 = tpu.matmul %convert_element_type3A_1085, %squeeze3A_1087, %dot_general3A_1088 {dimension_numbers = #tpu.dot_dimension_numbers<[1], [0], [0], [1], [0, 0, 1, 1], [], []>, transpose_lhs_hint = false} : vector<128x128xbf16>, vector<128x65xbf16>, vector<128x65xf32> -> vector<128x65xf32>
    %slice3A_1090 = vector.extract_strided_slice %mul3A_1065 {offsets = [2, 0, 0], sizes = [1, 128, 256], strides = [1, 1, 1]} : vector<8x128x256xbf16> to vector<1x128x256xbf16>
    %squeeze3A_1091 = vector.shape_cast %slice3A_1090 : vector<1x128x256xbf16> to vector<128x256xbf16>
    %slice3A_1092 = vector.extract_strided_slice %convert_element_type3A_636 {offsets = [2, 0, 0], sizes = [1, 128, 256], strides = [1, 1, 1]} : vector<8x128x256xbf16> to vector<1x128x256xbf16>
    %squeeze3A_1093 = vector.shape_cast %slice3A_1092 : vector<1x128x256xbf16> to vector<128x256xbf16>
    %dot_general3A_1094 = arith.constant dense<0.000000e+00> : vector<128x128xf32>
    %dot_general3A_1095 = tpu.matmul %squeeze3A_1091, %squeeze3A_1093, %dot_general3A_1094 {dimension_numbers = #tpu.dot_dimension_numbers<[1], [1], [0], [0], [0, 0, 1, 0], [], []>, transpose_lhs_hint = false} : vector<128x256xbf16>, vector<128x256xbf16>, vector<128x128xf32> -> vector<128x128xf32>
    %convert_element_type3A_1096 = arith.truncf %dot_general3A_1095 : vector<128x128xf32> to vector<128x128xbf16>
    %slice3A_1097 = vector.extract_strided_slice %concatenate3A_1067 {offsets = [2, 0, 0], sizes = [1, 128, 65], strides = [1, 1, 1]} : vector<8x128x65xbf16> to vector<1x128x65xbf16>
    %squeeze3A_1098 = vector.shape_cast %slice3A_1097 : vector<1x128x65xbf16> to vector<128x65xbf16>
    %dot_general3A_1099 = arith.constant dense<0.000000e+00> : vector<128x65xf32>
    %dot_general3A_1100 = tpu.matmul %convert_element_type3A_1096, %squeeze3A_1098, %dot_general3A_1099 {dimension_numbers = #tpu.dot_dimension_numbers<[1], [0], [0], [1], [0, 0, 1, 1], [], []>, transpose_lhs_hint = false} : vector<128x128xbf16>, vector<128x65xbf16>, vector<128x65xf32> -> vector<128x65xf32>
    %slice3A_1101 = vector.extract_strided_slice %mul3A_1065 {offsets = [3, 0, 0], sizes = [1, 128, 256], strides = [1, 1, 1]} : vector<8x128x256xbf16> to vector<1x128x256xbf16>
    %squeeze3A_1102 = vector.shape_cast %slice3A_1101 : vector<1x128x256xbf16> to vector<128x256xbf16>
    %slice3A_1103 = vector.extract_strided_slice %convert_element_type3A_636 {offsets = [3, 0, 0], sizes = [1, 128, 256], strides = [1, 1, 1]} : vector<8x128x256xbf16> to vector<1x128x256xbf16>
    %squeeze3A_1104 = vector.shape_cast %slice3A_1103 : vector<1x128x256xbf16> to vector<128x256xbf16>
    %dot_general3A_1105 = arith.constant dense<0.000000e+00> : vector<128x128xf32>
    %dot_general3A_1106 = tpu.matmul %squeeze3A_1102, %squeeze3A_1104, %dot_general3A_1105 {dimension_numbers = #tpu.dot_dimension_numbers<[1], [1], [0], [0], [0, 0, 1, 0], [], []>, transpose_lhs_hint = false} : vector<128x256xbf16>, vector<128x256xbf16>, vector<128x128xf32> -> vector<128x128xf32>
    %convert_element_type3A_1107 = arith.truncf %dot_general3A_1106 : vector<128x128xf32> to vector<128x128xbf16>
    %slice3A_1108 = vector.extract_strided_slice %concatenate3A_1067 {offsets = [3, 0, 0], sizes = [1, 128, 65], strides = [1, 1, 1]} : vector<8x128x65xbf16> to vector<1x128x65xbf16>
    %squeeze3A_1109 = vector.shape_cast %slice3A_1108 : vector<1x128x65xbf16> to vector<128x65xbf16>
    %dot_general3A_1110 = arith.constant dense<0.000000e+00> : vector<128x65xf32>
    %dot_general3A_1111 = tpu.matmul %convert_element_type3A_1107, %squeeze3A_1109, %dot_general3A_1110 {dimension_numbers = #tpu.dot_dimension_numbers<[1], [0], [0], [1], [0, 0, 1, 1], [], []>, transpose_lhs_hint = false} : vector<128x128xbf16>, vector<128x65xbf16>, vector<128x65xf32> -> vector<128x65xf32>
    %slice3A_1112 = vector.extract_strided_slice %mul3A_1065 {offsets = [4, 0, 0], sizes = [1, 128, 256], strides = [1, 1, 1]} : vector<8x128x256xbf16> to vector<1x128x256xbf16>
    %squeeze3A_1113 = vector.shape_cast %slice3A_1112 : vector<1x128x256xbf16> to vector<128x256xbf16>
    %slice3A_1114 = vector.extract_strided_slice %convert_element_type3A_636 {offsets = [4, 0, 0], sizes = [1, 128, 256], strides = [1, 1, 1]} : vector<8x128x256xbf16> to vector<1x128x256xbf16>
    %squeeze3A_1115 = vector.shape_cast %slice3A_1114 : vector<1x128x256xbf16> to vector<128x256xbf16>
    %dot_general3A_1116 = arith.constant dense<0.000000e+00> : vector<128x128xf32>
    %dot_general3A_1117 = tpu.matmul %squeeze3A_1113, %squeeze3A_1115, %dot_general3A_1116 {dimension_numbers = #tpu.dot_dimension_numbers<[1], [1], [0], [0], [0, 0, 1, 0], [], []>, transpose_lhs_hint = false} : vector<128x256xbf16>, vector<128x256xbf16>, vector<128x128xf32> -> vector<128x128xf32>
    %convert_element_type3A_1118 = arith.truncf %dot_general3A_1117 : vector<128x128xf32> to vector<128x128xbf16>
    %slice3A_1119 = vector.extract_strided_slice %concatenate3A_1067 {offsets = [4, 0, 0], sizes = [1, 128, 65], strides = [1, 1, 1]} : vector<8x128x65xbf16> to vector<1x128x65xbf16>
    %squeeze3A_1120 = vector.shape_cast %slice3A_1119 : vector<1x128x65xbf16> to vector<128x65xbf16>
    %dot_general3A_1121 = arith.constant dense<0.000000e+00> : vector<128x65xf32>
    %dot_general3A_1122 = tpu.matmul %convert_element_type3A_1118, %squeeze3A_1120, %dot_general3A_1121 {dimension_numbers = #tpu.dot_dimension_numbers<[1], [0], [0], [1], [0, 0, 1, 1], [], []>, transpose_lhs_hint = false} : vector<128x128xbf16>, vector<128x65xbf16>, vector<128x65xf32> -> vector<128x65xf32>
    %slice3A_1123 = vector.extract_strided_slice %mul3A_1065 {offsets = [5, 0, 0], sizes = [1, 128, 256], strides = [1, 1, 1]} : vector<8x128x256xbf16> to vector<1x128x256xbf16>
    %squeeze3A_1124 = vector.shape_cast %slice3A_1123 : vector<1x128x256xbf16> to vector<128x256xbf16>
    %slice3A_1125 = vector.extract_strided_slice %convert_element_type3A_636 {offsets = [5, 0, 0], sizes = [1, 128, 256], strides = [1, 1, 1]} : vector<8x128x256xbf16> to vector<1x128x256xbf16>
    %squeeze3A_1126 = vector.shape_cast %slice3A_1125 : vector<1x128x256xbf16> to vector<128x256xbf16>
    %dot_general3A_1127 = arith.constant dense<0.000000e+00> : vector<128x128xf32>
    %dot_general3A_1128 = tpu.matmul %squeeze3A_1124, %squeeze3A_1126, %dot_general3A_1127 {dimension_numbers = #tpu.dot_dimension_numbers<[1], [1], [0], [0], [0, 0, 1, 0], [], []>, transpose_lhs_hint = false} : vector<128x256xbf16>, vector<128x256xbf16>, vector<128x128xf32> -> vector<128x128xf32>
    %convert_element_type3A_1129 = arith.truncf %dot_general3A_1128 : vector<128x128xf32> to vector<128x128xbf16>
    %slice3A_1130 = vector.extract_strided_slice %concatenate3A_1067 {offsets = [5, 0, 0], sizes = [1, 128, 65], strides = [1, 1, 1]} : vector<8x128x65xbf16> to vector<1x128x65xbf16>
    %squeeze3A_1131 = vector.shape_cast %slice3A_1130 : vector<1x128x65xbf16> to vector<128x65xbf16>
    %dot_general3A_1132 = arith.constant dense<0.000000e+00> : vector<128x65xf32>
    %dot_general3A_1133 = tpu.matmul %convert_element_type3A_1129, %squeeze3A_1131, %dot_general3A_1132 {dimension_numbers = #tpu.dot_dimension_numbers<[1], [0], [0], [1], [0, 0, 1, 1], [], []>, transpose_lhs_hint = false} : vector<128x128xbf16>, vector<128x65xbf16>, vector<128x65xf32> -> vector<128x65xf32>
    %slice3A_1134 = vector.extract_strided_slice %mul3A_1065 {offsets = [6, 0, 0], sizes = [1, 128, 256], strides = [1, 1, 1]} : vector<8x128x256xbf16> to vector<1x128x256xbf16>
    %squeeze3A_1135 = vector.shape_cast %slice3A_1134 : vector<1x128x256xbf16> to vector<128x256xbf16>
    %slice3A_1136 = vector.extract_strided_slice %convert_element_type3A_636 {offsets = [6, 0, 0], sizes = [1, 128, 256], strides = [1, 1, 1]} : vector<8x128x256xbf16> to vector<1x128x256xbf16>
    %squeeze3A_1137 = vector.shape_cast %slice3A_1136 : vector<1x128x256xbf16> to vector<128x256xbf16>
    %dot_general3A_1138 = arith.constant dense<0.000000e+00> : vector<128x128xf32>
    %dot_general3A_1139 = tpu.matmul %squeeze3A_1135, %squeeze3A_1137, %dot_general3A_1138 {dimension_numbers = #tpu.dot_dimension_numbers<[1], [1], [0], [0], [0, 0, 1, 0], [], []>, transpose_lhs_hint = false} : vector<128x256xbf16>, vector<128x256xbf16>, vector<128x128xf32> -> vector<128x128xf32>
    %convert_element_type3A_1140 = arith.truncf %dot_general3A_1139 : vector<128x128xf32> to vector<128x128xbf16>
    %slice3A_1141 = vector.extract_strided_slice %concatenate3A_1067 {offsets = [6, 0, 0], sizes = [1, 128, 65], strides = [1, 1, 1]} : vector<8x128x65xbf16> to vector<1x128x65xbf16>
    %squeeze3A_1142 = vector.shape_cast %slice3A_1141 : vector<1x128x65xbf16> to vector<128x65xbf16>
    %dot_general3A_1143 = arith.constant dense<0.000000e+00> : vector<128x65xf32>
    %dot_general3A_1144 = tpu.matmul %convert_element_type3A_1140, %squeeze3A_1142, %dot_general3A_1143 {dimension_numbers = #tpu.dot_dimension_numbers<[1], [0], [0], [1], [0, 0, 1, 1], [], []>, transpose_lhs_hint = false} : vector<128x128xbf16>, vector<128x65xbf16>, vector<128x65xf32> -> vector<128x65xf32>
    %slice3A_1145 = vector.extract_strided_slice %mul3A_1065 {offsets = [7, 0, 0], sizes = [1, 128, 256], strides = [1, 1, 1]} : vector<8x128x256xbf16> to vector<1x128x256xbf16>
    %squeeze3A_1146 = vector.shape_cast %slice3A_1145 : vector<1x128x256xbf16> to vector<128x256xbf16>
    %slice3A_1147 = vector.extract_strided_slice %convert_element_type3A_636 {offsets = [7, 0, 0], sizes = [1, 128, 256], strides = [1, 1, 1]} : vector<8x128x256xbf16> to vector<1x128x256xbf16>
    %squeeze3A_1148 = vector.shape_cast %slice3A_1147 : vector<1x128x256xbf16> to vector<128x256xbf16>
    %dot_general3A_1149 = arith.constant dense<0.000000e+00> : vector<128x128xf32>
    %dot_general3A_1150 = tpu.matmul %squeeze3A_1146, %squeeze3A_1148, %dot_general3A_1149 {dimension_numbers = #tpu.dot_dimension_numbers<[1], [1], [0], [0], [0, 0, 1, 0], [], []>, transpose_lhs_hint = false} : vector<128x256xbf16>, vector<128x256xbf16>, vector<128x128xf32> -> vector<128x128xf32>
    %convert_element_type3A_1151 = arith.truncf %dot_general3A_1150 : vector<128x128xf32> to vector<128x128xbf16>
    %slice3A_1152 = vector.extract_strided_slice %concatenate3A_1067 {offsets = [7, 0, 0], sizes = [1, 128, 65], strides = [1, 1, 1]} : vector<8x128x65xbf16> to vector<1x128x65xbf16>
    %squeeze3A_1153 = vector.shape_cast %slice3A_1152 : vector<1x128x65xbf16> to vector<128x65xbf16>
    %dot_general3A_1154 = arith.constant dense<0.000000e+00> : vector<128x65xf32>
    %dot_general3A_1155 = tpu.matmul %convert_element_type3A_1151, %squeeze3A_1153, %dot_general3A_1154 {dimension_numbers = #tpu.dot_dimension_numbers<[1], [0], [0], [1], [0, 0, 1, 1], [], []>, transpose_lhs_hint = false} : vector<128x128xbf16>, vector<128x65xbf16>, vector<128x65xf32> -> vector<128x65xf32>
    %stack3A_1156 = vector.shape_cast %dot_general3A_1078 : vector<128x65xf32> to vector<1x128x65xf32>
    %stack3A_1157 = vector.shape_cast %dot_general3A_1089 : vector<128x65xf32> to vector<1x128x65xf32>
    %stack3A_1158 = vector.shape_cast %dot_general3A_1100 : vector<128x65xf32> to vector<1x128x65xf32>
    %stack3A_1159 = vector.shape_cast %dot_general3A_1111 : vector<128x65xf32> to vector<1x128x65xf32>
    %stack3A_1160 = vector.shape_cast %dot_general3A_1122 : vector<128x65xf32> to vector<1x128x65xf32>
    %stack3A_1161 = vector.shape_cast %dot_general3A_1133 : vector<128x65xf32> to vector<1x128x65xf32>
    %stack3A_1162 = vector.shape_cast %dot_general3A_1144 : vector<128x65xf32> to vector<1x128x65xf32>
    %stack3A_1163 = vector.shape_cast %dot_general3A_1155 : vector<128x65xf32> to vector<1x128x65xf32>
    %stack3A_1164 = tpu.concatenate %stack3A_1156, %stack3A_1157, %stack3A_1158, %stack3A_1159, %stack3A_1160, %stack3A_1161, %stack3A_1162, %stack3A_1163 in 0 : vector<1x128x65xf32>, vector<1x128x65xf32>, vector<1x128x65xf32>, vector<1x128x65xf32>, vector<1x128x65xf32>, vector<1x128x65xf32>, vector<1x128x65xf32>, vector<1x128x65xf32> -> vector<8x128x65xf32>
    %slice3A_1165 = vector.extract_strided_slice %stack3A_1164 {offsets = [0, 0, 64], sizes = [8, 128, 1], strides = [1, 1, 1]} : vector<8x128x65xf32> to vector<8x128x1xf32>
    %add3A_1166 = arith.constant 1.000000e-16 : f32
    %add3A_1167 = vector.broadcast %add3A_1166 : f32 to vector<8x128x1xf32>
    %add3A_1168 = arith.addf %slice3A_1165, %add3A_1167 : vector<8x128x1xf32>
    %slice3A_1169 = vector.extract_strided_slice %stack3A_1164 {offsets = [0, 0, 0], sizes = [8, 128, 64], strides = [1, 1, 1]} : vector<8x128x65xf32> to vector<8x128x64xf32>
    %max3A_1170 = arith.constant 0.000000e+00 : f32
    %max3A_1171 = vector.broadcast %max3A_1170 : f32 to vector<8x128x64xf32>
    %max3A_1172 = arith.maximumf %slice3A_1169, %max3A_1171 : vector<8x128x64xf32>
    %div3A_1173 = vector.broadcast %add3A_1168 : vector<8x128x1xf32> to vector<8x128x64xf32>
    %div3A_1174 = arith.divf %max3A_1172, %div3A_1173 : vector<8x128x64xf32>
    %reshape3A_1175 = vector.shape_cast %dot_general3A_960 : vector<8x64xf32> to vector<8x1x64xf32>
    %mul3A_1176 = vector.broadcast %reshape3A_1175 : vector<8x1x64xf32> to vector<8x128x64xf32>
    %mul3A_1177 = arith.mulf %div3A_1174, %mul3A_1176 : vector<8x128x64xf32>
    %reduce_sum3A_1178 = arith.constant dense<0.000000e+00> : vector<8x128xf32>
    %reduce_sum3A_1179 = vector.multi_reduction <add>, %mul3A_1177, %reduce_sum3A_1178 [2] : vector<8x128x64xf32> to vector<8x128xf32>
    %broadcast_in_dim3A_1180 = vector.shape_cast %reduce_sum3A_1179 : vector<8x128xf32> to vector<8x128x1xf32>
    %logistic3A_1181 = arith.negf %broadcast_in_dim3A_1180 : vector<8x128x1xf32>
    %logistic3A_1182 = math.exp %logistic3A_1181 : vector<8x128x1xf32>
    %logistic3A_1183 = arith.constant 1.000000e+00 : f32
    %logistic3A_1184 = vector.broadcast %logistic3A_1183 : f32 to vector<8x128x1xf32>
    %logistic3A_1185 = arith.addf %logistic3A_1184, %logistic3A_1182 : vector<8x128x1xf32>
    %logistic3A_1186 = arith.divf %logistic3A_1184, %logistic3A_1185 : vector<8x128x1xf32>
    %mul3A_1187 = vector.broadcast %logistic3A_1186 : vector<8x128x1xf32> to vector<8x128x64xf32>
    %mul3A_1188 = arith.mulf %div3A_1174, %mul3A_1187 : vector<8x128x64xf32>
    %reduce_max3A_1189 = arith.constant dense<0xFF800000> : vector<8x64xf32>
    %reduce_max3A_1190 = vector.multi_reduction <maximumf>, %mul3A_1188, %reduce_max3A_1189 [1] : vector<8x128x64xf32> to vector<8x64xf32>
    %swap3A_1191 = arith.constant 24 : index
    %swap3A_1192 = arith.constant 0 : index
    %swap3A_1193 = vector.load %arg40[%swap3A_1191, %swap3A_1192] : memref<32x64xf32, #tpu.memory_space<vmem>>, vector<8x64xf32>
    tpu.vector_store %arg40[%swap3A_1191, %swap3A_1192], %reduce_max3A_1190 {strides = array<i32>} : memref<32x64xf32, #tpu.memory_space<vmem>>, vector<8x64xf32>,
    %get3A_1194 = arith.constant 0 : index
    %get3A_1195 = arith.constant 0 : index
    %get3A_1196 = vector.load %arg5[%get3A_1194, %get3A_1195] : memref<8x128xf32, #tpu.memory_space<vmem>>, vector<8x128xf32>
    %get3A_1197 = arith.constant 0 : index
    %get3A_1198 = arith.constant 0 : index
    %get3A_1199 = vector.load %arg6[%get3A_1197, %get3A_1198] : memref<8x1xi32, #tpu.memory_space<vmem>>, vector<8x1xi32>
    %eq3A_1200 = arith.constant 1 : i32
    %eq3A_1201 = vector.broadcast %eq3A_1200 : i32 to vector<8x1xi32>
    %eq3A_1202 = arith.cmpi eq, %get3A_1199, %eq3A_1201 : vector<8x1xi32>
    %slice3A_1203 = vector.extract_strided_slice %get3A_1196 {offsets = [0, 64], sizes = [8, 64], strides = [1, 1]} : vector<8x128xf32> to vector<8x64xf32>
    %slice3A_1204 = vector.extract_strided_slice %get3A_1196 {offsets = [0, 0], sizes = [8, 64], strides = [1, 1]} : vector<8x128xf32> to vector<8x64xf32>
    %broadcast_in_dim3A_1205 = vector.shape_cast %eq3A_1202 : vector<8x1xi1> to vector<8x1xi1>
    %broadcast_in_dim3A_1206 = vector.broadcast %broadcast_in_dim3A_1205 : vector<8x1xi1> to vector<8x64xi1>
    %select_n3A_1207 = arith.select %broadcast_in_dim3A_1206, %slice3A_1203, %slice3A_1204 : vector<8x64xi1>, vector<8x64xf32>
    %get3A_1208 = arith.constant 0 : index
    %get3A_1209 = arith.constant 0 : index
    %get3A_1210 = vector.load %arg7[%get3A_1208, %get3A_1209] : memref<8x128xf32, #tpu.memory_space<vmem>>, vector<8x128xf32>
    %get3A_1211 = arith.constant 0 : index
    %get3A_1212 = arith.constant 0 : index
    %get3A_1213 = vector.load %arg8[%get3A_1211, %get3A_1212] : memref<8x1xi32, #tpu.memory_space<vmem>>, vector<8x1xi32>
    %eq3A_1214 = arith.constant 1 : i32
    %eq3A_1215 = vector.broadcast %eq3A_1214 : i32 to vector<8x1xi32>
    %eq3A_1216 = arith.cmpi eq, %get3A_1213, %eq3A_1215 : vector<8x1xi32>
    %slice3A_1217 = vector.extract_strided_slice %get3A_1210 {offsets = [0, 64], sizes = [8, 64], strides = [1, 1]} : vector<8x128xf32> to vector<8x64xf32>
    %slice3A_1218 = vector.extract_strided_slice %get3A_1210 {offsets = [0, 0], sizes = [8, 64], strides = [1, 1]} : vector<8x128xf32> to vector<8x64xf32>
    %broadcast_in_dim3A_1219 = vector.shape_cast %eq3A_1216 : vector<8x1xi1> to vector<8x1xi1>
    %broadcast_in_dim3A_1220 = vector.broadcast %broadcast_in_dim3A_1219 : vector<8x1xi1> to vector<8x64xi1>
    %select_n3A_1221 = arith.select %broadcast_in_dim3A_1220, %slice3A_1217, %slice3A_1218 : vector<8x64xi1>, vector<8x64xf32>
    %get3A_1222 = arith.constant 0 : index
    %get3A_1223 = arith.constant 0 : index
    %get3A_1224 = vector.load %arg32[%get3A_1222, %get3A_1223] : memref<64x64xf32, #tpu.memory_space<vmem>>, vector<64x64xf32>
    %dot_general3A_1225 = arith.constant dense<0.000000e+00> : vector<8x64xf32>
    %dot_general3A_1226 = tpu.matmul %select_n3A_1207, %get3A_1224, %dot_general3A_1225 {dimension_numbers = #tpu.dot_dimension_numbers<[1], [0], [0], [1], [0, 0, 1, 1], [], []>, transpose_lhs_hint = false} : vector<8x64xf32>, vector<64x64xf32>, vector<8x64xf32> -> vector<8x64xf32>
    %get3A_1227 = arith.constant 0 : index
    %get3A_1228 = arith.constant 0 : index
    %get3A_1229 = vector.load %arg33[%get3A_1227, %get3A_1228] : memref<1x64xf32, #tpu.memory_space<vmem>>, vector<1x64xf32>
    %add3A_1230 = vector.broadcast %get3A_1229 : vector<1x64xf32> to vector<8x64xf32>
    %add3A_1231 = arith.addf %dot_general3A_1226, %add3A_1230 : vector<8x64xf32>
    %max3A_1232 = arith.constant 0.000000e+00 : f32
    %max3A_1233 = vector.broadcast %max3A_1232 : f32 to vector<8x64xf32>
    %max3A_1234 = arith.maximumf %add3A_1231, %max3A_1233 : vector<8x64xf32>
    %get3A_1235 = arith.constant 0 : index
    %get3A_1236 = arith.constant 0 : index
    %get3A_1237 = vector.load %arg34[%get3A_1235, %get3A_1236] : memref<64x64xf32, #tpu.memory_space<vmem>>, vector<64x64xf32>
    %dot_general3A_1238 = arith.constant dense<0.000000e+00> : vector<8x64xf32>
    %dot_general3A_1239 = tpu.matmul %select_n3A_1221, %get3A_1237, %dot_general3A_1238 {dimension_numbers = #tpu.dot_dimension_numbers<[1], [0], [0], [1], [0, 0, 1, 1], [], []>, transpose_lhs_hint = false} : vector<8x64xf32>, vector<64x64xf32>, vector<8x64xf32> -> vector<8x64xf32>
    %get3A_1240 = arith.constant 0 : index
    %get3A_1241 = arith.constant 0 : index
    %get3A_1242 = vector.load %arg35[%get3A_1240, %get3A_1241] : memref<1x64xf32, #tpu.memory_space<vmem>>, vector<1x64xf32>
    %add3A_1243 = vector.broadcast %get3A_1242 : vector<1x64xf32> to vector<8x64xf32>
    %add3A_1244 = arith.addf %dot_general3A_1239, %add3A_1243 : vector<8x64xf32>
    %max3A_1245 = arith.constant 0.000000e+00 : f32
    %max3A_1246 = vector.broadcast %max3A_1245 : f32 to vector<8x64xf32>
    %max3A_1247 = arith.maximumf %add3A_1244, %max3A_1246 : vector<8x64xf32>
    %get3A_1248 = arith.constant 0 : index
    %get3A_1249 = arith.constant 0 : index
    %get3A_1250 = vector.load %arg40[%get3A_1248, %get3A_1249] : memref<32x64xf32, #tpu.memory_space<vmem>>, vector<8x64xf32>
    %get3A_1251 = arith.constant 0 : index
    %get3A_1252 = arith.constant 0 : index
    %get3A_1253 = arith.constant 0 : index
    %get3A_1254 = vector.load %arg23[%get3A_1251, %get3A_1252, %get3A_1253] : memref<2x64x64xf32, #tpu.memory_space<vmem>>, vector<1x64x64xf32>
    %get3A_1255 = vector.shape_cast %get3A_1254 : vector<1x64x64xf32> to vector<64x64xf32>
    %dot_general3A_1256 = arith.constant dense<0.000000e+00> : vector<8x64xf32>
    %dot_general3A_1257 = tpu.matmul %get3A_1250, %get3A_1255, %dot_general3A_1256 {dimension_numbers = #tpu.dot_dimension_numbers<[1], [0], [0], [1], [0, 0, 1, 1], [], []>, transpose_lhs_hint = false} : vector<8x64xf32>, vector<64x64xf32>, vector<8x64xf32> -> vector<8x64xf32>
    %get3A_1258 = arith.constant 0 : index
    %get3A_1259 = arith.constant 0 : index
    %get3A_1260 = vector.load %arg24[%get3A_1258, %get3A_1259] : memref<2x64xf32, #tpu.memory_space<vmem>>, vector<1x64xf32>
    %add3A_1261 = vector.broadcast %get3A_1260 : vector<1x64xf32> to vector<8x64xf32>
    %add3A_1262 = arith.addf %dot_general3A_1257, %add3A_1261 : vector<8x64xf32>
    %max3A_1263 = arith.constant 0.000000e+00 : f32
    %max3A_1264 = vector.broadcast %max3A_1263 : f32 to vector<8x64xf32>
    %max3A_1265 = arith.maximumf %add3A_1262, %max3A_1264 : vector<8x64xf32>
    %get3A_1266 = arith.constant 8 : index
    %get3A_1267 = arith.constant 0 : index
    %get3A_1268 = vector.load %arg40[%get3A_1266, %get3A_1267] : memref<32x64xf32, #tpu.memory_space<vmem>>, vector<8x64xf32>
    %get3A_1269 = arith.constant 1 : index
    %get3A_1270 = arith.constant 0 : index
    %get3A_1271 = arith.constant 0 : index
    %get3A_1272 = vector.load %arg23[%get3A_1269, %get3A_1270, %get3A_1271] : memref<2x64x64xf32, #tpu.memory_space<vmem>>, vector<1x64x64xf32>
    %get3A_1273 = vector.shape_cast %get3A_1272 : vector<1x64x64xf32> to vector<64x64xf32>
    %dot_general3A_1274 = arith.constant dense<0.000000e+00> : vector<8x64xf32>
    %dot_general3A_1275 = tpu.matmul %get3A_1268, %get3A_1273, %dot_general3A_1274 {dimension_numbers = #tpu.dot_dimension_numbers<[1], [0], [0], [1], [0, 0, 1, 1], [], []>, transpose_lhs_hint = false} : vector<8x64xf32>, vector<64x64xf32>, vector<8x64xf32> -> vector<8x64xf32>
    %get3A_1276 = arith.constant 1 : index
    %get3A_1277 = arith.constant 0 : index
    %get3A_1278 = vector.load %arg24[%get3A_1276, %get3A_1277] : memref<2x64xf32, #tpu.memory_space<vmem>>, vector<1x64xf32>
    %add3A_1279 = vector.broadcast %get3A_1278 : vector<1x64xf32> to vector<8x64xf32>
    %add3A_1280 = arith.addf %dot_general3A_1275, %add3A_1279 : vector<8x64xf32>
    %max3A_1281 = arith.constant 0.000000e+00 : f32
    %max3A_1282 = vector.broadcast %max3A_1281 : f32 to vector<8x64xf32>
    %max3A_1283 = arith.maximumf %add3A_1280, %max3A_1282 : vector<8x64xf32>
    %get3A_1284 = arith.constant 16 : index
    %get3A_1285 = arith.constant 0 : index
    %get3A_1286 = vector.load %arg40[%get3A_1284, %get3A_1285] : memref<32x64xf32, #tpu.memory_space<vmem>>, vector<8x64xf32>
    %get3A_1287 = arith.constant 0 : index
    %get3A_1288 = arith.constant 0 : index
    %get3A_1289 = arith.constant 0 : index
    %get3A_1290 = vector.load %arg23[%get3A_1287, %get3A_1288, %get3A_1289] : memref<2x64x64xf32, #tpu.memory_space<vmem>>, vector<1x64x64xf32>
    %get3A_1291 = vector.shape_cast %get3A_1290 : vector<1x64x64xf32> to vector<64x64xf32>
    %dot_general3A_1292 = arith.constant dense<0.000000e+00> : vector<8x64xf32>
    %dot_general3A_1293 = tpu.matmul %get3A_1286, %get3A_1291, %dot_general3A_1292 {dimension_numbers = #tpu.dot_dimension_numbers<[1], [0], [0], [1], [0, 0, 1, 1], [], []>, transpose_lhs_hint = false} : vector<8x64xf32>, vector<64x64xf32>, vector<8x64xf32> -> vector<8x64xf32>
    %get3A_1294 = arith.constant 0 : index
    %get3A_1295 = arith.constant 0 : index
    %get3A_1296 = vector.load %arg24[%get3A_1294, %get3A_1295] : memref<2x64xf32, #tpu.memory_space<vmem>>, vector<1x64xf32>
    %add3A_1297 = vector.broadcast %get3A_1296 : vector<1x64xf32> to vector<8x64xf32>
    %add3A_1298 = arith.addf %dot_general3A_1293, %add3A_1297 : vector<8x64xf32>
    %max3A_1299 = arith.constant 0.000000e+00 : f32
    %max3A_1300 = vector.broadcast %max3A_1299 : f32 to vector<8x64xf32>
    %max3A_1301 = arith.maximumf %add3A_1298, %max3A_1300 : vector<8x64xf32>
    %get3A_1302 = arith.constant 24 : index
    %get3A_1303 = arith.constant 0 : index
    %get3A_1304 = vector.load %arg40[%get3A_1302, %get3A_1303] : memref<32x64xf32, #tpu.memory_space<vmem>>, vector<8x64xf32>
    %get3A_1305 = arith.constant 1 : index
    %get3A_1306 = arith.constant 0 : index
    %get3A_1307 = arith.constant 0 : index
    %get3A_1308 = vector.load %arg23[%get3A_1305, %get3A_1306, %get3A_1307] : memref<2x64x64xf32, #tpu.memory_space<vmem>>, vector<1x64x64xf32>
    %get3A_1309 = vector.shape_cast %get3A_1308 : vector<1x64x64xf32> to vector<64x64xf32>
    %dot_general3A_1310 = arith.constant dense<0.000000e+00> : vector<8x64xf32>
    %dot_general3A_1311 = tpu.matmul %get3A_1304, %get3A_1309, %dot_general3A_1310 {dimension_numbers = #tpu.dot_dimension_numbers<[1], [0], [0], [1], [0, 0, 1, 1], [], []>, transpose_lhs_hint = false} : vector<8x64xf32>, vector<64x64xf32>, vector<8x64xf32> -> vector<8x64xf32>
    %get3A_1312 = arith.constant 1 : index
    %get3A_1313 = arith.constant 0 : index
    %get3A_1314 = vector.load %arg24[%get3A_1312, %get3A_1313] : memref<2x64xf32, #tpu.memory_space<vmem>>, vector<1x64xf32>
    %add3A_1315 = vector.broadcast %get3A_1314 : vector<1x64xf32> to vector<8x64xf32>
    %add3A_1316 = arith.addf %dot_general3A_1311, %add3A_1315 : vector<8x64xf32>
    %max3A_1317 = arith.constant 0.000000e+00 : f32
    %max3A_1318 = vector.broadcast %max3A_1317 : f32 to vector<8x64xf32>
    %max3A_1319 = arith.maximumf %add3A_1316, %max3A_1318 : vector<8x64xf32>
    %broadcast_in_dim3A_1320 = arith.constant 0.000000e+00 : f32
    %broadcast_in_dim3A_1321 = vector.broadcast %broadcast_in_dim3A_1320 : f32 to vector<8x1xf32>
    %broadcast_in_dim3A_1322 = arith.constant 0.000000e+00 : f32
    %broadcast_in_dim3A_1323 = vector.broadcast %broadcast_in_dim3A_1322 : f32 to vector<8x384xf32>
    %broadcast_in_dim3A_1324 = arith.constant 0.000000e+00 : f32
    %broadcast_in_dim3A_1325 = vector.broadcast %broadcast_in_dim3A_1324 : f32 to vector<8x384xf32>
    %get3A_1326 = arith.constant 0 : index
    %get3A_1327 = arith.constant 0 : index
    %get3A_1328 = vector.load %arg37[%get3A_1326, %get3A_1327] : memref<384x384xf32, #tpu.memory_space<vmem>>, vector<64x384xf32>
    %get3A_1329 = arith.constant 0 : index
    %get3A_1330 = arith.constant 0 : index
    %get3A_1331 = vector.load %arg36[%get3A_1329, %get3A_1330] : memref<384x1xf32, #tpu.memory_space<vmem>>, vector<64x1xf32>
    %dot_general3A_1332 = arith.constant dense<0.000000e+00> : vector<8x1xf32>
    %dot_general3A_1333 = tpu.matmul %max3A_1234, %get3A_1331, %dot_general3A_1332 {dimension_numbers = #tpu.dot_dimension_numbers<[1], [0], [0], [1], [0, 0, 1, 1], [], []>, transpose_lhs_hint = false} : vector<8x64xf32>, vector<64x1xf32>, vector<8x1xf32> -> vector<8x1xf32>
    %add3A_1334 = arith.addf %broadcast_in_dim3A_1321, %dot_general3A_1333 : vector<8x1xf32>
    %dot_general3A_1335 = arith.constant dense<0.000000e+00> : vector<8x384xf32>
    %dot_general3A_1336 = tpu.matmul %max3A_1234, %get3A_1328, %dot_general3A_1335 {dimension_numbers = #tpu.dot_dimension_numbers<[1], [0], [0], [1], [0, 0, 1, 1], [], []>, transpose_lhs_hint = false} : vector<8x64xf32>, vector<64x384xf32>, vector<8x384xf32> -> vector<8x384xf32>
    %add3A_1337 = arith.addf %broadcast_in_dim3A_1323, %dot_general3A_1336 : vector<8x384xf32>
    %mul3A_1338 = arith.mulf %max3A_1234, %max3A_1234 : vector<8x64xf32>
    %mul3A_1339 = arith.mulf %get3A_1328, %get3A_1328 : vector<64x384xf32>
    %dot_general3A_1340 = arith.constant dense<0.000000e+00> : vector<8x384xf32>
    %dot_general3A_1341 = tpu.matmul %mul3A_1338, %mul3A_1339, %dot_general3A_1340 {dimension_numbers = #tpu.dot_dimension_numbers<[1], [0], [0], [1], [0, 0, 1, 1], [], []>, transpose_lhs_hint = false} : vector<8x64xf32>, vector<64x384xf32>, vector<8x384xf32> -> vector<8x384xf32>
    %add3A_1342 = arith.addf %broadcast_in_dim3A_1325, %dot_general3A_1341 : vector<8x384xf32>
    %get3A_1343 = arith.constant 64 : index
    %get3A_1344 = arith.constant 0 : index
    %get3A_1345 = vector.load %arg37[%get3A_1343, %get3A_1344] : memref<384x384xf32, #tpu.memory_space<vmem>>, vector<64x384xf32>
    %get3A_1346 = arith.constant 64 : index
    %get3A_1347 = arith.constant 0 : index
    %get3A_1348 = vector.load %arg36[%get3A_1346, %get3A_1347] : memref<384x1xf32, #tpu.memory_space<vmem>>, vector<64x1xf32>
    %dot_general3A_1349 = arith.constant dense<0.000000e+00> : vector<8x1xf32>
    %dot_general3A_1350 = tpu.matmul %max3A_1265, %get3A_1348, %dot_general3A_1349 {dimension_numbers = #tpu.dot_dimension_numbers<[1], [0], [0], [1], [0, 0, 1, 1], [], []>, transpose_lhs_hint = false} : vector<8x64xf32>, vector<64x1xf32>, vector<8x1xf32> -> vector<8x1xf32>
    %add3A_1351 = arith.addf %add3A_1334, %dot_general3A_1350 : vector<8x1xf32>
    %dot_general3A_1352 = arith.constant dense<0.000000e+00> : vector<8x384xf32>
    %dot_general3A_1353 = tpu.matmul %max3A_1265, %get3A_1345, %dot_general3A_1352 {dimension_numbers = #tpu.dot_dimension_numbers<[1], [0], [0], [1], [0, 0, 1, 1], [], []>, transpose_lhs_hint = false} : vector<8x64xf32>, vector<64x384xf32>, vector<8x384xf32> -> vector<8x384xf32>
    %add3A_1354 = arith.addf %add3A_1337, %dot_general3A_1353 : vector<8x384xf32>
    %mul3A_1355 = arith.mulf %max3A_1265, %max3A_1265 : vector<8x64xf32>
    %mul3A_1356 = arith.mulf %get3A_1345, %get3A_1345 : vector<64x384xf32>
    %dot_general3A_1357 = arith.constant dense<0.000000e+00> : vector<8x384xf32>
    %dot_general3A_1358 = tpu.matmul %mul3A_1355, %mul3A_1356, %dot_general3A_1357 {dimension_numbers = #tpu.dot_dimension_numbers<[1], [0], [0], [1], [0, 0, 1, 1], [], []>, transpose_lhs_hint = false} : vector<8x64xf32>, vector<64x384xf32>, vector<8x384xf32> -> vector<8x384xf32>
    %add3A_1359 = arith.addf %add3A_1342, %dot_general3A_1358 : vector<8x384xf32>
    %get3A_1360 = arith.constant 128 : index
    %get3A_1361 = arith.constant 0 : index
    %get3A_1362 = vector.load %arg37[%get3A_1360, %get3A_1361] : memref<384x384xf32, #tpu.memory_space<vmem>>, vector<64x384xf32>
    %get3A_1363 = arith.constant 128 : index
    %get3A_1364 = arith.constant 0 : index
    %get3A_1365 = vector.load %arg36[%get3A_1363, %get3A_1364] : memref<384x1xf32, #tpu.memory_space<vmem>>, vector<64x1xf32>
    %dot_general3A_1366 = arith.constant dense<0.000000e+00> : vector<8x1xf32>
    %dot_general3A_1367 = tpu.matmul %max3A_1283, %get3A_1365, %dot_general3A_1366 {dimension_numbers = #tpu.dot_dimension_numbers<[1], [0], [0], [1], [0, 0, 1, 1], [], []>, transpose_lhs_hint = false} : vector<8x64xf32>, vector<64x1xf32>, vector<8x1xf32> -> vector<8x1xf32>
    %add3A_1368 = arith.addf %add3A_1351, %dot_general3A_1367 : vector<8x1xf32>
    %dot_general3A_1369 = arith.constant dense<0.000000e+00> : vector<8x384xf32>
    %dot_general3A_1370 = tpu.matmul %max3A_1283, %get3A_1362, %dot_general3A_1369 {dimension_numbers = #tpu.dot_dimension_numbers<[1], [0], [0], [1], [0, 0, 1, 1], [], []>, transpose_lhs_hint = false} : vector<8x64xf32>, vector<64x384xf32>, vector<8x384xf32> -> vector<8x384xf32>
    %add3A_1371 = arith.addf %add3A_1354, %dot_general3A_1370 : vector<8x384xf32>
    %mul3A_1372 = arith.mulf %max3A_1283, %max3A_1283 : vector<8x64xf32>
    %mul3A_1373 = arith.mulf %get3A_1362, %get3A_1362 : vector<64x384xf32>
    %dot_general3A_1374 = arith.constant dense<0.000000e+00> : vector<8x384xf32>
    %dot_general3A_1375 = tpu.matmul %mul3A_1372, %mul3A_1373, %dot_general3A_1374 {dimension_numbers = #tpu.dot_dimension_numbers<[1], [0], [0], [1], [0, 0, 1, 1], [], []>, transpose_lhs_hint = false} : vector<8x64xf32>, vector<64x384xf32>, vector<8x384xf32> -> vector<8x384xf32>
    %add3A_1376 = arith.addf %add3A_1359, %dot_general3A_1375 : vector<8x384xf32>
    %get3A_1377 = arith.constant 192 : index
    %get3A_1378 = arith.constant 0 : index
    %get3A_1379 = vector.load %arg37[%get3A_1377, %get3A_1378] : memref<384x384xf32, #tpu.memory_space<vmem>>, vector<64x384xf32>
    %get3A_1380 = arith.constant 192 : index
    %get3A_1381 = arith.constant 0 : index
    %get3A_1382 = vector.load %arg36[%get3A_1380, %get3A_1381] : memref<384x1xf32, #tpu.memory_space<vmem>>, vector<64x1xf32>
    %dot_general3A_1383 = arith.constant dense<0.000000e+00> : vector<8x1xf32>
    %dot_general3A_1384 = tpu.matmul %max3A_1247, %get3A_1382, %dot_general3A_1383 {dimension_numbers = #tpu.dot_dimension_numbers<[1], [0], [0], [1], [0, 0, 1, 1], [], []>, transpose_lhs_hint = false} : vector<8x64xf32>, vector<64x1xf32>, vector<8x1xf32> -> vector<8x1xf32>
    %add3A_1385 = arith.addf %add3A_1368, %dot_general3A_1384 : vector<8x1xf32>
    %dot_general3A_1386 = arith.constant dense<0.000000e+00> : vector<8x384xf32>
    %dot_general3A_1387 = tpu.matmul %max3A_1247, %get3A_1379, %dot_general3A_1386 {dimension_numbers = #tpu.dot_dimension_numbers<[1], [0], [0], [1], [0, 0, 1, 1], [], []>, transpose_lhs_hint = false} : vector<8x64xf32>, vector<64x384xf32>, vector<8x384xf32> -> vector<8x384xf32>
    %add3A_1388 = arith.addf %add3A_1371, %dot_general3A_1387 : vector<8x384xf32>
    %mul3A_1389 = arith.mulf %max3A_1247, %max3A_1247 : vector<8x64xf32>
    %mul3A_1390 = arith.mulf %get3A_1379, %get3A_1379 : vector<64x384xf32>
    %dot_general3A_1391 = arith.constant dense<0.000000e+00> : vector<8x384xf32>
    %dot_general3A_1392 = tpu.matmul %mul3A_1389, %mul3A_1390, %dot_general3A_1391 {dimension_numbers = #tpu.dot_dimension_numbers<[1], [0], [0], [1], [0, 0, 1, 1], [], []>, transpose_lhs_hint = false} : vector<8x64xf32>, vector<64x384xf32>, vector<8x384xf32> -> vector<8x384xf32>
    %add3A_1393 = arith.addf %add3A_1376, %dot_general3A_1392 : vector<8x384xf32>
    %get3A_1394 = arith.constant 256 : index
    %get3A_1395 = arith.constant 0 : index
    %get3A_1396 = vector.load %arg37[%get3A_1394, %get3A_1395] : memref<384x384xf32, #tpu.memory_space<vmem>>, vector<64x384xf32>
    %get3A_1397 = arith.constant 256 : index
    %get3A_1398 = arith.constant 0 : index
    %get3A_1399 = vector.load %arg36[%get3A_1397, %get3A_1398] : memref<384x1xf32, #tpu.memory_space<vmem>>, vector<64x1xf32>
    %dot_general3A_1400 = arith.constant dense<0.000000e+00> : vector<8x1xf32>
    %dot_general3A_1401 = tpu.matmul %max3A_1301, %get3A_1399, %dot_general3A_1400 {dimension_numbers = #tpu.dot_dimension_numbers<[1], [0], [0], [1], [0, 0, 1, 1], [], []>, transpose_lhs_hint = false} : vector<8x64xf32>, vector<64x1xf32>, vector<8x1xf32> -> vector<8x1xf32>
    %add3A_1402 = arith.addf %add3A_1385, %dot_general3A_1401 : vector<8x1xf32>
    %dot_general3A_1403 = arith.constant dense<0.000000e+00> : vector<8x384xf32>
    %dot_general3A_1404 = tpu.matmul %max3A_1301, %get3A_1396, %dot_general3A_1403 {dimension_numbers = #tpu.dot_dimension_numbers<[1], [0], [0], [1], [0, 0, 1, 1], [], []>, transpose_lhs_hint = false} : vector<8x64xf32>, vector<64x384xf32>, vector<8x384xf32> -> vector<8x384xf32>
    %add3A_1405 = arith.addf %add3A_1388, %dot_general3A_1404 : vector<8x384xf32>
    %mul3A_1406 = arith.mulf %max3A_1301, %max3A_1301 : vector<8x64xf32>
    %mul3A_1407 = arith.mulf %get3A_1396, %get3A_1396 : vector<64x384xf32>
    %dot_general3A_1408 = arith.constant dense<0.000000e+00> : vector<8x384xf32>
    %dot_general3A_1409 = tpu.matmul %mul3A_1406, %mul3A_1407, %dot_general3A_1408 {dimension_numbers = #tpu.dot_dimension_numbers<[1], [0], [0], [1], [0, 0, 1, 1], [], []>, transpose_lhs_hint = false} : vector<8x64xf32>, vector<64x384xf32>, vector<8x384xf32> -> vector<8x384xf32>
    %add3A_1410 = arith.addf %add3A_1393, %dot_general3A_1409 : vector<8x384xf32>
    %get3A_1411 = arith.constant 320 : index
    %get3A_1412 = arith.constant 0 : index
    %get3A_1413 = vector.load %arg37[%get3A_1411, %get3A_1412] : memref<384x384xf32, #tpu.memory_space<vmem>>, vector<64x384xf32>
    %get3A_1414 = arith.constant 320 : index
    %get3A_1415 = arith.constant 0 : index
    %get3A_1416 = vector.load %arg36[%get3A_1414, %get3A_1415] : memref<384x1xf32, #tpu.memory_space<vmem>>, vector<64x1xf32>
    %dot_general3A_1417 = arith.constant dense<0.000000e+00> : vector<8x1xf32>
    %dot_general3A_1418 = tpu.matmul %max3A_1319, %get3A_1416, %dot_general3A_1417 {dimension_numbers = #tpu.dot_dimension_numbers<[1], [0], [0], [1], [0, 0, 1, 1], [], []>, transpose_lhs_hint = false} : vector<8x64xf32>, vector<64x1xf32>, vector<8x1xf32> -> vector<8x1xf32>
    %add3A_1419 = arith.addf %add3A_1402, %dot_general3A_1418 : vector<8x1xf32>
    %dot_general3A_1420 = arith.constant dense<0.000000e+00> : vector<8x384xf32>
    %dot_general3A_1421 = tpu.matmul %max3A_1319, %get3A_1413, %dot_general3A_1420 {dimension_numbers = #tpu.dot_dimension_numbers<[1], [0], [0], [1], [0, 0, 1, 1], [], []>, transpose_lhs_hint = false} : vector<8x64xf32>, vector<64x384xf32>, vector<8x384xf32> -> vector<8x384xf32>
    %add3A_1422 = arith.addf %add3A_1405, %dot_general3A_1421 : vector<8x384xf32>
    %mul3A_1423 = arith.mulf %max3A_1319, %max3A_1319 : vector<8x64xf32>
    %mul3A_1424 = arith.mulf %get3A_1413, %get3A_1413 : vector<64x384xf32>
    %dot_general3A_1425 = arith.constant dense<0.000000e+00> : vector<8x384xf32>
    %dot_general3A_1426 = tpu.matmul %mul3A_1423, %mul3A_1424, %dot_general3A_1425 {dimension_numbers = #tpu.dot_dimension_numbers<[1], [0], [0], [1], [0, 0, 1, 1], [], []>, transpose_lhs_hint = false} : vector<8x64xf32>, vector<64x384xf32>, vector<8x384xf32> -> vector<8x384xf32>
    %add3A_1427 = arith.addf %add3A_1410, %dot_general3A_1426 : vector<8x384xf32>
    %mul3A_1428 = arith.mulf %add3A_1422, %add3A_1422 : vector<8x384xf32>
    %sub3A_1429 = arith.subf %mul3A_1428, %add3A_1427 : vector<8x384xf32>
    %reduce_sum3A_1430 = arith.constant dense<0.000000e+00> : vector<8xf32>
    %reduce_sum3A_1431 = vector.multi_reduction <add>, %sub3A_1429, %reduce_sum3A_1430 [1] : vector<8x384xf32> to vector<8xf32>
    %broadcast_in_dim3A_1432 = vector.shape_cast %reduce_sum3A_1431 : vector<8xf32> to vector<8x1xf32>
    %mul3A_1433 = arith.constant 5.000000e-01 : f32
    %mul3A_1434 = vector.broadcast %mul3A_1433 : f32 to vector<8x1xf32>
    %mul3A_1435 = arith.mulf %mul3A_1434, %broadcast_in_dim3A_1432 : vector<8x1xf32>
    %iota3A_1436 = tpu.iota {dimensions = array<i32: 1>} : vector<8x128xi32>
    %get3A_1437 = arith.constant 0 : index
    %get3A_1438 = arith.constant 0 : index
    %get3A_1439 = vector.load %arg11[%get3A_1437, %get3A_1438] : memref<8x1xi32, #tpu.memory_space<vmem>>, vector<8x1xi32>
    %eq3A_1440 = vector.broadcast %get3A_1439 : vector<8x1xi32> to vector<8x128xi32>
    %eq3A_1441 = arith.cmpi eq, %iota3A_1436, %eq3A_1440 : vector<8x128xi32>
    %get3A_1442 = arith.constant 0 : index
    %get3A_1443 = arith.constant 0 : index
    %get3A_1444 = vector.load %arg9[%get3A_1442, %get3A_1443] : memref<8x128xf32, #tpu.memory_space<vmem>>, vector<8x128xf32>
    %jit3A_1445 = arith.constant 0.000000e+00 : f32
    %broadcast_in_dim3A_1446 = vector.broadcast %jit3A_1445 : f32 to vector<8x128xf32>
    %select_n3A_1447 = arith.select %eq3A_1441, %get3A_1444, %broadcast_in_dim3A_1446 : vector<8x128xi1>, vector<8x128xf32>
    %reduce_sum3A_1448 = arith.constant dense<0.000000e+00> : vector<8xf32>
    %reduce_sum3A_1449 = vector.multi_reduction <add>, %select_n3A_1447, %reduce_sum3A_1448 [1] : vector<8x128xf32> to vector<8xf32>
    %broadcast_in_dim3A_1450 = vector.shape_cast %reduce_sum3A_1449 : vector<8xf32> to vector<8x1xf32>
    %get3A_1451 = arith.constant 0 : index
    %get3A_1452 = arith.constant 0 : index
    %get3A_1453 = vector.load %arg12[%get3A_1451, %get3A_1452] : memref<8x1xi32, #tpu.memory_space<vmem>>, vector<8x1xi32>
    %eq3A_1454 = vector.broadcast %get3A_1453 : vector<8x1xi32> to vector<8x128xi32>
    %eq3A_1455 = arith.cmpi eq, %iota3A_1436, %eq3A_1454 : vector<8x128xi32>
    %get3A_1456 = arith.constant 0 : index
    %get3A_1457 = arith.constant 0 : index
    %get3A_1458 = vector.load %arg10[%get3A_1456, %get3A_1457] : memref<8x128xf32, #tpu.memory_space<vmem>>, vector<8x128xf32>
    %jit3A_1459 = arith.constant 0.000000e+00 : f32
    %broadcast_in_dim3A_1460 = vector.broadcast %jit3A_1459 : f32 to vector<8x128xf32>
    %select_n3A_1461 = arith.select %eq3A_1455, %get3A_1458, %broadcast_in_dim3A_1460 : vector<8x128xi1>, vector<8x128xf32>
    %reduce_sum3A_1462 = arith.constant dense<0.000000e+00> : vector<8xf32>
    %reduce_sum3A_1463 = vector.multi_reduction <add>, %select_n3A_1461, %reduce_sum3A_1462 [1] : vector<8x128xf32> to vector<8xf32>
    %broadcast_in_dim3A_1464 = vector.shape_cast %reduce_sum3A_1463 : vector<8xf32> to vector<8x1xf32>
    %add3A_1465 = arith.addf %add3A_1419, %mul3A_1435 : vector<8x1xf32>
    %add3A_1466 = arith.addf %add3A_1465, %broadcast_in_dim3A_1450 : vector<8x1xf32>
    %add3A_1467 = arith.addf %add3A_1466, %broadcast_in_dim3A_1464 : vector<8x1xf32>
    %get3A_1468 = arith.constant 0 : index
    %get3A_1469 = arith.constant 0 : index
    %get3A_1470 = vector.load %arg38[%get3A_1468, %get3A_1469] : memref<1x1xf32, #tpu.memory_space<vmem>>, vector<1x1xf32>
    %add3A_1471 = vector.broadcast %get3A_1470 : vector<1x1xf32> to vector<8x1xf32>
    %add3A_1472 = arith.addf %add3A_1467, %add3A_1471 : vector<8x1xf32>
    %swap3A_1473 = arith.constant 0 : index
    %swap3A_1474 = arith.constant 0 : index
    %swap3A_1475 = vector.load %arg39[%swap3A_1473, %swap3A_1474] : memref<8x1xf32, #tpu.memory_space<vmem>>, vector<8x1xf32>
    tpu.vector_store %arg39[%swap3A_1473, %swap3A_1474], %add3A_1472 {strides = array<i32>} : memref<8x1xf32, #tpu.memory_space<vmem>>, vector<8x1xf32>,
    return
  }
  func.func @transform_0(%arg0: i32) -> (i32, i32) {
    %c0_i32 = arith.constant 0 : i32
    %c0_i32_0 = arith.constant 0 : i32
    return %arg0, %c0_i32 : i32, i32
  }
  func.func @transform_1(%arg0: i32) -> (i32, i32) {
    %c0_i32 = arith.constant 0 : i32
    %c0_i32_0 = arith.constant 0 : i32
    return %arg0, %c0_i32 : i32, i32
  }
  func.func @transform_2(%arg0: i32) -> (i32, i32) {
    %c0_i32 = arith.constant 0 : i32
    %c0_i32_0 = arith.constant 0 : i32
    return %arg0, %c0_i32 : i32, i32
  }
  func.func @transform_3(%arg0: i32) -> (i32, i32) {
    %c0_i32 = arith.constant 0 : i32
    %c0_i32_0 = arith.constant 0 : i32
    return %arg0, %c0_i32 : i32, i32
  }
  func.func @transform_4(%arg0: i32) -> (i32, i32) {
    %c0_i32 = arith.constant 0 : i32
    %c0_i32_0 = arith.constant 0 : i32
    return %arg0, %c0_i32 : i32, i32
  }
  func.func @transform_5(%arg0: i32) -> (i32, i32) {
    %c0_i32 = arith.constant 0 : i32
    %c0_i32_0 = arith.constant 0 : i32
    return %arg0, %c0_i32 : i32, i32
  }
  func.func @transform_6(%arg0: i32) -> (i32, i32) {
    %c0_i32 = arith.constant 0 : i32
    %c0_i32_0 = arith.constant 0 : i32
    return %arg0, %c0_i32 : i32, i32
  }
  func.func @transform_7(%arg0: i32) -> (i32, i32) {
    %c0_i32 = arith.constant 0 : i32
    %c0_i32_0 = arith.constant 0 : i32
    return %arg0, %c0_i32 : i32, i32
  }
  func.func @transform_8(%arg0: i32) -> (i32, i32) {
    %c0_i32 = arith.constant 0 : i32
    %c0_i32_0 = arith.constant 0 : i32
    return %arg0, %c0_i32 : i32, i32
  }
  func.func @transform_9(%arg0: i32) -> (i32, i32) {
    %c0_i32 = arith.constant 0 : i32
    %c0_i32_0 = arith.constant 0 : i32
    return %arg0, %c0_i32 : i32, i32
  }
  func.func @transform_10(%arg0: i32) -> (i32, i32) {
    %c0_i32 = arith.constant 0 : i32
    %c0_i32_0 = arith.constant 0 : i32
    return %arg0, %c0_i32 : i32, i32
  }
  func.func @transform_11(%arg0: i32) -> (i32, i32) {
    %c0_i32 = arith.constant 0 : i32
    %c0_i32_0 = arith.constant 0 : i32
    return %arg0, %c0_i32 : i32, i32
  }
  func.func @transform_12(%arg0: i32) -> (i32, i32, i32) {
    %c0_i32 = arith.constant 0 : i32
    %c0_i32_0 = arith.constant 0 : i32
    %c0_i32_1 = arith.constant 0 : i32
    return %arg0, %c0_i32, %c0_i32_0 : i32, i32, i32
  }
  func.func @transform_13(%arg0: i32) -> (i32, i32, i32) {
    %c0_i32 = arith.constant 0 : i32
    %c0_i32_0 = arith.constant 0 : i32
    %c0_i32_1 = arith.constant 0 : i32
    return %arg0, %c0_i32, %c0_i32_0 : i32, i32, i32
  }
  func.func @transform_14(%arg0: i32) -> (i32, i32) {
    %c0_i32 = arith.constant 0 : i32
    %c0_i32_0 = arith.constant 0 : i32
    return %arg0, %c0_i32 : i32, i32
  }
  func.func @transform_15(%arg0: i32) -> (i32, i32, i32) {
    %c0_i32 = arith.constant 0 : i32
    %c0_i32_0 = arith.constant 0 : i32
    %c0_i32_1 = arith.constant 0 : i32
    return %arg0, %c0_i32, %c0_i32_0 : i32, i32, i32
  }
  func.func @transform_16(%arg0: i32) -> (i32, i32, i32) {
    %c0_i32 = arith.constant 0 : i32
    %c0_i32_0 = arith.constant 0 : i32
    %c0_i32_1 = arith.constant 0 : i32
    return %arg0, %c0_i32, %c0_i32_0 : i32, i32, i32
  }
  func.func @transform_17(%arg0: i32) -> (i32, i32) {
    %c0_i32 = arith.constant 0 : i32
    %c0_i32_0 = arith.constant 0 : i32
    return %arg0, %c0_i32 : i32, i32
  }
  func.func @transform_18(%arg0: i32) -> (i32, i32, i32) {
    %c0_i32 = arith.constant 0 : i32
    %c0_i32_0 = arith.constant 0 : i32
    %c0_i32_1 = arith.constant 0 : i32
    %c0_i32_2 = arith.constant 0 : i32
    return %c0_i32, %c0_i32_0, %c0_i32_1 : i32, i32, i32
  }
  func.func @transform_19(%arg0: i32) -> (i32, i32) {
    %c0_i32 = arith.constant 0 : i32
    %c0_i32_0 = arith.constant 0 : i32
    %c0_i32_1 = arith.constant 0 : i32
    return %c0_i32, %c0_i32_0 : i32, i32
  }
  func.func @transform_20(%arg0: i32) -> (i32, i32, i32) {
    %c0_i32 = arith.constant 0 : i32
    %c0_i32_0 = arith.constant 0 : i32
    %c0_i32_1 = arith.constant 0 : i32
    %c0_i32_2 = arith.constant 0 : i32
    return %c0_i32, %c0_i32_0, %c0_i32_1 : i32, i32, i32
  }
  func.func @transform_21(%arg0: i32) -> (i32, i32) {
    %c0_i32 = arith.constant 0 : i32
    %c0_i32_0 = arith.constant 0 : i32
    %c0_i32_1 = arith.constant 0 : i32
    return %c0_i32, %c0_i32_0 : i32, i32
  }
  func.func @transform_22(%arg0: i32) -> (i32, i32, i32) {
    %c0_i32 = arith.constant 0 : i32
    %c0_i32_0 = arith.constant 0 : i32
    %c0_i32_1 = arith.constant 0 : i32
    %c0_i32_2 = arith.constant 0 : i32
    return %c0_i32, %c0_i32_0, %c0_i32_1 : i32, i32, i32
  }
  func.func @transform_23(%arg0: i32) -> (i32, i32) {
    %c0_i32 = arith.constant 0 : i32
    %c0_i32_0 = arith.constant 0 : i32
    %c0_i32_1 = arith.constant 0 : i32
    return %c0_i32, %c0_i32_0 : i32, i32
  }
  func.func @transform_24(%arg0: i32) -> (i32, i32, i32) {
    %c0_i32 = arith.constant 0 : i32
    %c0_i32_0 = arith.constant 0 : i32
    %c0_i32_1 = arith.constant 0 : i32
    %c0_i32_2 = arith.constant 0 : i32
    return %c0_i32, %c0_i32_0, %c0_i32_1 : i32, i32, i32
  }
  func.func @transform_25(%arg0: i32) -> (i32, i32, i32) {
    %c0_i32 = arith.constant 0 : i32
    %c0_i32_0 = arith.constant 0 : i32
    %c0_i32_1 = arith.constant 0 : i32
    %c0_i32_2 = arith.constant 0 : i32
    return %c0_i32, %c0_i32_0, %c0_i32_1 : i32, i32, i32
  }
  func.func @transform_26(%arg0: i32) -> (i32, i32) {
    %c0_i32 = arith.constant 0 : i32
    %c0_i32_0 = arith.constant 0 : i32
    %c0_i32_1 = arith.constant 0 : i32
    return %c0_i32, %c0_i32_0 : i32, i32
  }
  func.func @transform_27(%arg0: i32) -> (i32, i32, i32) {
    %c0_i32 = arith.constant 0 : i32
    %c0_i32_0 = arith.constant 0 : i32
    %c0_i32_1 = arith.constant 0 : i32
    %c0_i32_2 = arith.constant 0 : i32
    return %c0_i32, %c0_i32_0, %c0_i32_1 : i32, i32, i32
  }
  func.func @transform_28(%arg0: i32) -> (i32, i32, i32) {
    %c0_i32 = arith.constant 0 : i32
    %c0_i32_0 = arith.constant 0 : i32
    %c0_i32_1 = arith.constant 0 : i32
    %c0_i32_2 = arith.constant 0 : i32
    return %c0_i32, %c0_i32_0, %c0_i32_1 : i32, i32, i32
  }
  func.func @transform_29(%arg0: i32) -> (i32, i32) {
    %c0_i32 = arith.constant 0 : i32
    %c0_i32_0 = arith.constant 0 : i32
    %c0_i32_1 = arith.constant 0 : i32
    return %c0_i32, %c0_i32_0 : i32, i32
  }
  func.func @transform_30(%arg0: i32) -> (i32, i32) {
    %c0_i32 = arith.constant 0 : i32
    %c0_i32_0 = arith.constant 0 : i32
    %c0_i32_1 = arith.constant 0 : i32
    return %c0_i32, %c0_i32_0 : i32, i32
  }
  func.func @transform_31(%arg0: i32) -> (i32, i32) {
    %c0_i32 = arith.constant 0 : i32
    %c0_i32_0 = arith.constant 0 : i32
    %c0_i32_1 = arith.constant 0 : i32
    return %c0_i32, %c0_i32_0 : i32, i32
  }
  func.func @transform_32(%arg0: i32) -> (i32, i32) {
    %c0_i32 = arith.constant 0 : i32
    %c0_i32_0 = arith.constant 0 : i32
    %c0_i32_1 = arith.constant 0 : i32
    return %c0_i32, %c0_i32_0 : i32, i32
  }
  func.func @transform_33(%arg0: i32) -> (i32, i32) {
    %c0_i32 = arith.constant 0 : i32
    %c0_i32_0 = arith.constant 0 : i32
    %c0_i32_1 = arith.constant 0 : i32
    return %c0_i32, %c0_i32_0 : i32, i32
  }
  func.func @transform_34(%arg0: i32) -> (i32, i32) {
    %c0_i32 = arith.constant 0 : i32
    %c0_i32_0 = arith.constant 0 : i32
    %c0_i32_1 = arith.constant 0 : i32
    return %c0_i32, %c0_i32_0 : i32, i32
  }
  func.func @transform_35(%arg0: i32) -> (i32, i32) {
    %c0_i32 = arith.constant 0 : i32
    %c0_i32_0 = arith.constant 0 : i32
    %c0_i32_1 = arith.constant 0 : i32
    return %c0_i32, %c0_i32_0 : i32, i32
  }
  func.func @transform_36(%arg0: i32) -> (i32, i32) {
    %c0_i32 = arith.constant 0 : i32
    %c0_i32_0 = arith.constant 0 : i32
    %c0_i32_1 = arith.constant 0 : i32
    return %c0_i32, %c0_i32_0 : i32, i32
  }
  func.func @transform_37(%arg0: i32) -> (i32, i32) {
    %c0_i32 = arith.constant 0 : i32
    %c0_i32_0 = arith.constant 0 : i32
    %c0_i32_1 = arith.constant 0 : i32
    return %c0_i32, %c0_i32_0 : i32, i32
  }
  func.func @transform_38(%arg0: i32) -> (i32, i32) {
    %c0_i32 = arith.constant 0 : i32
    %c0_i32_0 = arith.constant 0 : i32
    return %arg0, %c0_i32 : i32, i32
  }
}

</mosaic_0001>

<sc_bundles>
// kernel: kernel.4.cloned.1.call-start
scs
__scs_entry_jumppad:
0x0: {  	(pc) =	sbr.rel $0x88, $3  }
0x1: {  	(tag) =	ssettag $0x0;
	lr =	simm.s32 $0x1  }
0x2: {  	[smem:$0x3F7E] =	sst lr;
	_ =	strace $0xD0000000  }
0x3: {  	_ = 	snop  }
0x4: {  	_ = 	snop  }
0x5: {  	_ = 	snop  }
0x6: {  	_ = 	snop  }
0x7: {  	_ = 	snop  }
__scs_overlays_trampoline_lowered:
0x8: {  	[smem:$0x3F8D] =	sst s0  }
0x9: {  	[smem:$0x3F8E] =	sst s1  }
0xa: {  	[smem:$0x3F8F] =	sst s2  }
0xb: {  	[smem:$0x3F90] =	sst s3  }
0xc: {  	[smem:$0x3F91] =	sst s4  }
0xd: {  	[smem:$0x3F92] =	sst s5  }
0xe: {  	[smem:$0x3F93] =	sst s6  }
0xf: {  	[smem:$0x3F94] =	sst s7  }
0x10: {  	[smem:$0x3F95] =	sst s8  }
0x11: {  	[smem:$0x3F96] =	sst s9;
	s0 =	simm.s32 @!p0 $0x0  }
0x12: {  	s1 =	sld [smem:$0x3F7C];
	s0 =	simm.s32 @p0 $0x1  }
0x13: {  	[smem:$0x3F97] =	sst s0;
	s0 =	simm.s32 @!p1 $0x0  }
0x14: {  	s2 =	sld [smem:$0x3F7B];
	s0 =	simm.s32 @p1 $0x1  }
0x15: {  	[smem:$0x3F98] =	sst s0;
	s0 =	simm.s32 @!p2 $0x0  }
0x16: {  	s3 =	sld [smem:$0x3FDB];
	s0 =	simm.s32 @p2 $0x1  }
0x17: {  	s4 =	simm.s32 $0x1BF5;
	[smem:$0x3F9A] =	sst s0  }
0x18: {  	s0 =	sld [smem:$0x3F7D];
	_ =	swait.ge [sflag:s4], $0x0  }
0x19: {  	s7 =	sld [smem:$0x3F7E]  }
0x1a: {  	s8 =	sadd.s32 $0xFFFFE003, lr  }
0x1b: {  	s9 =	sadd.s32 $0xFFFFFEF7, lr;
	s5 =	simm.s32 $0xFFFFFFFF;
	p2 =	slt.u32 s8, $0xFFFFF086  }
0x1c: {  	p1 =	slt.u32 s9, $0xF7A;
	s5 =	simm.s32 @!p2 $0x0  }
0x1d: {  	s5 =	simm.s32 @p1 $0x1;
	p0 =	seq.s32 s7, s2  }
0x1e: {  	s7 =	smul.u32 @!p0 $0xF7A, s2;
	p2 =	seq.s32 @!p0 s5, $0x0  }
0x1f: {  	s9 =	smul.u32 $0xF7A, s1;
	s8 =	simm.s32 @!p0 $0x1BF5;
	p2 =	por !p2, p0  }
0x20: {  	[sflag:s8] =	ssyncset.s32 @!p0 $0xFFFFF086;
	s6 =	sadd.s32 @!p0 s3, s7;
	s7 =	simm.s32 @!p0 $0x108  }
0x21: {  	s3 =	sadd.s32 s3, s9;
	s6 =	sadd.s32 @!p0 $0x88, s6;
	s7 =	simm.s32 @p2 $0x1082  }
0x22: {  	[simem:s7], [sflag:s8] =	dma.local @!p0 [hbm:s6], $0xF7A  }
0x23: {  	s9 =	sor.u32 $0xD0000000, s2;
	s6 =	simm.s32 $0x108;
	_ =	swait.ge @!p0 [sflag:s8], $0x0  }
0x24: {  	s3 =	sadd.s32 $0x88, s3;
	s6 =	simm.s32 @!p1 $0x1082;
	[sflag:s4] =	ssyncset.s32 $0xFFFFF086  }
0x25: {  	[simem:s6], [sflag:s4] =	dma.local [hbm:s3], $0xF7A  }
0x26: {  	[smem:$0x3F7E] =	sst s1;
	(tag) =	ssettag s2;
	_ =	strace s9  }
0x27: {  	s1 =	sld [smem:$0x3F8E]  }
0x28: {  	s2 =	sld [smem:$0x3F8F]  }
0x29: {  	s4 =	sld [smem:$0x3F91]  }
0x2a: {  	p0 =	seq.s32 s5, $0x0;
	s5 =	sld [smem:$0x3F92]  }
0x2b: {  	s6 =	sld [smem:$0x3F93]  }
0x2c: {  	s7 =	sld [smem:$0x3F94]  }
0x2d: {  	s3 =	simm.s32 $0x108;
	s8 =	sld [smem:$0x3F95]  }
0x2e: {  	s3 =	simm.s32 @!p0 $0x1082;
	s9 =	sld [smem:$0x3F96]  }
0x2f: {  	lr =	sadd.s32 s0, s3;
	s0 =	sld [smem:$0x3F8D]  }
0x30: {  	s3 =	sld [smem:$0x3F90]  }
0x31: {  	[smem:$0x3F99] =	sst s10  }
0x32: {  	s10 =	sld [smem:$0x3F97];
	_ =	sdelay $0x3  }
0x33: {  	p0 =	seq.s32 s10, $0x1;
	s10 =	sld [smem:$0x3F99];
	_ =	sdelay $0x3  }
0x34: {  	[smem:$0x3F99] =	sst s10  }
0x35: {  	s10 =	sld [smem:$0x3F98];
	_ =	sdelay $0x3  }
0x36: {  	p1 =	seq.s32 s10, $0x1;
	s10 =	sld [smem:$0x3F99];
	_ =	sdelay $0x3  }
0x37: {  	[smem:$0x3F99] =	sst s10  }
0x38: {  	s10 =	sld [smem:$0x3F9A]  }
0x39: {  	_ = 	snop;
	(pc) =	sbr.ind lr, $3  }
0x3a: {  	_ = 	snop  }
0x3b: {  	_ = 	snop  }
0x3c: {  	p2 =	seq.s32 s10, $0x1;
	s10 =	sld [smem:$0x3F99]  }
0x3d: {  	_ =	shalt  }
0x3e: {  	_ =	shalt  }
0x3f: {  	_ =	shalt  }
0x40: {  	_ =	shalt  }
0x41: {  	_ =	shalt  }
0x42: {  	_ =	shalt  }
0x43: {  	_ =	shalt  }
0x44: {  	_ =	shalt  }
0x45: {  	_ =	shalt  }
0x46: {  	_ =	shalt  }
0x47: {  	_ =	shalt  }
0x48: {  	_ =	shalt  }
0x49: {  	_ =	shalt  }
0x4a: {  	_ =	shalt  }
0x4b: {  	_ =	shalt  }
0x4c: {  	_ =	shalt  }
0x4d: {  	_ =	shalt  }
0x4e: {  	_ =	shalt  }
0x4f: {  	_ =	shalt  }
0x50: {  	_ =	shalt  }
0x51: {  	_ =	shalt  }
0x52: {  	_ =	shalt  }
0x53: {  	_ =	shalt  }
0x54: {  	_ =	shalt  }
0x55: {  	_ =	shalt  }
0x56: {  	_ =	shalt  }
0x57: {  	_ =	shalt  }
0x58: {  	_ =	shalt  }
0x59: {  	_ =	shalt  }
0x5a: {  	_ =	shalt  }
0x5b: {  	_ =	shalt  }
0x5c: {  	_ =	shalt  }
0x5d: {  	_ =	shalt  }
0x5e: {  	_ =	shalt  }
0x5f: {  	_ =	shalt  }
0x60: {  	_ =	shalt  }
0x61: {  	_ =	shalt  }
0x62: {  	_ =	shalt  }
0x63: {  	_ =	shalt  }
0x64: {  	_ =	shalt  }
0x65: {  	_ =	shalt  }
0x66: {  	_ =	shalt  }
0x67: {  	_ =	shalt  }
0x68: {  	_ =	shalt  }
0x69: {  	_ =	shalt  }
0x6a: {  	_ =	shalt  }
0x6b: {  	_ =	shalt  }
0x6c: {  	_ =	shalt  }
0x6d: {  	_ =	shalt  }
0x6e: {  	_ =	shalt  }
0x6f: {  	_ =	shalt  }
0x70: {  	_ =	shalt  }
0x71: {  	_ =	shalt  }
0x72: {  	_ =	shalt  }
0x73: {  	_ =	shalt  }
0x74: {  	_ =	shalt  }
0x75: {  	_ =	shalt  }
0x76: {  	_ =	shalt  }
0x77: {  	_ =	shalt  }
0x78: {  	_ =	shalt  }
0x79: {  	_ =	shalt  }
0x7a: {  	_ =	shalt  }
0x7b: {  	_ =	shalt  }
0x7c: {  	_ =	shalt  }
0x7d: {  	_ =	shalt  }
0x7e: {  	_ =	shalt  }
0x7f: {  	_ =	shalt  }
0x80: {  	_ =	shalt  }
0x81: {  	_ =	shalt  }
0x82: {  	_ =	shalt  }
0x83: {  	_ =	shalt  }
0x84: {  	_ =	shalt  }
0x85: {  	_ =	shalt  }
0x86: {  	_ =	shalt  }
0x87: {  	_ =	shalt  }
.Lfunc_end0:
.L_simem_size_0:
called_computation_lowered:
.L_overlay_start_0:
0x88: {  	s2 =	sld [smem:$0x3FD9]  }
0x89: {  	s3 =	sld [smem:$0x3FFE];
	_ =	sdelay $0x1  }
0x8a: {  	s1 =	srdreg.scid  }
0x8b: {  	s0 =	sand.u32 $0x1, s1  }
0x8c: {  	s16 =	sshll.u32 s0, $0xA;
	s2 =	sadd.s32 s3, s2  }
0x8d: {  	s2 =	sadd.s32 s2, s16  }
0x8e: {  	[smem:$0x3FA5] =	sst s2  }
0x8f: {  	_ = 	snop  }
0x90: {  	(tm) =	ssettm $0x1  }
0x91: {  	s17 =	sld [smem:$0x3FFB];
	_ =	sdelay $0x3  }
0x92: {  	_ =	strace s17  }
0x93: {  	s2 =	sld [smem:$0x3FFC];
	_ =	sdelay $0x3  }
0x94: {  	_ =	strace s2  }
0x95: {  	s2 =	sld [smem:$0x3FFD];
	_ =	sdelay $0x3  }
0x96: {  	_ =	strace s2  }
0x97: {  	_ =	strace $0x8FFFFFFF  }
0x98: {  	s18 =	sld [smem:$0x3FDB];
	_ =	sdelay $0x1  }
0x99: {  	s19 =	simm.s32 $_scs_section_size  }
0x9a: {  	s4 =	simm.s32 $_size__tile_overlayer_lowered;
	s5 =	simm.s32 $_tile_overlayer_lowered  }
0x9b: {  	s22 =	simm.s32 $0x1BFF;
	s21 =	sshll.u32 s5, $0x1;
	s2 =	sadd.s32 s19, s18  }
0x9c: {  	s6 =	simm.s32 $0x0;
	s20 =	sshll.u32 s4, $0x1;
	s4 =	sadd.s32 s21, s2  }
0x9d: {  	[timem:s6], [sflag:s22] =	dma.local [hbm:s4], s20  }
0x9e: {  	_ =	swait.ge [sflag:s22], s20  }
0x9f: {  	s3 =	ssub.s32 $0x0, s20;
	[sflag:s22] =	ssyncset.done $0x0  }
0xa0: {  	[sflag:s22] =	ssyncadd.s32 s3;
	_ =	sdelay $0x1  }
0xa1: {  	s23 =	simm.s32 $0x1B8B  }
0xa2: {  	_ =	swait.ge [sflag:s23], $0x1  }
0xa3: {  	[sflag:s23] =	ssyncset.done $0x0  }
0xa4: {  	s25 =	simm.s32 $0x1B8E;
	s24 =	sld [smem:$0x3FFE];
	[sflag:s23] =	ssyncadd.s32 $0xFFFFFFFF  }
0xa5: {  	s26 =	simm.s32 $execute0_lowered;
	[smem:$0x3FD2] =	sst s25  }
0xa6: {  	s4 =	sshll.u32 s26, $0x1;
	_ =	strace $0x80000046;
	[dreg:$0x1] =	wrdreg $0xFFFFFFFF  }
0xa7: {  	s28 =	simm.s32 $_size_execute0_lowered;
	s2 =	sadd.s32 s2, s4;
	[dreg:$0x0] =	wrdreg $0x0  }
0xa8: {  	s4 =	sshll.u32 s28, $0x1;
	[dreg:$0x2] =	wrdreg s2  }
0xa9: {  	[dreg:$0x3] =	wrdreg s4  }
0xaa: {  	[dreg:$0x4] =	wrdreg $0xC0  }
0xab: {  	_ =	task [dreg:s6], $0x5FFFF  }
0xac: {  	[dreg:$0x1] =	wrdreg $0xFFFFFFFF  }
0xad: {  	[dreg:$0x0] =	wrdreg $0x60  }
0xae: {  	[dreg:$0x2] =	wrdreg s24  }
0xaf: {  	[dreg:$0x3] =	wrdreg $0x9  }
0xb0: {  	_ =	task.clear_ibuf [dreg:s6], $0x4FFFF;
	_ =	strace $0x90000046  }
0xb1: {  	s29 =	simm.s32 $0x9;
	_ =	strace $0x8000006B  }
0xb2: {  	_ =	swait.ge [sflag:s29], $0x1  }
0xb3: {  	[sflag:s29] =	ssyncadd.s32 $0xFFFFFFFF  }
0xb4: {  	_ =	strace $0x9000006B  }
0xb5: {  	_ =	sfence  }
0xb6: {  	s30 =	sld [smem:$0x0];
	_ =	sdelay $0x2  }
0xb7: {  	s31 =	sshll.u32 s1, $0xD;
	s1 =	sshrl.u32 s1, $0x2  }
0xb8: {  	s3 =	sand.u32 $0x4000, s31;
	s1 =	sadd.s32 s1, s30  }
0xb9: {  	s0 =	sor.u32 s3, s0;
	s1 =	sshll.u32 s1, $0x11  }
0xba: {  	s0 =	sor.u32 s1, s0  }
0xbb: {  	s0 =	sadd.s32 $0x8F2B, s0  }
0xbc: {  	[sflag:s0] =	ssyncadd.remote.s32 $0x1  }
0xbd: {  	_ =	sfence.sel $0xFFFF  }
0xbe: {  	[dreg:$0x0] =	wrdreg $0xFFFFFFFF;
	(pc) =	sbr.abs _section_cstart, $3  }
0xbf: {  	[dreg:$0x1] =	wrdreg $0xFFFFFFFF  }
0xc0: {  	_ =	task.clear_ibuf [dreg:s6], $0x2FFFF;
	_ =	strace $0x9FFFFFFF  }
0xc1: {  	(tm) =	ssettm $0x7FFFFFFF  }
tec
execute0_lowered:
.L_overlay_start_1:
0x0: {  	(tag) =	ssettag $0x1  }
0x1: {  	s0 =	rddreg [dreg:$0x0];
	s2 =	simm.s32 $0x0  }
0x2: {  	s1 =	srdreg.scid;
	[smem:$0x7FF] =	sst s2;
	s4 =	sadd.s32 $0x190000, s0  }
0x3: {  	s6 =	sadd.s32 $0x253600, s0;
	_ =	strace $0x80000047;
	[dreg:$0x2] =	wrdreg s4  }
0x4: {  	s5 =	stileid.u32;
	s18 =	sadd.s32 $0x316C00, s0;
	[dreg:$0x4] =	wrdreg s6  }
0x5: {  	s1 =	sand.u32 $0x1, s1;
	s7 =	sadd.s32 $0xC800, s0;
	[dreg:$0x5] =	wrdreg s18  }
0x6: {  	s20 =	sadd.s32 $0x9600, s0;
	s21 =	sadd.s32 $0x3DA200, s0;
	[dreg:$0x6] =	wrdreg s7  }
0x7: {  	s3 =	sshll.u32 s1, $0x4;
	[dreg:$0x7] =	wrdreg s20;
	s1 =	ssub.s32 $0x2, s1  }
0x8: {  	[dreg:$0x3] =	wrdreg s21;
	s20 =	simm.s32 $0x80;
	s5 =	sor.u32 s5, s3  }
0x9: {  	s21 =	simm.s32 $0x5;
	s22 =	sshrl.u32 s1, $0x1;
	s17 =	smin.u32 s5, $0x8  }
0xa: {  	s3 =	sadd.s32 $0xFA00, s0;
	s1 =	ssub.s32 s1, s22;
	s19 =	sshll.u32 s17, $0x4  }
0xb: {  	s8 =	sshll.u32 s5, $0x6;
	s4 =	sshll.u32 s17, $0xB;
	s6 =	sadd.s32 s19, s0  }
0xc: {  	s23 =	sshll.u32 s5, $0xA;
	s0 =	sadd.s32 s4, s0;
	s24 =	sadd.s32 $0x8C00, s6  }
0xd: {  	p0 =	sgt.u32 s5, $0x7;
	s25 =	sadd.s32 $0x17A00, s0;
	[dreg:$0x8] =	wrdreg s24  }
0xe: {  	s22 =	simm.s32 $0x4;
	s26 =	sadd.s32 $0x9400, s6;
	[dreg:$0x9] =	wrdreg s25  }
0xf: {  	s9 =	sadd.s32 s3, s23;
	s28 =	sadd.s32 $0x1BA00, s0;
	[dreg:$0xa] =	wrdreg s26  }
0x10: {  	s18 =	smax.u32 s1, $0x1;
	s29 =	sadd.s32 $0x8A00, s6;
	[dreg:$0xb] =	wrdreg s28  }
.Ltmp0:
0x11: {  	s30 =	sadd.s32 $0x1FA00, s0;
	[dreg:$0xc] =	wrdreg s29;
	(pc) =	sbr.rel .LBB2_1-.Ltmp0, $4  }
0x12: {  	s23 =	simm.s32 $0x100;
	s0 =	sadd.s32 $0x23A00, s0;
	[dreg:$0xd] =	wrdreg s30  }
0x13: {  	s31 =	sadd.s32 $0x9200, s6;
	[dreg:$0xf] =	wrdreg s0;
	s0 =	simm.s32 @!p0 $0x0  }
0x14: {  	s19 =	simm.s32 $0x1;
	[dreg:$0xe] =	wrdreg s31;
	s0 =	simm.s32 @p0 $0x1  }
0x15: {  	s24 =	simm.s32 $0x3;
	s25 =	simm.s32 $0x0;
	[smem:$0x7FD] =	sst s0  }
.LBB2_5:
0x16: {  	s25 =	sadd.s32 $0x1, s25  }
0x17: {  	p0 =	sne.s32 s25, s18  }
.Ltmp1:
0x18: {  	_ = 	snop;
	(pc) =	sbr.rel @!p0 .LBB2_6-.Ltmp1, $1  }
0x19: {  	_ =	sdelay $0x3  }
.LBB2_1:
0x1a: {  	_ =	strace $0x80000048;
	s26 =	simm.s32 $0x1;
	p1 =	por $0x0, $0x0  }
0x1b: {  	[tilespmem:s2], [sflag:$0x1] =	stream.linear.gather [hbm4b:s9+s2], $0x80, $0x200038;
	[tilespmem:$0x8100] =	vst v63  }
0x1c: {  	p6 =	por $0x1, $0x1;
	s7 =	sand.u32 $0x1, s2;
	s26 =	simm.s32 @p1 $0x0  }
0x1d: {  	s28 =	simm.s32 $0x3F;
	s16 =	simm.s32 $0x0;
	p2 =	sne.s32 s26, $0x0  }
0x1e: {  	s30 =	simm.s32 $0x3E;
	p5 =	por $0x0, $0x0;
	p1 =	por !p6, !p2  }
0x1f: {  	p0 =	por $0x0, $0x0;
	s12 =	simm.s32 $0x1;
	p4 =	por !p1, !p1  }
0x20: {  	s31 =	simm.s32 $0x0;
	s29 =	simm.s32 $0x0;
	s0 =	sadd.s32 @p4 s8, s26  }
0x21: {  	_ =	strace $0x90000048;
	s1 =	sand.u32 @p4 $0x1, s19;
	s0 =	sshll.u32 @p4 s0, $0x4  }
0x22: {  	s4 =	simm.s32 @p4 $0x0;
	_ =	strace @p4 $0x80000049;
	s0 =	sand.u32 @p4 $0x1FFFFFF0, s0  }
0x23: {  	s5 =	sshll.u32 @p4 s1, $0x7;
	s1 =	sadd.s32 @p4 $0x1, s1;
	s0 =	sadd.s32 @p4 s3, s0  }
0x24: {  	[tilespmem:s5], [sflag:s1] =	stream.linear.gather @p4 [hbm4b:s0+s4], $0x80, $0x200038;
	[tilespmem:$0x8100] =	vst v63  }
0x25: {  	s15 =	sadd.s32 $0x1, s7;
	s10 =	sshll.u32 s7, $0xE;
	_ =	strace @p4 $0x90000049  }
0x26: {  	s17 =	sand.u32 $0x80, s16;
	p1 =	por $0x1, $0x1;
	_ =	strace $0x8000004A  }
0x27: {  	s10 =	sor.u32 $0x100, s10;
	p3 =	por p1, p1;
	_ =	swait.ge [sflag:s15], $0x80  }
0x28: {  	s1 =	sand.u32 @!p1 $0x1, s2;
	s4 =	sadd.s32 $0x0, s8;
	[sflag:s15] =	ssyncset.done $0x0  }
0x29: {  	p1 =	por $0x0, $0x0;
	s0 =	simm.s32 $0x1;
	[sflag:s15] =	ssyncadd.s32 $0xFFFFFF80  }
0x2a: {  	s5 =	sadd.s32 @!p3 $0x3, s1;
	s1 =	sadd.s32 $0x1, s26;
	_ =	strace $0x9000004A  }
0x2b: {  	s0 =	simm.s32 @!p5 $0x0;
	p6 =	seq.s32 s1, $0x40;
	_ =	strace $0x8000004B  }
0x2c: {  	p5 =	por $0x1, $0x1;
	s1 =	simm.s32 @p6 $0x0;
	s6 =	rddreg [dreg:$0x2]  }
0x2d: {  	[tilespmem:s10], [sflag:$0x5] =	stream.indirect.gather [hbm4b:s6+s20], $0x80, s17, s20, $0x2000b8;
	[tilespmem:$0x8100] =	vst v63  }
0x2e: {  	p6 =	por p0, p2;
	p2 =	sne.s32 s26, s1;
	_ =	swait.ge [sflag:s21], $0x4000  }
0x2f: {  	s11 =	sshll.u32 @p6 s4, $0xB;
	s12 =	simm.s32 @!p6 $0x0;
	[sflag:s21] =	ssyncset.done $0x0  }
0x30: {  	s4 =	simm.s32 $0x0;
	s6 =	simm.s32 $0x1;
	[sflag:s21] =	ssyncadd.s32 $0xFFFFC000  }
0x31: {  	s6 =	simm.s32 @!p4 $0x0;
	p4 =	por !p5, !p2;
	_ =	strace $0x9000004B  }
0x32: {  	p4 =	por !p4, !p4;
	s6 =	sadd.s32 $0x1, s6;
	_ =	strace @p6 $0x8000004C  }
0x33: {  	s13 =	sand.u32 @p4 $0x1, s6;
	s15 =	sadd.s32 @p4 s8, s1;
	s14 =	rddreg [dreg:$0x3]  }
.LBB2_2:
0x34: {  	s15 =	sshll.u32 @p4 s15, $0x4;
	s16 =	sand.u32 @p6 $0x1FFFF800, s11;
	s31 =	sadd.s32 s12, s31  }
0x35: {  	s11 =	smov.u32 s28;
	s28 =	smov.u32 s30;
	s7 =	sadd.s32 @p6 $0x3, s7  }
0x36: {  	s17 =	simm.s32 @p6 $0x0;
	s4 =	sadd.s32 s12, s4;
	s14 =	sadd.s32 @p6 s14, s16  }
0x37: {  	[hbm4b:s14+s17] =	stream.linear.scatter @p6 [tilespmem:s10], [sflag:s7], $0x4000, $0x200038;
	[tilespmem:$0x8100] =	vst v63  }
0x38: {  	s30 =	sadd.s32 $0xFFFFFFFF, s30;
	s29 =	sadd.s32 s0, s29;
	_ =	strace @p6 $0x9000004C  }
0x39: {  	s15 =	sand.u32 @p4 $0x1FFFFFF0, s15;
	s12 =	sshll.u32 s4, $0x7;
	_ =	strace @!p3 $0x8000004D  }
0x3a: {  	p5 =	sne.s32 s30, $0x0;
	s0 =	sand.u32 @!p1 $0x1, s29;
	_ =	swait.ge @!p3 [sflag:s5], $0x4000  }
0x3b: {  	s15 =	sadd.s32 @p4 s3, s15;
	s14 =	sand.u32 $0x1, s4;
	[sflag:s5] =	ssyncset.done @!p3 $0x0  }
0x3c: {  	s10 =	simm.s32 @p4 $0x0;
	s7 =	sand.u32 $0x1, s31;
	[sflag:s5] =	ssyncadd.s32 @!p3 $0xFFFFC000  }
0x3d: {  	s12 =	sand.u32 $0x80, s12;
	s17 =	sshll.u32 s7, $0xE;
	_ =	strace @!p3 $0x9000004D  }
0x3e: {  	s5 =	sshll.u32 @p4 s13, $0x7;
	s13 =	sadd.s32 @p4 $0x1, s13;
	_ =	strace @p4 $0x80000049  }
0x3f: {  	[tilespmem:s5], [sflag:s13] =	stream.linear.gather @p4 [hbm4b:s15+s10], $0x80, $0x200038;
	[tilespmem:$0x8100] =	vst v63  }
0x40: {  	p6 =	sne.s32 s11, $0x40;
	p3 =	por p1, p1;
	_ =	strace @p4 $0x90000049  }
0x41: {  	p1 =	seq.s32 s28, $0x40;
	s15 =	sadd.s32 $0x1, s14;
	_ =	strace $0x8000004A  }
0x42: {  	s13 =	sadd.s32 s8, s26;
	s26 =	smov.u32 s1;
	_ =	swait.ge [sflag:s15], $0x80  }
0x43: {  	s5 =	sadd.s32 @!p3 $0x3, s0;
	s10 =	sor.u32 $0x100, s17;
	[sflag:s15] =	ssyncset.done $0x0  }
0x44: {  	s0 =	simm.s32 $0x1;
	s1 =	sadd.s32 $0x1, s1;
	[sflag:s15] =	ssyncadd.s32 $0xFFFFFF80  }
0x45: {  	s14 =	simm.s32 $0x1;
	s0 =	simm.s32 @!p6 $0x0;
	_ =	strace $0x9000004A  }
0x46: {  	p6 =	seq.s32 s11, $0x1;
	p0 =	seq.s32 s1, $0x40;
	_ =	strace $0x8000004B  }
0x47: {  	s14 =	simm.s32 @!p4 $0x0;
	p4 =	sne.s32 s28, $0x1;
	s16 =	rddreg [dreg:$0x2]  }
0x48: {  	[tilespmem:s10], [sflag:$0x5] =	stream.indirect.gather [hbm4b:s16+s20], $0x80, s12, s20, $0x2000b8;
	[tilespmem:$0x8100] =	vst v63  }
0x49: {  	s1 =	simm.s32 @p0 $0x0;
	p6 =	por p6, p2;
	_ =	swait.ge [sflag:s21], $0x4000  }
.Ltmp2:
0x4a: {  	p2 =	sne.s32 s26, s1;
	[sflag:s21] =	ssyncset.done $0x0;
	(pc) =	sbr.rel @p5 .LBB2_2-.Ltmp2, $4  }
0x4b: {  	s6 =	sadd.s32 s14, s6;
	p0 =	por !p4, !p2;
	[sflag:s21] =	ssyncadd.s32 $0xFFFFC000  }
0x4c: {  	s11 =	sshll.u32 @p6 s13, $0xB;
	p4 =	por !p0, !p0;
	_ =	strace $0x9000004B  }
0x4d: {  	s13 =	sand.u32 @p4 $0x1, s6;
	s12 =	simm.s32 $0x1;
	_ =	strace @p6 $0x8000004C  }
0x4e: {  	s15 =	sadd.s32 @p4 s8, s1;
	s12 =	simm.s32 @!p6 $0x0;
	s14 =	rddreg [dreg:$0x3]  }
0x4f: {  	s1 =	sand.u32 @p6 $0x1FFFF800, s11  }
0x50: {  	s6 =	sadd.s32 @p6 $0x3, s7;
	s7 =	simm.s32 @p6 $0x0;
	s1 =	sadd.s32 @p6 s14, s1  }
0x51: {  	[hbm4b:s1+s7] =	stream.linear.scatter @p6 [tilespmem:s10], [sflag:s6], $0x4000, $0x200038;
	[tilespmem:$0x8100] =	vst v63  }
0x52: {  	_ =	strace @p6 $0x9000004C  }
0x53: {  	_ =	strace @!p3 $0x8000004D  }
0x54: {  	_ =	swait.ge @!p3 [sflag:s5], $0x4000  }
0x55: {  	s4 =	sadd.s32 s12, s4;
	[sflag:s5] =	ssyncset.done @!p3 $0x0  }
0x56: {  	s1 =	sshll.u32 @p4 s15, $0x4;
	s6 =	sshll.u32 @p4 s13, $0x7;
	[sflag:s5] =	ssyncadd.s32 @!p3 $0xFFFFC000  }
0x57: {  	s7 =	sadd.s32 @p4 $0x1, s13;
	s1 =	sand.u32 @p4 $0x1FFFFFF0, s1;
	_ =	strace @!p3 $0x9000004D  }
0x58: {  	s1 =	sadd.s32 @p4 s3, s1;
	s5 =	simm.s32 @p4 $0x0;
	_ =	strace @p4 $0x80000049  }
0x59: {  	[tilespmem:s6], [sflag:s7] =	stream.linear.gather @p4 [hbm4b:s1+s5], $0x80, $0x200038;
	[tilespmem:$0x8100] =	vst v63  }
0x5a: {  	s15 =	sand.u32 $0x1, s4;
	_ =	strace @p4 $0x90000049  }
0x5b: {  	s1 =	sadd.s32 $0x1, s15;
	_ =	strace $0x8000004A  }
0x5c: {  	_ =	swait.ge [sflag:s1], $0x80  }
0x5d: {  	[sflag:s1] =	ssyncset.done $0x0  }
0x5e: {  	s16 =	sadd.s32 s12, s31;
	[sflag:s1] =	ssyncadd.s32 $0xFFFFFF80  }
0x5f: {  	s1 =	sand.u32 $0x1, s16;
	_ =	strace $0x9000004A  }
0x60: {  	s4 =	sshll.u32 s4, $0x7;
	s30 =	sshll.u32 s1, $0xE;
	_ =	strace $0x8000004B  }
0x61: {  	s4 =	sand.u32 $0x80, s4;
	s6 =	sor.u32 $0x100, s30;
	s17 =	rddreg [dreg:$0x2]  }
0x62: {  	[tilespmem:s6], [sflag:$0x5] =	stream.indirect.gather [hbm4b:s17+s20], $0x80, s4, s20, $0x2000b8;
	[tilespmem:$0x8100] =	vst v63  }
0x63: {  	_ =	swait.ge [sflag:s21], $0x4000  }
0x64: {  	[sflag:s21] =	ssyncset.done $0x0  }
0x65: {  	p0 =	seq.s32 s28, $0x1;
	[sflag:s21] =	ssyncadd.s32 $0xFFFFC000  }
0x66: {  	p0 =	por p0, p2;
	s4 =	sadd.s32 s8, s26;
	_ =	strace $0x9000004B  }
0x67: {  	s4 =	sshll.u32 @p0 s4, $0xB;
	_ =	strace @p0 $0x8000004C  }
0x68: {  	s0 =	sadd.s32 s0, s29;
	s4 =	sand.u32 @p0 $0x1FFFF800, s4;
	s5 =	rddreg [dreg:$0x3]  }
0x69: {  	s7 =	simm.s32 @p0 $0x0;
	s1 =	sadd.s32 @p0 $0x3, s1;
	s4 =	sadd.s32 @p0 s5, s4  }
0x6a: {  	[hbm4b:s4+s7] =	stream.linear.scatter @p0 [tilespmem:s6], [sflag:s1], $0x4000, $0x200038;
	[tilespmem:$0x8100] =	vst v63  }
0x6b: {  	s0 =	sand.u32 @!p1 $0x1, s0;
	p1 =	por p1, p1;
	_ =	strace @p0 $0x9000004C  }
0x6c: {  	s0 =	sadd.s32 @!p1 $0x3, s0;
	_ =	strace @!p1 $0x8000004D  }
0x6d: {  	_ =	swait.ge @!p1 [sflag:s0], $0x4000  }
0x6e: {  	[sflag:s0] =	ssyncset.done @!p1 $0x0  }
0x6f: {  	[sflag:s0] =	ssyncadd.s32 @!p1 $0xFFFFC000  }
0x70: {  	_ =	strace @!p1 $0x9000004D  }
0x71: {  	_ =	strace $0x8000004E  }
0x72: {  	_ =	swait.ge [sflag:s22], $0x4000  }
0x73: {  	[sflag:s22] =	ssyncset.done $0x0  }
0x74: {  	[sflag:s22] =	ssyncadd.s32 $0xFFFFC000  }
0x75: {  	_ =	strace $0x9000004E  }
0x76: {  	s31 =	sld [smem:$0x7FD];
	_ =	sdelay $0x2  }
0x77: {  	p0 =	seq.s32 s31, $0x1  }
.Ltmp3:
0x78: {  	_ = 	snop;
	(pc) =	sbr.rel @p0 .LBB2_5-.Ltmp3, $1  }
0x79: {  	_ =	sdelay $0x3  }
0x7a: {  	_ =	strace $0x8000004F  }
0x7b: {  	s0 =	rddreg [dreg:$0x8]  }
0x7c: {  	[tilespmem:s2], [sflag:$0x1] =	stream.linear.gather [hbm4b:s0+s2], $0x80, $0x200038;
	[tilespmem:$0x8100] =	vst v63  }
0x7d: {  	_ =	strace $0x9000004F  }
0x7e: {  	_ =	strace $0x80000051  }
0x7f: {  	_ =	swait.ge [sflag:s19], $0x80  }
0x80: {  	[sflag:s19] =	ssyncset.done $0x0  }
0x81: {  	[sflag:s19] =	ssyncadd.s32 $0xFFFFFF80  }
0x82: {  	_ =	strace $0x90000051  }
0x83: {  	_ =	strace $0x80000052  }
0x84: {  	s12 =	rddreg [dreg:$0x4]  }
0x85: {  	[tilespmem:s23], [sflag:$0x5] =	stream.indirect.gather [hbm4b:s12+s20], $0x80, s2, s20, $0x2000b8;
	[tilespmem:$0x8100] =	vst v63  }
0x86: {  	_ =	swait.ge [sflag:s21], $0x4000  }
0x87: {  	[sflag:s21] =	ssyncset.done $0x0  }
0x88: {  	[sflag:s21] =	ssyncadd.s32 $0xFFFFC000  }
0x89: {  	_ =	strace $0x90000052  }
0x8a: {  	_ =	strace $0x80000053  }
0x8b: {  	s13 =	rddreg [dreg:$0x9]  }
0x8c: {  	[hbm4b:s13+s2] =	stream.linear.scatter [tilespmem:s23], [sflag:$0x3], $0x4000, $0x200038;
	[tilespmem:$0x8100] =	vst v63  }
0x8d: {  	_ =	strace $0x90000053  }
0x8e: {  	_ =	strace $0x80000055  }
0x8f: {  	_ =	swait.ge [sflag:s24], $0x4000  }
0x90: {  	[sflag:s24] =	ssyncset.done $0x0  }
0x91: {  	[sflag:s24] =	ssyncadd.s32 $0xFFFFC000  }
0x92: {  	_ =	strace $0x90000055  }
0x93: {  	_ =	strace $0x80000056  }
0x94: {  	s14 =	rddreg [dreg:$0xa]  }
0x95: {  	[tilespmem:s2], [sflag:$0x1] =	stream.linear.gather [hbm4b:s14+s2], $0x80, $0x200038;
	[tilespmem:$0x8100] =	vst v63  }
0x96: {  	_ =	strace $0x90000056  }
0x97: {  	_ =	strace $0x80000058  }
0x98: {  	_ =	swait.ge [sflag:s19], $0x80  }
0x99: {  	[sflag:s19] =	ssyncset.done $0x0  }
0x9a: {  	[sflag:s19] =	ssyncadd.s32 $0xFFFFFF80  }
0x9b: {  	_ =	strace $0x90000058  }
0x9c: {  	_ =	strace $0x80000059  }
0x9d: {  	s15 =	rddreg [dreg:$0x5]  }
0x9e: {  	[tilespmem:s23], [sflag:$0x5] =	stream.indirect.gather [hbm4b:s15+s20], $0x80, s2, s20, $0x2000b8;
	[tilespmem:$0x8100] =	vst v63  }
0x9f: {  	_ =	swait.ge [sflag:s21], $0x4000  }
0xa0: {  	[sflag:s21] =	ssyncset.done $0x0  }
0xa1: {  	[sflag:s21] =	ssyncadd.s32 $0xFFFFC000  }
0xa2: {  	_ =	strace $0x90000059  }
0xa3: {  	_ =	strace $0x8000005A  }
0xa4: {  	s16 =	rddreg [dreg:$0xb]  }
0xa5: {  	[hbm4b:s16+s2] =	stream.linear.scatter [tilespmem:s23], [sflag:$0x3], $0x4000, $0x200038;
	[tilespmem:$0x8100] =	vst v63  }
0xa6: {  	_ =	strace $0x9000005A  }
0xa7: {  	_ =	strace $0x8000005C  }
0xa8: {  	_ =	swait.ge [sflag:s24], $0x4000  }
0xa9: {  	[sflag:s24] =	ssyncset.done $0x0  }
0xaa: {  	[sflag:s24] =	ssyncadd.s32 $0xFFFFC000  }
0xab: {  	_ =	strace $0x9000005C  }
0xac: {  	_ =	strace $0x8000005D  }
0xad: {  	s17 =	rddreg [dreg:$0xc]  }
0xae: {  	[tilespmem:s2], [sflag:$0x1] =	stream.linear.gather [hbm4b:s17+s2], $0x80, $0x200038;
	[tilespmem:$0x8100] =	vst v63  }
0xaf: {  	_ =	strace $0x9000005D  }
0xb0: {  	_ =	strace $0x8000005F  }
0xb1: {  	_ =	swait.ge [sflag:s19], $0x80  }
0xb2: {  	[sflag:s19] =	ssyncset.done $0x0  }
0xb3: {  	[sflag:s19] =	ssyncadd.s32 $0xFFFFFF80  }
0xb4: {  	_ =	strace $0x9000005F  }
0xb5: {  	_ =	strace $0x80000060  }
0xb6: {  	s26 =	rddreg [dreg:$0x6]  }
0xb7: {  	[tilespmem:s23], [sflag:$0x5] =	stream.indirect.gather [hbm4b:s26+s20], $0x80, s2, s20, $0x2000b8;
	[tilespmem:$0x8100] =	vst v63  }
0xb8: {  	_ =	swait.ge [sflag:s21], $0x4000  }
0xb9: {  	[sflag:s21] =	ssyncset.done $0x0  }
0xba: {  	[sflag:s21] =	ssyncadd.s32 $0xFFFFC000  }
0xbb: {  	_ =	strace $0x90000060  }
0xbc: {  	_ =	strace $0x80000061  }
0xbd: {  	s28 =	rddreg [dreg:$0xd]  }
0xbe: {  	[hbm4b:s28+s2] =	stream.linear.scatter [tilespmem:s23], [sflag:$0x3], $0x4000, $0x200038;
	[tilespmem:$0x8100] =	vst v63  }
0xbf: {  	_ =	strace $0x90000061  }
0xc0: {  	_ =	strace $0x80000063  }
0xc1: {  	_ =	swait.ge [sflag:s24], $0x4000  }
0xc2: {  	[sflag:s24] =	ssyncset.done $0x0  }
0xc3: {  	[sflag:s24] =	ssyncadd.s32 $0xFFFFC000  }
0xc4: {  	_ =	strace $0x90000063  }
0xc5: {  	_ =	strace $0x80000064  }
0xc6: {  	s29 =	rddreg [dreg:$0xe]  }
0xc7: {  	[tilespmem:s2], [sflag:$0x1] =	stream.linear.gather [hbm4b:s29+s2], $0x80, $0x200038;
	[tilespmem:$0x8100] =	vst v63  }
0xc8: {  	_ =	strace $0x90000064  }
0xc9: {  	_ =	strace $0x80000066  }
0xca: {  	_ =	swait.ge [sflag:s19], $0x80  }
0xcb: {  	[sflag:s19] =	ssyncset.done $0x0  }
0xcc: {  	[sflag:s19] =	ssyncadd.s32 $0xFFFFFF80  }
0xcd: {  	_ =	strace $0x90000066  }
0xce: {  	_ =	strace $0x80000067  }
0xcf: {  	s30 =	rddreg [dreg:$0x7]  }
0xd0: {  	[tilespmem:s23], [sflag:$0x5] =	stream.indirect.gather [hbm4b:s30+s20], $0x80, s2, s20, $0x2000b8;
	[tilespmem:$0x8100] =	vst v63  }
0xd1: {  	_ =	swait.ge [sflag:s21], $0x4000  }
0xd2: {  	[sflag:s21] =	ssyncset.done $0x0  }
0xd3: {  	[sflag:s21] =	ssyncadd.s32 $0xFFFFC000  }
0xd4: {  	_ =	strace $0x90000067  }
0xd5: {  	_ =	strace $0x80000068  }
0xd6: {  	s31 =	rddreg [dreg:$0xf]  }
0xd7: {  	[hbm4b:s31+s2] =	stream.linear.scatter [tilespmem:s23], [sflag:$0x3], $0x4000, $0x200038;
	[tilespmem:$0x8100] =	vst v63  }
0xd8: {  	_ =	strace $0x90000068  }
.Ltmp4:
0xd9: {  	_ =	strace $0x8000006A;
	(pc) =	sbr.rel .LBB2_5-.Ltmp4, $4  }
0xda: {  	_ =	swait.ge [sflag:s24], $0x4000  }
0xdb: {  	[sflag:s24] =	ssyncset.done $0x0  }
0xdc: {  	[sflag:s24] =	ssyncadd.s32 $0xFFFFC000  }
0xdd: {  	_ =	strace $0x9000006A  }
.LBB2_6:
0xde: {  	_ =	sfence.sel $0x180000  }
0xdf: {  	[bflag:$0x0] =	sbarrier.arrive $0xFFFF  }
0xe0: {  	_ =	strace $0x90000047  }
0xe1: {  	s0 =	stileid.u32;
	[bflag:$0x2] =	sbarrier.arrive $0xFFFF  }
0xe2: {  	p0 =	sne.s32 s0, $0x0;
	s0 =	rddreg [dreg:$0x1]  }
0xe3: {  	s0 =	sadd.s32 @!p0 $0x100000, s0  }
0xe4: {  	[sflag:s0] =	ssyncadd.tile.s32 @!p0 $0x1;
	_ =	shalt  }
.Lfunc_end2:
_tile_overlayer_lowered:
.L_overlay_start_2:
0xe5: {  	(tag) =	ssettag $0x2  }
0xe6: {  	s0 =	rddreg [dreg:$0x0];
	s2 =	stileid.u32  }
0xe7: {  	s1 =	rddreg [dreg:$0x1];
	p0 =	sne.s32 s2, $0x0  }
0xe8: {  	s3 =	rddreg [dreg:$0x2];
	[bflag:$0x3] =	sbarrier.arrive $0xFFFF;
	s2 =	simm.s32 @!p0 $0x1C01  }
0xe9: {  	[timem:s3], [sflag:s2] =	dma.local @!p0 [hbm:s0], s1  }
0xea: {  	s0 =	simm.s32 @!p0 $0x1  }
0xeb: {  	_ =	swait.ge @!p0 [sflag:s0], s1  }
0xec: {  	s1 =	ssub.s32 @!p0 $0x0, s1;
	[sflag:s0] =	ssyncset.done @!p0 $0x0  }
0xed: {  	[sflag:s0] =	ssyncadd.s32 @!p0 s1  }
0xee: {  	[bflag:$0x3] =	sbarrier.arrive $0xFFFF  }
0xef: {  	_ =	shalt  }

</sc_bundles>
